<compile_context>
chip_gen: v7x
topology: tpu7x:2x2x1
jax: 0.10.2.dev20260603
libtpu: 0.0.44.dev20260713+nightly
codegen_flags: <defaults>
</compile_context>

<pallas_src>
import functools

import jax
import jax.numpy as jnp
from jax import lax
from jax.experimental import pallas as pl
from jax.experimental.pallas import tpu as pltpu
from jax.experimental.pallas import tpu_sc as plsc

D = 128
N_VOX = 100000
N_PIX = 2 * 4 * 224 * 224
NW = 32
PER_TILE = N_PIX // NW
IROWS = PER_TILE // 128
SLICE = 6144
PASSES = 17
NBINS = PASSES + 1
CHUNK = 32
K = 3
BINCAP = PER_TILE + (CHUNK - 1) * NBINS + 64
HIST_PAD = 100352
HIST_SLICE = HIST_PAD // 16
ZCHUNK = HIST_SLICE // 8
HROWS = 6


def _sc_gather_hist(table, idx3d):
    mesh = plsc.VectorSubcoreMesh(core_axis_name="c", subcore_axis_name="s")

    @functools.partial(
        pl.kernel,
        mesh=mesh,
        compiler_params=pltpu.CompilerParams(needs_layout_passes=False),
        out_type=[
            jax.ShapeDtypeStruct((N_PIX, D), jnp.float32),
            jax.ShapeDtypeStruct((2 * HIST_PAD,), jnp.int32),
        ],
        scratch_types=[
            pltpu.VMEM((IROWS, 128), jnp.int32),
            pltpu.VMEM((PER_TILE,), jnp.int32),
            pltpu.VMEM((BINCAP,), jnp.int32),
            pltpu.VMEM((BINCAP,), jnp.int32),
            pltpu.VMEM((K, CHUNK, D), jnp.float32),
            pltpu.VMEM((ZCHUNK,), jnp.int32),
            pltpu.VMEM((NBINS * 16,), jnp.int32),
            pltpu.VMEM((NBINS * 16,), jnp.int32),
            pltpu.VMEM((128,), jnp.int32),
            pltpu.VMEM_SHARED((SLICE, D), jnp.float32),
            pltpu.VMEM_SHARED((HIST_PAD,), jnp.int32),
            pltpu.SMEM((64,), jnp.int32),
            pltpu.SemaphoreType.DMA((K,)),
            pltpu.SemaphoreType.DMA((K,)),
        ],
    )
    def body(table_hbm, idx_hbm, idx2_hbm, out_hbm, hist_hbm,
             idx_v, idx1_v, bidx_v, bpos_v, rows_v, zeros_v, cnts_v,
             fill_v, ones_v, slice_sh, hist_sh, cnt_s, sem_g, sem_w):
        c = lax.axis_index("c")
        s = lax.axis_index("s")
        wid = s * 2 + c
        row_base = wid * PER_TILE

        pltpu.sync_copy(idx_hbm.at[wid], idx_v)
        pltpu.sync_copy(idx2_hbm.at[wid, 0], idx1_v)

        def init_zeros(i, carry):
            zeros_v[pl.ds(i * 16, 16)] = jnp.zeros((16,), jnp.int32)
            return carry

        lax.fori_loop(0, ZCHUNK // 16, init_zeros, 0)

        def init_ones(i, carry):
            ones_v[pl.ds(i * 16, 16)] = jnp.ones((16,), jnp.int32)
            return carry

        lax.fori_loop(0, 128 // 16, init_ones, 0)

        def prefill(i, carry):
            bidx_v[pl.ds(i * 16, 16)] = jnp.zeros((16,), jnp.int32)
            bpos_v[pl.ds(i * 16, 16)] = (
                row_base + lax.iota(jnp.int32, 16) * 0)
            return carry

        lax.fori_loop(0, BINCAP // 16, prefill, 0)

        for z in range(8):
            pltpu.sync_copy(
                zeros_v,
                hist_sh.at[pl.ds(s * HIST_SLICE + z * ZCHUNK, ZCHUNK)])

        def bin_ids(v):
            pid = ((v >> 11) * 683) >> 11
            return jnp.where(v >= N_VOX, NBINS - 1, pid)

        def init_cnts(i, carry):
            cnts_v[pl.ds(i * 16, 16)] = jnp.zeros((16,), jnp.int32)
            return carry

        lax.fori_loop(0, NBINS, init_cnts, 0)

        def count_step(i, carry):
            pid = bin_ids(plsc.load_gather(
                idx1_v, [i * 16 + lax.iota(jnp.int32, 16)]))
            for p in range(NBINS):
                cnts_v[pl.ds(p * 16, 16)] = (
                    cnts_v[pl.ds(p * 16, 16)]
                    + plsc.all_reduce_population_count(pid == p))
            return carry

        lax.fori_loop(0, IROWS * 8, count_step, 0)

        base = jnp.int32(0)
        for p in range(NBINS):
            cnt = cnts_v[pl.ds(p * 16, 16)][0]
            cnt_s[p] = base
            fill_v[pl.ds(p * 16, 16)] = base + lax.iota(jnp.int32, 16) * 0
            base = base + ((cnt + CHUNK - 1) & ~(CHUNK - 1))

        def fill_step(i, carry):
            v = plsc.load_gather(
                idx1_v, [i * 16 + lax.iota(jnp.int32, 16)])
            pid = bin_ids(v)
            pos = (row_base + i * 16) + lax.iota(jnp.int32, 16)
            for p in range(NBINS):
                m = pid == p
                mi = m.astype(jnp.int32)
                fp = fill_v[pl.ds(p * 16, 16)]
                dest = fp + plsc.cumsum(mi) - 1
                if p < PASSES:
                    plsc.store_scatter(bidx_v, [dest], v - p * SLICE, mask=m)
                plsc.store_scatter(bpos_v, [dest], pos, mask=m)
                fill_v[pl.ds(p * 16, 16)] = (
                    fp + plsc.all_reduce_population_count(m))
            return carry

        lax.fori_loop(0, IROWS * 8, fill_step, 0)

        for p in range(NBINS):
            cnt_s[NBINS + p] = fill_v[pl.ds(p * 16, 16)][0] - cnt_s[p]

        for b in range(K):
            cnt_s[2 * NBINS + b] = 0

        def wait_writes(b):
            for sub in range(CHUNK // 16):
                pltpu.make_async_copy(
                    rows_v.at[b, pl.ds(sub * 16, 16)],
                    out_hbm.at[lax.iota(jnp.int32, 16)],
                    sem_w.at[b]).wait()

        def fire_writes(b, off):
            for sub in range(CHUNK // 16):
                pos_vec = plsc.load_gather(
                    bpos_v, [off + sub * 16 + lax.iota(jnp.int32, 16)])
                pltpu.make_async_copy(
                    rows_v.at[b, pl.ds(sub * 16, 16)],
                    out_hbm.at[pos_vec],
                    sem_w.at[b]).start()

        def pass_body(p, carry):
            plsc.subcore_barrier()

            @pl.when(p < PASSES - 1)
            def _():
                pltpu.sync_copy(
                    table_hbm.at[pl.ds(p * SLICE + s * (SLICE // 16),
                                       SLICE // 16)],
                    slice_sh.at[pl.ds(s * (SLICE // 16), SLICE // 16)])

            @pl.when(p == PASSES - 1)
            def _():
                @pl.when(s < 13)
                def _():
                    pltpu.sync_copy(
                        table_hbm.at[pl.ds((PASSES - 1) * SLICE + s * 128,
                                           128)],
                        slice_sh.at[pl.ds(s * 128, 128)])

                @pl.when(s == 13)
                def _():
                    pltpu.sync_copy(
                        table_hbm.at[pl.ds(N_VOX - 32, 32)],
                        slice_sh.at[pl.ds(13 * 128, 32)])

            plsc.subcore_barrier()

            for h in range(HROWS):
                hr = p * HROWS + h

                @pl.when(hr < IROWS)
                def _():
                    pltpu.sync_copy(ones_v, hist_sh.at[idx_v.at[hr]],
                                    add=True)

            bin_base = cnt_s[p]
            cntp = cnt_s[NBINS + p]
            trips = (cntp + CHUNK - 1) // CHUNK

            def chunk_grp(gg, carry2):
                for b in range(K):
                    g = gg * K + b

                    @pl.when(g < trips)
                    def _():
                        off = pl.multiple_of(bin_base + g * CHUNK, 16)

                        @pl.when(cnt_s[2 * NBINS + b] > 0)
                        def _():
                            wait_writes(b)

                        ids = bidx_v.at[pl.ds(off, CHUNK)]
                        pltpu.make_async_copy(
                            slice_sh.at[ids],
                            rows_v.at[b], sem_g.at[b]).start()
                        pltpu.make_async_copy(
                            slice_sh.at[ids],
                            rows_v.at[b], sem_g.at[b]).wait()
                        fire_writes(b, off)
                        cnt_s[2 * NBINS + b] = 1

                return carry2

            lax.fori_loop(0, (trips + K - 1) // K, chunk_grp, 0)
            return carry

        lax.fori_loop(0, PASSES, pass_body, 0)

        for b in range(K):
            @pl.when(cnt_s[2 * NBINS + b] > 0)
            def _():
                wait_writes(b)

        zf16 = jnp.zeros((16,), jnp.float32)
        for zr in range(CHUNK):
            for zc in range(8):
                rows_v[0, zr, pl.ds(zc * 16, 16)] = zf16

        mb = NBINS - 1
        bin_base = cnt_s[mb]
        cntp = cnt_s[NBINS + mb]
        trips = (cntp + CHUNK - 1) // CHUNK

        def masked_chunk(g, carry):
            fire_writes(0, pl.multiple_of(bin_base + g * CHUNK, 16))
            wait_writes(0)
            return carry

        lax.fori_loop(0, trips, masked_chunk, 0)

        iv0 = idx1_v[pl.ds(0, 16)][0]
        pos0 = jnp.zeros((16,), jnp.int32) + row_base

        @pl.when(iv0 >= N_VOX)
        def _():
            pltpu.make_async_copy(
                rows_v.at[0, pl.ds(0, 16)],
                out_hbm.at[pos0], sem_w.at[0]).start()
            pltpu.make_async_copy(
                rows_v.at[0, pl.ds(0, 16)],
                out_hbm.at[pos0], sem_w.at[0]).wait()

        @pl.when(iv0 < N_VOX)
        def _():
            ivec = jnp.zeros((16,), jnp.int32) + iv0
            pltpu.make_async_copy(
                table_hbm.at[ivec], rows_v.at[1, pl.ds(0, 16)],
                sem_g.at[1]).start()
            pltpu.make_async_copy(
                table_hbm.at[ivec], rows_v.at[1, pl.ds(0, 16)],
                sem_g.at[1]).wait()
            pltpu.make_async_copy(
                rows_v.at[1, pl.ds(0, 16)],
                out_hbm.at[pos0], sem_w.at[1]).start()
            pltpu.make_async_copy(
                rows_v.at[1, pl.ds(0, 16)],
                out_hbm.at[pos0], sem_w.at[1]).wait()

        plsc.subcore_barrier()
        pltpu.sync_copy(
            hist_sh.at[pl.ds(s * HIST_SLICE, HIST_SLICE)],
            hist_hbm.at[pl.ds(c * HIST_PAD + s * HIST_SLICE, HIST_SLICE)])

    return body(table, idx3d, idx3d.reshape(NW, 1, PER_TILE))


def _combine_hist(hist2):
    h3 = hist2.reshape(2, HIST_PAD // D, D)

    def body(h_ref, o_ref):
        o_ref[...] = h_ref[0] + h_ref[1]

    out = pl.pallas_call(
        body,
        out_shape=jax.ShapeDtypeStruct((HIST_PAD // D, D), jnp.int32),
    )(h3)
    return out.reshape(HIST_PAD)


def kernel(features_3d, indexes_image, ignore_label):
    idx3d = indexes_image.reshape(NW, IROWS, 128)
    projected, hist2 = _sc_gather_hist(features_3d, idx3d)
    counts = _combine_hist(hist2)[:N_VOX]
    return projected, indexes_image, counts

# --- scband reference (transcript-rebuilt; emitter-appended) ---
"""Pipeline reference for scband-raycast-features-42597485641917 (READ-ONLY COPY).

The authoritative reference and input builder live on the scoring server;
editing this copy changes nothing except your own understanding.
"""

import jax, jax.numpy as jnp
import numpy as np

VOXEL_NUM = 100000
D_FEAT = 128
B, V, H, W = 2, 4, 224, 224
IGNORE_LABEL = VOXEL_NUM  # out-of-range sentinel, plays role of config.data.ignore_label


def setup_inputs(seed: int = 0) -> dict:
    key = jax.random.key(seed)
    k1, k2, k3 = jax.random.split(key, 3)
    features_3d = jax.random.normal(k1, (VOXEL_NUM, D_FEAT), dtype=jnp.float32)
    indexes_image = jax.random.randint(k2, (B, V, H, W), 0, VOXEL_NUM + 1, dtype=jnp.int32)
    # emulate rays that miss occupied voxels (~30% of pixels unmatched)
    miss = jax.random.bernoulli(k3, 0.3, (B, V, H, W))
    indexes_image = jnp.where(miss, jnp.int32(IGNORE_LABEL), indexes_image)
    return {"features_3d": features_3d, "indexes_image": indexes_image, "ignore_label": IGNORE_LABEL}


def reference(features_3d, indexes_image, ignore_label):
    # Faithful to RayCastFeaturesFunction.forward after the CUDA raycast has
    # produced indexes_image: a masked gather from the per-voxel feature table.
    flat = indexes_image.reshape(-1)
    matched = flat != ignore_label
    safe_idx = jnp.where(matched, flat, 0)
    gathered = jnp.take(features_3d, safe_idx, axis=0)
    projected_features = jnp.where(matched[:, None], gathered, jnp.float32(0.0))
    # mapping3dto2d_num: number of image pixels each voxel projects to
    mapping3dto2d_num = jnp.zeros((features_3d.shape[0],), dtype=jnp.int32).at[safe_idx].add(matched.astype(jnp.int32))
    return (projected_features, indexes_image, mapping3dto2d_num)

if __name__ == "__main__":
    import jax
    _d = setup_inputs()
    print(jax.jit(kernel)(*tuple(_d.values())))

</pallas_src>

<mosaic_0001>
#map = affine_map<(d0, d1) -> (0, 0)>
#map1 = affine_map<(d0, d1) -> (0, 0, 0)>
#map2 = affine_map<(d0, d1) -> (0)>
module attributes {stable_mosaic.version = 14 : i64} {
  func.func @body(%arg0: i32, %arg1: i32, %arg2: memref<100000x128xf32, #tpu.memory_space<hbm>>, %arg3: memref<32x98x128xi32, #tpu.memory_space<hbm>>, %arg4: memref<32x1x12544xi32, #tpu.memory_space<hbm>>, %arg5: memref<401408x128xf32, #tpu.memory_space<hbm>>, %arg6: memref<200704xi32, #tpu.memory_space<hbm>>, %arg7: memref<98x128xi32, #tpu.memory_space<vmem>>, %arg8: memref<12544xi32, #tpu.memory_space<vmem>>, %arg9: memref<13166xi32, #tpu.memory_space<vmem>>, %arg10: memref<13166xi32, #tpu.memory_space<vmem>>, %arg11: memref<3x32x128xf32, #tpu.memory_space<vmem>>, %arg12: memref<784xi32, #tpu.memory_space<vmem>>, %arg13: memref<288xi32, #tpu.memory_space<vmem>>, %arg14: memref<288xi32, #tpu.memory_space<vmem>>, %arg15: memref<128xi32, #tpu.memory_space<vmem>>, %arg16: memref<6144x128xf32, #tpu.memory_space<vmem_shared>>, %arg17: memref<100352xi32, #tpu.memory_space<vmem_shared>>, %arg18: memref<64xi32, #tpu.memory_space<smem>>, %arg19: memref<3x!tpu.dma_semaphore, #tpu.memory_space<semaphore_mem>>, %arg20: memref<3x!tpu.dma_semaphore, #tpu.memory_space<semaphore_mem>>) attributes {dimension_semantics = [#tpu.dimension_semantics<core_parallel>, #tpu.dimension_semantics<subcore_parallel>], iteration_bounds = array<i64: 2, 16>, scalar_prefetch = 0 : i64, scratch_operands = 14 : i64, tpu.core_type = #tpu.core_type<sc_vector_subcore>, window_params = [{transform_indices = #map}, {transform_indices = #map1}, {transform_indices = #map1}, {transform_indices = #map}, {transform_indices = #map2}]} {
    %mul3A = arith.constant 2 : i32
    %mul3A_0 = arith.muli %arg1, %mul3A : i32
    %add3A = arith.addi %mul3A_0, %arg0 : i32
    %mul3A_1 = arith.constant 12544 : i32
    %mul3A_2 = arith.muli %add3A, %mul3A_1 : i32
    "tpu.region"() ({
      %run_scoped3A_2296 = tpu.sem_alloc : memref<!tpu.dma_semaphore, #tpu.memory_space<semaphore_mem>>
      %dma_start3A = arith.constant 0 : i32
      %dma_start3A_2297 = arith.constant 0 : i32
      %dma_start3A_2298 = tpu.memref_slice %arg3[%add3A, %dma_start3A, %dma_start3A_2297] : memref<32x98x128xi32, #tpu.memory_space<hbm>> -> memref<1x98x128xi32, #tpu.memory_space<hbm>>
      %dma_start3A_2299 = tpu.memref_squeeze %dma_start3A_2298 : memref<1x98x128xi32, #tpu.memory_space<hbm>> -> memref<98x128xi32, #tpu.memory_space<hbm>>
      %dma_start3A_2300 = arith.constant 0 : i32
      %dma_start3A_2301 = arith.constant 0 : i32
      %dma_start3A_2302 = tpu.memref_slice %arg3[%add3A, %dma_start3A_2300, %dma_start3A_2301] : memref<32x98x128xi32, #tpu.memory_space<hbm>> -> memref<1x98x128xi32, #tpu.memory_space<hbm>>
      %dma_start3A_2303 = tpu.memref_squeeze %dma_start3A_2302 : memref<1x98x128xi32, #tpu.memory_space<hbm>> -> memref<98x128xi32, #tpu.memory_space<hbm>>
      tpu.enqueue_dma source(%dma_start3A_2303 : memref<98x128xi32, #tpu.memory_space<hbm>>) target(%arg7 : memref<98x128xi32, #tpu.memory_space<vmem>>) target_semaphore(%run_scoped3A_2296 : memref<!tpu.dma_semaphore, #tpu.memory_space<semaphore_mem>>)
      %dma_wait3A = arith.constant 0 : i32
      %dma_wait3A_2304 = arith.constant 0 : i32
      %dma_wait3A_2305 = tpu.memref_slice %arg3[%add3A, %dma_wait3A, %dma_wait3A_2304] : memref<32x98x128xi32, #tpu.memory_space<hbm>> -> memref<1x98x128xi32, #tpu.memory_space<hbm>>
      %dma_wait3A_2306 = tpu.memref_squeeze %dma_wait3A_2305 : memref<1x98x128xi32, #tpu.memory_space<hbm>> -> memref<98x128xi32, #tpu.memory_space<hbm>>
      %dma_wait3A_2307 = arith.constant 0 : i32
      %dma_wait3A_2308 = arith.constant 0 : i32
      %dma_wait3A_2309 = tpu.memref_slice %arg3[%add3A, %dma_wait3A_2307, %dma_wait3A_2308] : memref<32x98x128xi32, #tpu.memory_space<hbm>> -> memref<1x98x128xi32, #tpu.memory_space<hbm>>
      %dma_wait3A_2310 = tpu.memref_squeeze %dma_wait3A_2309 : memref<1x98x128xi32, #tpu.memory_space<hbm>> -> memref<98x128xi32, #tpu.memory_space<hbm>>
      tpu.wait_dma2 semaphore(%run_scoped3A_2296 : memref<!tpu.dma_semaphore, #tpu.memory_space<semaphore_mem>>) src(%dma_wait3A_2310 : memref<98x128xi32, #tpu.memory_space<hbm>>) dst(%arg7 : memref<98x128xi32, #tpu.memory_space<vmem>>)
      tpu.yield
    }) : () -> ()
    %run_scoped3A = arith.constant 0 : i32
    "tpu.region"() ({
      %run_scoped3A_2296 = tpu.sem_alloc : memref<!tpu.dma_semaphore, #tpu.memory_space<semaphore_mem>>
      %dma_start3A = arith.constant 0 : i32
      %dma_start3A_2297 = tpu.memref_slice %arg4[%add3A, %run_scoped3A, %dma_start3A] : memref<32x1x12544xi32, #tpu.memory_space<hbm>> -> memref<1x1x12544xi32, #tpu.memory_space<hbm>>
      %dma_start3A_2298 = tpu.memref_squeeze %dma_start3A_2297 : memref<1x1x12544xi32, #tpu.memory_space<hbm>> -> memref<12544xi32, #tpu.memory_space<hbm>>
      %dma_start3A_2299 = arith.constant 0 : i32
      %dma_start3A_2300 = tpu.memref_slice %arg4[%add3A, %run_scoped3A, %dma_start3A_2299] : memref<32x1x12544xi32, #tpu.memory_space<hbm>> -> memref<1x1x12544xi32, #tpu.memory_space<hbm>>
      %dma_start3A_2301 = tpu.memref_squeeze %dma_start3A_2300 : memref<1x1x12544xi32, #tpu.memory_space<hbm>> -> memref<12544xi32, #tpu.memory_space<hbm>>
      tpu.enqueue_dma source(%dma_start3A_2301 : memref<12544xi32, #tpu.memory_space<hbm>>) target(%arg8 : memref<12544xi32, #tpu.memory_space<vmem>>) target_semaphore(%run_scoped3A_2296 : memref<!tpu.dma_semaphore, #tpu.memory_space<semaphore_mem>>)
      %dma_wait3A = arith.constant 0 : i32
      %dma_wait3A_2302 = tpu.memref_slice %arg4[%add3A, %run_scoped3A, %dma_wait3A] : memref<32x1x12544xi32, #tpu.memory_space<hbm>> -> memref<1x1x12544xi32, #tpu.memory_space<hbm>>
      %dma_wait3A_2303 = tpu.memref_squeeze %dma_wait3A_2302 : memref<1x1x12544xi32, #tpu.memory_space<hbm>> -> memref<12544xi32, #tpu.memory_space<hbm>>
      %dma_wait3A_2304 = arith.constant 0 : i32
      %dma_wait3A_2305 = tpu.memref_slice %arg4[%add3A, %run_scoped3A, %dma_wait3A_2304] : memref<32x1x12544xi32, #tpu.memory_space<hbm>> -> memref<1x1x12544xi32, #tpu.memory_space<hbm>>
      %dma_wait3A_2306 = tpu.memref_squeeze %dma_wait3A_2305 : memref<1x1x12544xi32, #tpu.memory_space<hbm>> -> memref<12544xi32, #tpu.memory_space<hbm>>
      tpu.wait_dma2 semaphore(%run_scoped3A_2296 : memref<!tpu.dma_semaphore, #tpu.memory_space<semaphore_mem>>) src(%dma_wait3A_2306 : memref<12544xi32, #tpu.memory_space<hbm>>) dst(%arg8 : memref<12544xi32, #tpu.memory_space<vmem>>)
      tpu.yield
    }) : () -> ()
    %scan3A = arith.constant 0 : i32
    %scan3A_3 = arith.constant 0 : i32
    %scan3A_4 = arith.constant 49 : i32
    %scan3A_5 = arith.addi %scan3A_3, %scan3A_4 : i32
    %scan3A_6 = arith.constant 1 : i32
    scf.for %scan3A_2296 = %scan3A_3 to %scan3A_5 step %scan3A_6  : i32 {
      %broadcast_in_dim3A_2297 = arith.constant 0 : i32
      %broadcast_in_dim3A_2298 = vector.broadcast %broadcast_in_dim3A_2297 : i32 to vector<16xi32>
      %mul3A_2299 = arith.constant 16 : i32
      %mul3A_2300 = arith.muli %scan3A_2296, %mul3A_2299 : i32
      %swap3A_2301 = arith.index_cast %mul3A_2300 : i32 to index
      %swap3A_2302 = tpu.vector_load %arg12[%swap3A_2301] {strides = array<i32>} : memref<784xi32, #tpu.memory_space<vmem>>, vector<16xi32>,
      tpu.vector_store %arg12[%swap3A_2301], %broadcast_in_dim3A_2298 {strides = array<i32>} : memref<784xi32, #tpu.memory_space<vmem>>, vector<16xi32>,
    }
    %scan3A_7 = arith.constant 49 : i32
    %scan3A_8 = arith.constant 0 : i32
    %scan3A_9 = arith.constant 0 : i32
    %scan3A_10 = arith.constant 8 : i32
    %scan3A_11 = arith.addi %scan3A_9, %scan3A_10 : i32
    %scan3A_12 = arith.constant 1 : i32
    scf.for %scan3A_2296 = %scan3A_9 to %scan3A_11 step %scan3A_12  : i32 {
      %broadcast_in_dim3A_2297 = arith.constant 1 : i32
      %broadcast_in_dim3A_2298 = vector.broadcast %broadcast_in_dim3A_2297 : i32 to vector<16xi32>
      %mul3A_2299 = arith.constant 16 : i32
      %mul3A_2300 = arith.muli %scan3A_2296, %mul3A_2299 : i32
      %swap3A_2301 = arith.index_cast %mul3A_2300 : i32 to index
      %swap3A_2302 = tpu.vector_load %arg15[%swap3A_2301] {strides = array<i32>} : memref<128xi32, #tpu.memory_space<vmem>>, vector<16xi32>,
      tpu.vector_store %arg15[%swap3A_2301], %broadcast_in_dim3A_2298 {strides = array<i32>} : memref<128xi32, #tpu.memory_space<vmem>>, vector<16xi32>,
    }
    %scan3A_13 = arith.constant 8 : i32
    %scan3A_14 = arith.constant 0 : i32
    %scan3A_15 = arith.constant 0 : i32
    %scan3A_16 = arith.constant 822 : i32
    %scan3A_17 = arith.addi %scan3A_15, %scan3A_16 : i32
    %scan3A_18 = arith.constant 1 : i32
    scf.for %scan3A_2296 = %scan3A_15 to %scan3A_17 step %scan3A_18  : i32 {
      %broadcast_in_dim3A_2297 = arith.constant 0 : i32
      %broadcast_in_dim3A_2298 = vector.broadcast %broadcast_in_dim3A_2297 : i32 to vector<16xi32>
      %mul3A_2299 = arith.constant 16 : i32
      %mul3A_2300 = arith.muli %scan3A_2296, %mul3A_2299 : i32
      %swap3A_2301 = arith.index_cast %mul3A_2300 : i32 to index
      %swap3A_2302 = tpu.vector_load %arg9[%swap3A_2301] {strides = array<i32>} : memref<13166xi32, #tpu.memory_space<vmem>>, vector<16xi32>,
      tpu.vector_store %arg9[%swap3A_2301], %broadcast_in_dim3A_2298 {strides = array<i32>} : memref<13166xi32, #tpu.memory_space<vmem>>, vector<16xi32>,
      %iota3A_2303 = tpu.iota {dimensions = array<i32: 0>} : vector<16xi32>
      %mul3A_2304 = arith.constant 0 : i32
      %mul3A_2305 = vector.broadcast %mul3A_2304 : i32 to vector<16xi32>
      %mul3A_2306 = arith.muli %iota3A_2303, %mul3A_2305 : vector<16xi32>
      %add3A_2307 = vector.broadcast %mul3A_2 : i32 to vector<16xi32>
      %add3A_2308 = arith.addi %add3A_2307, %mul3A_2306 : vector<16xi32>
      %mul3A_2309 = arith.constant 16 : i32
      %mul3A_2310 = arith.muli %scan3A_2296, %mul3A_2309 : i32
      %swap3A_2311 = arith.index_cast %mul3A_2310 : i32 to index
      %swap3A_2312 = tpu.vector_load %arg10[%swap3A_2311] {strides = array<i32>} : memref<13166xi32, #tpu.memory_space<vmem>>, vector<16xi32>,
      tpu.vector_store %arg10[%swap3A_2311], %add3A_2308 {strides = array<i32>} : memref<13166xi32, #tpu.memory_space<vmem>>, vector<16xi32>,
    }
    %scan3A_19 = arith.constant 822 : i32
    %mul3A_20 = arith.constant 6272 : i32
    %mul3A_21 = arith.muli %arg1, %mul3A_20 : i32
    %add3A_22 = arith.constant 0 : i32
    %add3A_23 = arith.addi %mul3A_21, %add3A_22 : i32
    "tpu.region"() ({
      %run_scoped3A_2296 = tpu.sem_alloc : memref<!tpu.dma_semaphore, #tpu.memory_space<semaphore_mem>>
      %dma_start3A = tpu.memref_slice %arg17[%add3A_23] : memref<100352xi32, #tpu.memory_space<vmem_shared>> -> memref<784xi32, #tpu.memory_space<vmem_shared>>
      %dma_start3A_2297 = tpu.memref_slice %arg17[%add3A_23] : memref<100352xi32, #tpu.memory_space<vmem_shared>> -> memref<784xi32, #tpu.memory_space<vmem_shared>>
      tpu.enqueue_dma source(%arg12 : memref<784xi32, #tpu.memory_space<vmem>>) target(%dma_start3A_2297 : memref<784xi32, #tpu.memory_space<vmem_shared>>) target_semaphore(%run_scoped3A_2296 : memref<!tpu.dma_semaphore, #tpu.memory_space<semaphore_mem>>)
      %dma_wait3A = tpu.memref_slice %arg17[%add3A_23] : memref<100352xi32, #tpu.memory_space<vmem_shared>> -> memref<784xi32, #tpu.memory_space<vmem_shared>>
      %dma_wait3A_2298 = tpu.memref_slice %arg17[%add3A_23] : memref<100352xi32, #tpu.memory_space<vmem_shared>> -> memref<784xi32, #tpu.memory_space<vmem_shared>>
      tpu.wait_dma2 semaphore(%run_scoped3A_2296 : memref<!tpu.dma_semaphore, #tpu.memory_space<semaphore_mem>>) src(%arg12 : memref<784xi32, #tpu.memory_space<vmem>>) dst(%dma_wait3A_2298 : memref<784xi32, #tpu.memory_space<vmem_shared>>)
      tpu.yield
    }) : () -> ()
    %mul3A_24 = arith.constant 6272 : i32
    %mul3A_25 = arith.muli %arg1, %mul3A_24 : i32
    %add3A_26 = arith.constant 784 : i32
    %add3A_27 = arith.addi %mul3A_25, %add3A_26 : i32
    "tpu.region"() ({
      %run_scoped3A_2296 = tpu.sem_alloc : memref<!tpu.dma_semaphore, #tpu.memory_space<semaphore_mem>>
      %dma_start3A = tpu.memref_slice %arg17[%add3A_27] : memref<100352xi32, #tpu.memory_space<vmem_shared>> -> memref<784xi32, #tpu.memory_space<vmem_shared>>
      %dma_start3A_2297 = tpu.memref_slice %arg17[%add3A_27] : memref<100352xi32, #tpu.memory_space<vmem_shared>> -> memref<784xi32, #tpu.memory_space<vmem_shared>>
      tpu.enqueue_dma source(%arg12 : memref<784xi32, #tpu.memory_space<vmem>>) target(%dma_start3A_2297 : memref<784xi32, #tpu.memory_space<vmem_shared>>) target_semaphore(%run_scoped3A_2296 : memref<!tpu.dma_semaphore, #tpu.memory_space<semaphore_mem>>)
      %dma_wait3A = tpu.memref_slice %arg17[%add3A_27] : memref<100352xi32, #tpu.memory_space<vmem_shared>> -> memref<784xi32, #tpu.memory_space<vmem_shared>>
      %dma_wait3A_2298 = tpu.memref_slice %arg17[%add3A_27] : memref<100352xi32, #tpu.memory_space<vmem_shared>> -> memref<784xi32, #tpu.memory_space<vmem_shared>>
      tpu.wait_dma2 semaphore(%run_scoped3A_2296 : memref<!tpu.dma_semaphore, #tpu.memory_space<semaphore_mem>>) src(%arg12 : memref<784xi32, #tpu.memory_space<vmem>>) dst(%dma_wait3A_2298 : memref<784xi32, #tpu.memory_space<vmem_shared>>)
      tpu.yield
    }) : () -> ()
    %mul3A_28 = arith.constant 6272 : i32
    %mul3A_29 = arith.muli %arg1, %mul3A_28 : i32
    %add3A_30 = arith.constant 1568 : i32
    %add3A_31 = arith.addi %mul3A_29, %add3A_30 : i32
    "tpu.region"() ({
      %run_scoped3A_2296 = tpu.sem_alloc : memref<!tpu.dma_semaphore, #tpu.memory_space<semaphore_mem>>
      %dma_start3A = tpu.memref_slice %arg17[%add3A_31] : memref<100352xi32, #tpu.memory_space<vmem_shared>> -> memref<784xi32, #tpu.memory_space<vmem_shared>>
      %dma_start3A_2297 = tpu.memref_slice %arg17[%add3A_31] : memref<100352xi32, #tpu.memory_space<vmem_shared>> -> memref<784xi32, #tpu.memory_space<vmem_shared>>
      tpu.enqueue_dma source(%arg12 : memref<784xi32, #tpu.memory_space<vmem>>) target(%dma_start3A_2297 : memref<784xi32, #tpu.memory_space<vmem_shared>>) target_semaphore(%run_scoped3A_2296 : memref<!tpu.dma_semaphore, #tpu.memory_space<semaphore_mem>>)
      %dma_wait3A = tpu.memref_slice %arg17[%add3A_31] : memref<100352xi32, #tpu.memory_space<vmem_shared>> -> memref<784xi32, #tpu.memory_space<vmem_shared>>
      %dma_wait3A_2298 = tpu.memref_slice %arg17[%add3A_31] : memref<100352xi32, #tpu.memory_space<vmem_shared>> -> memref<784xi32, #tpu.memory_space<vmem_shared>>
      tpu.wait_dma2 semaphore(%run_scoped3A_2296 : memref<!tpu.dma_semaphore, #tpu.memory_space<semaphore_mem>>) src(%arg12 : memref<784xi32, #tpu.memory_space<vmem>>) dst(%dma_wait3A_2298 : memref<784xi32, #tpu.memory_space<vmem_shared>>)
      tpu.yield
    }) : () -> ()
    %mul3A_32 = arith.constant 6272 : i32
    %mul3A_33 = arith.muli %arg1, %mul3A_32 : i32
    %add3A_34 = arith.constant 2352 : i32
    %add3A_35 = arith.addi %mul3A_33, %add3A_34 : i32
    "tpu.region"() ({
      %run_scoped3A_2296 = tpu.sem_alloc : memref<!tpu.dma_semaphore, #tpu.memory_space<semaphore_mem>>
      %dma_start3A = tpu.memref_slice %arg17[%add3A_35] : memref<100352xi32, #tpu.memory_space<vmem_shared>> -> memref<784xi32, #tpu.memory_space<vmem_shared>>
      %dma_start3A_2297 = tpu.memref_slice %arg17[%add3A_35] : memref<100352xi32, #tpu.memory_space<vmem_shared>> -> memref<784xi32, #tpu.memory_space<vmem_shared>>
      tpu.enqueue_dma source(%arg12 : memref<784xi32, #tpu.memory_space<vmem>>) target(%dma_start3A_2297 : memref<784xi32, #tpu.memory_space<vmem_shared>>) target_semaphore(%run_scoped3A_2296 : memref<!tpu.dma_semaphore, #tpu.memory_space<semaphore_mem>>)
      %dma_wait3A = tpu.memref_slice %arg17[%add3A_35] : memref<100352xi32, #tpu.memory_space<vmem_shared>> -> memref<784xi32, #tpu.memory_space<vmem_shared>>
      %dma_wait3A_2298 = tpu.memref_slice %arg17[%add3A_35] : memref<100352xi32, #tpu.memory_space<vmem_shared>> -> memref<784xi32, #tpu.memory_space<vmem_shared>>
      tpu.wait_dma2 semaphore(%run_scoped3A_2296 : memref<!tpu.dma_semaphore, #tpu.memory_space<semaphore_mem>>) src(%arg12 : memref<784xi32, #tpu.memory_space<vmem>>) dst(%dma_wait3A_2298 : memref<784xi32, #tpu.memory_space<vmem_shared>>)
      tpu.yield
    }) : () -> ()
    %mul3A_36 = arith.constant 6272 : i32
    %mul3A_37 = arith.muli %arg1, %mul3A_36 : i32
    %add3A_38 = arith.constant 3136 : i32
    %add3A_39 = arith.addi %mul3A_37, %add3A_38 : i32
    "tpu.region"() ({
      %run_scoped3A_2296 = tpu.sem_alloc : memref<!tpu.dma_semaphore, #tpu.memory_space<semaphore_mem>>
      %dma_start3A = tpu.memref_slice %arg17[%add3A_39] : memref<100352xi32, #tpu.memory_space<vmem_shared>> -> memref<784xi32, #tpu.memory_space<vmem_shared>>
      %dma_start3A_2297 = tpu.memref_slice %arg17[%add3A_39] : memref<100352xi32, #tpu.memory_space<vmem_shared>> -> memref<784xi32, #tpu.memory_space<vmem_shared>>
      tpu.enqueue_dma source(%arg12 : memref<784xi32, #tpu.memory_space<vmem>>) target(%dma_start3A_2297 : memref<784xi32, #tpu.memory_space<vmem_shared>>) target_semaphore(%run_scoped3A_2296 : memref<!tpu.dma_semaphore, #tpu.memory_space<semaphore_mem>>)
      %dma_wait3A = tpu.memref_slice %arg17[%add3A_39] : memref<100352xi32, #tpu.memory_space<vmem_shared>> -> memref<784xi32, #tpu.memory_space<vmem_shared>>
      %dma_wait3A_2298 = tpu.memref_slice %arg17[%add3A_39] : memref<100352xi32, #tpu.memory_space<vmem_shared>> -> memref<784xi32, #tpu.memory_space<vmem_shared>>
      tpu.wait_dma2 semaphore(%run_scoped3A_2296 : memref<!tpu.dma_semaphore, #tpu.memory_space<semaphore_mem>>) src(%arg12 : memref<784xi32, #tpu.memory_space<vmem>>) dst(%dma_wait3A_2298 : memref<784xi32, #tpu.memory_space<vmem_shared>>)
      tpu.yield
    }) : () -> ()
    %mul3A_40 = arith.constant 6272 : i32
    %mul3A_41 = arith.muli %arg1, %mul3A_40 : i32
    %add3A_42 = arith.constant 3920 : i32
    %add3A_43 = arith.addi %mul3A_41, %add3A_42 : i32
    "tpu.region"() ({
      %run_scoped3A_2296 = tpu.sem_alloc : memref<!tpu.dma_semaphore, #tpu.memory_space<semaphore_mem>>
      %dma_start3A = tpu.memref_slice %arg17[%add3A_43] : memref<100352xi32, #tpu.memory_space<vmem_shared>> -> memref<784xi32, #tpu.memory_space<vmem_shared>>
      %dma_start3A_2297 = tpu.memref_slice %arg17[%add3A_43] : memref<100352xi32, #tpu.memory_space<vmem_shared>> -> memref<784xi32, #tpu.memory_space<vmem_shared>>
      tpu.enqueue_dma source(%arg12 : memref<784xi32, #tpu.memory_space<vmem>>) target(%dma_start3A_2297 : memref<784xi32, #tpu.memory_space<vmem_shared>>) target_semaphore(%run_scoped3A_2296 : memref<!tpu.dma_semaphore, #tpu.memory_space<semaphore_mem>>)
      %dma_wait3A = tpu.memref_slice %arg17[%add3A_43] : memref<100352xi32, #tpu.memory_space<vmem_shared>> -> memref<784xi32, #tpu.memory_space<vmem_shared>>
      %dma_wait3A_2298 = tpu.memref_slice %arg17[%add3A_43] : memref<100352xi32, #tpu.memory_space<vmem_shared>> -> memref<784xi32, #tpu.memory_space<vmem_shared>>
      tpu.wait_dma2 semaphore(%run_scoped3A_2296 : memref<!tpu.dma_semaphore, #tpu.memory_space<semaphore_mem>>) src(%arg12 : memref<784xi32, #tpu.memory_space<vmem>>) dst(%dma_wait3A_2298 : memref<784xi32, #tpu.memory_space<vmem_shared>>)
      tpu.yield
    }) : () -> ()
    %mul3A_44 = arith.constant 6272 : i32
    %mul3A_45 = arith.muli %arg1, %mul3A_44 : i32
    %add3A_46 = arith.constant 4704 : i32
    %add3A_47 = arith.addi %mul3A_45, %add3A_46 : i32
    "tpu.region"() ({
      %run_scoped3A_2296 = tpu.sem_alloc : memref<!tpu.dma_semaphore, #tpu.memory_space<semaphore_mem>>
      %dma_start3A = tpu.memref_slice %arg17[%add3A_47] : memref<100352xi32, #tpu.memory_space<vmem_shared>> -> memref<784xi32, #tpu.memory_space<vmem_shared>>
      %dma_start3A_2297 = tpu.memref_slice %arg17[%add3A_47] : memref<100352xi32, #tpu.memory_space<vmem_shared>> -> memref<784xi32, #tpu.memory_space<vmem_shared>>
      tpu.enqueue_dma source(%arg12 : memref<784xi32, #tpu.memory_space<vmem>>) target(%dma_start3A_2297 : memref<784xi32, #tpu.memory_space<vmem_shared>>) target_semaphore(%run_scoped3A_2296 : memref<!tpu.dma_semaphore, #tpu.memory_space<semaphore_mem>>)
      %dma_wait3A = tpu.memref_slice %arg17[%add3A_47] : memref<100352xi32, #tpu.memory_space<vmem_shared>> -> memref<784xi32, #tpu.memory_space<vmem_shared>>
      %dma_wait3A_2298 = tpu.memref_slice %arg17[%add3A_47] : memref<100352xi32, #tpu.memory_space<vmem_shared>> -> memref<784xi32, #tpu.memory_space<vmem_shared>>
      tpu.wait_dma2 semaphore(%run_scoped3A_2296 : memref<!tpu.dma_semaphore, #tpu.memory_space<semaphore_mem>>) src(%arg12 : memref<784xi32, #tpu.memory_space<vmem>>) dst(%dma_wait3A_2298 : memref<784xi32, #tpu.memory_space<vmem_shared>>)
      tpu.yield
    }) : () -> ()
    %mul3A_48 = arith.constant 6272 : i32
    %mul3A_49 = arith.muli %arg1, %mul3A_48 : i32
    %add3A_50 = arith.constant 5488 : i32
    %add3A_51 = arith.addi %mul3A_49, %add3A_50 : i32
    "tpu.region"() ({
      %run_scoped3A_2296 = tpu.sem_alloc : memref<!tpu.dma_semaphore, #tpu.memory_space<semaphore_mem>>
      %dma_start3A = tpu.memref_slice %arg17[%add3A_51] : memref<100352xi32, #tpu.memory_space<vmem_shared>> -> memref<784xi32, #tpu.memory_space<vmem_shared>>
      %dma_start3A_2297 = tpu.memref_slice %arg17[%add3A_51] : memref<100352xi32, #tpu.memory_space<vmem_shared>> -> memref<784xi32, #tpu.memory_space<vmem_shared>>
      tpu.enqueue_dma source(%arg12 : memref<784xi32, #tpu.memory_space<vmem>>) target(%dma_start3A_2297 : memref<784xi32, #tpu.memory_space<vmem_shared>>) target_semaphore(%run_scoped3A_2296 : memref<!tpu.dma_semaphore, #tpu.memory_space<semaphore_mem>>)
      %dma_wait3A = tpu.memref_slice %arg17[%add3A_51] : memref<100352xi32, #tpu.memory_space<vmem_shared>> -> memref<784xi32, #tpu.memory_space<vmem_shared>>
      %dma_wait3A_2298 = tpu.memref_slice %arg17[%add3A_51] : memref<100352xi32, #tpu.memory_space<vmem_shared>> -> memref<784xi32, #tpu.memory_space<vmem_shared>>
      tpu.wait_dma2 semaphore(%run_scoped3A_2296 : memref<!tpu.dma_semaphore, #tpu.memory_space<semaphore_mem>>) src(%arg12 : memref<784xi32, #tpu.memory_space<vmem>>) dst(%dma_wait3A_2298 : memref<784xi32, #tpu.memory_space<vmem_shared>>)
      tpu.yield
    }) : () -> ()
    %scan3A_52 = arith.constant 0 : i32
    %scan3A_53 = arith.constant 0 : i32
    %scan3A_54 = arith.constant 18 : i32
    %scan3A_55 = arith.addi %scan3A_53, %scan3A_54 : i32
    %scan3A_56 = arith.constant 1 : i32
    scf.for %scan3A_2296 = %scan3A_53 to %scan3A_55 step %scan3A_56  : i32 {
      %broadcast_in_dim3A_2297 = arith.constant 0 : i32
      %broadcast_in_dim3A_2298 = vector.broadcast %broadcast_in_dim3A_2297 : i32 to vector<16xi32>
      %mul3A_2299 = arith.constant 16 : i32
      %mul3A_2300 = arith.muli %scan3A_2296, %mul3A_2299 : i32
      %swap3A_2301 = arith.index_cast %mul3A_2300 : i32 to index
      %swap3A_2302 = tpu.vector_load %arg13[%swap3A_2301] {strides = array<i32>} : memref<288xi32, #tpu.memory_space<vmem>>, vector<16xi32>,
      tpu.vector_store %arg13[%swap3A_2301], %broadcast_in_dim3A_2298 {strides = array<i32>} : memref<288xi32, #tpu.memory_space<vmem>>, vector<16xi32>,
    }
    %scan3A_57 = arith.constant 18 : i32
    %scan3A_58 = arith.constant 0 : i32
    %scan3A_59 = arith.constant 0 : i32
    %scan3A_60 = arith.constant 784 : i32
    %scan3A_61 = arith.addi %scan3A_59, %scan3A_60 : i32
    %scan3A_62 = arith.constant 1 : i32
    scf.for %scan3A_2296 = %scan3A_59 to %scan3A_61 step %scan3A_62  : i32 {
      %mul3A_2297 = arith.constant 16 : i32
      %mul3A_2298 = arith.muli %scan3A_2296, %mul3A_2297 : i32
      %iota3A_2299 = tpu.iota {dimensions = array<i32: 0>} : vector<16xi32>
      %add3A_2300 = vector.broadcast %mul3A_2298 : i32 to vector<16xi32>
      %add3A_2301 = arith.addi %add3A_2300, %iota3A_2299 : vector<16xi32>
      %gather3A = tpu.vector_load_idx %arg8[%add3A_2301] : memref<12544xi32, #tpu.memory_space<vmem>>[vector<16xi32>], vector<16xi32>,
      %shift_right_arithmetic3A = arith.constant 11 : i32
      %shift_right_arithmetic3A_2302 = vector.broadcast %shift_right_arithmetic3A : i32 to vector<16xi32>
      %shift_right_arithmetic3A_2303 = arith.shrsi %gather3A, %shift_right_arithmetic3A_2302 : vector<16xi32>
      %mul3A_2304 = arith.constant 683 : i32
      %mul3A_2305 = vector.broadcast %mul3A_2304 : i32 to vector<16xi32>
      %mul3A_2306 = arith.muli %shift_right_arithmetic3A_2303, %mul3A_2305 : vector<16xi32>
      %shift_right_arithmetic3A_2307 = arith.constant 11 : i32
      %shift_right_arithmetic3A_2308 = vector.broadcast %shift_right_arithmetic3A_2307 : i32 to vector<16xi32>
      %shift_right_arithmetic3A_2309 = arith.shrsi %mul3A_2306, %shift_right_arithmetic3A_2308 : vector<16xi32>
      %ge3A_2310 = arith.constant 100000 : i32
      %ge3A_2311 = vector.broadcast %ge3A_2310 : i32 to vector<16xi32>
      %ge3A_2312 = arith.cmpi sge, %gather3A, %ge3A_2311 : vector<16xi32>
      %jit3A_2313 = arith.constant 17 : i32
      %broadcast_in_dim3A_2314 = vector.broadcast %jit3A_2313 : i32 to vector<16xi32>
      %select_n3A_2315 = arith.select %ge3A_2312, %broadcast_in_dim3A_2314, %shift_right_arithmetic3A_2309 : vector<16xi1>, vector<16xi32>
      %get3A_2316 = arith.constant 0 : index
      %get3A_2317 = tpu.vector_load %arg13[%get3A_2316] {strides = array<i32>} : memref<288xi32, #tpu.memory_space<vmem>>, vector<16xi32>,
      %eq3A = arith.constant 0 : i32
      %eq3A_2318 = vector.broadcast %eq3A : i32 to vector<16xi32>
      %eq3A_2319 = arith.cmpi eq, %select_n3A_2315, %eq3A_2318 : vector<16xi32>
      %all_reduce_population_count3A = tpu.all_reduce %eq3A_2319 {dim = 0 : i64, kind = #tpu.reduction_kind<sum>} : vector<16xi1> -> vector<16xi32>
      %add3A_2320 = arith.addi %get3A_2317, %all_reduce_population_count3A : vector<16xi32>
      %swap3A_2321 = arith.constant 0 : index
      %swap3A_2322 = tpu.vector_load %arg13[%swap3A_2321] {strides = array<i32>} : memref<288xi32, #tpu.memory_space<vmem>>, vector<16xi32>,
      tpu.vector_store %arg13[%swap3A_2321], %add3A_2320 {strides = array<i32>} : memref<288xi32, #tpu.memory_space<vmem>>, vector<16xi32>,
      %get3A_2323 = arith.constant 16 : index
      %get3A_2324 = tpu.vector_load %arg13[%get3A_2323] {strides = array<i32>} : memref<288xi32, #tpu.memory_space<vmem>>, vector<16xi32>,
      %eq3A_2325 = arith.constant 1 : i32
      %eq3A_2326 = vector.broadcast %eq3A_2325 : i32 to vector<16xi32>
      %eq3A_2327 = arith.cmpi eq, %select_n3A_2315, %eq3A_2326 : vector<16xi32>
      %all_reduce_population_count3A_2328 = tpu.all_reduce %eq3A_2327 {dim = 0 : i64, kind = #tpu.reduction_kind<sum>} : vector<16xi1> -> vector<16xi32>
      %add3A_2329 = arith.addi %get3A_2324, %all_reduce_population_count3A_2328 : vector<16xi32>
      %swap3A_2330 = arith.constant 16 : index
      %swap3A_2331 = tpu.vector_load %arg13[%swap3A_2330] {strides = array<i32>} : memref<288xi32, #tpu.memory_space<vmem>>, vector<16xi32>,
      tpu.vector_store %arg13[%swap3A_2330], %add3A_2329 {strides = array<i32>} : memref<288xi32, #tpu.memory_space<vmem>>, vector<16xi32>,
      %get3A_2332 = arith.constant 32 : index
      %get3A_2333 = tpu.vector_load %arg13[%get3A_2332] {strides = array<i32>} : memref<288xi32, #tpu.memory_space<vmem>>, vector<16xi32>,
      %eq3A_2334 = arith.constant 2 : i32
      %eq3A_2335 = vector.broadcast %eq3A_2334 : i32 to vector<16xi32>
      %eq3A_2336 = arith.cmpi eq, %select_n3A_2315, %eq3A_2335 : vector<16xi32>
      %all_reduce_population_count3A_2337 = tpu.all_reduce %eq3A_2336 {dim = 0 : i64, kind = #tpu.reduction_kind<sum>} : vector<16xi1> -> vector<16xi32>
      %add3A_2338 = arith.addi %get3A_2333, %all_reduce_population_count3A_2337 : vector<16xi32>
      %swap3A_2339 = arith.constant 32 : index
      %swap3A_2340 = tpu.vector_load %arg13[%swap3A_2339] {strides = array<i32>} : memref<288xi32, #tpu.memory_space<vmem>>, vector<16xi32>,
      tpu.vector_store %arg13[%swap3A_2339], %add3A_2338 {strides = array<i32>} : memref<288xi32, #tpu.memory_space<vmem>>, vector<16xi32>,
      %get3A_2341 = arith.constant 48 : index
      %get3A_2342 = tpu.vector_load %arg13[%get3A_2341] {strides = array<i32>} : memref<288xi32, #tpu.memory_space<vmem>>, vector<16xi32>,
      %eq3A_2343 = arith.constant 3 : i32
      %eq3A_2344 = vector.broadcast %eq3A_2343 : i32 to vector<16xi32>
      %eq3A_2345 = arith.cmpi eq, %select_n3A_2315, %eq3A_2344 : vector<16xi32>
      %all_reduce_population_count3A_2346 = tpu.all_reduce %eq3A_2345 {dim = 0 : i64, kind = #tpu.reduction_kind<sum>} : vector<16xi1> -> vector<16xi32>
      %add3A_2347 = arith.addi %get3A_2342, %all_reduce_population_count3A_2346 : vector<16xi32>
      %swap3A_2348 = arith.constant 48 : index
      %swap3A_2349 = tpu.vector_load %arg13[%swap3A_2348] {strides = array<i32>} : memref<288xi32, #tpu.memory_space<vmem>>, vector<16xi32>,
      tpu.vector_store %arg13[%swap3A_2348], %add3A_2347 {strides = array<i32>} : memref<288xi32, #tpu.memory_space<vmem>>, vector<16xi32>,
      %get3A_2350 = arith.constant 64 : index
      %get3A_2351 = tpu.vector_load %arg13[%get3A_2350] {strides = array<i32>} : memref<288xi32, #tpu.memory_space<vmem>>, vector<16xi32>,
      %eq3A_2352 = arith.constant 4 : i32
      %eq3A_2353 = vector.broadcast %eq3A_2352 : i32 to vector<16xi32>
      %eq3A_2354 = arith.cmpi eq, %select_n3A_2315, %eq3A_2353 : vector<16xi32>
      %all_reduce_population_count3A_2355 = tpu.all_reduce %eq3A_2354 {dim = 0 : i64, kind = #tpu.reduction_kind<sum>} : vector<16xi1> -> vector<16xi32>
      %add3A_2356 = arith.addi %get3A_2351, %all_reduce_population_count3A_2355 : vector<16xi32>
      %swap3A_2357 = arith.constant 64 : index
      %swap3A_2358 = tpu.vector_load %arg13[%swap3A_2357] {strides = array<i32>} : memref<288xi32, #tpu.memory_space<vmem>>, vector<16xi32>,
      tpu.vector_store %arg13[%swap3A_2357], %add3A_2356 {strides = array<i32>} : memref<288xi32, #tpu.memory_space<vmem>>, vector<16xi32>,
      %get3A_2359 = arith.constant 80 : index
      %get3A_2360 = tpu.vector_load %arg13[%get3A_2359] {strides = array<i32>} : memref<288xi32, #tpu.memory_space<vmem>>, vector<16xi32>,
      %eq3A_2361 = arith.constant 5 : i32
      %eq3A_2362 = vector.broadcast %eq3A_2361 : i32 to vector<16xi32>
      %eq3A_2363 = arith.cmpi eq, %select_n3A_2315, %eq3A_2362 : vector<16xi32>
      %all_reduce_population_count3A_2364 = tpu.all_reduce %eq3A_2363 {dim = 0 : i64, kind = #tpu.reduction_kind<sum>} : vector<16xi1> -> vector<16xi32>
      %add3A_2365 = arith.addi %get3A_2360, %all_reduce_population_count3A_2364 : vector<16xi32>
      %swap3A_2366 = arith.constant 80 : index
      %swap3A_2367 = tpu.vector_load %arg13[%swap3A_2366] {strides = array<i32>} : memref<288xi32, #tpu.memory_space<vmem>>, vector<16xi32>,
      tpu.vector_store %arg13[%swap3A_2366], %add3A_2365 {strides = array<i32>} : memref<288xi32, #tpu.memory_space<vmem>>, vector<16xi32>,
      %get3A_2368 = arith.constant 96 : index
      %get3A_2369 = tpu.vector_load %arg13[%get3A_2368] {strides = array<i32>} : memref<288xi32, #tpu.memory_space<vmem>>, vector<16xi32>,
      %eq3A_2370 = arith.constant 6 : i32
      %eq3A_2371 = vector.broadcast %eq3A_2370 : i32 to vector<16xi32>
      %eq3A_2372 = arith.cmpi eq, %select_n3A_2315, %eq3A_2371 : vector<16xi32>
      %all_reduce_population_count3A_2373 = tpu.all_reduce %eq3A_2372 {dim = 0 : i64, kind = #tpu.reduction_kind<sum>} : vector<16xi1> -> vector<16xi32>
      %add3A_2374 = arith.addi %get3A_2369, %all_reduce_population_count3A_2373 : vector<16xi32>
      %swap3A_2375 = arith.constant 96 : index
      %swap3A_2376 = tpu.vector_load %arg13[%swap3A_2375] {strides = array<i32>} : memref<288xi32, #tpu.memory_space<vmem>>, vector<16xi32>,
      tpu.vector_store %arg13[%swap3A_2375], %add3A_2374 {strides = array<i32>} : memref<288xi32, #tpu.memory_space<vmem>>, vector<16xi32>,
      %get3A_2377 = arith.constant 112 : index
      %get3A_2378 = tpu.vector_load %arg13[%get3A_2377] {strides = array<i32>} : memref<288xi32, #tpu.memory_space<vmem>>, vector<16xi32>,
      %eq3A_2379 = arith.constant 7 : i32
      %eq3A_2380 = vector.broadcast %eq3A_2379 : i32 to vector<16xi32>
      %eq3A_2381 = arith.cmpi eq, %select_n3A_2315, %eq3A_2380 : vector<16xi32>
      %all_reduce_population_count3A_2382 = tpu.all_reduce %eq3A_2381 {dim = 0 : i64, kind = #tpu.reduction_kind<sum>} : vector<16xi1> -> vector<16xi32>
      %add3A_2383 = arith.addi %get3A_2378, %all_reduce_population_count3A_2382 : vector<16xi32>
      %swap3A_2384 = arith.constant 112 : index
      %swap3A_2385 = tpu.vector_load %arg13[%swap3A_2384] {strides = array<i32>} : memref<288xi32, #tpu.memory_space<vmem>>, vector<16xi32>,
      tpu.vector_store %arg13[%swap3A_2384], %add3A_2383 {strides = array<i32>} : memref<288xi32, #tpu.memory_space<vmem>>, vector<16xi32>,
      %get3A_2386 = arith.constant 128 : index
      %get3A_2387 = tpu.vector_load %arg13[%get3A_2386] {strides = array<i32>} : memref<288xi32, #tpu.memory_space<vmem>>, vector<16xi32>,
      %eq3A_2388 = arith.constant 8 : i32
      %eq3A_2389 = vector.broadcast %eq3A_2388 : i32 to vector<16xi32>
      %eq3A_2390 = arith.cmpi eq, %select_n3A_2315, %eq3A_2389 : vector<16xi32>
      %all_reduce_population_count3A_2391 = tpu.all_reduce %eq3A_2390 {dim = 0 : i64, kind = #tpu.reduction_kind<sum>} : vector<16xi1> -> vector<16xi32>
      %add3A_2392 = arith.addi %get3A_2387, %all_reduce_population_count3A_2391 : vector<16xi32>
      %swap3A_2393 = arith.constant 128 : index
      %swap3A_2394 = tpu.vector_load %arg13[%swap3A_2393] {strides = array<i32>} : memref<288xi32, #tpu.memory_space<vmem>>, vector<16xi32>,
      tpu.vector_store %arg13[%swap3A_2393], %add3A_2392 {strides = array<i32>} : memref<288xi32, #tpu.memory_space<vmem>>, vector<16xi32>,
      %get3A_2395 = arith.constant 144 : index
      %get3A_2396 = tpu.vector_load %arg13[%get3A_2395] {strides = array<i32>} : memref<288xi32, #tpu.memory_space<vmem>>, vector<16xi32>,
      %eq3A_2397 = arith.constant 9 : i32
      %eq3A_2398 = vector.broadcast %eq3A_2397 : i32 to vector<16xi32>
      %eq3A_2399 = arith.cmpi eq, %select_n3A_2315, %eq3A_2398 : vector<16xi32>
      %all_reduce_population_count3A_2400 = tpu.all_reduce %eq3A_2399 {dim = 0 : i64, kind = #tpu.reduction_kind<sum>} : vector<16xi1> -> vector<16xi32>
      %add3A_2401 = arith.addi %get3A_2396, %all_reduce_population_count3A_2400 : vector<16xi32>
      %swap3A_2402 = arith.constant 144 : index
      %swap3A_2403 = tpu.vector_load %arg13[%swap3A_2402] {strides = array<i32>} : memref<288xi32, #tpu.memory_space<vmem>>, vector<16xi32>,
      tpu.vector_store %arg13[%swap3A_2402], %add3A_2401 {strides = array<i32>} : memref<288xi32, #tpu.memory_space<vmem>>, vector<16xi32>,
      %get3A_2404 = arith.constant 160 : index
      %get3A_2405 = tpu.vector_load %arg13[%get3A_2404] {strides = array<i32>} : memref<288xi32, #tpu.memory_space<vmem>>, vector<16xi32>,
      %eq3A_2406 = arith.constant 10 : i32
      %eq3A_2407 = vector.broadcast %eq3A_2406 : i32 to vector<16xi32>
      %eq3A_2408 = arith.cmpi eq, %select_n3A_2315, %eq3A_2407 : vector<16xi32>
      %all_reduce_population_count3A_2409 = tpu.all_reduce %eq3A_2408 {dim = 0 : i64, kind = #tpu.reduction_kind<sum>} : vector<16xi1> -> vector<16xi32>
      %add3A_2410 = arith.addi %get3A_2405, %all_reduce_population_count3A_2409 : vector<16xi32>
      %swap3A_2411 = arith.constant 160 : index
      %swap3A_2412 = tpu.vector_load %arg13[%swap3A_2411] {strides = array<i32>} : memref<288xi32, #tpu.memory_space<vmem>>, vector<16xi32>,
      tpu.vector_store %arg13[%swap3A_2411], %add3A_2410 {strides = array<i32>} : memref<288xi32, #tpu.memory_space<vmem>>, vector<16xi32>,
      %get3A_2413 = arith.constant 176 : index
      %get3A_2414 = tpu.vector_load %arg13[%get3A_2413] {strides = array<i32>} : memref<288xi32, #tpu.memory_space<vmem>>, vector<16xi32>,
      %eq3A_2415 = arith.constant 11 : i32
      %eq3A_2416 = vector.broadcast %eq3A_2415 : i32 to vector<16xi32>
      %eq3A_2417 = arith.cmpi eq, %select_n3A_2315, %eq3A_2416 : vector<16xi32>
      %all_reduce_population_count3A_2418 = tpu.all_reduce %eq3A_2417 {dim = 0 : i64, kind = #tpu.reduction_kind<sum>} : vector<16xi1> -> vector<16xi32>
      %add3A_2419 = arith.addi %get3A_2414, %all_reduce_population_count3A_2418 : vector<16xi32>
      %swap3A_2420 = arith.constant 176 : index
      %swap3A_2421 = tpu.vector_load %arg13[%swap3A_2420] {strides = array<i32>} : memref<288xi32, #tpu.memory_space<vmem>>, vector<16xi32>,
      tpu.vector_store %arg13[%swap3A_2420], %add3A_2419 {strides = array<i32>} : memref<288xi32, #tpu.memory_space<vmem>>, vector<16xi32>,
      %get3A_2422 = arith.constant 192 : index
      %get3A_2423 = tpu.vector_load %arg13[%get3A_2422] {strides = array<i32>} : memref<288xi32, #tpu.memory_space<vmem>>, vector<16xi32>,
      %eq3A_2424 = arith.constant 12 : i32
      %eq3A_2425 = vector.broadcast %eq3A_2424 : i32 to vector<16xi32>
      %eq3A_2426 = arith.cmpi eq, %select_n3A_2315, %eq3A_2425 : vector<16xi32>
      %all_reduce_population_count3A_2427 = tpu.all_reduce %eq3A_2426 {dim = 0 : i64, kind = #tpu.reduction_kind<sum>} : vector<16xi1> -> vector<16xi32>
      %add3A_2428 = arith.addi %get3A_2423, %all_reduce_population_count3A_2427 : vector<16xi32>
      %swap3A_2429 = arith.constant 192 : index
      %swap3A_2430 = tpu.vector_load %arg13[%swap3A_2429] {strides = array<i32>} : memref<288xi32, #tpu.memory_space<vmem>>, vector<16xi32>,
      tpu.vector_store %arg13[%swap3A_2429], %add3A_2428 {strides = array<i32>} : memref<288xi32, #tpu.memory_space<vmem>>, vector<16xi32>,
      %get3A_2431 = arith.constant 208 : index
      %get3A_2432 = tpu.vector_load %arg13[%get3A_2431] {strides = array<i32>} : memref<288xi32, #tpu.memory_space<vmem>>, vector<16xi32>,
      %eq3A_2433 = arith.constant 13 : i32
      %eq3A_2434 = vector.broadcast %eq3A_2433 : i32 to vector<16xi32>
      %eq3A_2435 = arith.cmpi eq, %select_n3A_2315, %eq3A_2434 : vector<16xi32>
      %all_reduce_population_count3A_2436 = tpu.all_reduce %eq3A_2435 {dim = 0 : i64, kind = #tpu.reduction_kind<sum>} : vector<16xi1> -> vector<16xi32>
      %add3A_2437 = arith.addi %get3A_2432, %all_reduce_population_count3A_2436 : vector<16xi32>
      %swap3A_2438 = arith.constant 208 : index
      %swap3A_2439 = tpu.vector_load %arg13[%swap3A_2438] {strides = array<i32>} : memref<288xi32, #tpu.memory_space<vmem>>, vector<16xi32>,
      tpu.vector_store %arg13[%swap3A_2438], %add3A_2437 {strides = array<i32>} : memref<288xi32, #tpu.memory_space<vmem>>, vector<16xi32>,
      %get3A_2440 = arith.constant 224 : index
      %get3A_2441 = tpu.vector_load %arg13[%get3A_2440] {strides = array<i32>} : memref<288xi32, #tpu.memory_space<vmem>>, vector<16xi32>,
      %eq3A_2442 = arith.constant 14 : i32
      %eq3A_2443 = vector.broadcast %eq3A_2442 : i32 to vector<16xi32>
      %eq3A_2444 = arith.cmpi eq, %select_n3A_2315, %eq3A_2443 : vector<16xi32>
      %all_reduce_population_count3A_2445 = tpu.all_reduce %eq3A_2444 {dim = 0 : i64, kind = #tpu.reduction_kind<sum>} : vector<16xi1> -> vector<16xi32>
      %add3A_2446 = arith.addi %get3A_2441, %all_reduce_population_count3A_2445 : vector<16xi32>
      %swap3A_2447 = arith.constant 224 : index
      %swap3A_2448 = tpu.vector_load %arg13[%swap3A_2447] {strides = array<i32>} : memref<288xi32, #tpu.memory_space<vmem>>, vector<16xi32>,
      tpu.vector_store %arg13[%swap3A_2447], %add3A_2446 {strides = array<i32>} : memref<288xi32, #tpu.memory_space<vmem>>, vector<16xi32>,
      %get3A_2449 = arith.constant 240 : index
      %get3A_2450 = tpu.vector_load %arg13[%get3A_2449] {strides = array<i32>} : memref<288xi32, #tpu.memory_space<vmem>>, vector<16xi32>,
      %eq3A_2451 = arith.constant 15 : i32
      %eq3A_2452 = vector.broadcast %eq3A_2451 : i32 to vector<16xi32>
      %eq3A_2453 = arith.cmpi eq, %select_n3A_2315, %eq3A_2452 : vector<16xi32>
      %all_reduce_population_count3A_2454 = tpu.all_reduce %eq3A_2453 {dim = 0 : i64, kind = #tpu.reduction_kind<sum>} : vector<16xi1> -> vector<16xi32>
      %add3A_2455 = arith.addi %get3A_2450, %all_reduce_population_count3A_2454 : vector<16xi32>
      %swap3A_2456 = arith.constant 240 : index
      %swap3A_2457 = tpu.vector_load %arg13[%swap3A_2456] {strides = array<i32>} : memref<288xi32, #tpu.memory_space<vmem>>, vector<16xi32>,
      tpu.vector_store %arg13[%swap3A_2456], %add3A_2455 {strides = array<i32>} : memref<288xi32, #tpu.memory_space<vmem>>, vector<16xi32>,
      %get3A_2458 = arith.constant 256 : index
      %get3A_2459 = tpu.vector_load %arg13[%get3A_2458] {strides = array<i32>} : memref<288xi32, #tpu.memory_space<vmem>>, vector<16xi32>,
      %eq3A_2460 = arith.constant 16 : i32
      %eq3A_2461 = vector.broadcast %eq3A_2460 : i32 to vector<16xi32>
      %eq3A_2462 = arith.cmpi eq, %select_n3A_2315, %eq3A_2461 : vector<16xi32>
      %all_reduce_population_count3A_2463 = tpu.all_reduce %eq3A_2462 {dim = 0 : i64, kind = #tpu.reduction_kind<sum>} : vector<16xi1> -> vector<16xi32>
      %add3A_2464 = arith.addi %get3A_2459, %all_reduce_population_count3A_2463 : vector<16xi32>
      %swap3A_2465 = arith.constant 256 : index
      %swap3A_2466 = tpu.vector_load %arg13[%swap3A_2465] {strides = array<i32>} : memref<288xi32, #tpu.memory_space<vmem>>, vector<16xi32>,
      tpu.vector_store %arg13[%swap3A_2465], %add3A_2464 {strides = array<i32>} : memref<288xi32, #tpu.memory_space<vmem>>, vector<16xi32>,
      %get3A_2467 = arith.constant 272 : index
      %get3A_2468 = tpu.vector_load %arg13[%get3A_2467] {strides = array<i32>} : memref<288xi32, #tpu.memory_space<vmem>>, vector<16xi32>,
      %eq3A_2469 = arith.constant 17 : i32
      %eq3A_2470 = vector.broadcast %eq3A_2469 : i32 to vector<16xi32>
      %eq3A_2471 = arith.cmpi eq, %select_n3A_2315, %eq3A_2470 : vector<16xi32>
      %all_reduce_population_count3A_2472 = tpu.all_reduce %eq3A_2471 {dim = 0 : i64, kind = #tpu.reduction_kind<sum>} : vector<16xi1> -> vector<16xi32>
      %add3A_2473 = arith.addi %get3A_2468, %all_reduce_population_count3A_2472 : vector<16xi32>
      %swap3A_2474 = arith.constant 272 : index
      %swap3A_2475 = tpu.vector_load %arg13[%swap3A_2474] {strides = array<i32>} : memref<288xi32, #tpu.memory_space<vmem>>, vector<16xi32>,
      tpu.vector_store %arg13[%swap3A_2474], %add3A_2473 {strides = array<i32>} : memref<288xi32, #tpu.memory_space<vmem>>, vector<16xi32>,
    }
    %scan3A_63 = arith.constant 784 : i32
    %get3A = arith.constant 0 : index
    %get3A_64 = tpu.vector_load %arg13[%get3A] {strides = array<i32>} : memref<288xi32, #tpu.memory_space<vmem>>, vector<16xi32>,
    %slice3A = vector.extract_strided_slice %get3A_64 {offsets = [0], sizes = [1], strides = [1]} : vector<16xi32> to vector<1xi32>
    %squeeze3A = vector.extract %slice3A[0] : i32 from vector<1xi32>
    %swap3A = arith.constant 0 : i32
    %swap3A_65 = arith.constant 0 : i32
    %swap3A_66 = arith.index_cast %swap3A_65 : i32 to index
    %swap3A_67 = memref.load %arg18[%swap3A_66] : memref<64xi32, #tpu.memory_space<smem>>
    memref.store %swap3A, %arg18[%swap3A_66] : memref<64xi32, #tpu.memory_space<smem>>
    %iota3A = tpu.iota {dimensions = array<i32: 0>} : vector<16xi32>
    %mul3A_68 = arith.constant 0 : i32
    %mul3A_69 = vector.broadcast %mul3A_68 : i32 to vector<16xi32>
    %mul3A_70 = arith.muli %iota3A, %mul3A_69 : vector<16xi32>
    %add3A_71 = arith.constant 0 : i32
    %add3A_72 = vector.broadcast %add3A_71 : i32 to vector<16xi32>
    %add3A_73 = arith.addi %add3A_72, %mul3A_70 : vector<16xi32>
    %swap3A_74 = arith.constant 0 : index
    %swap3A_75 = tpu.vector_load %arg14[%swap3A_74] {strides = array<i32>} : memref<288xi32, #tpu.memory_space<vmem>>, vector<16xi32>,
    tpu.vector_store %arg14[%swap3A_74], %add3A_73 {strides = array<i32>} : memref<288xi32, #tpu.memory_space<vmem>>, vector<16xi32>,
    %add3A_76 = arith.constant 32 : i32
    %add3A_77 = arith.addi %squeeze3A, %add3A_76 : i32
    %sub3A = arith.constant 1 : i32
    %sub3A_78 = arith.subi %add3A_77, %sub3A : i32
    %and3A = arith.constant -32 : i32
    %and3A_79 = arith.andi %sub3A_78, %and3A : i32
    %add3A_80 = arith.constant 0 : i32
    %add3A_81 = arith.addi %add3A_80, %and3A_79 : i32
    %get3A_82 = arith.constant 16 : index
    %get3A_83 = tpu.vector_load %arg13[%get3A_82] {strides = array<i32>} : memref<288xi32, #tpu.memory_space<vmem>>, vector<16xi32>,
    %slice3A_84 = vector.extract_strided_slice %get3A_83 {offsets = [0], sizes = [1], strides = [1]} : vector<16xi32> to vector<1xi32>
    %squeeze3A_85 = vector.extract %slice3A_84[0] : i32 from vector<1xi32>
    %swap3A_86 = arith.constant 1 : i32
    %swap3A_87 = arith.index_cast %swap3A_86 : i32 to index
    %swap3A_88 = memref.load %arg18[%swap3A_87] : memref<64xi32, #tpu.memory_space<smem>>
    memref.store %add3A_81, %arg18[%swap3A_87] : memref<64xi32, #tpu.memory_space<smem>>
    %iota3A_89 = tpu.iota {dimensions = array<i32: 0>} : vector<16xi32>
    %mul3A_90 = arith.constant 0 : i32
    %mul3A_91 = vector.broadcast %mul3A_90 : i32 to vector<16xi32>
    %mul3A_92 = arith.muli %iota3A_89, %mul3A_91 : vector<16xi32>
    %add3A_93 = vector.broadcast %add3A_81 : i32 to vector<16xi32>
    %add3A_94 = arith.addi %add3A_93, %mul3A_92 : vector<16xi32>
    %swap3A_95 = arith.constant 16 : index
    %swap3A_96 = tpu.vector_load %arg14[%swap3A_95] {strides = array<i32>} : memref<288xi32, #tpu.memory_space<vmem>>, vector<16xi32>,
    tpu.vector_store %arg14[%swap3A_95], %add3A_94 {strides = array<i32>} : memref<288xi32, #tpu.memory_space<vmem>>, vector<16xi32>,
    %add3A_97 = arith.constant 32 : i32
    %add3A_98 = arith.addi %squeeze3A_85, %add3A_97 : i32
    %sub3A_99 = arith.constant 1 : i32
    %sub3A_100 = arith.subi %add3A_98, %sub3A_99 : i32
    %and3A_101 = arith.constant -32 : i32
    %and3A_102 = arith.andi %sub3A_100, %and3A_101 : i32
    %add3A_103 = arith.addi %add3A_81, %and3A_102 : i32
    %get3A_104 = arith.constant 32 : index
    %get3A_105 = tpu.vector_load %arg13[%get3A_104] {strides = array<i32>} : memref<288xi32, #tpu.memory_space<vmem>>, vector<16xi32>,
    %slice3A_106 = vector.extract_strided_slice %get3A_105 {offsets = [0], sizes = [1], strides = [1]} : vector<16xi32> to vector<1xi32>
    %squeeze3A_107 = vector.extract %slice3A_106[0] : i32 from vector<1xi32>
    %swap3A_108 = arith.constant 2 : i32
    %swap3A_109 = arith.index_cast %swap3A_108 : i32 to index
    %swap3A_110 = memref.load %arg18[%swap3A_109] : memref<64xi32, #tpu.memory_space<smem>>
    memref.store %add3A_103, %arg18[%swap3A_109] : memref<64xi32, #tpu.memory_space<smem>>
    %iota3A_111 = tpu.iota {dimensions = array<i32: 0>} : vector<16xi32>
    %mul3A_112 = arith.constant 0 : i32
    %mul3A_113 = vector.broadcast %mul3A_112 : i32 to vector<16xi32>
    %mul3A_114 = arith.muli %iota3A_111, %mul3A_113 : vector<16xi32>
    %add3A_115 = vector.broadcast %add3A_103 : i32 to vector<16xi32>
    %add3A_116 = arith.addi %add3A_115, %mul3A_114 : vector<16xi32>
    %swap3A_117 = arith.constant 32 : index
    %swap3A_118 = tpu.vector_load %arg14[%swap3A_117] {strides = array<i32>} : memref<288xi32, #tpu.memory_space<vmem>>, vector<16xi32>,
    tpu.vector_store %arg14[%swap3A_117], %add3A_116 {strides = array<i32>} : memref<288xi32, #tpu.memory_space<vmem>>, vector<16xi32>,
    %add3A_119 = arith.constant 32 : i32
    %add3A_120 = arith.addi %squeeze3A_107, %add3A_119 : i32
    %sub3A_121 = arith.constant 1 : i32
    %sub3A_122 = arith.subi %add3A_120, %sub3A_121 : i32
    %and3A_123 = arith.constant -32 : i32
    %and3A_124 = arith.andi %sub3A_122, %and3A_123 : i32
    %add3A_125 = arith.addi %add3A_103, %and3A_124 : i32
    %get3A_126 = arith.constant 48 : index
    %get3A_127 = tpu.vector_load %arg13[%get3A_126] {strides = array<i32>} : memref<288xi32, #tpu.memory_space<vmem>>, vector<16xi32>,
    %slice3A_128 = vector.extract_strided_slice %get3A_127 {offsets = [0], sizes = [1], strides = [1]} : vector<16xi32> to vector<1xi32>
    %squeeze3A_129 = vector.extract %slice3A_128[0] : i32 from vector<1xi32>
    %swap3A_130 = arith.constant 3 : i32
    %swap3A_131 = arith.index_cast %swap3A_130 : i32 to index
    %swap3A_132 = memref.load %arg18[%swap3A_131] : memref<64xi32, #tpu.memory_space<smem>>
    memref.store %add3A_125, %arg18[%swap3A_131] : memref<64xi32, #tpu.memory_space<smem>>
    %iota3A_133 = tpu.iota {dimensions = array<i32: 0>} : vector<16xi32>
    %mul3A_134 = arith.constant 0 : i32
    %mul3A_135 = vector.broadcast %mul3A_134 : i32 to vector<16xi32>
    %mul3A_136 = arith.muli %iota3A_133, %mul3A_135 : vector<16xi32>
    %add3A_137 = vector.broadcast %add3A_125 : i32 to vector<16xi32>
    %add3A_138 = arith.addi %add3A_137, %mul3A_136 : vector<16xi32>
    %swap3A_139 = arith.constant 48 : index
    %swap3A_140 = tpu.vector_load %arg14[%swap3A_139] {strides = array<i32>} : memref<288xi32, #tpu.memory_space<vmem>>, vector<16xi32>,
    tpu.vector_store %arg14[%swap3A_139], %add3A_138 {strides = array<i32>} : memref<288xi32, #tpu.memory_space<vmem>>, vector<16xi32>,
    %add3A_141 = arith.constant 32 : i32
    %add3A_142 = arith.addi %squeeze3A_129, %add3A_141 : i32
    %sub3A_143 = arith.constant 1 : i32
    %sub3A_144 = arith.subi %add3A_142, %sub3A_143 : i32
    %and3A_145 = arith.constant -32 : i32
    %and3A_146 = arith.andi %sub3A_144, %and3A_145 : i32
    %add3A_147 = arith.addi %add3A_125, %and3A_146 : i32
    %get3A_148 = arith.constant 64 : index
    %get3A_149 = tpu.vector_load %arg13[%get3A_148] {strides = array<i32>} : memref<288xi32, #tpu.memory_space<vmem>>, vector<16xi32>,
    %slice3A_150 = vector.extract_strided_slice %get3A_149 {offsets = [0], sizes = [1], strides = [1]} : vector<16xi32> to vector<1xi32>
    %squeeze3A_151 = vector.extract %slice3A_150[0] : i32 from vector<1xi32>
    %swap3A_152 = arith.constant 4 : i32
    %swap3A_153 = arith.index_cast %swap3A_152 : i32 to index
    %swap3A_154 = memref.load %arg18[%swap3A_153] : memref<64xi32, #tpu.memory_space<smem>>
    memref.store %add3A_147, %arg18[%swap3A_153] : memref<64xi32, #tpu.memory_space<smem>>
    %iota3A_155 = tpu.iota {dimensions = array<i32: 0>} : vector<16xi32>
    %mul3A_156 = arith.constant 0 : i32
    %mul3A_157 = vector.broadcast %mul3A_156 : i32 to vector<16xi32>
    %mul3A_158 = arith.muli %iota3A_155, %mul3A_157 : vector<16xi32>
    %add3A_159 = vector.broadcast %add3A_147 : i32 to vector<16xi32>
    %add3A_160 = arith.addi %add3A_159, %mul3A_158 : vector<16xi32>
    %swap3A_161 = arith.constant 64 : index
    %swap3A_162 = tpu.vector_load %arg14[%swap3A_161] {strides = array<i32>} : memref<288xi32, #tpu.memory_space<vmem>>, vector<16xi32>,
    tpu.vector_store %arg14[%swap3A_161], %add3A_160 {strides = array<i32>} : memref<288xi32, #tpu.memory_space<vmem>>, vector<16xi32>,
    %add3A_163 = arith.constant 32 : i32
    %add3A_164 = arith.addi %squeeze3A_151, %add3A_163 : i32
    %sub3A_165 = arith.constant 1 : i32
    %sub3A_166 = arith.subi %add3A_164, %sub3A_165 : i32
    %and3A_167 = arith.constant -32 : i32
    %and3A_168 = arith.andi %sub3A_166, %and3A_167 : i32
    %add3A_169 = arith.addi %add3A_147, %and3A_168 : i32
    %get3A_170 = arith.constant 80 : index
    %get3A_171 = tpu.vector_load %arg13[%get3A_170] {strides = array<i32>} : memref<288xi32, #tpu.memory_space<vmem>>, vector<16xi32>,
    %slice3A_172 = vector.extract_strided_slice %get3A_171 {offsets = [0], sizes = [1], strides = [1]} : vector<16xi32> to vector<1xi32>
    %squeeze3A_173 = vector.extract %slice3A_172[0] : i32 from vector<1xi32>
    %swap3A_174 = arith.constant 5 : i32
    %swap3A_175 = arith.index_cast %swap3A_174 : i32 to index
    %swap3A_176 = memref.load %arg18[%swap3A_175] : memref<64xi32, #tpu.memory_space<smem>>
    memref.store %add3A_169, %arg18[%swap3A_175] : memref<64xi32, #tpu.memory_space<smem>>
    %iota3A_177 = tpu.iota {dimensions = array<i32: 0>} : vector<16xi32>
    %mul3A_178 = arith.constant 0 : i32
    %mul3A_179 = vector.broadcast %mul3A_178 : i32 to vector<16xi32>
    %mul3A_180 = arith.muli %iota3A_177, %mul3A_179 : vector<16xi32>
    %add3A_181 = vector.broadcast %add3A_169 : i32 to vector<16xi32>
    %add3A_182 = arith.addi %add3A_181, %mul3A_180 : vector<16xi32>
    %swap3A_183 = arith.constant 80 : index
    %swap3A_184 = tpu.vector_load %arg14[%swap3A_183] {strides = array<i32>} : memref<288xi32, #tpu.memory_space<vmem>>, vector<16xi32>,
    tpu.vector_store %arg14[%swap3A_183], %add3A_182 {strides = array<i32>} : memref<288xi32, #tpu.memory_space<vmem>>, vector<16xi32>,
    %add3A_185 = arith.constant 32 : i32
    %add3A_186 = arith.addi %squeeze3A_173, %add3A_185 : i32
    %sub3A_187 = arith.constant 1 : i32
    %sub3A_188 = arith.subi %add3A_186, %sub3A_187 : i32
    %and3A_189 = arith.constant -32 : i32
    %and3A_190 = arith.andi %sub3A_188, %and3A_189 : i32
    %add3A_191 = arith.addi %add3A_169, %and3A_190 : i32
    %get3A_192 = arith.constant 96 : index
    %get3A_193 = tpu.vector_load %arg13[%get3A_192] {strides = array<i32>} : memref<288xi32, #tpu.memory_space<vmem>>, vector<16xi32>,
    %slice3A_194 = vector.extract_strided_slice %get3A_193 {offsets = [0], sizes = [1], strides = [1]} : vector<16xi32> to vector<1xi32>
    %squeeze3A_195 = vector.extract %slice3A_194[0] : i32 from vector<1xi32>
    %swap3A_196 = arith.constant 6 : i32
    %swap3A_197 = arith.index_cast %swap3A_196 : i32 to index
    %swap3A_198 = memref.load %arg18[%swap3A_197] : memref<64xi32, #tpu.memory_space<smem>>
    memref.store %add3A_191, %arg18[%swap3A_197] : memref<64xi32, #tpu.memory_space<smem>>
    %iota3A_199 = tpu.iota {dimensions = array<i32: 0>} : vector<16xi32>
    %mul3A_200 = arith.constant 0 : i32
    %mul3A_201 = vector.broadcast %mul3A_200 : i32 to vector<16xi32>
    %mul3A_202 = arith.muli %iota3A_199, %mul3A_201 : vector<16xi32>
    %add3A_203 = vector.broadcast %add3A_191 : i32 to vector<16xi32>
    %add3A_204 = arith.addi %add3A_203, %mul3A_202 : vector<16xi32>
    %swap3A_205 = arith.constant 96 : index
    %swap3A_206 = tpu.vector_load %arg14[%swap3A_205] {strides = array<i32>} : memref<288xi32, #tpu.memory_space<vmem>>, vector<16xi32>,
    tpu.vector_store %arg14[%swap3A_205], %add3A_204 {strides = array<i32>} : memref<288xi32, #tpu.memory_space<vmem>>, vector<16xi32>,
    %add3A_207 = arith.constant 32 : i32
    %add3A_208 = arith.addi %squeeze3A_195, %add3A_207 : i32
    %sub3A_209 = arith.constant 1 : i32
    %sub3A_210 = arith.subi %add3A_208, %sub3A_209 : i32
    %and3A_211 = arith.constant -32 : i32
    %and3A_212 = arith.andi %sub3A_210, %and3A_211 : i32
    %add3A_213 = arith.addi %add3A_191, %and3A_212 : i32
    %get3A_214 = arith.constant 112 : index
    %get3A_215 = tpu.vector_load %arg13[%get3A_214] {strides = array<i32>} : memref<288xi32, #tpu.memory_space<vmem>>, vector<16xi32>,
    %slice3A_216 = vector.extract_strided_slice %get3A_215 {offsets = [0], sizes = [1], strides = [1]} : vector<16xi32> to vector<1xi32>
    %squeeze3A_217 = vector.extract %slice3A_216[0] : i32 from vector<1xi32>
    %swap3A_218 = arith.constant 7 : i32
    %swap3A_219 = arith.index_cast %swap3A_218 : i32 to index
    %swap3A_220 = memref.load %arg18[%swap3A_219] : memref<64xi32, #tpu.memory_space<smem>>
    memref.store %add3A_213, %arg18[%swap3A_219] : memref<64xi32, #tpu.memory_space<smem>>
    %iota3A_221 = tpu.iota {dimensions = array<i32: 0>} : vector<16xi32>
    %mul3A_222 = arith.constant 0 : i32
    %mul3A_223 = vector.broadcast %mul3A_222 : i32 to vector<16xi32>
    %mul3A_224 = arith.muli %iota3A_221, %mul3A_223 : vector<16xi32>
    %add3A_225 = vector.broadcast %add3A_213 : i32 to vector<16xi32>
    %add3A_226 = arith.addi %add3A_225, %mul3A_224 : vector<16xi32>
    %swap3A_227 = arith.constant 112 : index
    %swap3A_228 = tpu.vector_load %arg14[%swap3A_227] {strides = array<i32>} : memref<288xi32, #tpu.memory_space<vmem>>, vector<16xi32>,
    tpu.vector_store %arg14[%swap3A_227], %add3A_226 {strides = array<i32>} : memref<288xi32, #tpu.memory_space<vmem>>, vector<16xi32>,
    %add3A_229 = arith.constant 32 : i32
    %add3A_230 = arith.addi %squeeze3A_217, %add3A_229 : i32
    %sub3A_231 = arith.constant 1 : i32
    %sub3A_232 = arith.subi %add3A_230, %sub3A_231 : i32
    %and3A_233 = arith.constant -32 : i32
    %and3A_234 = arith.andi %sub3A_232, %and3A_233 : i32
    %add3A_235 = arith.addi %add3A_213, %and3A_234 : i32
    %get3A_236 = arith.constant 128 : index
    %get3A_237 = tpu.vector_load %arg13[%get3A_236] {strides = array<i32>} : memref<288xi32, #tpu.memory_space<vmem>>, vector<16xi32>,
    %slice3A_238 = vector.extract_strided_slice %get3A_237 {offsets = [0], sizes = [1], strides = [1]} : vector<16xi32> to vector<1xi32>
    %squeeze3A_239 = vector.extract %slice3A_238[0] : i32 from vector<1xi32>
    %swap3A_240 = arith.constant 8 : i32
    %swap3A_241 = arith.index_cast %swap3A_240 : i32 to index
    %swap3A_242 = memref.load %arg18[%swap3A_241] : memref<64xi32, #tpu.memory_space<smem>>
    memref.store %add3A_235, %arg18[%swap3A_241] : memref<64xi32, #tpu.memory_space<smem>>
    %iota3A_243 = tpu.iota {dimensions = array<i32: 0>} : vector<16xi32>
    %mul3A_244 = arith.constant 0 : i32
    %mul3A_245 = vector.broadcast %mul3A_244 : i32 to vector<16xi32>
    %mul3A_246 = arith.muli %iota3A_243, %mul3A_245 : vector<16xi32>
    %add3A_247 = vector.broadcast %add3A_235 : i32 to vector<16xi32>
    %add3A_248 = arith.addi %add3A_247, %mul3A_246 : vector<16xi32>
    %swap3A_249 = arith.constant 128 : index
    %swap3A_250 = tpu.vector_load %arg14[%swap3A_249] {strides = array<i32>} : memref<288xi32, #tpu.memory_space<vmem>>, vector<16xi32>,
    tpu.vector_store %arg14[%swap3A_249], %add3A_248 {strides = array<i32>} : memref<288xi32, #tpu.memory_space<vmem>>, vector<16xi32>,
    %add3A_251 = arith.constant 32 : i32
    %add3A_252 = arith.addi %squeeze3A_239, %add3A_251 : i32
    %sub3A_253 = arith.constant 1 : i32
    %sub3A_254 = arith.subi %add3A_252, %sub3A_253 : i32
    %and3A_255 = arith.constant -32 : i32
    %and3A_256 = arith.andi %sub3A_254, %and3A_255 : i32
    %add3A_257 = arith.addi %add3A_235, %and3A_256 : i32
    %get3A_258 = arith.constant 144 : index
    %get3A_259 = tpu.vector_load %arg13[%get3A_258] {strides = array<i32>} : memref<288xi32, #tpu.memory_space<vmem>>, vector<16xi32>,
    %slice3A_260 = vector.extract_strided_slice %get3A_259 {offsets = [0], sizes = [1], strides = [1]} : vector<16xi32> to vector<1xi32>
    %squeeze3A_261 = vector.extract %slice3A_260[0] : i32 from vector<1xi32>
    %swap3A_262 = arith.constant 9 : i32
    %swap3A_263 = arith.index_cast %swap3A_262 : i32 to index
    %swap3A_264 = memref.load %arg18[%swap3A_263] : memref<64xi32, #tpu.memory_space<smem>>
    memref.store %add3A_257, %arg18[%swap3A_263] : memref<64xi32, #tpu.memory_space<smem>>
    %iota3A_265 = tpu.iota {dimensions = array<i32: 0>} : vector<16xi32>
    %mul3A_266 = arith.constant 0 : i32
    %mul3A_267 = vector.broadcast %mul3A_266 : i32 to vector<16xi32>
    %mul3A_268 = arith.muli %iota3A_265, %mul3A_267 : vector<16xi32>
    %add3A_269 = vector.broadcast %add3A_257 : i32 to vector<16xi32>
    %add3A_270 = arith.addi %add3A_269, %mul3A_268 : vector<16xi32>
    %swap3A_271 = arith.constant 144 : index
    %swap3A_272 = tpu.vector_load %arg14[%swap3A_271] {strides = array<i32>} : memref<288xi32, #tpu.memory_space<vmem>>, vector<16xi32>,
    tpu.vector_store %arg14[%swap3A_271], %add3A_270 {strides = array<i32>} : memref<288xi32, #tpu.memory_space<vmem>>, vector<16xi32>,
    %add3A_273 = arith.constant 32 : i32
    %add3A_274 = arith.addi %squeeze3A_261, %add3A_273 : i32
    %sub3A_275 = arith.constant 1 : i32
    %sub3A_276 = arith.subi %add3A_274, %sub3A_275 : i32
    %and3A_277 = arith.constant -32 : i32
    %and3A_278 = arith.andi %sub3A_276, %and3A_277 : i32
    %add3A_279 = arith.addi %add3A_257, %and3A_278 : i32
    %get3A_280 = arith.constant 160 : index
    %get3A_281 = tpu.vector_load %arg13[%get3A_280] {strides = array<i32>} : memref<288xi32, #tpu.memory_space<vmem>>, vector<16xi32>,
    %slice3A_282 = vector.extract_strided_slice %get3A_281 {offsets = [0], sizes = [1], strides = [1]} : vector<16xi32> to vector<1xi32>
    %squeeze3A_283 = vector.extract %slice3A_282[0] : i32 from vector<1xi32>
    %swap3A_284 = arith.constant 10 : i32
    %swap3A_285 = arith.index_cast %swap3A_284 : i32 to index
    %swap3A_286 = memref.load %arg18[%swap3A_285] : memref<64xi32, #tpu.memory_space<smem>>
    memref.store %add3A_279, %arg18[%swap3A_285] : memref<64xi32, #tpu.memory_space<smem>>
    %iota3A_287 = tpu.iota {dimensions = array<i32: 0>} : vector<16xi32>
    %mul3A_288 = arith.constant 0 : i32
    %mul3A_289 = vector.broadcast %mul3A_288 : i32 to vector<16xi32>
    %mul3A_290 = arith.muli %iota3A_287, %mul3A_289 : vector<16xi32>
    %add3A_291 = vector.broadcast %add3A_279 : i32 to vector<16xi32>
    %add3A_292 = arith.addi %add3A_291, %mul3A_290 : vector<16xi32>
    %swap3A_293 = arith.constant 160 : index
    %swap3A_294 = tpu.vector_load %arg14[%swap3A_293] {strides = array<i32>} : memref<288xi32, #tpu.memory_space<vmem>>, vector<16xi32>,
    tpu.vector_store %arg14[%swap3A_293], %add3A_292 {strides = array<i32>} : memref<288xi32, #tpu.memory_space<vmem>>, vector<16xi32>,
    %add3A_295 = arith.constant 32 : i32
    %add3A_296 = arith.addi %squeeze3A_283, %add3A_295 : i32
    %sub3A_297 = arith.constant 1 : i32
    %sub3A_298 = arith.subi %add3A_296, %sub3A_297 : i32
    %and3A_299 = arith.constant -32 : i32
    %and3A_300 = arith.andi %sub3A_298, %and3A_299 : i32
    %add3A_301 = arith.addi %add3A_279, %and3A_300 : i32
    %get3A_302 = arith.constant 176 : index
    %get3A_303 = tpu.vector_load %arg13[%get3A_302] {strides = array<i32>} : memref<288xi32, #tpu.memory_space<vmem>>, vector<16xi32>,
    %slice3A_304 = vector.extract_strided_slice %get3A_303 {offsets = [0], sizes = [1], strides = [1]} : vector<16xi32> to vector<1xi32>
    %squeeze3A_305 = vector.extract %slice3A_304[0] : i32 from vector<1xi32>
    %swap3A_306 = arith.constant 11 : i32
    %swap3A_307 = arith.index_cast %swap3A_306 : i32 to index
    %swap3A_308 = memref.load %arg18[%swap3A_307] : memref<64xi32, #tpu.memory_space<smem>>
    memref.store %add3A_301, %arg18[%swap3A_307] : memref<64xi32, #tpu.memory_space<smem>>
    %iota3A_309 = tpu.iota {dimensions = array<i32: 0>} : vector<16xi32>
    %mul3A_310 = arith.constant 0 : i32
    %mul3A_311 = vector.broadcast %mul3A_310 : i32 to vector<16xi32>
    %mul3A_312 = arith.muli %iota3A_309, %mul3A_311 : vector<16xi32>
    %add3A_313 = vector.broadcast %add3A_301 : i32 to vector<16xi32>
    %add3A_314 = arith.addi %add3A_313, %mul3A_312 : vector<16xi32>
    %swap3A_315 = arith.constant 176 : index
    %swap3A_316 = tpu.vector_load %arg14[%swap3A_315] {strides = array<i32>} : memref<288xi32, #tpu.memory_space<vmem>>, vector<16xi32>,
    tpu.vector_store %arg14[%swap3A_315], %add3A_314 {strides = array<i32>} : memref<288xi32, #tpu.memory_space<vmem>>, vector<16xi32>,
    %add3A_317 = arith.constant 32 : i32
    %add3A_318 = arith.addi %squeeze3A_305, %add3A_317 : i32
    %sub3A_319 = arith.constant 1 : i32
    %sub3A_320 = arith.subi %add3A_318, %sub3A_319 : i32
    %and3A_321 = arith.constant -32 : i32
    %and3A_322 = arith.andi %sub3A_320, %and3A_321 : i32
    %add3A_323 = arith.addi %add3A_301, %and3A_322 : i32
    %get3A_324 = arith.constant 192 : index
    %get3A_325 = tpu.vector_load %arg13[%get3A_324] {strides = array<i32>} : memref<288xi32, #tpu.memory_space<vmem>>, vector<16xi32>,
    %slice3A_326 = vector.extract_strided_slice %get3A_325 {offsets = [0], sizes = [1], strides = [1]} : vector<16xi32> to vector<1xi32>
    %squeeze3A_327 = vector.extract %slice3A_326[0] : i32 from vector<1xi32>
    %swap3A_328 = arith.constant 12 : i32
    %swap3A_329 = arith.index_cast %swap3A_328 : i32 to index
    %swap3A_330 = memref.load %arg18[%swap3A_329] : memref<64xi32, #tpu.memory_space<smem>>
    memref.store %add3A_323, %arg18[%swap3A_329] : memref<64xi32, #tpu.memory_space<smem>>
    %iota3A_331 = tpu.iota {dimensions = array<i32: 0>} : vector<16xi32>
    %mul3A_332 = arith.constant 0 : i32
    %mul3A_333 = vector.broadcast %mul3A_332 : i32 to vector<16xi32>
    %mul3A_334 = arith.muli %iota3A_331, %mul3A_333 : vector<16xi32>
    %add3A_335 = vector.broadcast %add3A_323 : i32 to vector<16xi32>
    %add3A_336 = arith.addi %add3A_335, %mul3A_334 : vector<16xi32>
    %swap3A_337 = arith.constant 192 : index
    %swap3A_338 = tpu.vector_load %arg14[%swap3A_337] {strides = array<i32>} : memref<288xi32, #tpu.memory_space<vmem>>, vector<16xi32>,
    tpu.vector_store %arg14[%swap3A_337], %add3A_336 {strides = array<i32>} : memref<288xi32, #tpu.memory_space<vmem>>, vector<16xi32>,
    %add3A_339 = arith.constant 32 : i32
    %add3A_340 = arith.addi %squeeze3A_327, %add3A_339 : i32
    %sub3A_341 = arith.constant 1 : i32
    %sub3A_342 = arith.subi %add3A_340, %sub3A_341 : i32
    %and3A_343 = arith.constant -32 : i32
    %and3A_344 = arith.andi %sub3A_342, %and3A_343 : i32
    %add3A_345 = arith.addi %add3A_323, %and3A_344 : i32
    %get3A_346 = arith.constant 208 : index
    %get3A_347 = tpu.vector_load %arg13[%get3A_346] {strides = array<i32>} : memref<288xi32, #tpu.memory_space<vmem>>, vector<16xi32>,
    %slice3A_348 = vector.extract_strided_slice %get3A_347 {offsets = [0], sizes = [1], strides = [1]} : vector<16xi32> to vector<1xi32>
    %squeeze3A_349 = vector.extract %slice3A_348[0] : i32 from vector<1xi32>
    %swap3A_350 = arith.constant 13 : i32
    %swap3A_351 = arith.index_cast %swap3A_350 : i32 to index
    %swap3A_352 = memref.load %arg18[%swap3A_351] : memref<64xi32, #tpu.memory_space<smem>>
    memref.store %add3A_345, %arg18[%swap3A_351] : memref<64xi32, #tpu.memory_space<smem>>
    %iota3A_353 = tpu.iota {dimensions = array<i32: 0>} : vector<16xi32>
    %mul3A_354 = arith.constant 0 : i32
    %mul3A_355 = vector.broadcast %mul3A_354 : i32 to vector<16xi32>
    %mul3A_356 = arith.muli %iota3A_353, %mul3A_355 : vector<16xi32>
    %add3A_357 = vector.broadcast %add3A_345 : i32 to vector<16xi32>
    %add3A_358 = arith.addi %add3A_357, %mul3A_356 : vector<16xi32>
    %swap3A_359 = arith.constant 208 : index
    %swap3A_360 = tpu.vector_load %arg14[%swap3A_359] {strides = array<i32>} : memref<288xi32, #tpu.memory_space<vmem>>, vector<16xi32>,
    tpu.vector_store %arg14[%swap3A_359], %add3A_358 {strides = array<i32>} : memref<288xi32, #tpu.memory_space<vmem>>, vector<16xi32>,
    %add3A_361 = arith.constant 32 : i32
    %add3A_362 = arith.addi %squeeze3A_349, %add3A_361 : i32
    %sub3A_363 = arith.constant 1 : i32
    %sub3A_364 = arith.subi %add3A_362, %sub3A_363 : i32
    %and3A_365 = arith.constant -32 : i32
    %and3A_366 = arith.andi %sub3A_364, %and3A_365 : i32
    %add3A_367 = arith.addi %add3A_345, %and3A_366 : i32
    %get3A_368 = arith.constant 224 : index
    %get3A_369 = tpu.vector_load %arg13[%get3A_368] {strides = array<i32>} : memref<288xi32, #tpu.memory_space<vmem>>, vector<16xi32>,
    %slice3A_370 = vector.extract_strided_slice %get3A_369 {offsets = [0], sizes = [1], strides = [1]} : vector<16xi32> to vector<1xi32>
    %squeeze3A_371 = vector.extract %slice3A_370[0] : i32 from vector<1xi32>
    %swap3A_372 = arith.constant 14 : i32
    %swap3A_373 = arith.index_cast %swap3A_372 : i32 to index
    %swap3A_374 = memref.load %arg18[%swap3A_373] : memref<64xi32, #tpu.memory_space<smem>>
    memref.store %add3A_367, %arg18[%swap3A_373] : memref<64xi32, #tpu.memory_space<smem>>
    %iota3A_375 = tpu.iota {dimensions = array<i32: 0>} : vector<16xi32>
    %mul3A_376 = arith.constant 0 : i32
    %mul3A_377 = vector.broadcast %mul3A_376 : i32 to vector<16xi32>
    %mul3A_378 = arith.muli %iota3A_375, %mul3A_377 : vector<16xi32>
    %add3A_379 = vector.broadcast %add3A_367 : i32 to vector<16xi32>
    %add3A_380 = arith.addi %add3A_379, %mul3A_378 : vector<16xi32>
    %swap3A_381 = arith.constant 224 : index
    %swap3A_382 = tpu.vector_load %arg14[%swap3A_381] {strides = array<i32>} : memref<288xi32, #tpu.memory_space<vmem>>, vector<16xi32>,
    tpu.vector_store %arg14[%swap3A_381], %add3A_380 {strides = array<i32>} : memref<288xi32, #tpu.memory_space<vmem>>, vector<16xi32>,
    %add3A_383 = arith.constant 32 : i32
    %add3A_384 = arith.addi %squeeze3A_371, %add3A_383 : i32
    %sub3A_385 = arith.constant 1 : i32
    %sub3A_386 = arith.subi %add3A_384, %sub3A_385 : i32
    %and3A_387 = arith.constant -32 : i32
    %and3A_388 = arith.andi %sub3A_386, %and3A_387 : i32
    %add3A_389 = arith.addi %add3A_367, %and3A_388 : i32
    %get3A_390 = arith.constant 240 : index
    %get3A_391 = tpu.vector_load %arg13[%get3A_390] {strides = array<i32>} : memref<288xi32, #tpu.memory_space<vmem>>, vector<16xi32>,
    %slice3A_392 = vector.extract_strided_slice %get3A_391 {offsets = [0], sizes = [1], strides = [1]} : vector<16xi32> to vector<1xi32>
    %squeeze3A_393 = vector.extract %slice3A_392[0] : i32 from vector<1xi32>
    %swap3A_394 = arith.constant 15 : i32
    %swap3A_395 = arith.index_cast %swap3A_394 : i32 to index
    %swap3A_396 = memref.load %arg18[%swap3A_395] : memref<64xi32, #tpu.memory_space<smem>>
    memref.store %add3A_389, %arg18[%swap3A_395] : memref<64xi32, #tpu.memory_space<smem>>
    %iota3A_397 = tpu.iota {dimensions = array<i32: 0>} : vector<16xi32>
    %mul3A_398 = arith.constant 0 : i32
    %mul3A_399 = vector.broadcast %mul3A_398 : i32 to vector<16xi32>
    %mul3A_400 = arith.muli %iota3A_397, %mul3A_399 : vector<16xi32>
    %add3A_401 = vector.broadcast %add3A_389 : i32 to vector<16xi32>
    %add3A_402 = arith.addi %add3A_401, %mul3A_400 : vector<16xi32>
    %swap3A_403 = arith.constant 240 : index
    %swap3A_404 = tpu.vector_load %arg14[%swap3A_403] {strides = array<i32>} : memref<288xi32, #tpu.memory_space<vmem>>, vector<16xi32>,
    tpu.vector_store %arg14[%swap3A_403], %add3A_402 {strides = array<i32>} : memref<288xi32, #tpu.memory_space<vmem>>, vector<16xi32>,
    %add3A_405 = arith.constant 32 : i32
    %add3A_406 = arith.addi %squeeze3A_393, %add3A_405 : i32
    %sub3A_407 = arith.constant 1 : i32
    %sub3A_408 = arith.subi %add3A_406, %sub3A_407 : i32
    %and3A_409 = arith.constant -32 : i32
    %and3A_410 = arith.andi %sub3A_408, %and3A_409 : i32
    %add3A_411 = arith.addi %add3A_389, %and3A_410 : i32
    %get3A_412 = arith.constant 256 : index
    %get3A_413 = tpu.vector_load %arg13[%get3A_412] {strides = array<i32>} : memref<288xi32, #tpu.memory_space<vmem>>, vector<16xi32>,
    %slice3A_414 = vector.extract_strided_slice %get3A_413 {offsets = [0], sizes = [1], strides = [1]} : vector<16xi32> to vector<1xi32>
    %squeeze3A_415 = vector.extract %slice3A_414[0] : i32 from vector<1xi32>
    %swap3A_416 = arith.constant 16 : i32
    %swap3A_417 = arith.index_cast %swap3A_416 : i32 to index
    %swap3A_418 = memref.load %arg18[%swap3A_417] : memref<64xi32, #tpu.memory_space<smem>>
    memref.store %add3A_411, %arg18[%swap3A_417] : memref<64xi32, #tpu.memory_space<smem>>
    %iota3A_419 = tpu.iota {dimensions = array<i32: 0>} : vector<16xi32>
    %mul3A_420 = arith.constant 0 : i32
    %mul3A_421 = vector.broadcast %mul3A_420 : i32 to vector<16xi32>
    %mul3A_422 = arith.muli %iota3A_419, %mul3A_421 : vector<16xi32>
    %add3A_423 = vector.broadcast %add3A_411 : i32 to vector<16xi32>
    %add3A_424 = arith.addi %add3A_423, %mul3A_422 : vector<16xi32>
    %swap3A_425 = arith.constant 256 : index
    %swap3A_426 = tpu.vector_load %arg14[%swap3A_425] {strides = array<i32>} : memref<288xi32, #tpu.memory_space<vmem>>, vector<16xi32>,
    tpu.vector_store %arg14[%swap3A_425], %add3A_424 {strides = array<i32>} : memref<288xi32, #tpu.memory_space<vmem>>, vector<16xi32>,
    %add3A_427 = arith.constant 32 : i32
    %add3A_428 = arith.addi %squeeze3A_415, %add3A_427 : i32
    %sub3A_429 = arith.constant 1 : i32
    %sub3A_430 = arith.subi %add3A_428, %sub3A_429 : i32
    %and3A_431 = arith.constant -32 : i32
    %and3A_432 = arith.andi %sub3A_430, %and3A_431 : i32
    %add3A_433 = arith.addi %add3A_411, %and3A_432 : i32
    %get3A_434 = arith.constant 272 : index
    %get3A_435 = tpu.vector_load %arg13[%get3A_434] {strides = array<i32>} : memref<288xi32, #tpu.memory_space<vmem>>, vector<16xi32>,
    %slice3A_436 = vector.extract_strided_slice %get3A_435 {offsets = [0], sizes = [1], strides = [1]} : vector<16xi32> to vector<1xi32>
    %squeeze3A_437 = vector.extract %slice3A_436[0] : i32 from vector<1xi32>
    %swap3A_438 = arith.constant 17 : i32
    %swap3A_439 = arith.index_cast %swap3A_438 : i32 to index
    %swap3A_440 = memref.load %arg18[%swap3A_439] : memref<64xi32, #tpu.memory_space<smem>>
    memref.store %add3A_433, %arg18[%swap3A_439] : memref<64xi32, #tpu.memory_space<smem>>
    %iota3A_441 = tpu.iota {dimensions = array<i32: 0>} : vector<16xi32>
    %mul3A_442 = arith.constant 0 : i32
    %mul3A_443 = vector.broadcast %mul3A_442 : i32 to vector<16xi32>
    %mul3A_444 = arith.muli %iota3A_441, %mul3A_443 : vector<16xi32>
    %add3A_445 = vector.broadcast %add3A_433 : i32 to vector<16xi32>
    %add3A_446 = arith.addi %add3A_445, %mul3A_444 : vector<16xi32>
    %swap3A_447 = arith.constant 272 : index
    %swap3A_448 = tpu.vector_load %arg14[%swap3A_447] {strides = array<i32>} : memref<288xi32, #tpu.memory_space<vmem>>, vector<16xi32>,
    tpu.vector_store %arg14[%swap3A_447], %add3A_446 {strides = array<i32>} : memref<288xi32, #tpu.memory_space<vmem>>, vector<16xi32>,
    %add3A_449 = arith.constant 32 : i32
    %add3A_450 = arith.addi %squeeze3A_437, %add3A_449 : i32
    %sub3A_451 = arith.constant 1 : i32
    %sub3A_452 = arith.subi %add3A_450, %sub3A_451 : i32
    %and3A_453 = arith.constant -32 : i32
    %and3A_454 = arith.andi %sub3A_452, %and3A_453 : i32
    %add3A_455 = arith.addi %add3A_433, %and3A_454 : i32
    %scan3A_456 = arith.constant 0 : i32
    %scan3A_457 = arith.constant 0 : i32
    %scan3A_458 = arith.constant 784 : i32
    %scan3A_459 = arith.addi %scan3A_457, %scan3A_458 : i32
    %scan3A_460 = arith.constant 1 : i32
    scf.for %scan3A_2296 = %scan3A_457 to %scan3A_459 step %scan3A_460  : i32 {
      %mul3A_2297 = arith.constant 16 : i32
      %mul3A_2298 = arith.muli %scan3A_2296, %mul3A_2297 : i32
      %iota3A_2299 = tpu.iota {dimensions = array<i32: 0>} : vector<16xi32>
      %add3A_2300 = vector.broadcast %mul3A_2298 : i32 to vector<16xi32>
      %add3A_2301 = arith.addi %add3A_2300, %iota3A_2299 : vector<16xi32>
      %gather3A = tpu.vector_load_idx %arg8[%add3A_2301] : memref<12544xi32, #tpu.memory_space<vmem>>[vector<16xi32>], vector<16xi32>,
      %shift_right_arithmetic3A = arith.constant 11 : i32
      %shift_right_arithmetic3A_2302 = vector.broadcast %shift_right_arithmetic3A : i32 to vector<16xi32>
      %shift_right_arithmetic3A_2303 = arith.shrsi %gather3A, %shift_right_arithmetic3A_2302 : vector<16xi32>
      %mul3A_2304 = arith.constant 683 : i32
      %mul3A_2305 = vector.broadcast %mul3A_2304 : i32 to vector<16xi32>
      %mul3A_2306 = arith.muli %shift_right_arithmetic3A_2303, %mul3A_2305 : vector<16xi32>
      %shift_right_arithmetic3A_2307 = arith.constant 11 : i32
      %shift_right_arithmetic3A_2308 = vector.broadcast %shift_right_arithmetic3A_2307 : i32 to vector<16xi32>
      %shift_right_arithmetic3A_2309 = arith.shrsi %mul3A_2306, %shift_right_arithmetic3A_2308 : vector<16xi32>
      %ge3A_2310 = arith.constant 100000 : i32
      %ge3A_2311 = vector.broadcast %ge3A_2310 : i32 to vector<16xi32>
      %ge3A_2312 = arith.cmpi sge, %gather3A, %ge3A_2311 : vector<16xi32>
      %jit3A_2313 = arith.constant 17 : i32
      %broadcast_in_dim3A_2314 = vector.broadcast %jit3A_2313 : i32 to vector<16xi32>
      %select_n3A_2315 = arith.select %ge3A_2312, %broadcast_in_dim3A_2314, %shift_right_arithmetic3A_2309 : vector<16xi1>, vector<16xi32>
      %mul3A_2316 = arith.constant 16 : i32
      %mul3A_2317 = arith.muli %scan3A_2296, %mul3A_2316 : i32
      %add3A_2318 = arith.addi %mul3A_2, %mul3A_2317 : i32
      %iota3A_2319 = tpu.iota {dimensions = array<i32: 0>} : vector<16xi32>
      %add3A_2320 = vector.broadcast %add3A_2318 : i32 to vector<16xi32>
      %add3A_2321 = arith.addi %add3A_2320, %iota3A_2319 : vector<16xi32>
      %eq3A = arith.constant 0 : i32
      %eq3A_2322 = vector.broadcast %eq3A : i32 to vector<16xi32>
      %eq3A_2323 = arith.cmpi eq, %select_n3A_2315, %eq3A_2322 : vector<16xi32>
      %convert_element_type3A_2324 = arith.extui %eq3A_2323 : vector<16xi1> to vector<16xi32>
      %get3A_2325 = arith.constant 0 : index
      %get3A_2326 = tpu.vector_load %arg14[%get3A_2325] {strides = array<i32>} : memref<288xi32, #tpu.memory_space<vmem>>, vector<16xi32>,
      %broadcast_in_dim3A_2327 = arith.constant true
      %broadcast_in_dim3A_2328 = vector.broadcast %broadcast_in_dim3A_2327 : i1 to vector<16xi1>
      %masked_cumsum3A = tpu.scan <sum>, %convert_element_type3A_2324 masked %broadcast_in_dim3A_2328 : vector<16xi32>, vector<16xi1> -> vector<16xi32>
      %add3A_2329 = arith.addi %get3A_2326, %masked_cumsum3A : vector<16xi32>
      %sub3A_2330 = arith.constant 1 : i32
      %sub3A_2331 = vector.broadcast %sub3A_2330 : i32 to vector<16xi32>
      %sub3A_2332 = arith.subi %add3A_2329, %sub3A_2331 : vector<16xi32>
      %sub3A_2333 = arith.constant 0 : i32
      %sub3A_2334 = vector.broadcast %sub3A_2333 : i32 to vector<16xi32>
      %sub3A_2335 = arith.subi %gather3A, %sub3A_2334 : vector<16xi32>
      tpu.vector_store_idx %arg9[%sub3A_2332], %sub3A_2335 masked %eq3A_2323 : memref<13166xi32, #tpu.memory_space<vmem>>[vector<16xi32>], vector<16xi32>, vector<16xi1>
      tpu.vector_store_idx %arg10[%sub3A_2332], %add3A_2321 masked %eq3A_2323 : memref<13166xi32, #tpu.memory_space<vmem>>[vector<16xi32>], vector<16xi32>, vector<16xi1>
      %all_reduce_population_count3A = tpu.all_reduce %eq3A_2323 {dim = 0 : i64, kind = #tpu.reduction_kind<sum>} : vector<16xi1> -> vector<16xi32>
      %add3A_2336 = arith.addi %get3A_2326, %all_reduce_population_count3A : vector<16xi32>
      %swap3A_2337 = arith.constant 0 : index
      %swap3A_2338 = tpu.vector_load %arg14[%swap3A_2337] {strides = array<i32>} : memref<288xi32, #tpu.memory_space<vmem>>, vector<16xi32>,
      tpu.vector_store %arg14[%swap3A_2337], %add3A_2336 {strides = array<i32>} : memref<288xi32, #tpu.memory_space<vmem>>, vector<16xi32>,
      %eq3A_2339 = arith.constant 1 : i32
      %eq3A_2340 = vector.broadcast %eq3A_2339 : i32 to vector<16xi32>
      %eq3A_2341 = arith.cmpi eq, %select_n3A_2315, %eq3A_2340 : vector<16xi32>
      %convert_element_type3A_2342 = arith.extui %eq3A_2341 : vector<16xi1> to vector<16xi32>
      %get3A_2343 = arith.constant 16 : index
      %get3A_2344 = tpu.vector_load %arg14[%get3A_2343] {strides = array<i32>} : memref<288xi32, #tpu.memory_space<vmem>>, vector<16xi32>,
      %broadcast_in_dim3A_2345 = arith.constant true
      %broadcast_in_dim3A_2346 = vector.broadcast %broadcast_in_dim3A_2345 : i1 to vector<16xi1>
      %masked_cumsum3A_2347 = tpu.scan <sum>, %convert_element_type3A_2342 masked %broadcast_in_dim3A_2346 : vector<16xi32>, vector<16xi1> -> vector<16xi32>
      %add3A_2348 = arith.addi %get3A_2344, %masked_cumsum3A_2347 : vector<16xi32>
      %sub3A_2349 = arith.constant 1 : i32
      %sub3A_2350 = vector.broadcast %sub3A_2349 : i32 to vector<16xi32>
      %sub3A_2351 = arith.subi %add3A_2348, %sub3A_2350 : vector<16xi32>
      %sub3A_2352 = arith.constant 6144 : i32
      %sub3A_2353 = vector.broadcast %sub3A_2352 : i32 to vector<16xi32>
      %sub3A_2354 = arith.subi %gather3A, %sub3A_2353 : vector<16xi32>
      tpu.vector_store_idx %arg9[%sub3A_2351], %sub3A_2354 masked %eq3A_2341 : memref<13166xi32, #tpu.memory_space<vmem>>[vector<16xi32>], vector<16xi32>, vector<16xi1>
      tpu.vector_store_idx %arg10[%sub3A_2351], %add3A_2321 masked %eq3A_2341 : memref<13166xi32, #tpu.memory_space<vmem>>[vector<16xi32>], vector<16xi32>, vector<16xi1>
      %all_reduce_population_count3A_2355 = tpu.all_reduce %eq3A_2341 {dim = 0 : i64, kind = #tpu.reduction_kind<sum>} : vector<16xi1> -> vector<16xi32>
      %add3A_2356 = arith.addi %get3A_2344, %all_reduce_population_count3A_2355 : vector<16xi32>
      %swap3A_2357 = arith.constant 16 : index
      %swap3A_2358 = tpu.vector_load %arg14[%swap3A_2357] {strides = array<i32>} : memref<288xi32, #tpu.memory_space<vmem>>, vector<16xi32>,
      tpu.vector_store %arg14[%swap3A_2357], %add3A_2356 {strides = array<i32>} : memref<288xi32, #tpu.memory_space<vmem>>, vector<16xi32>,
      %eq3A_2359 = arith.constant 2 : i32
      %eq3A_2360 = vector.broadcast %eq3A_2359 : i32 to vector<16xi32>
      %eq3A_2361 = arith.cmpi eq, %select_n3A_2315, %eq3A_2360 : vector<16xi32>
      %convert_element_type3A_2362 = arith.extui %eq3A_2361 : vector<16xi1> to vector<16xi32>
      %get3A_2363 = arith.constant 32 : index
      %get3A_2364 = tpu.vector_load %arg14[%get3A_2363] {strides = array<i32>} : memref<288xi32, #tpu.memory_space<vmem>>, vector<16xi32>,
      %broadcast_in_dim3A_2365 = arith.constant true
      %broadcast_in_dim3A_2366 = vector.broadcast %broadcast_in_dim3A_2365 : i1 to vector<16xi1>
      %masked_cumsum3A_2367 = tpu.scan <sum>, %convert_element_type3A_2362 masked %broadcast_in_dim3A_2366 : vector<16xi32>, vector<16xi1> -> vector<16xi32>
      %add3A_2368 = arith.addi %get3A_2364, %masked_cumsum3A_2367 : vector<16xi32>
      %sub3A_2369 = arith.constant 1 : i32
      %sub3A_2370 = vector.broadcast %sub3A_2369 : i32 to vector<16xi32>
      %sub3A_2371 = arith.subi %add3A_2368, %sub3A_2370 : vector<16xi32>
      %sub3A_2372 = arith.constant 12288 : i32
      %sub3A_2373 = vector.broadcast %sub3A_2372 : i32 to vector<16xi32>
      %sub3A_2374 = arith.subi %gather3A, %sub3A_2373 : vector<16xi32>
      tpu.vector_store_idx %arg9[%sub3A_2371], %sub3A_2374 masked %eq3A_2361 : memref<13166xi32, #tpu.memory_space<vmem>>[vector<16xi32>], vector<16xi32>, vector<16xi1>
      tpu.vector_store_idx %arg10[%sub3A_2371], %add3A_2321 masked %eq3A_2361 : memref<13166xi32, #tpu.memory_space<vmem>>[vector<16xi32>], vector<16xi32>, vector<16xi1>
      %all_reduce_population_count3A_2375 = tpu.all_reduce %eq3A_2361 {dim = 0 : i64, kind = #tpu.reduction_kind<sum>} : vector<16xi1> -> vector<16xi32>
      %add3A_2376 = arith.addi %get3A_2364, %all_reduce_population_count3A_2375 : vector<16xi32>
      %swap3A_2377 = arith.constant 32 : index
      %swap3A_2378 = tpu.vector_load %arg14[%swap3A_2377] {strides = array<i32>} : memref<288xi32, #tpu.memory_space<vmem>>, vector<16xi32>,
      tpu.vector_store %arg14[%swap3A_2377], %add3A_2376 {strides = array<i32>} : memref<288xi32, #tpu.memory_space<vmem>>, vector<16xi32>,
      %eq3A_2379 = arith.constant 3 : i32
      %eq3A_2380 = vector.broadcast %eq3A_2379 : i32 to vector<16xi32>
      %eq3A_2381 = arith.cmpi eq, %select_n3A_2315, %eq3A_2380 : vector<16xi32>
      %convert_element_type3A_2382 = arith.extui %eq3A_2381 : vector<16xi1> to vector<16xi32>
      %get3A_2383 = arith.constant 48 : index
      %get3A_2384 = tpu.vector_load %arg14[%get3A_2383] {strides = array<i32>} : memref<288xi32, #tpu.memory_space<vmem>>, vector<16xi32>,
      %broadcast_in_dim3A_2385 = arith.constant true
      %broadcast_in_dim3A_2386 = vector.broadcast %broadcast_in_dim3A_2385 : i1 to vector<16xi1>
      %masked_cumsum3A_2387 = tpu.scan <sum>, %convert_element_type3A_2382 masked %broadcast_in_dim3A_2386 : vector<16xi32>, vector<16xi1> -> vector<16xi32>
      %add3A_2388 = arith.addi %get3A_2384, %masked_cumsum3A_2387 : vector<16xi32>
      %sub3A_2389 = arith.constant 1 : i32
      %sub3A_2390 = vector.broadcast %sub3A_2389 : i32 to vector<16xi32>
      %sub3A_2391 = arith.subi %add3A_2388, %sub3A_2390 : vector<16xi32>
      %sub3A_2392 = arith.constant 18432 : i32
      %sub3A_2393 = vector.broadcast %sub3A_2392 : i32 to vector<16xi32>
      %sub3A_2394 = arith.subi %gather3A, %sub3A_2393 : vector<16xi32>
      tpu.vector_store_idx %arg9[%sub3A_2391], %sub3A_2394 masked %eq3A_2381 : memref<13166xi32, #tpu.memory_space<vmem>>[vector<16xi32>], vector<16xi32>, vector<16xi1>
      tpu.vector_store_idx %arg10[%sub3A_2391], %add3A_2321 masked %eq3A_2381 : memref<13166xi32, #tpu.memory_space<vmem>>[vector<16xi32>], vector<16xi32>, vector<16xi1>
      %all_reduce_population_count3A_2395 = tpu.all_reduce %eq3A_2381 {dim = 0 : i64, kind = #tpu.reduction_kind<sum>} : vector<16xi1> -> vector<16xi32>
      %add3A_2396 = arith.addi %get3A_2384, %all_reduce_population_count3A_2395 : vector<16xi32>
      %swap3A_2397 = arith.constant 48 : index
      %swap3A_2398 = tpu.vector_load %arg14[%swap3A_2397] {strides = array<i32>} : memref<288xi32, #tpu.memory_space<vmem>>, vector<16xi32>,
      tpu.vector_store %arg14[%swap3A_2397], %add3A_2396 {strides = array<i32>} : memref<288xi32, #tpu.memory_space<vmem>>, vector<16xi32>,
      %eq3A_2399 = arith.constant 4 : i32
      %eq3A_2400 = vector.broadcast %eq3A_2399 : i32 to vector<16xi32>
      %eq3A_2401 = arith.cmpi eq, %select_n3A_2315, %eq3A_2400 : vector<16xi32>
      %convert_element_type3A_2402 = arith.extui %eq3A_2401 : vector<16xi1> to vector<16xi32>
      %get3A_2403 = arith.constant 64 : index
      %get3A_2404 = tpu.vector_load %arg14[%get3A_2403] {strides = array<i32>} : memref<288xi32, #tpu.memory_space<vmem>>, vector<16xi32>,
      %broadcast_in_dim3A_2405 = arith.constant true
      %broadcast_in_dim3A_2406 = vector.broadcast %broadcast_in_dim3A_2405 : i1 to vector<16xi1>
      %masked_cumsum3A_2407 = tpu.scan <sum>, %convert_element_type3A_2402 masked %broadcast_in_dim3A_2406 : vector<16xi32>, vector<16xi1> -> vector<16xi32>
      %add3A_2408 = arith.addi %get3A_2404, %masked_cumsum3A_2407 : vector<16xi32>
      %sub3A_2409 = arith.constant 1 : i32
      %sub3A_2410 = vector.broadcast %sub3A_2409 : i32 to vector<16xi32>
      %sub3A_2411 = arith.subi %add3A_2408, %sub3A_2410 : vector<16xi32>
      %sub3A_2412 = arith.constant 24576 : i32
      %sub3A_2413 = vector.broadcast %sub3A_2412 : i32 to vector<16xi32>
      %sub3A_2414 = arith.subi %gather3A, %sub3A_2413 : vector<16xi32>
      tpu.vector_store_idx %arg9[%sub3A_2411], %sub3A_2414 masked %eq3A_2401 : memref<13166xi32, #tpu.memory_space<vmem>>[vector<16xi32>], vector<16xi32>, vector<16xi1>
      tpu.vector_store_idx %arg10[%sub3A_2411], %add3A_2321 masked %eq3A_2401 : memref<13166xi32, #tpu.memory_space<vmem>>[vector<16xi32>], vector<16xi32>, vector<16xi1>
      %all_reduce_population_count3A_2415 = tpu.all_reduce %eq3A_2401 {dim = 0 : i64, kind = #tpu.reduction_kind<sum>} : vector<16xi1> -> vector<16xi32>
      %add3A_2416 = arith.addi %get3A_2404, %all_reduce_population_count3A_2415 : vector<16xi32>
      %swap3A_2417 = arith.constant 64 : index
      %swap3A_2418 = tpu.vector_load %arg14[%swap3A_2417] {strides = array<i32>} : memref<288xi32, #tpu.memory_space<vmem>>, vector<16xi32>,
      tpu.vector_store %arg14[%swap3A_2417], %add3A_2416 {strides = array<i32>} : memref<288xi32, #tpu.memory_space<vmem>>, vector<16xi32>,
      %eq3A_2419 = arith.constant 5 : i32
      %eq3A_2420 = vector.broadcast %eq3A_2419 : i32 to vector<16xi32>
      %eq3A_2421 = arith.cmpi eq, %select_n3A_2315, %eq3A_2420 : vector<16xi32>
      %convert_element_type3A_2422 = arith.extui %eq3A_2421 : vector<16xi1> to vector<16xi32>
      %get3A_2423 = arith.constant 80 : index
      %get3A_2424 = tpu.vector_load %arg14[%get3A_2423] {strides = array<i32>} : memref<288xi32, #tpu.memory_space<vmem>>, vector<16xi32>,
      %broadcast_in_dim3A_2425 = arith.constant true
      %broadcast_in_dim3A_2426 = vector.broadcast %broadcast_in_dim3A_2425 : i1 to vector<16xi1>
      %masked_cumsum3A_2427 = tpu.scan <sum>, %convert_element_type3A_2422 masked %broadcast_in_dim3A_2426 : vector<16xi32>, vector<16xi1> -> vector<16xi32>
      %add3A_2428 = arith.addi %get3A_2424, %masked_cumsum3A_2427 : vector<16xi32>
      %sub3A_2429 = arith.constant 1 : i32
      %sub3A_2430 = vector.broadcast %sub3A_2429 : i32 to vector<16xi32>
      %sub3A_2431 = arith.subi %add3A_2428, %sub3A_2430 : vector<16xi32>
      %sub3A_2432 = arith.constant 30720 : i32
      %sub3A_2433 = vector.broadcast %sub3A_2432 : i32 to vector<16xi32>
      %sub3A_2434 = arith.subi %gather3A, %sub3A_2433 : vector<16xi32>
      tpu.vector_store_idx %arg9[%sub3A_2431], %sub3A_2434 masked %eq3A_2421 : memref<13166xi32, #tpu.memory_space<vmem>>[vector<16xi32>], vector<16xi32>, vector<16xi1>
      tpu.vector_store_idx %arg10[%sub3A_2431], %add3A_2321 masked %eq3A_2421 : memref<13166xi32, #tpu.memory_space<vmem>>[vector<16xi32>], vector<16xi32>, vector<16xi1>
      %all_reduce_population_count3A_2435 = tpu.all_reduce %eq3A_2421 {dim = 0 : i64, kind = #tpu.reduction_kind<sum>} : vector<16xi1> -> vector<16xi32>
      %add3A_2436 = arith.addi %get3A_2424, %all_reduce_population_count3A_2435 : vector<16xi32>
      %swap3A_2437 = arith.constant 80 : index
      %swap3A_2438 = tpu.vector_load %arg14[%swap3A_2437] {strides = array<i32>} : memref<288xi32, #tpu.memory_space<vmem>>, vector<16xi32>,
      tpu.vector_store %arg14[%swap3A_2437], %add3A_2436 {strides = array<i32>} : memref<288xi32, #tpu.memory_space<vmem>>, vector<16xi32>,
      %eq3A_2439 = arith.constant 6 : i32
      %eq3A_2440 = vector.broadcast %eq3A_2439 : i32 to vector<16xi32>
      %eq3A_2441 = arith.cmpi eq, %select_n3A_2315, %eq3A_2440 : vector<16xi32>
      %convert_element_type3A_2442 = arith.extui %eq3A_2441 : vector<16xi1> to vector<16xi32>
      %get3A_2443 = arith.constant 96 : index
      %get3A_2444 = tpu.vector_load %arg14[%get3A_2443] {strides = array<i32>} : memref<288xi32, #tpu.memory_space<vmem>>, vector<16xi32>,
      %broadcast_in_dim3A_2445 = arith.constant true
      %broadcast_in_dim3A_2446 = vector.broadcast %broadcast_in_dim3A_2445 : i1 to vector<16xi1>
      %masked_cumsum3A_2447 = tpu.scan <sum>, %convert_element_type3A_2442 masked %broadcast_in_dim3A_2446 : vector<16xi32>, vector<16xi1> -> vector<16xi32>
      %add3A_2448 = arith.addi %get3A_2444, %masked_cumsum3A_2447 : vector<16xi32>
      %sub3A_2449 = arith.constant 1 : i32
      %sub3A_2450 = vector.broadcast %sub3A_2449 : i32 to vector<16xi32>
      %sub3A_2451 = arith.subi %add3A_2448, %sub3A_2450 : vector<16xi32>
      %sub3A_2452 = arith.constant 36864 : i32
      %sub3A_2453 = vector.broadcast %sub3A_2452 : i32 to vector<16xi32>
      %sub3A_2454 = arith.subi %gather3A, %sub3A_2453 : vector<16xi32>
      tpu.vector_store_idx %arg9[%sub3A_2451], %sub3A_2454 masked %eq3A_2441 : memref<13166xi32, #tpu.memory_space<vmem>>[vector<16xi32>], vector<16xi32>, vector<16xi1>
      tpu.vector_store_idx %arg10[%sub3A_2451], %add3A_2321 masked %eq3A_2441 : memref<13166xi32, #tpu.memory_space<vmem>>[vector<16xi32>], vector<16xi32>, vector<16xi1>
      %all_reduce_population_count3A_2455 = tpu.all_reduce %eq3A_2441 {dim = 0 : i64, kind = #tpu.reduction_kind<sum>} : vector<16xi1> -> vector<16xi32>
      %add3A_2456 = arith.addi %get3A_2444, %all_reduce_population_count3A_2455 : vector<16xi32>
      %swap3A_2457 = arith.constant 96 : index
      %swap3A_2458 = tpu.vector_load %arg14[%swap3A_2457] {strides = array<i32>} : memref<288xi32, #tpu.memory_space<vmem>>, vector<16xi32>,
      tpu.vector_store %arg14[%swap3A_2457], %add3A_2456 {strides = array<i32>} : memref<288xi32, #tpu.memory_space<vmem>>, vector<16xi32>,
      %eq3A_2459 = arith.constant 7 : i32
      %eq3A_2460 = vector.broadcast %eq3A_2459 : i32 to vector<16xi32>
      %eq3A_2461 = arith.cmpi eq, %select_n3A_2315, %eq3A_2460 : vector<16xi32>
      %convert_element_type3A_2462 = arith.extui %eq3A_2461 : vector<16xi1> to vector<16xi32>
      %get3A_2463 = arith.constant 112 : index
      %get3A_2464 = tpu.vector_load %arg14[%get3A_2463] {strides = array<i32>} : memref<288xi32, #tpu.memory_space<vmem>>, vector<16xi32>,
      %broadcast_in_dim3A_2465 = arith.constant true
      %broadcast_in_dim3A_2466 = vector.broadcast %broadcast_in_dim3A_2465 : i1 to vector<16xi1>
      %masked_cumsum3A_2467 = tpu.scan <sum>, %convert_element_type3A_2462 masked %broadcast_in_dim3A_2466 : vector<16xi32>, vector<16xi1> -> vector<16xi32>
      %add3A_2468 = arith.addi %get3A_2464, %masked_cumsum3A_2467 : vector<16xi32>
      %sub3A_2469 = arith.constant 1 : i32
      %sub3A_2470 = vector.broadcast %sub3A_2469 : i32 to vector<16xi32>
      %sub3A_2471 = arith.subi %add3A_2468, %sub3A_2470 : vector<16xi32>
      %sub3A_2472 = arith.constant 43008 : i32
      %sub3A_2473 = vector.broadcast %sub3A_2472 : i32 to vector<16xi32>
      %sub3A_2474 = arith.subi %gather3A, %sub3A_2473 : vector<16xi32>
      tpu.vector_store_idx %arg9[%sub3A_2471], %sub3A_2474 masked %eq3A_2461 : memref<13166xi32, #tpu.memory_space<vmem>>[vector<16xi32>], vector<16xi32>, vector<16xi1>
      tpu.vector_store_idx %arg10[%sub3A_2471], %add3A_2321 masked %eq3A_2461 : memref<13166xi32, #tpu.memory_space<vmem>>[vector<16xi32>], vector<16xi32>, vector<16xi1>
      %all_reduce_population_count3A_2475 = tpu.all_reduce %eq3A_2461 {dim = 0 : i64, kind = #tpu.reduction_kind<sum>} : vector<16xi1> -> vector<16xi32>
      %add3A_2476 = arith.addi %get3A_2464, %all_reduce_population_count3A_2475 : vector<16xi32>
      %swap3A_2477 = arith.constant 112 : index
      %swap3A_2478 = tpu.vector_load %arg14[%swap3A_2477] {strides = array<i32>} : memref<288xi32, #tpu.memory_space<vmem>>, vector<16xi32>,
      tpu.vector_store %arg14[%swap3A_2477], %add3A_2476 {strides = array<i32>} : memref<288xi32, #tpu.memory_space<vmem>>, vector<16xi32>,
      %eq3A_2479 = arith.constant 8 : i32
      %eq3A_2480 = vector.broadcast %eq3A_2479 : i32 to vector<16xi32>
      %eq3A_2481 = arith.cmpi eq, %select_n3A_2315, %eq3A_2480 : vector<16xi32>
      %convert_element_type3A_2482 = arith.extui %eq3A_2481 : vector<16xi1> to vector<16xi32>
      %get3A_2483 = arith.constant 128 : index
      %get3A_2484 = tpu.vector_load %arg14[%get3A_2483] {strides = array<i32>} : memref<288xi32, #tpu.memory_space<vmem>>, vector<16xi32>,
      %broadcast_in_dim3A_2485 = arith.constant true
      %broadcast_in_dim3A_2486 = vector.broadcast %broadcast_in_dim3A_2485 : i1 to vector<16xi1>
      %masked_cumsum3A_2487 = tpu.scan <sum>, %convert_element_type3A_2482 masked %broadcast_in_dim3A_2486 : vector<16xi32>, vector<16xi1> -> vector<16xi32>
      %add3A_2488 = arith.addi %get3A_2484, %masked_cumsum3A_2487 : vector<16xi32>
      %sub3A_2489 = arith.constant 1 : i32
      %sub3A_2490 = vector.broadcast %sub3A_2489 : i32 to vector<16xi32>
      %sub3A_2491 = arith.subi %add3A_2488, %sub3A_2490 : vector<16xi32>
      %sub3A_2492 = arith.constant 49152 : i32
      %sub3A_2493 = vector.broadcast %sub3A_2492 : i32 to vector<16xi32>
      %sub3A_2494 = arith.subi %gather3A, %sub3A_2493 : vector<16xi32>
      tpu.vector_store_idx %arg9[%sub3A_2491], %sub3A_2494 masked %eq3A_2481 : memref<13166xi32, #tpu.memory_space<vmem>>[vector<16xi32>], vector<16xi32>, vector<16xi1>
      tpu.vector_store_idx %arg10[%sub3A_2491], %add3A_2321 masked %eq3A_2481 : memref<13166xi32, #tpu.memory_space<vmem>>[vector<16xi32>], vector<16xi32>, vector<16xi1>
      %all_reduce_population_count3A_2495 = tpu.all_reduce %eq3A_2481 {dim = 0 : i64, kind = #tpu.reduction_kind<sum>} : vector<16xi1> -> vector<16xi32>
      %add3A_2496 = arith.addi %get3A_2484, %all_reduce_population_count3A_2495 : vector<16xi32>
      %swap3A_2497 = arith.constant 128 : index
      %swap3A_2498 = tpu.vector_load %arg14[%swap3A_2497] {strides = array<i32>} : memref<288xi32, #tpu.memory_space<vmem>>, vector<16xi32>,
      tpu.vector_store %arg14[%swap3A_2497], %add3A_2496 {strides = array<i32>} : memref<288xi32, #tpu.memory_space<vmem>>, vector<16xi32>,
      %eq3A_2499 = arith.constant 9 : i32
      %eq3A_2500 = vector.broadcast %eq3A_2499 : i32 to vector<16xi32>
      %eq3A_2501 = arith.cmpi eq, %select_n3A_2315, %eq3A_2500 : vector<16xi32>
      %convert_element_type3A_2502 = arith.extui %eq3A_2501 : vector<16xi1> to vector<16xi32>
      %get3A_2503 = arith.constant 144 : index
      %get3A_2504 = tpu.vector_load %arg14[%get3A_2503] {strides = array<i32>} : memref<288xi32, #tpu.memory_space<vmem>>, vector<16xi32>,
      %broadcast_in_dim3A_2505 = arith.constant true
      %broadcast_in_dim3A_2506 = vector.broadcast %broadcast_in_dim3A_2505 : i1 to vector<16xi1>
      %masked_cumsum3A_2507 = tpu.scan <sum>, %convert_element_type3A_2502 masked %broadcast_in_dim3A_2506 : vector<16xi32>, vector<16xi1> -> vector<16xi32>
      %add3A_2508 = arith.addi %get3A_2504, %masked_cumsum3A_2507 : vector<16xi32>
      %sub3A_2509 = arith.constant 1 : i32
      %sub3A_2510 = vector.broadcast %sub3A_2509 : i32 to vector<16xi32>
      %sub3A_2511 = arith.subi %add3A_2508, %sub3A_2510 : vector<16xi32>
      %sub3A_2512 = arith.constant 55296 : i32
      %sub3A_2513 = vector.broadcast %sub3A_2512 : i32 to vector<16xi32>
      %sub3A_2514 = arith.subi %gather3A, %sub3A_2513 : vector<16xi32>
      tpu.vector_store_idx %arg9[%sub3A_2511], %sub3A_2514 masked %eq3A_2501 : memref<13166xi32, #tpu.memory_space<vmem>>[vector<16xi32>], vector<16xi32>, vector<16xi1>
      tpu.vector_store_idx %arg10[%sub3A_2511], %add3A_2321 masked %eq3A_2501 : memref<13166xi32, #tpu.memory_space<vmem>>[vector<16xi32>], vector<16xi32>, vector<16xi1>
      %all_reduce_population_count3A_2515 = tpu.all_reduce %eq3A_2501 {dim = 0 : i64, kind = #tpu.reduction_kind<sum>} : vector<16xi1> -> vector<16xi32>
      %add3A_2516 = arith.addi %get3A_2504, %all_reduce_population_count3A_2515 : vector<16xi32>
      %swap3A_2517 = arith.constant 144 : index
      %swap3A_2518 = tpu.vector_load %arg14[%swap3A_2517] {strides = array<i32>} : memref<288xi32, #tpu.memory_space<vmem>>, vector<16xi32>,
      tpu.vector_store %arg14[%swap3A_2517], %add3A_2516 {strides = array<i32>} : memref<288xi32, #tpu.memory_space<vmem>>, vector<16xi32>,
      %eq3A_2519 = arith.constant 10 : i32
      %eq3A_2520 = vector.broadcast %eq3A_2519 : i32 to vector<16xi32>
      %eq3A_2521 = arith.cmpi eq, %select_n3A_2315, %eq3A_2520 : vector<16xi32>
      %convert_element_type3A_2522 = arith.extui %eq3A_2521 : vector<16xi1> to vector<16xi32>
      %get3A_2523 = arith.constant 160 : index
      %get3A_2524 = tpu.vector_load %arg14[%get3A_2523] {strides = array<i32>} : memref<288xi32, #tpu.memory_space<vmem>>, vector<16xi32>,
      %broadcast_in_dim3A_2525 = arith.constant true
      %broadcast_in_dim3A_2526 = vector.broadcast %broadcast_in_dim3A_2525 : i1 to vector<16xi1>
      %masked_cumsum3A_2527 = tpu.scan <sum>, %convert_element_type3A_2522 masked %broadcast_in_dim3A_2526 : vector<16xi32>, vector<16xi1> -> vector<16xi32>
      %add3A_2528 = arith.addi %get3A_2524, %masked_cumsum3A_2527 : vector<16xi32>
      %sub3A_2529 = arith.constant 1 : i32
      %sub3A_2530 = vector.broadcast %sub3A_2529 : i32 to vector<16xi32>
      %sub3A_2531 = arith.subi %add3A_2528, %sub3A_2530 : vector<16xi32>
      %sub3A_2532 = arith.constant 61440 : i32
      %sub3A_2533 = vector.broadcast %sub3A_2532 : i32 to vector<16xi32>
      %sub3A_2534 = arith.subi %gather3A, %sub3A_2533 : vector<16xi32>
      tpu.vector_store_idx %arg9[%sub3A_2531], %sub3A_2534 masked %eq3A_2521 : memref<13166xi32, #tpu.memory_space<vmem>>[vector<16xi32>], vector<16xi32>, vector<16xi1>
      tpu.vector_store_idx %arg10[%sub3A_2531], %add3A_2321 masked %eq3A_2521 : memref<13166xi32, #tpu.memory_space<vmem>>[vector<16xi32>], vector<16xi32>, vector<16xi1>
      %all_reduce_population_count3A_2535 = tpu.all_reduce %eq3A_2521 {dim = 0 : i64, kind = #tpu.reduction_kind<sum>} : vector<16xi1> -> vector<16xi32>
      %add3A_2536 = arith.addi %get3A_2524, %all_reduce_population_count3A_2535 : vector<16xi32>
      %swap3A_2537 = arith.constant 160 : index
      %swap3A_2538 = tpu.vector_load %arg14[%swap3A_2537] {strides = array<i32>} : memref<288xi32, #tpu.memory_space<vmem>>, vector<16xi32>,
      tpu.vector_store %arg14[%swap3A_2537], %add3A_2536 {strides = array<i32>} : memref<288xi32, #tpu.memory_space<vmem>>, vector<16xi32>,
      %eq3A_2539 = arith.constant 11 : i32
      %eq3A_2540 = vector.broadcast %eq3A_2539 : i32 to vector<16xi32>
      %eq3A_2541 = arith.cmpi eq, %select_n3A_2315, %eq3A_2540 : vector<16xi32>
      %convert_element_type3A_2542 = arith.extui %eq3A_2541 : vector<16xi1> to vector<16xi32>
      %get3A_2543 = arith.constant 176 : index
      %get3A_2544 = tpu.vector_load %arg14[%get3A_2543] {strides = array<i32>} : memref<288xi32, #tpu.memory_space<vmem>>, vector<16xi32>,
      %broadcast_in_dim3A_2545 = arith.constant true
      %broadcast_in_dim3A_2546 = vector.broadcast %broadcast_in_dim3A_2545 : i1 to vector<16xi1>
      %masked_cumsum3A_2547 = tpu.scan <sum>, %convert_element_type3A_2542 masked %broadcast_in_dim3A_2546 : vector<16xi32>, vector<16xi1> -> vector<16xi32>
      %add3A_2548 = arith.addi %get3A_2544, %masked_cumsum3A_2547 : vector<16xi32>
      %sub3A_2549 = arith.constant 1 : i32
      %sub3A_2550 = vector.broadcast %sub3A_2549 : i32 to vector<16xi32>
      %sub3A_2551 = arith.subi %add3A_2548, %sub3A_2550 : vector<16xi32>
      %sub3A_2552 = arith.constant 67584 : i32
      %sub3A_2553 = vector.broadcast %sub3A_2552 : i32 to vector<16xi32>
      %sub3A_2554 = arith.subi %gather3A, %sub3A_2553 : vector<16xi32>
      tpu.vector_store_idx %arg9[%sub3A_2551], %sub3A_2554 masked %eq3A_2541 : memref<13166xi32, #tpu.memory_space<vmem>>[vector<16xi32>], vector<16xi32>, vector<16xi1>
      tpu.vector_store_idx %arg10[%sub3A_2551], %add3A_2321 masked %eq3A_2541 : memref<13166xi32, #tpu.memory_space<vmem>>[vector<16xi32>], vector<16xi32>, vector<16xi1>
      %all_reduce_population_count3A_2555 = tpu.all_reduce %eq3A_2541 {dim = 0 : i64, kind = #tpu.reduction_kind<sum>} : vector<16xi1> -> vector<16xi32>
      %add3A_2556 = arith.addi %get3A_2544, %all_reduce_population_count3A_2555 : vector<16xi32>
      %swap3A_2557 = arith.constant 176 : index
      %swap3A_2558 = tpu.vector_load %arg14[%swap3A_2557] {strides = array<i32>} : memref<288xi32, #tpu.memory_space<vmem>>, vector<16xi32>,
      tpu.vector_store %arg14[%swap3A_2557], %add3A_2556 {strides = array<i32>} : memref<288xi32, #tpu.memory_space<vmem>>, vector<16xi32>,
      %eq3A_2559 = arith.constant 12 : i32
      %eq3A_2560 = vector.broadcast %eq3A_2559 : i32 to vector<16xi32>
      %eq3A_2561 = arith.cmpi eq, %select_n3A_2315, %eq3A_2560 : vector<16xi32>
      %convert_element_type3A_2562 = arith.extui %eq3A_2561 : vector<16xi1> to vector<16xi32>
      %get3A_2563 = arith.constant 192 : index
      %get3A_2564 = tpu.vector_load %arg14[%get3A_2563] {strides = array<i32>} : memref<288xi32, #tpu.memory_space<vmem>>, vector<16xi32>,
      %broadcast_in_dim3A_2565 = arith.constant true
      %broadcast_in_dim3A_2566 = vector.broadcast %broadcast_in_dim3A_2565 : i1 to vector<16xi1>
      %masked_cumsum3A_2567 = tpu.scan <sum>, %convert_element_type3A_2562 masked %broadcast_in_dim3A_2566 : vector<16xi32>, vector<16xi1> -> vector<16xi32>
      %add3A_2568 = arith.addi %get3A_2564, %masked_cumsum3A_2567 : vector<16xi32>
      %sub3A_2569 = arith.constant 1 : i32
      %sub3A_2570 = vector.broadcast %sub3A_2569 : i32 to vector<16xi32>
      %sub3A_2571 = arith.subi %add3A_2568, %sub3A_2570 : vector<16xi32>
      %sub3A_2572 = arith.constant 73728 : i32
      %sub3A_2573 = vector.broadcast %sub3A_2572 : i32 to vector<16xi32>
      %sub3A_2574 = arith.subi %gather3A, %sub3A_2573 : vector<16xi32>
      tpu.vector_store_idx %arg9[%sub3A_2571], %sub3A_2574 masked %eq3A_2561 : memref<13166xi32, #tpu.memory_space<vmem>>[vector<16xi32>], vector<16xi32>, vector<16xi1>
      tpu.vector_store_idx %arg10[%sub3A_2571], %add3A_2321 masked %eq3A_2561 : memref<13166xi32, #tpu.memory_space<vmem>>[vector<16xi32>], vector<16xi32>, vector<16xi1>
      %all_reduce_population_count3A_2575 = tpu.all_reduce %eq3A_2561 {dim = 0 : i64, kind = #tpu.reduction_kind<sum>} : vector<16xi1> -> vector<16xi32>
      %add3A_2576 = arith.addi %get3A_2564, %all_reduce_population_count3A_2575 : vector<16xi32>
      %swap3A_2577 = arith.constant 192 : index
      %swap3A_2578 = tpu.vector_load %arg14[%swap3A_2577] {strides = array<i32>} : memref<288xi32, #tpu.memory_space<vmem>>, vector<16xi32>,
      tpu.vector_store %arg14[%swap3A_2577], %add3A_2576 {strides = array<i32>} : memref<288xi32, #tpu.memory_space<vmem>>, vector<16xi32>,
      %eq3A_2579 = arith.constant 13 : i32
      %eq3A_2580 = vector.broadcast %eq3A_2579 : i32 to vector<16xi32>
      %eq3A_2581 = arith.cmpi eq, %select_n3A_2315, %eq3A_2580 : vector<16xi32>
      %convert_element_type3A_2582 = arith.extui %eq3A_2581 : vector<16xi1> to vector<16xi32>
      %get3A_2583 = arith.constant 208 : index
      %get3A_2584 = tpu.vector_load %arg14[%get3A_2583] {strides = array<i32>} : memref<288xi32, #tpu.memory_space<vmem>>, vector<16xi32>,
      %broadcast_in_dim3A_2585 = arith.constant true
      %broadcast_in_dim3A_2586 = vector.broadcast %broadcast_in_dim3A_2585 : i1 to vector<16xi1>
      %masked_cumsum3A_2587 = tpu.scan <sum>, %convert_element_type3A_2582 masked %broadcast_in_dim3A_2586 : vector<16xi32>, vector<16xi1> -> vector<16xi32>
      %add3A_2588 = arith.addi %get3A_2584, %masked_cumsum3A_2587 : vector<16xi32>
      %sub3A_2589 = arith.constant 1 : i32
      %sub3A_2590 = vector.broadcast %sub3A_2589 : i32 to vector<16xi32>
      %sub3A_2591 = arith.subi %add3A_2588, %sub3A_2590 : vector<16xi32>
      %sub3A_2592 = arith.constant 79872 : i32
      %sub3A_2593 = vector.broadcast %sub3A_2592 : i32 to vector<16xi32>
      %sub3A_2594 = arith.subi %gather3A, %sub3A_2593 : vector<16xi32>
      tpu.vector_store_idx %arg9[%sub3A_2591], %sub3A_2594 masked %eq3A_2581 : memref<13166xi32, #tpu.memory_space<vmem>>[vector<16xi32>], vector<16xi32>, vector<16xi1>
      tpu.vector_store_idx %arg10[%sub3A_2591], %add3A_2321 masked %eq3A_2581 : memref<13166xi32, #tpu.memory_space<vmem>>[vector<16xi32>], vector<16xi32>, vector<16xi1>
      %all_reduce_population_count3A_2595 = tpu.all_reduce %eq3A_2581 {dim = 0 : i64, kind = #tpu.reduction_kind<sum>} : vector<16xi1> -> vector<16xi32>
      %add3A_2596 = arith.addi %get3A_2584, %all_reduce_population_count3A_2595 : vector<16xi32>
      %swap3A_2597 = arith.constant 208 : index
      %swap3A_2598 = tpu.vector_load %arg14[%swap3A_2597] {strides = array<i32>} : memref<288xi32, #tpu.memory_space<vmem>>, vector<16xi32>,
      tpu.vector_store %arg14[%swap3A_2597], %add3A_2596 {strides = array<i32>} : memref<288xi32, #tpu.memory_space<vmem>>, vector<16xi32>,
      %eq3A_2599 = arith.constant 14 : i32
      %eq3A_2600 = vector.broadcast %eq3A_2599 : i32 to vector<16xi32>
      %eq3A_2601 = arith.cmpi eq, %select_n3A_2315, %eq3A_2600 : vector<16xi32>
      %convert_element_type3A_2602 = arith.extui %eq3A_2601 : vector<16xi1> to vector<16xi32>
      %get3A_2603 = arith.constant 224 : index
      %get3A_2604 = tpu.vector_load %arg14[%get3A_2603] {strides = array<i32>} : memref<288xi32, #tpu.memory_space<vmem>>, vector<16xi32>,
      %broadcast_in_dim3A_2605 = arith.constant true
      %broadcast_in_dim3A_2606 = vector.broadcast %broadcast_in_dim3A_2605 : i1 to vector<16xi1>
      %masked_cumsum3A_2607 = tpu.scan <sum>, %convert_element_type3A_2602 masked %broadcast_in_dim3A_2606 : vector<16xi32>, vector<16xi1> -> vector<16xi32>
      %add3A_2608 = arith.addi %get3A_2604, %masked_cumsum3A_2607 : vector<16xi32>
      %sub3A_2609 = arith.constant 1 : i32
      %sub3A_2610 = vector.broadcast %sub3A_2609 : i32 to vector<16xi32>
      %sub3A_2611 = arith.subi %add3A_2608, %sub3A_2610 : vector<16xi32>
      %sub3A_2612 = arith.constant 86016 : i32
      %sub3A_2613 = vector.broadcast %sub3A_2612 : i32 to vector<16xi32>
      %sub3A_2614 = arith.subi %gather3A, %sub3A_2613 : vector<16xi32>
      tpu.vector_store_idx %arg9[%sub3A_2611], %sub3A_2614 masked %eq3A_2601 : memref<13166xi32, #tpu.memory_space<vmem>>[vector<16xi32>], vector<16xi32>, vector<16xi1>
      tpu.vector_store_idx %arg10[%sub3A_2611], %add3A_2321 masked %eq3A_2601 : memref<13166xi32, #tpu.memory_space<vmem>>[vector<16xi32>], vector<16xi32>, vector<16xi1>
      %all_reduce_population_count3A_2615 = tpu.all_reduce %eq3A_2601 {dim = 0 : i64, kind = #tpu.reduction_kind<sum>} : vector<16xi1> -> vector<16xi32>
      %add3A_2616 = arith.addi %get3A_2604, %all_reduce_population_count3A_2615 : vector<16xi32>
      %swap3A_2617 = arith.constant 224 : index
      %swap3A_2618 = tpu.vector_load %arg14[%swap3A_2617] {strides = array<i32>} : memref<288xi32, #tpu.memory_space<vmem>>, vector<16xi32>,
      tpu.vector_store %arg14[%swap3A_2617], %add3A_2616 {strides = array<i32>} : memref<288xi32, #tpu.memory_space<vmem>>, vector<16xi32>,
      %eq3A_2619 = arith.constant 15 : i32
      %eq3A_2620 = vector.broadcast %eq3A_2619 : i32 to vector<16xi32>
      %eq3A_2621 = arith.cmpi eq, %select_n3A_2315, %eq3A_2620 : vector<16xi32>
      %convert_element_type3A_2622 = arith.extui %eq3A_2621 : vector<16xi1> to vector<16xi32>
      %get3A_2623 = arith.constant 240 : index
      %get3A_2624 = tpu.vector_load %arg14[%get3A_2623] {strides = array<i32>} : memref<288xi32, #tpu.memory_space<vmem>>, vector<16xi32>,
      %broadcast_in_dim3A_2625 = arith.constant true
      %broadcast_in_dim3A_2626 = vector.broadcast %broadcast_in_dim3A_2625 : i1 to vector<16xi1>
      %masked_cumsum3A_2627 = tpu.scan <sum>, %convert_element_type3A_2622 masked %broadcast_in_dim3A_2626 : vector<16xi32>, vector<16xi1> -> vector<16xi32>
      %add3A_2628 = arith.addi %get3A_2624, %masked_cumsum3A_2627 : vector<16xi32>
      %sub3A_2629 = arith.constant 1 : i32
      %sub3A_2630 = vector.broadcast %sub3A_2629 : i32 to vector<16xi32>
      %sub3A_2631 = arith.subi %add3A_2628, %sub3A_2630 : vector<16xi32>
      %sub3A_2632 = arith.constant 92160 : i32
      %sub3A_2633 = vector.broadcast %sub3A_2632 : i32 to vector<16xi32>
      %sub3A_2634 = arith.subi %gather3A, %sub3A_2633 : vector<16xi32>
      tpu.vector_store_idx %arg9[%sub3A_2631], %sub3A_2634 masked %eq3A_2621 : memref<13166xi32, #tpu.memory_space<vmem>>[vector<16xi32>], vector<16xi32>, vector<16xi1>
      tpu.vector_store_idx %arg10[%sub3A_2631], %add3A_2321 masked %eq3A_2621 : memref<13166xi32, #tpu.memory_space<vmem>>[vector<16xi32>], vector<16xi32>, vector<16xi1>
      %all_reduce_population_count3A_2635 = tpu.all_reduce %eq3A_2621 {dim = 0 : i64, kind = #tpu.reduction_kind<sum>} : vector<16xi1> -> vector<16xi32>
      %add3A_2636 = arith.addi %get3A_2624, %all_reduce_population_count3A_2635 : vector<16xi32>
      %swap3A_2637 = arith.constant 240 : index
      %swap3A_2638 = tpu.vector_load %arg14[%swap3A_2637] {strides = array<i32>} : memref<288xi32, #tpu.memory_space<vmem>>, vector<16xi32>,
      tpu.vector_store %arg14[%swap3A_2637], %add3A_2636 {strides = array<i32>} : memref<288xi32, #tpu.memory_space<vmem>>, vector<16xi32>,
      %eq3A_2639 = arith.constant 16 : i32
      %eq3A_2640 = vector.broadcast %eq3A_2639 : i32 to vector<16xi32>
      %eq3A_2641 = arith.cmpi eq, %select_n3A_2315, %eq3A_2640 : vector<16xi32>
      %convert_element_type3A_2642 = arith.extui %eq3A_2641 : vector<16xi1> to vector<16xi32>
      %get3A_2643 = arith.constant 256 : index
      %get3A_2644 = tpu.vector_load %arg14[%get3A_2643] {strides = array<i32>} : memref<288xi32, #tpu.memory_space<vmem>>, vector<16xi32>,
      %broadcast_in_dim3A_2645 = arith.constant true
      %broadcast_in_dim3A_2646 = vector.broadcast %broadcast_in_dim3A_2645 : i1 to vector<16xi1>
      %masked_cumsum3A_2647 = tpu.scan <sum>, %convert_element_type3A_2642 masked %broadcast_in_dim3A_2646 : vector<16xi32>, vector<16xi1> -> vector<16xi32>
      %add3A_2648 = arith.addi %get3A_2644, %masked_cumsum3A_2647 : vector<16xi32>
      %sub3A_2649 = arith.constant 1 : i32
      %sub3A_2650 = vector.broadcast %sub3A_2649 : i32 to vector<16xi32>
      %sub3A_2651 = arith.subi %add3A_2648, %sub3A_2650 : vector<16xi32>
      %sub3A_2652 = arith.constant 98304 : i32
      %sub3A_2653 = vector.broadcast %sub3A_2652 : i32 to vector<16xi32>
      %sub3A_2654 = arith.subi %gather3A, %sub3A_2653 : vector<16xi32>
      tpu.vector_store_idx %arg9[%sub3A_2651], %sub3A_2654 masked %eq3A_2641 : memref<13166xi32, #tpu.memory_space<vmem>>[vector<16xi32>], vector<16xi32>, vector<16xi1>
      tpu.vector_store_idx %arg10[%sub3A_2651], %add3A_2321 masked %eq3A_2641 : memref<13166xi32, #tpu.memory_space<vmem>>[vector<16xi32>], vector<16xi32>, vector<16xi1>
      %all_reduce_population_count3A_2655 = tpu.all_reduce %eq3A_2641 {dim = 0 : i64, kind = #tpu.reduction_kind<sum>} : vector<16xi1> -> vector<16xi32>
      %add3A_2656 = arith.addi %get3A_2644, %all_reduce_population_count3A_2655 : vector<16xi32>
      %swap3A_2657 = arith.constant 256 : index
      %swap3A_2658 = tpu.vector_load %arg14[%swap3A_2657] {strides = array<i32>} : memref<288xi32, #tpu.memory_space<vmem>>, vector<16xi32>,
      tpu.vector_store %arg14[%swap3A_2657], %add3A_2656 {strides = array<i32>} : memref<288xi32, #tpu.memory_space<vmem>>, vector<16xi32>,
      %eq3A_2659 = arith.constant 17 : i32
      %eq3A_2660 = vector.broadcast %eq3A_2659 : i32 to vector<16xi32>
      %eq3A_2661 = arith.cmpi eq, %select_n3A_2315, %eq3A_2660 : vector<16xi32>
      %convert_element_type3A_2662 = arith.extui %eq3A_2661 : vector<16xi1> to vector<16xi32>
      %get3A_2663 = arith.constant 272 : index
      %get3A_2664 = tpu.vector_load %arg14[%get3A_2663] {strides = array<i32>} : memref<288xi32, #tpu.memory_space<vmem>>, vector<16xi32>,
      %broadcast_in_dim3A_2665 = arith.constant true
      %broadcast_in_dim3A_2666 = vector.broadcast %broadcast_in_dim3A_2665 : i1 to vector<16xi1>
      %masked_cumsum3A_2667 = tpu.scan <sum>, %convert_element_type3A_2662 masked %broadcast_in_dim3A_2666 : vector<16xi32>, vector<16xi1> -> vector<16xi32>
      %add3A_2668 = arith.addi %get3A_2664, %masked_cumsum3A_2667 : vector<16xi32>
      %sub3A_2669 = arith.constant 1 : i32
      %sub3A_2670 = vector.broadcast %sub3A_2669 : i32 to vector<16xi32>
      %sub3A_2671 = arith.subi %add3A_2668, %sub3A_2670 : vector<16xi32>
      tpu.vector_store_idx %arg10[%sub3A_2671], %add3A_2321 masked %eq3A_2661 : memref<13166xi32, #tpu.memory_space<vmem>>[vector<16xi32>], vector<16xi32>, vector<16xi1>
      %all_reduce_population_count3A_2672 = tpu.all_reduce %eq3A_2661 {dim = 0 : i64, kind = #tpu.reduction_kind<sum>} : vector<16xi1> -> vector<16xi32>
      %add3A_2673 = arith.addi %get3A_2664, %all_reduce_population_count3A_2672 : vector<16xi32>
      %swap3A_2674 = arith.constant 272 : index
      %swap3A_2675 = tpu.vector_load %arg14[%swap3A_2674] {strides = array<i32>} : memref<288xi32, #tpu.memory_space<vmem>>, vector<16xi32>,
      tpu.vector_store %arg14[%swap3A_2674], %add3A_2673 {strides = array<i32>} : memref<288xi32, #tpu.memory_space<vmem>>, vector<16xi32>,
    }
    %scan3A_461 = arith.constant 784 : i32
    %get3A_462 = arith.constant 0 : index
    %get3A_463 = tpu.vector_load %arg14[%get3A_462] {strides = array<i32>} : memref<288xi32, #tpu.memory_space<vmem>>, vector<16xi32>,
    %slice3A_464 = vector.extract_strided_slice %get3A_463 {offsets = [0], sizes = [1], strides = [1]} : vector<16xi32> to vector<1xi32>
    %squeeze3A_465 = vector.extract %slice3A_464[0] : i32 from vector<1xi32>
    %get3A_466 = arith.constant 0 : i32
    %get3A_467 = arith.index_cast %get3A_466 : i32 to index
    %get3A_468 = memref.load %arg18[%get3A_467] : memref<64xi32, #tpu.memory_space<smem>>
    %sub3A_469 = arith.subi %squeeze3A_465, %get3A_468 : i32
    %swap3A_470 = arith.constant 18 : i32
    %swap3A_471 = arith.index_cast %swap3A_470 : i32 to index
    %swap3A_472 = memref.load %arg18[%swap3A_471] : memref<64xi32, #tpu.memory_space<smem>>
    memref.store %sub3A_469, %arg18[%swap3A_471] : memref<64xi32, #tpu.memory_space<smem>>
    %get3A_473 = arith.constant 16 : index
    %get3A_474 = tpu.vector_load %arg14[%get3A_473] {strides = array<i32>} : memref<288xi32, #tpu.memory_space<vmem>>, vector<16xi32>,
    %slice3A_475 = vector.extract_strided_slice %get3A_474 {offsets = [0], sizes = [1], strides = [1]} : vector<16xi32> to vector<1xi32>
    %squeeze3A_476 = vector.extract %slice3A_475[0] : i32 from vector<1xi32>
    %get3A_477 = arith.constant 1 : i32
    %get3A_478 = arith.index_cast %get3A_477 : i32 to index
    %get3A_479 = memref.load %arg18[%get3A_478] : memref<64xi32, #tpu.memory_space<smem>>
    %sub3A_480 = arith.subi %squeeze3A_476, %get3A_479 : i32
    %swap3A_481 = arith.constant 19 : i32
    %swap3A_482 = arith.index_cast %swap3A_481 : i32 to index
    %swap3A_483 = memref.load %arg18[%swap3A_482] : memref<64xi32, #tpu.memory_space<smem>>
    memref.store %sub3A_480, %arg18[%swap3A_482] : memref<64xi32, #tpu.memory_space<smem>>
    %get3A_484 = arith.constant 32 : index
    %get3A_485 = tpu.vector_load %arg14[%get3A_484] {strides = array<i32>} : memref<288xi32, #tpu.memory_space<vmem>>, vector<16xi32>,
    %slice3A_486 = vector.extract_strided_slice %get3A_485 {offsets = [0], sizes = [1], strides = [1]} : vector<16xi32> to vector<1xi32>
    %squeeze3A_487 = vector.extract %slice3A_486[0] : i32 from vector<1xi32>
    %get3A_488 = arith.constant 2 : i32
    %get3A_489 = arith.index_cast %get3A_488 : i32 to index
    %get3A_490 = memref.load %arg18[%get3A_489] : memref<64xi32, #tpu.memory_space<smem>>
    %sub3A_491 = arith.subi %squeeze3A_487, %get3A_490 : i32
    %swap3A_492 = arith.constant 20 : i32
    %swap3A_493 = arith.index_cast %swap3A_492 : i32 to index
    %swap3A_494 = memref.load %arg18[%swap3A_493] : memref<64xi32, #tpu.memory_space<smem>>
    memref.store %sub3A_491, %arg18[%swap3A_493] : memref<64xi32, #tpu.memory_space<smem>>
    %get3A_495 = arith.constant 48 : index
    %get3A_496 = tpu.vector_load %arg14[%get3A_495] {strides = array<i32>} : memref<288xi32, #tpu.memory_space<vmem>>, vector<16xi32>,
    %slice3A_497 = vector.extract_strided_slice %get3A_496 {offsets = [0], sizes = [1], strides = [1]} : vector<16xi32> to vector<1xi32>
    %squeeze3A_498 = vector.extract %slice3A_497[0] : i32 from vector<1xi32>
    %get3A_499 = arith.constant 3 : i32
    %get3A_500 = arith.index_cast %get3A_499 : i32 to index
    %get3A_501 = memref.load %arg18[%get3A_500] : memref<64xi32, #tpu.memory_space<smem>>
    %sub3A_502 = arith.subi %squeeze3A_498, %get3A_501 : i32
    %swap3A_503 = arith.constant 21 : i32
    %swap3A_504 = arith.index_cast %swap3A_503 : i32 to index
    %swap3A_505 = memref.load %arg18[%swap3A_504] : memref<64xi32, #tpu.memory_space<smem>>
    memref.store %sub3A_502, %arg18[%swap3A_504] : memref<64xi32, #tpu.memory_space<smem>>
    %get3A_506 = arith.constant 64 : index
    %get3A_507 = tpu.vector_load %arg14[%get3A_506] {strides = array<i32>} : memref<288xi32, #tpu.memory_space<vmem>>, vector<16xi32>,
    %slice3A_508 = vector.extract_strided_slice %get3A_507 {offsets = [0], sizes = [1], strides = [1]} : vector<16xi32> to vector<1xi32>
    %squeeze3A_509 = vector.extract %slice3A_508[0] : i32 from vector<1xi32>
    %get3A_510 = arith.constant 4 : i32
    %get3A_511 = arith.index_cast %get3A_510 : i32 to index
    %get3A_512 = memref.load %arg18[%get3A_511] : memref<64xi32, #tpu.memory_space<smem>>
    %sub3A_513 = arith.subi %squeeze3A_509, %get3A_512 : i32
    %swap3A_514 = arith.constant 22 : i32
    %swap3A_515 = arith.index_cast %swap3A_514 : i32 to index
    %swap3A_516 = memref.load %arg18[%swap3A_515] : memref<64xi32, #tpu.memory_space<smem>>
    memref.store %sub3A_513, %arg18[%swap3A_515] : memref<64xi32, #tpu.memory_space<smem>>
    %get3A_517 = arith.constant 80 : index
    %get3A_518 = tpu.vector_load %arg14[%get3A_517] {strides = array<i32>} : memref<288xi32, #tpu.memory_space<vmem>>, vector<16xi32>,
    %slice3A_519 = vector.extract_strided_slice %get3A_518 {offsets = [0], sizes = [1], strides = [1]} : vector<16xi32> to vector<1xi32>
    %squeeze3A_520 = vector.extract %slice3A_519[0] : i32 from vector<1xi32>
    %get3A_521 = arith.constant 5 : i32
    %get3A_522 = arith.index_cast %get3A_521 : i32 to index
    %get3A_523 = memref.load %arg18[%get3A_522] : memref<64xi32, #tpu.memory_space<smem>>
    %sub3A_524 = arith.subi %squeeze3A_520, %get3A_523 : i32
    %swap3A_525 = arith.constant 23 : i32
    %swap3A_526 = arith.index_cast %swap3A_525 : i32 to index
    %swap3A_527 = memref.load %arg18[%swap3A_526] : memref<64xi32, #tpu.memory_space<smem>>
    memref.store %sub3A_524, %arg18[%swap3A_526] : memref<64xi32, #tpu.memory_space<smem>>
    %get3A_528 = arith.constant 96 : index
    %get3A_529 = tpu.vector_load %arg14[%get3A_528] {strides = array<i32>} : memref<288xi32, #tpu.memory_space<vmem>>, vector<16xi32>,
    %slice3A_530 = vector.extract_strided_slice %get3A_529 {offsets = [0], sizes = [1], strides = [1]} : vector<16xi32> to vector<1xi32>
    %squeeze3A_531 = vector.extract %slice3A_530[0] : i32 from vector<1xi32>
    %get3A_532 = arith.constant 6 : i32
    %get3A_533 = arith.index_cast %get3A_532 : i32 to index
    %get3A_534 = memref.load %arg18[%get3A_533] : memref<64xi32, #tpu.memory_space<smem>>
    %sub3A_535 = arith.subi %squeeze3A_531, %get3A_534 : i32
    %swap3A_536 = arith.constant 24 : i32
    %swap3A_537 = arith.index_cast %swap3A_536 : i32 to index
    %swap3A_538 = memref.load %arg18[%swap3A_537] : memref<64xi32, #tpu.memory_space<smem>>
    memref.store %sub3A_535, %arg18[%swap3A_537] : memref<64xi32, #tpu.memory_space<smem>>
    %get3A_539 = arith.constant 112 : index
    %get3A_540 = tpu.vector_load %arg14[%get3A_539] {strides = array<i32>} : memref<288xi32, #tpu.memory_space<vmem>>, vector<16xi32>,
    %slice3A_541 = vector.extract_strided_slice %get3A_540 {offsets = [0], sizes = [1], strides = [1]} : vector<16xi32> to vector<1xi32>
    %squeeze3A_542 = vector.extract %slice3A_541[0] : i32 from vector<1xi32>
    %get3A_543 = arith.constant 7 : i32
    %get3A_544 = arith.index_cast %get3A_543 : i32 to index
    %get3A_545 = memref.load %arg18[%get3A_544] : memref<64xi32, #tpu.memory_space<smem>>
    %sub3A_546 = arith.subi %squeeze3A_542, %get3A_545 : i32
    %swap3A_547 = arith.constant 25 : i32
    %swap3A_548 = arith.index_cast %swap3A_547 : i32 to index
    %swap3A_549 = memref.load %arg18[%swap3A_548] : memref<64xi32, #tpu.memory_space<smem>>
    memref.store %sub3A_546, %arg18[%swap3A_548] : memref<64xi32, #tpu.memory_space<smem>>
    %get3A_550 = arith.constant 128 : index
    %get3A_551 = tpu.vector_load %arg14[%get3A_550] {strides = array<i32>} : memref<288xi32, #tpu.memory_space<vmem>>, vector<16xi32>,
    %slice3A_552 = vector.extract_strided_slice %get3A_551 {offsets = [0], sizes = [1], strides = [1]} : vector<16xi32> to vector<1xi32>
    %squeeze3A_553 = vector.extract %slice3A_552[0] : i32 from vector<1xi32>
    %get3A_554 = arith.constant 8 : i32
    %get3A_555 = arith.index_cast %get3A_554 : i32 to index
    %get3A_556 = memref.load %arg18[%get3A_555] : memref<64xi32, #tpu.memory_space<smem>>
    %sub3A_557 = arith.subi %squeeze3A_553, %get3A_556 : i32
    %swap3A_558 = arith.constant 26 : i32
    %swap3A_559 = arith.index_cast %swap3A_558 : i32 to index
    %swap3A_560 = memref.load %arg18[%swap3A_559] : memref<64xi32, #tpu.memory_space<smem>>
    memref.store %sub3A_557, %arg18[%swap3A_559] : memref<64xi32, #tpu.memory_space<smem>>
    %get3A_561 = arith.constant 144 : index
    %get3A_562 = tpu.vector_load %arg14[%get3A_561] {strides = array<i32>} : memref<288xi32, #tpu.memory_space<vmem>>, vector<16xi32>,
    %slice3A_563 = vector.extract_strided_slice %get3A_562 {offsets = [0], sizes = [1], strides = [1]} : vector<16xi32> to vector<1xi32>
    %squeeze3A_564 = vector.extract %slice3A_563[0] : i32 from vector<1xi32>
    %get3A_565 = arith.constant 9 : i32
    %get3A_566 = arith.index_cast %get3A_565 : i32 to index
    %get3A_567 = memref.load %arg18[%get3A_566] : memref<64xi32, #tpu.memory_space<smem>>
    %sub3A_568 = arith.subi %squeeze3A_564, %get3A_567 : i32
    %swap3A_569 = arith.constant 27 : i32
    %swap3A_570 = arith.index_cast %swap3A_569 : i32 to index
    %swap3A_571 = memref.load %arg18[%swap3A_570] : memref<64xi32, #tpu.memory_space<smem>>
    memref.store %sub3A_568, %arg18[%swap3A_570] : memref<64xi32, #tpu.memory_space<smem>>
    %get3A_572 = arith.constant 160 : index
    %get3A_573 = tpu.vector_load %arg14[%get3A_572] {strides = array<i32>} : memref<288xi32, #tpu.memory_space<vmem>>, vector<16xi32>,
    %slice3A_574 = vector.extract_strided_slice %get3A_573 {offsets = [0], sizes = [1], strides = [1]} : vector<16xi32> to vector<1xi32>
    %squeeze3A_575 = vector.extract %slice3A_574[0] : i32 from vector<1xi32>
    %get3A_576 = arith.constant 10 : i32
    %get3A_577 = arith.index_cast %get3A_576 : i32 to index
    %get3A_578 = memref.load %arg18[%get3A_577] : memref<64xi32, #tpu.memory_space<smem>>
    %sub3A_579 = arith.subi %squeeze3A_575, %get3A_578 : i32
    %swap3A_580 = arith.constant 28 : i32
    %swap3A_581 = arith.index_cast %swap3A_580 : i32 to index
    %swap3A_582 = memref.load %arg18[%swap3A_581] : memref<64xi32, #tpu.memory_space<smem>>
    memref.store %sub3A_579, %arg18[%swap3A_581] : memref<64xi32, #tpu.memory_space<smem>>
    %get3A_583 = arith.constant 176 : index
    %get3A_584 = tpu.vector_load %arg14[%get3A_583] {strides = array<i32>} : memref<288xi32, #tpu.memory_space<vmem>>, vector<16xi32>,
    %slice3A_585 = vector.extract_strided_slice %get3A_584 {offsets = [0], sizes = [1], strides = [1]} : vector<16xi32> to vector<1xi32>
    %squeeze3A_586 = vector.extract %slice3A_585[0] : i32 from vector<1xi32>
    %get3A_587 = arith.constant 11 : i32
    %get3A_588 = arith.index_cast %get3A_587 : i32 to index
    %get3A_589 = memref.load %arg18[%get3A_588] : memref<64xi32, #tpu.memory_space<smem>>
    %sub3A_590 = arith.subi %squeeze3A_586, %get3A_589 : i32
    %swap3A_591 = arith.constant 29 : i32
    %swap3A_592 = arith.index_cast %swap3A_591 : i32 to index
    %swap3A_593 = memref.load %arg18[%swap3A_592] : memref<64xi32, #tpu.memory_space<smem>>
    memref.store %sub3A_590, %arg18[%swap3A_592] : memref<64xi32, #tpu.memory_space<smem>>
    %get3A_594 = arith.constant 192 : index
    %get3A_595 = tpu.vector_load %arg14[%get3A_594] {strides = array<i32>} : memref<288xi32, #tpu.memory_space<vmem>>, vector<16xi32>,
    %slice3A_596 = vector.extract_strided_slice %get3A_595 {offsets = [0], sizes = [1], strides = [1]} : vector<16xi32> to vector<1xi32>
    %squeeze3A_597 = vector.extract %slice3A_596[0] : i32 from vector<1xi32>
    %get3A_598 = arith.constant 12 : i32
    %get3A_599 = arith.index_cast %get3A_598 : i32 to index
    %get3A_600 = memref.load %arg18[%get3A_599] : memref<64xi32, #tpu.memory_space<smem>>
    %sub3A_601 = arith.subi %squeeze3A_597, %get3A_600 : i32
    %swap3A_602 = arith.constant 30 : i32
    %swap3A_603 = arith.index_cast %swap3A_602 : i32 to index
    %swap3A_604 = memref.load %arg18[%swap3A_603] : memref<64xi32, #tpu.memory_space<smem>>
    memref.store %sub3A_601, %arg18[%swap3A_603] : memref<64xi32, #tpu.memory_space<smem>>
    %get3A_605 = arith.constant 208 : index
    %get3A_606 = tpu.vector_load %arg14[%get3A_605] {strides = array<i32>} : memref<288xi32, #tpu.memory_space<vmem>>, vector<16xi32>,
    %slice3A_607 = vector.extract_strided_slice %get3A_606 {offsets = [0], sizes = [1], strides = [1]} : vector<16xi32> to vector<1xi32>
    %squeeze3A_608 = vector.extract %slice3A_607[0] : i32 from vector<1xi32>
    %get3A_609 = arith.constant 13 : i32
    %get3A_610 = arith.index_cast %get3A_609 : i32 to index
    %get3A_611 = memref.load %arg18[%get3A_610] : memref<64xi32, #tpu.memory_space<smem>>
    %sub3A_612 = arith.subi %squeeze3A_608, %get3A_611 : i32
    %swap3A_613 = arith.constant 31 : i32
    %swap3A_614 = arith.index_cast %swap3A_613 : i32 to index
    %swap3A_615 = memref.load %arg18[%swap3A_614] : memref<64xi32, #tpu.memory_space<smem>>
    memref.store %sub3A_612, %arg18[%swap3A_614] : memref<64xi32, #tpu.memory_space<smem>>
    %get3A_616 = arith.constant 224 : index
    %get3A_617 = tpu.vector_load %arg14[%get3A_616] {strides = array<i32>} : memref<288xi32, #tpu.memory_space<vmem>>, vector<16xi32>,
    %slice3A_618 = vector.extract_strided_slice %get3A_617 {offsets = [0], sizes = [1], strides = [1]} : vector<16xi32> to vector<1xi32>
    %squeeze3A_619 = vector.extract %slice3A_618[0] : i32 from vector<1xi32>
    %get3A_620 = arith.constant 14 : i32
    %get3A_621 = arith.index_cast %get3A_620 : i32 to index
    %get3A_622 = memref.load %arg18[%get3A_621] : memref<64xi32, #tpu.memory_space<smem>>
    %sub3A_623 = arith.subi %squeeze3A_619, %get3A_622 : i32
    %swap3A_624 = arith.constant 32 : i32
    %swap3A_625 = arith.index_cast %swap3A_624 : i32 to index
    %swap3A_626 = memref.load %arg18[%swap3A_625] : memref<64xi32, #tpu.memory_space<smem>>
    memref.store %sub3A_623, %arg18[%swap3A_625] : memref<64xi32, #tpu.memory_space<smem>>
    %get3A_627 = arith.constant 240 : index
    %get3A_628 = tpu.vector_load %arg14[%get3A_627] {strides = array<i32>} : memref<288xi32, #tpu.memory_space<vmem>>, vector<16xi32>,
    %slice3A_629 = vector.extract_strided_slice %get3A_628 {offsets = [0], sizes = [1], strides = [1]} : vector<16xi32> to vector<1xi32>
    %squeeze3A_630 = vector.extract %slice3A_629[0] : i32 from vector<1xi32>
    %get3A_631 = arith.constant 15 : i32
    %get3A_632 = arith.index_cast %get3A_631 : i32 to index
    %get3A_633 = memref.load %arg18[%get3A_632] : memref<64xi32, #tpu.memory_space<smem>>
    %sub3A_634 = arith.subi %squeeze3A_630, %get3A_633 : i32
    %swap3A_635 = arith.constant 33 : i32
    %swap3A_636 = arith.index_cast %swap3A_635 : i32 to index
    %swap3A_637 = memref.load %arg18[%swap3A_636] : memref<64xi32, #tpu.memory_space<smem>>
    memref.store %sub3A_634, %arg18[%swap3A_636] : memref<64xi32, #tpu.memory_space<smem>>
    %get3A_638 = arith.constant 256 : index
    %get3A_639 = tpu.vector_load %arg14[%get3A_638] {strides = array<i32>} : memref<288xi32, #tpu.memory_space<vmem>>, vector<16xi32>,
    %slice3A_640 = vector.extract_strided_slice %get3A_639 {offsets = [0], sizes = [1], strides = [1]} : vector<16xi32> to vector<1xi32>
    %squeeze3A_641 = vector.extract %slice3A_640[0] : i32 from vector<1xi32>
    %get3A_642 = arith.constant 16 : i32
    %get3A_643 = arith.index_cast %get3A_642 : i32 to index
    %get3A_644 = memref.load %arg18[%get3A_643] : memref<64xi32, #tpu.memory_space<smem>>
    %sub3A_645 = arith.subi %squeeze3A_641, %get3A_644 : i32
    %swap3A_646 = arith.constant 34 : i32
    %swap3A_647 = arith.index_cast %swap3A_646 : i32 to index
    %swap3A_648 = memref.load %arg18[%swap3A_647] : memref<64xi32, #tpu.memory_space<smem>>
    memref.store %sub3A_645, %arg18[%swap3A_647] : memref<64xi32, #tpu.memory_space<smem>>
    %get3A_649 = arith.constant 272 : index
    %get3A_650 = tpu.vector_load %arg14[%get3A_649] {strides = array<i32>} : memref<288xi32, #tpu.memory_space<vmem>>, vector<16xi32>,
    %slice3A_651 = vector.extract_strided_slice %get3A_650 {offsets = [0], sizes = [1], strides = [1]} : vector<16xi32> to vector<1xi32>
    %squeeze3A_652 = vector.extract %slice3A_651[0] : i32 from vector<1xi32>
    %get3A_653 = arith.constant 17 : i32
    %get3A_654 = arith.index_cast %get3A_653 : i32 to index
    %get3A_655 = memref.load %arg18[%get3A_654] : memref<64xi32, #tpu.memory_space<smem>>
    %sub3A_656 = arith.subi %squeeze3A_652, %get3A_655 : i32
    %swap3A_657 = arith.constant 35 : i32
    %swap3A_658 = arith.index_cast %swap3A_657 : i32 to index
    %swap3A_659 = memref.load %arg18[%swap3A_658] : memref<64xi32, #tpu.memory_space<smem>>
    memref.store %sub3A_656, %arg18[%swap3A_658] : memref<64xi32, #tpu.memory_space<smem>>
    %swap3A_660 = arith.constant 0 : i32
    %swap3A_661 = arith.constant 36 : i32
    %swap3A_662 = arith.index_cast %swap3A_661 : i32 to index
    %swap3A_663 = memref.load %arg18[%swap3A_662] : memref<64xi32, #tpu.memory_space<smem>>
    memref.store %swap3A_660, %arg18[%swap3A_662] : memref<64xi32, #tpu.memory_space<smem>>
    %swap3A_664 = arith.constant 0 : i32
    %swap3A_665 = arith.constant 37 : i32
    %swap3A_666 = arith.index_cast %swap3A_665 : i32 to index
    %swap3A_667 = memref.load %arg18[%swap3A_666] : memref<64xi32, #tpu.memory_space<smem>>
    memref.store %swap3A_664, %arg18[%swap3A_666] : memref<64xi32, #tpu.memory_space<smem>>
    %swap3A_668 = arith.constant 0 : i32
    %swap3A_669 = arith.constant 38 : i32
    %swap3A_670 = arith.index_cast %swap3A_669 : i32 to index
    %swap3A_671 = memref.load %arg18[%swap3A_670] : memref<64xi32, #tpu.memory_space<smem>>
    memref.store %swap3A_668, %arg18[%swap3A_670] : memref<64xi32, #tpu.memory_space<smem>>
    %scan3A_672 = arith.constant 0 : i32
    %scan3A_673 = arith.constant 0 : i32
    %scan3A_674 = arith.constant 17 : i32
    %scan3A_675 = arith.addi %scan3A_673, %scan3A_674 : i32
    %scan3A_676 = arith.constant 1 : i32
    scf.for %scan3A_2296 = %scan3A_673 to %scan3A_675 step %scan3A_676  : i32 {
      %barrier3A_2297 = arith.constant 0 : index
      tpu.barrier barrier_id(%barrier3A_2297)
      %lt3A_2298 = arith.constant 16 : i32
      %lt3A_2299 = arith.cmpi slt, %scan3A_2296, %lt3A_2298 : i32
      %convert_element_type3A_2300 = arith.extui %lt3A_2299 : i1 to i32
      %cond3A_2301 = arith.constant 0 : i32
      %cond3A_2302 = arith.cmpi ne, %convert_element_type3A_2300, %cond3A_2301 : i32
      scf.if %cond3A_2302 {
        %mul3A_2434 = arith.constant 6144 : i32
        %mul3A_2435 = arith.muli %scan3A_2296, %mul3A_2434 : i32
        %mul3A_2436 = arith.constant 384 : i32
        %mul3A_2437 = arith.muli %arg1, %mul3A_2436 : i32
        %add3A_2438 = arith.addi %mul3A_2435, %mul3A_2437 : i32
        %mul3A_2439 = arith.constant 384 : i32
        %mul3A_2440 = arith.muli %arg1, %mul3A_2439 : i32
        "tpu.region"() ({
          %run_scoped3A_2441 = tpu.sem_alloc : memref<!tpu.dma_semaphore, #tpu.memory_space<semaphore_mem>>
          %dma_start3A = arith.constant 0 : i32
          %dma_start3A_2442 = tpu.memref_slice %arg16[%mul3A_2440, %dma_start3A] : memref<6144x128xf32, #tpu.memory_space<vmem_shared>> -> memref<384x128xf32, #tpu.memory_space<vmem_shared>>
          %dma_start3A_2443 = arith.constant 0 : i32
          %dma_start3A_2444 = tpu.memref_slice %arg2[%add3A_2438, %dma_start3A_2443] : memref<100000x128xf32, #tpu.memory_space<hbm>> -> memref<384x128xf32, #tpu.memory_space<hbm>>
          tpu.enqueue_dma source(%dma_start3A_2444 : memref<384x128xf32, #tpu.memory_space<hbm>>) target(%dma_start3A_2442 : memref<384x128xf32, #tpu.memory_space<vmem_shared>>) target_semaphore(%run_scoped3A_2441 : memref<!tpu.dma_semaphore, #tpu.memory_space<semaphore_mem>>)
          %dma_wait3A = arith.constant 0 : i32
          %dma_wait3A_2445 = tpu.memref_slice %arg16[%mul3A_2440, %dma_wait3A] : memref<6144x128xf32, #tpu.memory_space<vmem_shared>> -> memref<384x128xf32, #tpu.memory_space<vmem_shared>>
          %dma_wait3A_2446 = arith.constant 0 : i32
          %dma_wait3A_2447 = tpu.memref_slice %arg2[%add3A_2438, %dma_wait3A_2446] : memref<100000x128xf32, #tpu.memory_space<hbm>> -> memref<384x128xf32, #tpu.memory_space<hbm>>
          tpu.wait_dma2 semaphore(%run_scoped3A_2441 : memref<!tpu.dma_semaphore, #tpu.memory_space<semaphore_mem>>) src(%dma_wait3A_2447 : memref<384x128xf32, #tpu.memory_space<hbm>>) dst(%dma_wait3A_2445 : memref<384x128xf32, #tpu.memory_space<vmem_shared>>)
          tpu.yield
        }) : () -> ()
      } else {
      }
      %eq3A = arith.constant 16 : i32
      %eq3A_2303 = arith.cmpi eq, %scan3A_2296, %eq3A : i32
      %convert_element_type3A_2304 = arith.extui %eq3A_2303 : i1 to i32
      %cond3A_2305 = arith.constant 0 : i32
      %cond3A_2306 = arith.cmpi ne, %convert_element_type3A_2304, %cond3A_2305 : i32
      scf.if %cond3A_2306 {
        %lt3A_2434 = arith.constant 13 : i32
        %lt3A_2435 = arith.cmpi slt, %arg1, %lt3A_2434 : i32
        %convert_element_type3A_2436 = arith.extui %lt3A_2435 : i1 to i32
        %cond3A_2437 = arith.constant 0 : i32
        %cond3A_2438 = arith.cmpi ne, %convert_element_type3A_2436, %cond3A_2437 : i32
        scf.if %cond3A_2438 {
          %mul3A_2444 = arith.constant 128 : i32
          %mul3A_2445 = arith.muli %arg1, %mul3A_2444 : i32
          %add3A_2446 = arith.constant 98304 : i32
          %add3A_2447 = arith.addi %add3A_2446, %mul3A_2445 : i32
          %mul3A_2448 = arith.constant 128 : i32
          %mul3A_2449 = arith.muli %arg1, %mul3A_2448 : i32
          "tpu.region"() ({
            %run_scoped3A_2450 = tpu.sem_alloc : memref<!tpu.dma_semaphore, #tpu.memory_space<semaphore_mem>>
            %dma_start3A = arith.constant 0 : i32
            %dma_start3A_2451 = tpu.memref_slice %arg16[%mul3A_2449, %dma_start3A] : memref<6144x128xf32, #tpu.memory_space<vmem_shared>> -> memref<128x128xf32, #tpu.memory_space<vmem_shared>>
            %dma_start3A_2452 = arith.constant 0 : i32
            %dma_start3A_2453 = tpu.memref_slice %arg2[%add3A_2447, %dma_start3A_2452] : memref<100000x128xf32, #tpu.memory_space<hbm>> -> memref<128x128xf32, #tpu.memory_space<hbm>>
            tpu.enqueue_dma source(%dma_start3A_2453 : memref<128x128xf32, #tpu.memory_space<hbm>>) target(%dma_start3A_2451 : memref<128x128xf32, #tpu.memory_space<vmem_shared>>) target_semaphore(%run_scoped3A_2450 : memref<!tpu.dma_semaphore, #tpu.memory_space<semaphore_mem>>)
            %dma_wait3A = arith.constant 0 : i32
            %dma_wait3A_2454 = tpu.memref_slice %arg16[%mul3A_2449, %dma_wait3A] : memref<6144x128xf32, #tpu.memory_space<vmem_shared>> -> memref<128x128xf32, #tpu.memory_space<vmem_shared>>
            %dma_wait3A_2455 = arith.constant 0 : i32
            %dma_wait3A_2456 = tpu.memref_slice %arg2[%add3A_2447, %dma_wait3A_2455] : memref<100000x128xf32, #tpu.memory_space<hbm>> -> memref<128x128xf32, #tpu.memory_space<hbm>>
            tpu.wait_dma2 semaphore(%run_scoped3A_2450 : memref<!tpu.dma_semaphore, #tpu.memory_space<semaphore_mem>>) src(%dma_wait3A_2456 : memref<128x128xf32, #tpu.memory_space<hbm>>) dst(%dma_wait3A_2454 : memref<128x128xf32, #tpu.memory_space<vmem_shared>>)
            tpu.yield
          }) : () -> ()
        } else {
        }
        %eq3A_2439 = arith.constant 13 : i32
        %eq3A_2440 = arith.cmpi eq, %arg1, %eq3A_2439 : i32
        %convert_element_type3A_2441 = arith.extui %eq3A_2440 : i1 to i32
        %cond3A_2442 = arith.constant 0 : i32
        %cond3A_2443 = arith.cmpi ne, %convert_element_type3A_2441, %cond3A_2442 : i32
        scf.if %cond3A_2443 {
          "tpu.region"() ({
            %run_scoped3A_2444 = tpu.sem_alloc : memref<!tpu.dma_semaphore, #tpu.memory_space<semaphore_mem>>
            %dma_start3A = arith.constant 1664 : i32
            %dma_start3A_2445 = arith.constant 0 : i32
            %dma_start3A_2446 = tpu.memref_slice %arg16[%dma_start3A, %dma_start3A_2445] : memref<6144x128xf32, #tpu.memory_space<vmem_shared>> -> memref<32x128xf32, #tpu.memory_space<vmem_shared>>
            %dma_start3A_2447 = arith.constant 99968 : i32
            %dma_start3A_2448 = arith.constant 0 : i32
            %dma_start3A_2449 = tpu.memref_slice %arg2[%dma_start3A_2447, %dma_start3A_2448] : memref<100000x128xf32, #tpu.memory_space<hbm>> -> memref<32x128xf32, #tpu.memory_space<hbm>>
            tpu.enqueue_dma source(%dma_start3A_2449 : memref<32x128xf32, #tpu.memory_space<hbm>>) target(%dma_start3A_2446 : memref<32x128xf32, #tpu.memory_space<vmem_shared>>) target_semaphore(%run_scoped3A_2444 : memref<!tpu.dma_semaphore, #tpu.memory_space<semaphore_mem>>)
            %dma_wait3A = arith.constant 1664 : i32
            %dma_wait3A_2450 = arith.constant 0 : i32
            %dma_wait3A_2451 = tpu.memref_slice %arg16[%dma_wait3A, %dma_wait3A_2450] : memref<6144x128xf32, #tpu.memory_space<vmem_shared>> -> memref<32x128xf32, #tpu.memory_space<vmem_shared>>
            %dma_wait3A_2452 = arith.constant 99968 : i32
            %dma_wait3A_2453 = arith.constant 0 : i32
            %dma_wait3A_2454 = tpu.memref_slice %arg2[%dma_wait3A_2452, %dma_wait3A_2453] : memref<100000x128xf32, #tpu.memory_space<hbm>> -> memref<32x128xf32, #tpu.memory_space<hbm>>
            tpu.wait_dma2 semaphore(%run_scoped3A_2444 : memref<!tpu.dma_semaphore, #tpu.memory_space<semaphore_mem>>) src(%dma_wait3A_2454 : memref<32x128xf32, #tpu.memory_space<hbm>>) dst(%dma_wait3A_2451 : memref<32x128xf32, #tpu.memory_space<vmem_shared>>)
            tpu.yield
          }) : () -> ()
        } else {
        }
      } else {
      }
      %barrier3A_2307 = arith.constant 0 : index
      tpu.barrier barrier_id(%barrier3A_2307)
      %mul3A_2308 = arith.constant 6 : i32
      %mul3A_2309 = arith.muli %scan3A_2296, %mul3A_2308 : i32
      %add3A_2310 = arith.constant 0 : i32
      %add3A_2311 = arith.addi %mul3A_2309, %add3A_2310 : i32
      %lt3A_2312 = arith.constant 98 : i32
      %lt3A_2313 = arith.cmpi slt, %add3A_2311, %lt3A_2312 : i32
      %convert_element_type3A_2314 = arith.extui %lt3A_2313 : i1 to i32
      %cond3A_2315 = arith.constant 0 : i32
      %cond3A_2316 = arith.cmpi ne, %convert_element_type3A_2314, %cond3A_2315 : i32
      scf.if %cond3A_2316 {
        "tpu.region"() ({
          %run_scoped3A_2434 = tpu.sem_alloc : memref<!tpu.dma_semaphore, #tpu.memory_space<semaphore_mem>>
          %dma_start3A = arith.constant 0 : i32
          %dma_start3A_2435 = tpu.memref_slice %arg7[%add3A_2311, %dma_start3A] : memref<98x128xi32, #tpu.memory_space<vmem>> -> memref<1x128xi32, #tpu.memory_space<vmem>>
          %dma_start3A_2436 = tpu.memref_squeeze %dma_start3A_2435 : memref<1x128xi32, #tpu.memory_space<vmem>> -> memref<128xi32, #tpu.memory_space<vmem>>
          %dma_start3A_2437 = arith.constant 0 : i32
          %dma_start3A_2438 = tpu.memref_slice %arg17[%dma_start3A_2437] : memref<100352xi32, #tpu.memory_space<vmem_shared>> -> memref<100352xi32, #tpu.memory_space<vmem_shared>>
          tpu.enqueue_indirect_dma source(%arg15 : memref<128xi32, #tpu.memory_space<vmem>>) target(%dma_start3A_2438 : memref<100352xi32, #tpu.memory_space<vmem_shared>>) offsets(%dma_start3A_2436 : memref<128xi32, #tpu.memory_space<vmem>>) semaphore(%run_scoped3A_2434 : memref<!tpu.dma_semaphore, #tpu.memory_space<semaphore_mem>>) {add = true}
          %dma_wait3A = arith.constant 0 : i32
          %dma_wait3A_2439 = tpu.memref_slice %arg7[%add3A_2311, %dma_wait3A] : memref<98x128xi32, #tpu.memory_space<vmem>> -> memref<1x128xi32, #tpu.memory_space<vmem>>
          %dma_wait3A_2440 = tpu.memref_squeeze %dma_wait3A_2439 : memref<1x128xi32, #tpu.memory_space<vmem>> -> memref<128xi32, #tpu.memory_space<vmem>>
          %dma_wait3A_2441 = arith.constant 0 : i32
          %dma_wait3A_2442 = tpu.memref_slice %arg17[%dma_wait3A_2441] : memref<100352xi32, #tpu.memory_space<vmem_shared>> -> memref<100352xi32, #tpu.memory_space<vmem_shared>>
          tpu.wait_indirect_dma semaphore(%run_scoped3A_2434 : memref<!tpu.dma_semaphore, #tpu.memory_space<semaphore_mem>>) src(%arg15 : memref<128xi32, #tpu.memory_space<vmem>>) dst(%dma_wait3A_2442 : memref<100352xi32, #tpu.memory_space<vmem_shared>>)
          tpu.yield
        }) : () -> ()
      } else {
      }
      %mul3A_2317 = arith.constant 6 : i32
      %mul3A_2318 = arith.muli %scan3A_2296, %mul3A_2317 : i32
      %add3A_2319 = arith.constant 1 : i32
      %add3A_2320 = arith.addi %mul3A_2318, %add3A_2319 : i32
      %lt3A_2321 = arith.constant 98 : i32
      %lt3A_2322 = arith.cmpi slt, %add3A_2320, %lt3A_2321 : i32
      %convert_element_type3A_2323 = arith.extui %lt3A_2322 : i1 to i32
      %cond3A_2324 = arith.constant 0 : i32
      %cond3A_2325 = arith.cmpi ne, %convert_element_type3A_2323, %cond3A_2324 : i32
      scf.if %cond3A_2325 {
        "tpu.region"() ({
          %run_scoped3A_2434 = tpu.sem_alloc : memref<!tpu.dma_semaphore, #tpu.memory_space<semaphore_mem>>
          %dma_start3A = arith.constant 0 : i32
          %dma_start3A_2435 = tpu.memref_slice %arg7[%add3A_2320, %dma_start3A] : memref<98x128xi32, #tpu.memory_space<vmem>> -> memref<1x128xi32, #tpu.memory_space<vmem>>
          %dma_start3A_2436 = tpu.memref_squeeze %dma_start3A_2435 : memref<1x128xi32, #tpu.memory_space<vmem>> -> memref<128xi32, #tpu.memory_space<vmem>>
          %dma_start3A_2437 = arith.constant 0 : i32
          %dma_start3A_2438 = tpu.memref_slice %arg17[%dma_start3A_2437] : memref<100352xi32, #tpu.memory_space<vmem_shared>> -> memref<100352xi32, #tpu.memory_space<vmem_shared>>
          tpu.enqueue_indirect_dma source(%arg15 : memref<128xi32, #tpu.memory_space<vmem>>) target(%dma_start3A_2438 : memref<100352xi32, #tpu.memory_space<vmem_shared>>) offsets(%dma_start3A_2436 : memref<128xi32, #tpu.memory_space<vmem>>) semaphore(%run_scoped3A_2434 : memref<!tpu.dma_semaphore, #tpu.memory_space<semaphore_mem>>) {add = true}
          %dma_wait3A = arith.constant 0 : i32
          %dma_wait3A_2439 = tpu.memref_slice %arg7[%add3A_2320, %dma_wait3A] : memref<98x128xi32, #tpu.memory_space<vmem>> -> memref<1x128xi32, #tpu.memory_space<vmem>>
          %dma_wait3A_2440 = tpu.memref_squeeze %dma_wait3A_2439 : memref<1x128xi32, #tpu.memory_space<vmem>> -> memref<128xi32, #tpu.memory_space<vmem>>
          %dma_wait3A_2441 = arith.constant 0 : i32
          %dma_wait3A_2442 = tpu.memref_slice %arg17[%dma_wait3A_2441] : memref<100352xi32, #tpu.memory_space<vmem_shared>> -> memref<100352xi32, #tpu.memory_space<vmem_shared>>
          tpu.wait_indirect_dma semaphore(%run_scoped3A_2434 : memref<!tpu.dma_semaphore, #tpu.memory_space<semaphore_mem>>) src(%arg15 : memref<128xi32, #tpu.memory_space<vmem>>) dst(%dma_wait3A_2442 : memref<100352xi32, #tpu.memory_space<vmem_shared>>)
          tpu.yield
        }) : () -> ()
      } else {
      }
      %mul3A_2326 = arith.constant 6 : i32
      %mul3A_2327 = arith.muli %scan3A_2296, %mul3A_2326 : i32
      %add3A_2328 = arith.constant 2 : i32
      %add3A_2329 = arith.addi %mul3A_2327, %add3A_2328 : i32
      %lt3A_2330 = arith.constant 98 : i32
      %lt3A_2331 = arith.cmpi slt, %add3A_2329, %lt3A_2330 : i32
      %convert_element_type3A_2332 = arith.extui %lt3A_2331 : i1 to i32
      %cond3A_2333 = arith.constant 0 : i32
      %cond3A_2334 = arith.cmpi ne, %convert_element_type3A_2332, %cond3A_2333 : i32
      scf.if %cond3A_2334 {
        "tpu.region"() ({
          %run_scoped3A_2434 = tpu.sem_alloc : memref<!tpu.dma_semaphore, #tpu.memory_space<semaphore_mem>>
          %dma_start3A = arith.constant 0 : i32
          %dma_start3A_2435 = tpu.memref_slice %arg7[%add3A_2329, %dma_start3A] : memref<98x128xi32, #tpu.memory_space<vmem>> -> memref<1x128xi32, #tpu.memory_space<vmem>>
          %dma_start3A_2436 = tpu.memref_squeeze %dma_start3A_2435 : memref<1x128xi32, #tpu.memory_space<vmem>> -> memref<128xi32, #tpu.memory_space<vmem>>
          %dma_start3A_2437 = arith.constant 0 : i32
          %dma_start3A_2438 = tpu.memref_slice %arg17[%dma_start3A_2437] : memref<100352xi32, #tpu.memory_space<vmem_shared>> -> memref<100352xi32, #tpu.memory_space<vmem_shared>>
          tpu.enqueue_indirect_dma source(%arg15 : memref<128xi32, #tpu.memory_space<vmem>>) target(%dma_start3A_2438 : memref<100352xi32, #tpu.memory_space<vmem_shared>>) offsets(%dma_start3A_2436 : memref<128xi32, #tpu.memory_space<vmem>>) semaphore(%run_scoped3A_2434 : memref<!tpu.dma_semaphore, #tpu.memory_space<semaphore_mem>>) {add = true}
          %dma_wait3A = arith.constant 0 : i32
          %dma_wait3A_2439 = tpu.memref_slice %arg7[%add3A_2329, %dma_wait3A] : memref<98x128xi32, #tpu.memory_space<vmem>> -> memref<1x128xi32, #tpu.memory_space<vmem>>
          %dma_wait3A_2440 = tpu.memref_squeeze %dma_wait3A_2439 : memref<1x128xi32, #tpu.memory_space<vmem>> -> memref<128xi32, #tpu.memory_space<vmem>>
          %dma_wait3A_2441 = arith.constant 0 : i32
          %dma_wait3A_2442 = tpu.memref_slice %arg17[%dma_wait3A_2441] : memref<100352xi32, #tpu.memory_space<vmem_shared>> -> memref<100352xi32, #tpu.memory_space<vmem_shared>>
          tpu.wait_indirect_dma semaphore(%run_scoped3A_2434 : memref<!tpu.dma_semaphore, #tpu.memory_space<semaphore_mem>>) src(%arg15 : memref<128xi32, #tpu.memory_space<vmem>>) dst(%dma_wait3A_2442 : memref<100352xi32, #tpu.memory_space<vmem_shared>>)
          tpu.yield
        }) : () -> ()
      } else {
      }
      %mul3A_2335 = arith.constant 6 : i32
      %mul3A_2336 = arith.muli %scan3A_2296, %mul3A_2335 : i32
      %add3A_2337 = arith.constant 3 : i32
      %add3A_2338 = arith.addi %mul3A_2336, %add3A_2337 : i32
      %lt3A_2339 = arith.constant 98 : i32
      %lt3A_2340 = arith.cmpi slt, %add3A_2338, %lt3A_2339 : i32
      %convert_element_type3A_2341 = arith.extui %lt3A_2340 : i1 to i32
      %cond3A_2342 = arith.constant 0 : i32
      %cond3A_2343 = arith.cmpi ne, %convert_element_type3A_2341, %cond3A_2342 : i32
      scf.if %cond3A_2343 {
        "tpu.region"() ({
          %run_scoped3A_2434 = tpu.sem_alloc : memref<!tpu.dma_semaphore, #tpu.memory_space<semaphore_mem>>
          %dma_start3A = arith.constant 0 : i32
          %dma_start3A_2435 = tpu.memref_slice %arg7[%add3A_2338, %dma_start3A] : memref<98x128xi32, #tpu.memory_space<vmem>> -> memref<1x128xi32, #tpu.memory_space<vmem>>
          %dma_start3A_2436 = tpu.memref_squeeze %dma_start3A_2435 : memref<1x128xi32, #tpu.memory_space<vmem>> -> memref<128xi32, #tpu.memory_space<vmem>>
          %dma_start3A_2437 = arith.constant 0 : i32
          %dma_start3A_2438 = tpu.memref_slice %arg17[%dma_start3A_2437] : memref<100352xi32, #tpu.memory_space<vmem_shared>> -> memref<100352xi32, #tpu.memory_space<vmem_shared>>
          tpu.enqueue_indirect_dma source(%arg15 : memref<128xi32, #tpu.memory_space<vmem>>) target(%dma_start3A_2438 : memref<100352xi32, #tpu.memory_space<vmem_shared>>) offsets(%dma_start3A_2436 : memref<128xi32, #tpu.memory_space<vmem>>) semaphore(%run_scoped3A_2434 : memref<!tpu.dma_semaphore, #tpu.memory_space<semaphore_mem>>) {add = true}
          %dma_wait3A = arith.constant 0 : i32
          %dma_wait3A_2439 = tpu.memref_slice %arg7[%add3A_2338, %dma_wait3A] : memref<98x128xi32, #tpu.memory_space<vmem>> -> memref<1x128xi32, #tpu.memory_space<vmem>>
          %dma_wait3A_2440 = tpu.memref_squeeze %dma_wait3A_2439 : memref<1x128xi32, #tpu.memory_space<vmem>> -> memref<128xi32, #tpu.memory_space<vmem>>
          %dma_wait3A_2441 = arith.constant 0 : i32
          %dma_wait3A_2442 = tpu.memref_slice %arg17[%dma_wait3A_2441] : memref<100352xi32, #tpu.memory_space<vmem_shared>> -> memref<100352xi32, #tpu.memory_space<vmem_shared>>
          tpu.wait_indirect_dma semaphore(%run_scoped3A_2434 : memref<!tpu.dma_semaphore, #tpu.memory_space<semaphore_mem>>) src(%arg15 : memref<128xi32, #tpu.memory_space<vmem>>) dst(%dma_wait3A_2442 : memref<100352xi32, #tpu.memory_space<vmem_shared>>)
          tpu.yield
        }) : () -> ()
      } else {
      }
      %mul3A_2344 = arith.constant 6 : i32
      %mul3A_2345 = arith.muli %scan3A_2296, %mul3A_2344 : i32
      %add3A_2346 = arith.constant 4 : i32
      %add3A_2347 = arith.addi %mul3A_2345, %add3A_2346 : i32
      %lt3A_2348 = arith.constant 98 : i32
      %lt3A_2349 = arith.cmpi slt, %add3A_2347, %lt3A_2348 : i32
      %convert_element_type3A_2350 = arith.extui %lt3A_2349 : i1 to i32
      %cond3A_2351 = arith.constant 0 : i32
      %cond3A_2352 = arith.cmpi ne, %convert_element_type3A_2350, %cond3A_2351 : i32
      scf.if %cond3A_2352 {
        "tpu.region"() ({
          %run_scoped3A_2434 = tpu.sem_alloc : memref<!tpu.dma_semaphore, #tpu.memory_space<semaphore_mem>>
          %dma_start3A = arith.constant 0 : i32
          %dma_start3A_2435 = tpu.memref_slice %arg7[%add3A_2347, %dma_start3A] : memref<98x128xi32, #tpu.memory_space<vmem>> -> memref<1x128xi32, #tpu.memory_space<vmem>>
          %dma_start3A_2436 = tpu.memref_squeeze %dma_start3A_2435 : memref<1x128xi32, #tpu.memory_space<vmem>> -> memref<128xi32, #tpu.memory_space<vmem>>
          %dma_start3A_2437 = arith.constant 0 : i32
          %dma_start3A_2438 = tpu.memref_slice %arg17[%dma_start3A_2437] : memref<100352xi32, #tpu.memory_space<vmem_shared>> -> memref<100352xi32, #tpu.memory_space<vmem_shared>>
          tpu.enqueue_indirect_dma source(%arg15 : memref<128xi32, #tpu.memory_space<vmem>>) target(%dma_start3A_2438 : memref<100352xi32, #tpu.memory_space<vmem_shared>>) offsets(%dma_start3A_2436 : memref<128xi32, #tpu.memory_space<vmem>>) semaphore(%run_scoped3A_2434 : memref<!tpu.dma_semaphore, #tpu.memory_space<semaphore_mem>>) {add = true}
          %dma_wait3A = arith.constant 0 : i32
          %dma_wait3A_2439 = tpu.memref_slice %arg7[%add3A_2347, %dma_wait3A] : memref<98x128xi32, #tpu.memory_space<vmem>> -> memref<1x128xi32, #tpu.memory_space<vmem>>
          %dma_wait3A_2440 = tpu.memref_squeeze %dma_wait3A_2439 : memref<1x128xi32, #tpu.memory_space<vmem>> -> memref<128xi32, #tpu.memory_space<vmem>>
          %dma_wait3A_2441 = arith.constant 0 : i32
          %dma_wait3A_2442 = tpu.memref_slice %arg17[%dma_wait3A_2441] : memref<100352xi32, #tpu.memory_space<vmem_shared>> -> memref<100352xi32, #tpu.memory_space<vmem_shared>>
          tpu.wait_indirect_dma semaphore(%run_scoped3A_2434 : memref<!tpu.dma_semaphore, #tpu.memory_space<semaphore_mem>>) src(%arg15 : memref<128xi32, #tpu.memory_space<vmem>>) dst(%dma_wait3A_2442 : memref<100352xi32, #tpu.memory_space<vmem_shared>>)
          tpu.yield
        }) : () -> ()
      } else {
      }
      %mul3A_2353 = arith.constant 6 : i32
      %mul3A_2354 = arith.muli %scan3A_2296, %mul3A_2353 : i32
      %add3A_2355 = arith.constant 5 : i32
      %add3A_2356 = arith.addi %mul3A_2354, %add3A_2355 : i32
      %lt3A_2357 = arith.constant 98 : i32
      %lt3A_2358 = arith.cmpi slt, %add3A_2356, %lt3A_2357 : i32
      %convert_element_type3A_2359 = arith.extui %lt3A_2358 : i1 to i32
      %cond3A_2360 = arith.constant 0 : i32
      %cond3A_2361 = arith.cmpi ne, %convert_element_type3A_2359, %cond3A_2360 : i32
      scf.if %cond3A_2361 {
        "tpu.region"() ({
          %run_scoped3A_2434 = tpu.sem_alloc : memref<!tpu.dma_semaphore, #tpu.memory_space<semaphore_mem>>
          %dma_start3A = arith.constant 0 : i32
          %dma_start3A_2435 = tpu.memref_slice %arg7[%add3A_2356, %dma_start3A] : memref<98x128xi32, #tpu.memory_space<vmem>> -> memref<1x128xi32, #tpu.memory_space<vmem>>
          %dma_start3A_2436 = tpu.memref_squeeze %dma_start3A_2435 : memref<1x128xi32, #tpu.memory_space<vmem>> -> memref<128xi32, #tpu.memory_space<vmem>>
          %dma_start3A_2437 = arith.constant 0 : i32
          %dma_start3A_2438 = tpu.memref_slice %arg17[%dma_start3A_2437] : memref<100352xi32, #tpu.memory_space<vmem_shared>> -> memref<100352xi32, #tpu.memory_space<vmem_shared>>
          tpu.enqueue_indirect_dma source(%arg15 : memref<128xi32, #tpu.memory_space<vmem>>) target(%dma_start3A_2438 : memref<100352xi32, #tpu.memory_space<vmem_shared>>) offsets(%dma_start3A_2436 : memref<128xi32, #tpu.memory_space<vmem>>) semaphore(%run_scoped3A_2434 : memref<!tpu.dma_semaphore, #tpu.memory_space<semaphore_mem>>) {add = true}
          %dma_wait3A = arith.constant 0 : i32
          %dma_wait3A_2439 = tpu.memref_slice %arg7[%add3A_2356, %dma_wait3A] : memref<98x128xi32, #tpu.memory_space<vmem>> -> memref<1x128xi32, #tpu.memory_space<vmem>>
          %dma_wait3A_2440 = tpu.memref_squeeze %dma_wait3A_2439 : memref<1x128xi32, #tpu.memory_space<vmem>> -> memref<128xi32, #tpu.memory_space<vmem>>
          %dma_wait3A_2441 = arith.constant 0 : i32
          %dma_wait3A_2442 = tpu.memref_slice %arg17[%dma_wait3A_2441] : memref<100352xi32, #tpu.memory_space<vmem_shared>> -> memref<100352xi32, #tpu.memory_space<vmem_shared>>
          tpu.wait_indirect_dma semaphore(%run_scoped3A_2434 : memref<!tpu.dma_semaphore, #tpu.memory_space<semaphore_mem>>) src(%arg15 : memref<128xi32, #tpu.memory_space<vmem>>) dst(%dma_wait3A_2442 : memref<100352xi32, #tpu.memory_space<vmem_shared>>)
          tpu.yield
        }) : () -> ()
      } else {
      }
      %get3A_2362 = arith.index_cast %scan3A_2296 : i32 to index
      %get3A_2363 = memref.load %arg18[%get3A_2362] : memref<64xi32, #tpu.memory_space<smem>>
      %add3A_2364 = arith.constant 18 : i32
      %add3A_2365 = arith.addi %add3A_2364, %scan3A_2296 : i32
      %get3A_2366 = arith.index_cast %add3A_2365 : i32 to index
      %get3A_2367 = memref.load %arg18[%get3A_2366] : memref<64xi32, #tpu.memory_space<smem>>
      %add3A_2368 = arith.constant 32 : i32
      %add3A_2369 = arith.addi %get3A_2367, %add3A_2368 : i32
      %sub3A_2370 = arith.constant 1 : i32
      %sub3A_2371 = arith.subi %add3A_2369, %sub3A_2370 : i32
      %jit3A_2372 = arith.constant 32 : i32
      %div3A_2373 = arith.divsi %sub3A_2371, %jit3A_2372 : i32
      %sign3A_2374 = arith.constant 0 : i32
      %sign3A_2375 = arith.cmpi sgt, %sub3A_2371, %sign3A_2374 : i32
      %sign3A_2376 = arith.extui %sign3A_2375 : i1 to i32
      %sign3A_2377 = arith.constant 0 : i32
      %sign3A_2378 = arith.cmpi slt, %sub3A_2371, %sign3A_2377 : i32
      %sign3A_2379 = arith.extui %sign3A_2378 : i1 to i32
      %sign3A_2380 = arith.subi %sign3A_2376, %sign3A_2379 : i32
      %sign3A_2381 = arith.constant 0 : i32
      %sign3A_2382 = arith.cmpi sgt, %jit3A_2372, %sign3A_2381 : i32
      %sign3A_2383 = arith.extui %sign3A_2382 : i1 to i32
      %sign3A_2384 = arith.constant 0 : i32
      %sign3A_2385 = arith.cmpi slt, %jit3A_2372, %sign3A_2384 : i32
      %sign3A_2386 = arith.extui %sign3A_2385 : i1 to i32
      %sign3A_2387 = arith.subi %sign3A_2383, %sign3A_2386 : i32
      %ne3A_2388 = arith.cmpi ne, %sign3A_2380, %sign3A_2387 : i32
      %rem3A_2389 = arith.remsi %sub3A_2371, %jit3A_2372 : i32
      %ne3A_2390 = arith.constant 0 : i32
      %ne3A_2391 = arith.cmpi ne, %rem3A_2389, %ne3A_2390 : i32
      %and3A_2392 = arith.andi %ne3A_2388, %ne3A_2391 : i1
      %sub3A_2393 = arith.constant 1 : i32
      %sub3A_2394 = arith.subi %div3A_2373, %sub3A_2393 : i32
      %select_n3A_2395 = arith.select %and3A_2392, %sub3A_2394, %div3A_2373 : i32
      %add3A_2396 = arith.constant 3 : i32
      %add3A_2397 = arith.addi %select_n3A_2395, %add3A_2396 : i32
      %sub3A_2398 = arith.constant 1 : i32
      %sub3A_2399 = arith.subi %add3A_2397, %sub3A_2398 : i32
      %jit3A_2400 = arith.constant 3 : i32
      %div3A_2401 = arith.divsi %sub3A_2399, %jit3A_2400 : i32
      %sign3A_2402 = arith.constant 0 : i32
      %sign3A_2403 = arith.cmpi sgt, %sub3A_2399, %sign3A_2402 : i32
      %sign3A_2404 = arith.extui %sign3A_2403 : i1 to i32
      %sign3A_2405 = arith.constant 0 : i32
      %sign3A_2406 = arith.cmpi slt, %sub3A_2399, %sign3A_2405 : i32
      %sign3A_2407 = arith.extui %sign3A_2406 : i1 to i32
      %sign3A_2408 = arith.subi %sign3A_2404, %sign3A_2407 : i32
      %sign3A_2409 = arith.constant 0 : i32
      %sign3A_2410 = arith.cmpi sgt, %jit3A_2400, %sign3A_2409 : i32
      %sign3A_2411 = arith.extui %sign3A_2410 : i1 to i32
      %sign3A_2412 = arith.constant 0 : i32
      %sign3A_2413 = arith.cmpi slt, %jit3A_2400, %sign3A_2412 : i32
      %sign3A_2414 = arith.extui %sign3A_2413 : i1 to i32
      %sign3A_2415 = arith.subi %sign3A_2411, %sign3A_2414 : i32
      %ne3A_2416 = arith.cmpi ne, %sign3A_2408, %sign3A_2415 : i32
      %rem3A_2417 = arith.remsi %sub3A_2399, %jit3A_2400 : i32
      %ne3A_2418 = arith.constant 0 : i32
      %ne3A_2419 = arith.cmpi ne, %rem3A_2417, %ne3A_2418 : i32
      %and3A_2420 = arith.andi %ne3A_2416, %ne3A_2419 : i1
      %sub3A_2421 = arith.constant 1 : i32
      %sub3A_2422 = arith.subi %div3A_2401, %sub3A_2421 : i32
      %select_n3A_2423 = arith.select %and3A_2420, %sub3A_2422, %div3A_2401 : i32
      %while3A_2424 = arith.constant 0 : i32
      %while3A_2425 = arith.constant 0 : i32
      %while3A_2426 = arith.subi %select_n3A_2423, %while3A_2425 : i32
      %while3A_2427 = arith.addi %while3A_2425, %while3A_2426 : i32
      %while3A_2428 = arith.constant 1 : i32
      %while3A_2429 = arith.divsi %while3A_2426, %while3A_2428 : i32
      %while3A_2430 = arith.muli %while3A_2429, %while3A_2428 : i32
      %while3A_2431 = arith.addi %while3A_2425, %while3A_2430 : i32
      %while3A_2432 = arith.constant 1 : i32
      scf.for %while3A_2434 = %while3A_2425 to %while3A_2431 step %while3A_2432  : i32 {
        %mul3A_2435 = arith.constant 3 : i32
        %mul3A_2436 = arith.muli %while3A_2434, %mul3A_2435 : i32
        %add3A_2437 = arith.constant 0 : i32
        %add3A_2438 = arith.addi %mul3A_2436, %add3A_2437 : i32
        %lt3A_2439 = arith.cmpi slt, %add3A_2438, %select_n3A_2395 : i32
        %convert_element_type3A_2440 = arith.extui %lt3A_2439 : i1 to i32
        %cond3A_2441 = arith.constant 0 : i32
        %cond3A_2442 = arith.cmpi ne, %convert_element_type3A_2440, %cond3A_2441 : i32
        scf.if %cond3A_2442 {
          %mul3A_2459 = arith.constant 32 : i32
          %mul3A_2460 = arith.muli %add3A_2438, %mul3A_2459 : i32
          %add3A_2461 = arith.addi %get3A_2363, %mul3A_2460 : i32
          %multiple_of3A = tpu.assume_multiple %add3A_2461, 16 : i32
          %get3A_2462 = arith.constant 36 : i32
          %get3A_2463 = arith.index_cast %get3A_2462 : i32 to index
          %get3A_2464 = memref.load %arg18[%get3A_2463] : memref<64xi32, #tpu.memory_space<smem>>
          %gt3A_2465 = arith.constant 0 : i32
          %gt3A_2466 = arith.cmpi sgt, %get3A_2464, %gt3A_2465 : i32
          %convert_element_type3A_2467 = arith.extui %gt3A_2466 : i1 to i32
          %cond3A_2468 = arith.constant 0 : i32
          %cond3A_2469 = arith.cmpi ne, %convert_element_type3A_2467, %cond3A_2468 : i32
          scf.if %cond3A_2469 {
            %iota3A_2529 = tpu.iota {dimensions = array<i32: 0>} : vector<16xi32>
            %dma_wait3A_2530 = arith.constant 0 : i32
            %dma_wait3A_2531 = arith.constant 0 : i32
            %dma_wait3A_2532 = arith.constant 0 : i32
            %dma_wait3A_2533 = arith.constant 0 : i32
            %dma_wait3A_2534 = tpu.memref_slice %arg11[%dma_wait3A_2530, %dma_wait3A_2532, %dma_wait3A_2533] : memref<3x32x128xf32, #tpu.memory_space<vmem>> -> memref<1x16x128xf32, #tpu.memory_space<vmem>>
            %dma_wait3A_2535 = tpu.memref_squeeze %dma_wait3A_2534 : memref<1x16x128xf32, #tpu.memory_space<vmem>> -> memref<16x128xf32, #tpu.memory_space<vmem>>
            %dma_wait3A_2536 = arith.constant 0 : i32
            %dma_wait3A_2537 = arith.constant 0 : i32
            %dma_wait3A_2538 = tpu.memref_slice %arg5[%dma_wait3A_2536, %dma_wait3A_2537] : memref<401408x128xf32, #tpu.memory_space<hbm>> -> memref<401408x128xf32, #tpu.memory_space<hbm>>
            %dma_wait3A_2539 = tpu.memref_slice %arg20[%dma_wait3A_2531] : memref<3x!tpu.dma_semaphore, #tpu.memory_space<semaphore_mem>> -> memref<1x!tpu.dma_semaphore, #tpu.memory_space<semaphore_mem>>
            %dma_wait3A_2540 = tpu.memref_squeeze %dma_wait3A_2539 : memref<1x!tpu.dma_semaphore, #tpu.memory_space<semaphore_mem>> -> memref<!tpu.dma_semaphore, #tpu.memory_space<semaphore_mem>>
            tpu.wait_indirect_dma semaphore(%dma_wait3A_2540 : memref<!tpu.dma_semaphore, #tpu.memory_space<semaphore_mem>>) src(%dma_wait3A_2535 : memref<16x128xf32, #tpu.memory_space<vmem>>) dst(%dma_wait3A_2538 : memref<401408x128xf32, #tpu.memory_space<hbm>>)
            %iota3A_2541 = tpu.iota {dimensions = array<i32: 0>} : vector<16xi32>
            %dma_wait3A_2542 = arith.constant 0 : i32
            %dma_wait3A_2543 = arith.constant 0 : i32
            %dma_wait3A_2544 = arith.constant 16 : i32
            %dma_wait3A_2545 = arith.constant 0 : i32
            %dma_wait3A_2546 = tpu.memref_slice %arg11[%dma_wait3A_2542, %dma_wait3A_2544, %dma_wait3A_2545] : memref<3x32x128xf32, #tpu.memory_space<vmem>> -> memref<1x16x128xf32, #tpu.memory_space<vmem>>
            %dma_wait3A_2547 = tpu.memref_squeeze %dma_wait3A_2546 : memref<1x16x128xf32, #tpu.memory_space<vmem>> -> memref<16x128xf32, #tpu.memory_space<vmem>>
            %dma_wait3A_2548 = arith.constant 0 : i32
            %dma_wait3A_2549 = arith.constant 0 : i32
            %dma_wait3A_2550 = tpu.memref_slice %arg5[%dma_wait3A_2548, %dma_wait3A_2549] : memref<401408x128xf32, #tpu.memory_space<hbm>> -> memref<401408x128xf32, #tpu.memory_space<hbm>>
            %dma_wait3A_2551 = tpu.memref_slice %arg20[%dma_wait3A_2543] : memref<3x!tpu.dma_semaphore, #tpu.memory_space<semaphore_mem>> -> memref<1x!tpu.dma_semaphore, #tpu.memory_space<semaphore_mem>>
            %dma_wait3A_2552 = tpu.memref_squeeze %dma_wait3A_2551 : memref<1x!tpu.dma_semaphore, #tpu.memory_space<semaphore_mem>> -> memref<!tpu.dma_semaphore, #tpu.memory_space<semaphore_mem>>
            tpu.wait_indirect_dma semaphore(%dma_wait3A_2552 : memref<!tpu.dma_semaphore, #tpu.memory_space<semaphore_mem>>) src(%dma_wait3A_2547 : memref<16x128xf32, #tpu.memory_space<vmem>>) dst(%dma_wait3A_2550 : memref<401408x128xf32, #tpu.memory_space<hbm>>)
          } else {
          }
          %dma_start3A = arith.constant 0 : i32
          %dma_start3A_2470 = arith.constant 0 : i32
          %dma_start3A_2471 = arith.constant 0 : i32
          %dma_start3A_2472 = arith.constant 0 : i32
          %dma_start3A_2473 = tpu.memref_slice %arg11[%dma_start3A, %dma_start3A_2471, %dma_start3A_2472] : memref<3x32x128xf32, #tpu.memory_space<vmem>> -> memref<1x32x128xf32, #tpu.memory_space<vmem>>
          %dma_start3A_2474 = tpu.memref_squeeze %dma_start3A_2473 : memref<1x32x128xf32, #tpu.memory_space<vmem>> -> memref<32x128xf32, #tpu.memory_space<vmem>>
          %dma_start3A_2475 = tpu.memref_slice %arg9[%multiple_of3A] : memref<13166xi32, #tpu.memory_space<vmem>> -> memref<32xi32, #tpu.memory_space<vmem>>
          %dma_start3A_2476 = arith.constant 0 : i32
          %dma_start3A_2477 = arith.constant 0 : i32
          %dma_start3A_2478 = tpu.memref_slice %arg16[%dma_start3A_2476, %dma_start3A_2477] : memref<6144x128xf32, #tpu.memory_space<vmem_shared>> -> memref<6144x128xf32, #tpu.memory_space<vmem_shared>>
          %dma_start3A_2479 = tpu.memref_slice %arg19[%dma_start3A_2470] : memref<3x!tpu.dma_semaphore, #tpu.memory_space<semaphore_mem>> -> memref<1x!tpu.dma_semaphore, #tpu.memory_space<semaphore_mem>>
          %dma_start3A_2480 = tpu.memref_squeeze %dma_start3A_2479 : memref<1x!tpu.dma_semaphore, #tpu.memory_space<semaphore_mem>> -> memref<!tpu.dma_semaphore, #tpu.memory_space<semaphore_mem>>
          tpu.enqueue_indirect_dma source(%dma_start3A_2478 : memref<6144x128xf32, #tpu.memory_space<vmem_shared>>) target(%dma_start3A_2474 : memref<32x128xf32, #tpu.memory_space<vmem>>) offsets(%dma_start3A_2475 : memref<32xi32, #tpu.memory_space<vmem>>) semaphore(%dma_start3A_2480 : memref<!tpu.dma_semaphore, #tpu.memory_space<semaphore_mem>>)
          %dma_wait3A = arith.constant 0 : i32
          %dma_wait3A_2481 = arith.constant 0 : i32
          %dma_wait3A_2482 = arith.constant 0 : i32
          %dma_wait3A_2483 = arith.constant 0 : i32
          %dma_wait3A_2484 = tpu.memref_slice %arg11[%dma_wait3A, %dma_wait3A_2482, %dma_wait3A_2483] : memref<3x32x128xf32, #tpu.memory_space<vmem>> -> memref<1x32x128xf32, #tpu.memory_space<vmem>>
          %dma_wait3A_2485 = tpu.memref_squeeze %dma_wait3A_2484 : memref<1x32x128xf32, #tpu.memory_space<vmem>> -> memref<32x128xf32, #tpu.memory_space<vmem>>
          %dma_wait3A_2486 = tpu.memref_slice %arg9[%multiple_of3A] : memref<13166xi32, #tpu.memory_space<vmem>> -> memref<32xi32, #tpu.memory_space<vmem>>
          %dma_wait3A_2487 = arith.constant 0 : i32
          %dma_wait3A_2488 = arith.constant 0 : i32
          %dma_wait3A_2489 = tpu.memref_slice %arg16[%dma_wait3A_2487, %dma_wait3A_2488] : memref<6144x128xf32, #tpu.memory_space<vmem_shared>> -> memref<6144x128xf32, #tpu.memory_space<vmem_shared>>
          %dma_wait3A_2490 = tpu.memref_slice %arg19[%dma_wait3A_2481] : memref<3x!tpu.dma_semaphore, #tpu.memory_space<semaphore_mem>> -> memref<1x!tpu.dma_semaphore, #tpu.memory_space<semaphore_mem>>
          %dma_wait3A_2491 = tpu.memref_squeeze %dma_wait3A_2490 : memref<1x!tpu.dma_semaphore, #tpu.memory_space<semaphore_mem>> -> memref<!tpu.dma_semaphore, #tpu.memory_space<semaphore_mem>>
          tpu.wait_indirect_dma semaphore(%dma_wait3A_2491 : memref<!tpu.dma_semaphore, #tpu.memory_space<semaphore_mem>>) src(%dma_wait3A_2489 : memref<6144x128xf32, #tpu.memory_space<vmem_shared>>) dst(%dma_wait3A_2485 : memref<32x128xf32, #tpu.memory_space<vmem>>)
          %add3A_2492 = arith.constant 0 : i32
          %add3A_2493 = arith.addi %multiple_of3A, %add3A_2492 : i32
          %iota3A_2494 = tpu.iota {dimensions = array<i32: 0>} : vector<16xi32>
          %add3A_2495 = vector.broadcast %add3A_2493 : i32 to vector<16xi32>
          %add3A_2496 = arith.addi %add3A_2495, %iota3A_2494 : vector<16xi32>
          %gather3A = tpu.vector_load_idx %arg10[%add3A_2496] : memref<13166xi32, #tpu.memory_space<vmem>>[vector<16xi32>], vector<16xi32>,
          %dma_start3A_2497 = arith.constant 0 : i32
          %dma_start3A_2498 = arith.constant 0 : i32
          %dma_start3A_2499 = arith.constant 0 : i32
          %dma_start3A_2500 = arith.constant 0 : i32
          %dma_start3A_2501 = tpu.memref_slice %arg11[%dma_start3A_2497, %dma_start3A_2499, %dma_start3A_2500] : memref<3x32x128xf32, #tpu.memory_space<vmem>> -> memref<1x16x128xf32, #tpu.memory_space<vmem>>
          %dma_start3A_2502 = tpu.memref_squeeze %dma_start3A_2501 : memref<1x16x128xf32, #tpu.memory_space<vmem>> -> memref<16x128xf32, #tpu.memory_space<vmem>>
          %dma_start3A_2503 = arith.constant 0 : i32
          %dma_start3A_2504 = arith.constant 0 : i32
          %dma_start3A_2505 = tpu.memref_slice %arg5[%dma_start3A_2503, %dma_start3A_2504] : memref<401408x128xf32, #tpu.memory_space<hbm>> -> memref<401408x128xf32, #tpu.memory_space<hbm>>
          %dma_start3A_2506 = tpu.memref_slice %arg20[%dma_start3A_2498] : memref<3x!tpu.dma_semaphore, #tpu.memory_space<semaphore_mem>> -> memref<1x!tpu.dma_semaphore, #tpu.memory_space<semaphore_mem>>
          %dma_start3A_2507 = tpu.memref_squeeze %dma_start3A_2506 : memref<1x!tpu.dma_semaphore, #tpu.memory_space<semaphore_mem>> -> memref<!tpu.dma_semaphore, #tpu.memory_space<semaphore_mem>>
          tpu.enqueue_indirect_dma source(%dma_start3A_2502 : memref<16x128xf32, #tpu.memory_space<vmem>>) target(%dma_start3A_2505 : memref<401408x128xf32, #tpu.memory_space<hbm>>) offsets(%gather3A : vector<16xi32>) semaphore(%dma_start3A_2507 : memref<!tpu.dma_semaphore, #tpu.memory_space<semaphore_mem>>)
          %add3A_2508 = arith.constant 16 : i32
          %add3A_2509 = arith.addi %multiple_of3A, %add3A_2508 : i32
          %iota3A_2510 = tpu.iota {dimensions = array<i32: 0>} : vector<16xi32>
          %add3A_2511 = vector.broadcast %add3A_2509 : i32 to vector<16xi32>
          %add3A_2512 = arith.addi %add3A_2511, %iota3A_2510 : vector<16xi32>
          %gather3A_2513 = tpu.vector_load_idx %arg10[%add3A_2512] : memref<13166xi32, #tpu.memory_space<vmem>>[vector<16xi32>], vector<16xi32>,
          %dma_start3A_2514 = arith.constant 0 : i32
          %dma_start3A_2515 = arith.constant 0 : i32
          %dma_start3A_2516 = arith.constant 16 : i32
          %dma_start3A_2517 = arith.constant 0 : i32
          %dma_start3A_2518 = tpu.memref_slice %arg11[%dma_start3A_2514, %dma_start3A_2516, %dma_start3A_2517] : memref<3x32x128xf32, #tpu.memory_space<vmem>> -> memref<1x16x128xf32, #tpu.memory_space<vmem>>
          %dma_start3A_2519 = tpu.memref_squeeze %dma_start3A_2518 : memref<1x16x128xf32, #tpu.memory_space<vmem>> -> memref<16x128xf32, #tpu.memory_space<vmem>>
          %dma_start3A_2520 = arith.constant 0 : i32
          %dma_start3A_2521 = arith.constant 0 : i32
          %dma_start3A_2522 = tpu.memref_slice %arg5[%dma_start3A_2520, %dma_start3A_2521] : memref<401408x128xf32, #tpu.memory_space<hbm>> -> memref<401408x128xf32, #tpu.memory_space<hbm>>
          %dma_start3A_2523 = tpu.memref_slice %arg20[%dma_start3A_2515] : memref<3x!tpu.dma_semaphore, #tpu.memory_space<semaphore_mem>> -> memref<1x!tpu.dma_semaphore, #tpu.memory_space<semaphore_mem>>
          %dma_start3A_2524 = tpu.memref_squeeze %dma_start3A_2523 : memref<1x!tpu.dma_semaphore, #tpu.memory_space<semaphore_mem>> -> memref<!tpu.dma_semaphore, #tpu.memory_space<semaphore_mem>>
          tpu.enqueue_indirect_dma source(%dma_start3A_2519 : memref<16x128xf32, #tpu.memory_space<vmem>>) target(%dma_start3A_2522 : memref<401408x128xf32, #tpu.memory_space<hbm>>) offsets(%gather3A_2513 : vector<16xi32>) semaphore(%dma_start3A_2524 : memref<!tpu.dma_semaphore, #tpu.memory_space<semaphore_mem>>)
          %swap3A_2525 = arith.constant 1 : i32
          %swap3A_2526 = arith.constant 36 : i32
          %swap3A_2527 = arith.index_cast %swap3A_2526 : i32 to index
          %swap3A_2528 = memref.load %arg18[%swap3A_2527] : memref<64xi32, #tpu.memory_space<smem>>
          memref.store %swap3A_2525, %arg18[%swap3A_2527] : memref<64xi32, #tpu.memory_space<smem>>
        } else {
        }
        %mul3A_2443 = arith.constant 3 : i32
        %mul3A_2444 = arith.muli %while3A_2434, %mul3A_2443 : i32
        %add3A_2445 = arith.constant 1 : i32
        %add3A_2446 = arith.addi %mul3A_2444, %add3A_2445 : i32
        %lt3A_2447 = arith.cmpi slt, %add3A_2446, %select_n3A_2395 : i32
        %convert_element_type3A_2448 = arith.extui %lt3A_2447 : i1 to i32
        %cond3A_2449 = arith.constant 0 : i32
        %cond3A_2450 = arith.cmpi ne, %convert_element_type3A_2448, %cond3A_2449 : i32
        scf.if %cond3A_2450 {
          %mul3A_2459 = arith.constant 32 : i32
          %mul3A_2460 = arith.muli %add3A_2446, %mul3A_2459 : i32
          %add3A_2461 = arith.addi %get3A_2363, %mul3A_2460 : i32
          %multiple_of3A = tpu.assume_multiple %add3A_2461, 16 : i32
          %get3A_2462 = arith.constant 37 : i32
          %get3A_2463 = arith.index_cast %get3A_2462 : i32 to index
          %get3A_2464 = memref.load %arg18[%get3A_2463] : memref<64xi32, #tpu.memory_space<smem>>
          %gt3A_2465 = arith.constant 0 : i32
          %gt3A_2466 = arith.cmpi sgt, %get3A_2464, %gt3A_2465 : i32
          %convert_element_type3A_2467 = arith.extui %gt3A_2466 : i1 to i32
          %cond3A_2468 = arith.constant 0 : i32
          %cond3A_2469 = arith.cmpi ne, %convert_element_type3A_2467, %cond3A_2468 : i32
          scf.if %cond3A_2469 {
            %iota3A_2529 = tpu.iota {dimensions = array<i32: 0>} : vector<16xi32>
            %dma_wait3A_2530 = arith.constant 1 : i32
            %dma_wait3A_2531 = arith.constant 1 : i32
            %dma_wait3A_2532 = arith.constant 0 : i32
            %dma_wait3A_2533 = arith.constant 0 : i32
            %dma_wait3A_2534 = tpu.memref_slice %arg11[%dma_wait3A_2530, %dma_wait3A_2532, %dma_wait3A_2533] : memref<3x32x128xf32, #tpu.memory_space<vmem>> -> memref<1x16x128xf32, #tpu.memory_space<vmem>>
            %dma_wait3A_2535 = tpu.memref_squeeze %dma_wait3A_2534 : memref<1x16x128xf32, #tpu.memory_space<vmem>> -> memref<16x128xf32, #tpu.memory_space<vmem>>
            %dma_wait3A_2536 = arith.constant 0 : i32
            %dma_wait3A_2537 = arith.constant 0 : i32
            %dma_wait3A_2538 = tpu.memref_slice %arg5[%dma_wait3A_2536, %dma_wait3A_2537] : memref<401408x128xf32, #tpu.memory_space<hbm>> -> memref<401408x128xf32, #tpu.memory_space<hbm>>
            %dma_wait3A_2539 = tpu.memref_slice %arg20[%dma_wait3A_2531] : memref<3x!tpu.dma_semaphore, #tpu.memory_space<semaphore_mem>> -> memref<1x!tpu.dma_semaphore, #tpu.memory_space<semaphore_mem>>
            %dma_wait3A_2540 = tpu.memref_squeeze %dma_wait3A_2539 : memref<1x!tpu.dma_semaphore, #tpu.memory_space<semaphore_mem>> -> memref<!tpu.dma_semaphore, #tpu.memory_space<semaphore_mem>>
            tpu.wait_indirect_dma semaphore(%dma_wait3A_2540 : memref<!tpu.dma_semaphore, #tpu.memory_space<semaphore_mem>>) src(%dma_wait3A_2535 : memref<16x128xf32, #tpu.memory_space<vmem>>) dst(%dma_wait3A_2538 : memref<401408x128xf32, #tpu.memory_space<hbm>>)
            %iota3A_2541 = tpu.iota {dimensions = array<i32: 0>} : vector<16xi32>
            %dma_wait3A_2542 = arith.constant 1 : i32
            %dma_wait3A_2543 = arith.constant 1 : i32
            %dma_wait3A_2544 = arith.constant 16 : i32
            %dma_wait3A_2545 = arith.constant 0 : i32
            %dma_wait3A_2546 = tpu.memref_slice %arg11[%dma_wait3A_2542, %dma_wait3A_2544, %dma_wait3A_2545] : memref<3x32x128xf32, #tpu.memory_space<vmem>> -> memref<1x16x128xf32, #tpu.memory_space<vmem>>
            %dma_wait3A_2547 = tpu.memref_squeeze %dma_wait3A_2546 : memref<1x16x128xf32, #tpu.memory_space<vmem>> -> memref<16x128xf32, #tpu.memory_space<vmem>>
            %dma_wait3A_2548 = arith.constant 0 : i32
            %dma_wait3A_2549 = arith.constant 0 : i32
            %dma_wait3A_2550 = tpu.memref_slice %arg5[%dma_wait3A_2548, %dma_wait3A_2549] : memref<401408x128xf32, #tpu.memory_space<hbm>> -> memref<401408x128xf32, #tpu.memory_space<hbm>>
            %dma_wait3A_2551 = tpu.memref_slice %arg20[%dma_wait3A_2543] : memref<3x!tpu.dma_semaphore, #tpu.memory_space<semaphore_mem>> -> memref<1x!tpu.dma_semaphore, #tpu.memory_space<semaphore_mem>>
            %dma_wait3A_2552 = tpu.memref_squeeze %dma_wait3A_2551 : memref<1x!tpu.dma_semaphore, #tpu.memory_space<semaphore_mem>> -> memref<!tpu.dma_semaphore, #tpu.memory_space<semaphore_mem>>
            tpu.wait_indirect_dma semaphore(%dma_wait3A_2552 : memref<!tpu.dma_semaphore, #tpu.memory_space<semaphore_mem>>) src(%dma_wait3A_2547 : memref<16x128xf32, #tpu.memory_space<vmem>>) dst(%dma_wait3A_2550 : memref<401408x128xf32, #tpu.memory_space<hbm>>)
          } else {
          }
          %dma_start3A = arith.constant 1 : i32
          %dma_start3A_2470 = arith.constant 1 : i32
          %dma_start3A_2471 = arith.constant 0 : i32
          %dma_start3A_2472 = arith.constant 0 : i32
          %dma_start3A_2473 = tpu.memref_slice %arg11[%dma_start3A, %dma_start3A_2471, %dma_start3A_2472] : memref<3x32x128xf32, #tpu.memory_space<vmem>> -> memref<1x32x128xf32, #tpu.memory_space<vmem>>
          %dma_start3A_2474 = tpu.memref_squeeze %dma_start3A_2473 : memref<1x32x128xf32, #tpu.memory_space<vmem>> -> memref<32x128xf32, #tpu.memory_space<vmem>>
          %dma_start3A_2475 = tpu.memref_slice %arg9[%multiple_of3A] : memref<13166xi32, #tpu.memory_space<vmem>> -> memref<32xi32, #tpu.memory_space<vmem>>
          %dma_start3A_2476 = arith.constant 0 : i32
          %dma_start3A_2477 = arith.constant 0 : i32
          %dma_start3A_2478 = tpu.memref_slice %arg16[%dma_start3A_2476, %dma_start3A_2477] : memref<6144x128xf32, #tpu.memory_space<vmem_shared>> -> memref<6144x128xf32, #tpu.memory_space<vmem_shared>>
          %dma_start3A_2479 = tpu.memref_slice %arg19[%dma_start3A_2470] : memref<3x!tpu.dma_semaphore, #tpu.memory_space<semaphore_mem>> -> memref<1x!tpu.dma_semaphore, #tpu.memory_space<semaphore_mem>>
          %dma_start3A_2480 = tpu.memref_squeeze %dma_start3A_2479 : memref<1x!tpu.dma_semaphore, #tpu.memory_space<semaphore_mem>> -> memref<!tpu.dma_semaphore, #tpu.memory_space<semaphore_mem>>
          tpu.enqueue_indirect_dma source(%dma_start3A_2478 : memref<6144x128xf32, #tpu.memory_space<vmem_shared>>) target(%dma_start3A_2474 : memref<32x128xf32, #tpu.memory_space<vmem>>) offsets(%dma_start3A_2475 : memref<32xi32, #tpu.memory_space<vmem>>) semaphore(%dma_start3A_2480 : memref<!tpu.dma_semaphore, #tpu.memory_space<semaphore_mem>>)
          %dma_wait3A = arith.constant 1 : i32
          %dma_wait3A_2481 = arith.constant 1 : i32
          %dma_wait3A_2482 = arith.constant 0 : i32
          %dma_wait3A_2483 = arith.constant 0 : i32
          %dma_wait3A_2484 = tpu.memref_slice %arg11[%dma_wait3A, %dma_wait3A_2482, %dma_wait3A_2483] : memref<3x32x128xf32, #tpu.memory_space<vmem>> -> memref<1x32x128xf32, #tpu.memory_space<vmem>>
          %dma_wait3A_2485 = tpu.memref_squeeze %dma_wait3A_2484 : memref<1x32x128xf32, #tpu.memory_space<vmem>> -> memref<32x128xf32, #tpu.memory_space<vmem>>
          %dma_wait3A_2486 = tpu.memref_slice %arg9[%multiple_of3A] : memref<13166xi32, #tpu.memory_space<vmem>> -> memref<32xi32, #tpu.memory_space<vmem>>
          %dma_wait3A_2487 = arith.constant 0 : i32
          %dma_wait3A_2488 = arith.constant 0 : i32
          %dma_wait3A_2489 = tpu.memref_slice %arg16[%dma_wait3A_2487, %dma_wait3A_2488] : memref<6144x128xf32, #tpu.memory_space<vmem_shared>> -> memref<6144x128xf32, #tpu.memory_space<vmem_shared>>
          %dma_wait3A_2490 = tpu.memref_slice %arg19[%dma_wait3A_2481] : memref<3x!tpu.dma_semaphore, #tpu.memory_space<semaphore_mem>> -> memref<1x!tpu.dma_semaphore, #tpu.memory_space<semaphore_mem>>
          %dma_wait3A_2491 = tpu.memref_squeeze %dma_wait3A_2490 : memref<1x!tpu.dma_semaphore, #tpu.memory_space<semaphore_mem>> -> memref<!tpu.dma_semaphore, #tpu.memory_space<semaphore_mem>>
          tpu.wait_indirect_dma semaphore(%dma_wait3A_2491 : memref<!tpu.dma_semaphore, #tpu.memory_space<semaphore_mem>>) src(%dma_wait3A_2489 : memref<6144x128xf32, #tpu.memory_space<vmem_shared>>) dst(%dma_wait3A_2485 : memref<32x128xf32, #tpu.memory_space<vmem>>)
          %add3A_2492 = arith.constant 0 : i32
          %add3A_2493 = arith.addi %multiple_of3A, %add3A_2492 : i32
          %iota3A_2494 = tpu.iota {dimensions = array<i32: 0>} : vector<16xi32>
          %add3A_2495 = vector.broadcast %add3A_2493 : i32 to vector<16xi32>
          %add3A_2496 = arith.addi %add3A_2495, %iota3A_2494 : vector<16xi32>
          %gather3A = tpu.vector_load_idx %arg10[%add3A_2496] : memref<13166xi32, #tpu.memory_space<vmem>>[vector<16xi32>], vector<16xi32>,
          %dma_start3A_2497 = arith.constant 1 : i32
          %dma_start3A_2498 = arith.constant 1 : i32
          %dma_start3A_2499 = arith.constant 0 : i32
          %dma_start3A_2500 = arith.constant 0 : i32
          %dma_start3A_2501 = tpu.memref_slice %arg11[%dma_start3A_2497, %dma_start3A_2499, %dma_start3A_2500] : memref<3x32x128xf32, #tpu.memory_space<vmem>> -> memref<1x16x128xf32, #tpu.memory_space<vmem>>
          %dma_start3A_2502 = tpu.memref_squeeze %dma_start3A_2501 : memref<1x16x128xf32, #tpu.memory_space<vmem>> -> memref<16x128xf32, #tpu.memory_space<vmem>>
          %dma_start3A_2503 = arith.constant 0 : i32
          %dma_start3A_2504 = arith.constant 0 : i32
          %dma_start3A_2505 = tpu.memref_slice %arg5[%dma_start3A_2503, %dma_start3A_2504] : memref<401408x128xf32, #tpu.memory_space<hbm>> -> memref<401408x128xf32, #tpu.memory_space<hbm>>
          %dma_start3A_2506 = tpu.memref_slice %arg20[%dma_start3A_2498] : memref<3x!tpu.dma_semaphore, #tpu.memory_space<semaphore_mem>> -> memref<1x!tpu.dma_semaphore, #tpu.memory_space<semaphore_mem>>
          %dma_start3A_2507 = tpu.memref_squeeze %dma_start3A_2506 : memref<1x!tpu.dma_semaphore, #tpu.memory_space<semaphore_mem>> -> memref<!tpu.dma_semaphore, #tpu.memory_space<semaphore_mem>>
          tpu.enqueue_indirect_dma source(%dma_start3A_2502 : memref<16x128xf32, #tpu.memory_space<vmem>>) target(%dma_start3A_2505 : memref<401408x128xf32, #tpu.memory_space<hbm>>) offsets(%gather3A : vector<16xi32>) semaphore(%dma_start3A_2507 : memref<!tpu.dma_semaphore, #tpu.memory_space<semaphore_mem>>)
          %add3A_2508 = arith.constant 16 : i32
          %add3A_2509 = arith.addi %multiple_of3A, %add3A_2508 : i32
          %iota3A_2510 = tpu.iota {dimensions = array<i32: 0>} : vector<16xi32>
          %add3A_2511 = vector.broadcast %add3A_2509 : i32 to vector<16xi32>
          %add3A_2512 = arith.addi %add3A_2511, %iota3A_2510 : vector<16xi32>
          %gather3A_2513 = tpu.vector_load_idx %arg10[%add3A_2512] : memref<13166xi32, #tpu.memory_space<vmem>>[vector<16xi32>], vector<16xi32>,
          %dma_start3A_2514 = arith.constant 1 : i32
          %dma_start3A_2515 = arith.constant 1 : i32
          %dma_start3A_2516 = arith.constant 16 : i32
          %dma_start3A_2517 = arith.constant 0 : i32
          %dma_start3A_2518 = tpu.memref_slice %arg11[%dma_start3A_2514, %dma_start3A_2516, %dma_start3A_2517] : memref<3x32x128xf32, #tpu.memory_space<vmem>> -> memref<1x16x128xf32, #tpu.memory_space<vmem>>
          %dma_start3A_2519 = tpu.memref_squeeze %dma_start3A_2518 : memref<1x16x128xf32, #tpu.memory_space<vmem>> -> memref<16x128xf32, #tpu.memory_space<vmem>>
          %dma_start3A_2520 = arith.constant 0 : i32
          %dma_start3A_2521 = arith.constant 0 : i32
          %dma_start3A_2522 = tpu.memref_slice %arg5[%dma_start3A_2520, %dma_start3A_2521] : memref<401408x128xf32, #tpu.memory_space<hbm>> -> memref<401408x128xf32, #tpu.memory_space<hbm>>
          %dma_start3A_2523 = tpu.memref_slice %arg20[%dma_start3A_2515] : memref<3x!tpu.dma_semaphore, #tpu.memory_space<semaphore_mem>> -> memref<1x!tpu.dma_semaphore, #tpu.memory_space<semaphore_mem>>
          %dma_start3A_2524 = tpu.memref_squeeze %dma_start3A_2523 : memref<1x!tpu.dma_semaphore, #tpu.memory_space<semaphore_mem>> -> memref<!tpu.dma_semaphore, #tpu.memory_space<semaphore_mem>>
          tpu.enqueue_indirect_dma source(%dma_start3A_2519 : memref<16x128xf32, #tpu.memory_space<vmem>>) target(%dma_start3A_2522 : memref<401408x128xf32, #tpu.memory_space<hbm>>) offsets(%gather3A_2513 : vector<16xi32>) semaphore(%dma_start3A_2524 : memref<!tpu.dma_semaphore, #tpu.memory_space<semaphore_mem>>)
          %swap3A_2525 = arith.constant 1 : i32
          %swap3A_2526 = arith.constant 37 : i32
          %swap3A_2527 = arith.index_cast %swap3A_2526 : i32 to index
          %swap3A_2528 = memref.load %arg18[%swap3A_2527] : memref<64xi32, #tpu.memory_space<smem>>
          memref.store %swap3A_2525, %arg18[%swap3A_2527] : memref<64xi32, #tpu.memory_space<smem>>
        } else {
        }
        %mul3A_2451 = arith.constant 3 : i32
        %mul3A_2452 = arith.muli %while3A_2434, %mul3A_2451 : i32
        %add3A_2453 = arith.constant 2 : i32
        %add3A_2454 = arith.addi %mul3A_2452, %add3A_2453 : i32
        %lt3A_2455 = arith.cmpi slt, %add3A_2454, %select_n3A_2395 : i32
        %convert_element_type3A_2456 = arith.extui %lt3A_2455 : i1 to i32
        %cond3A_2457 = arith.constant 0 : i32
        %cond3A_2458 = arith.cmpi ne, %convert_element_type3A_2456, %cond3A_2457 : i32
        scf.if %cond3A_2458 {
          %mul3A_2459 = arith.constant 32 : i32
          %mul3A_2460 = arith.muli %add3A_2454, %mul3A_2459 : i32
          %add3A_2461 = arith.addi %get3A_2363, %mul3A_2460 : i32
          %multiple_of3A = tpu.assume_multiple %add3A_2461, 16 : i32
          %get3A_2462 = arith.constant 38 : i32
          %get3A_2463 = arith.index_cast %get3A_2462 : i32 to index
          %get3A_2464 = memref.load %arg18[%get3A_2463] : memref<64xi32, #tpu.memory_space<smem>>
          %gt3A_2465 = arith.constant 0 : i32
          %gt3A_2466 = arith.cmpi sgt, %get3A_2464, %gt3A_2465 : i32
          %convert_element_type3A_2467 = arith.extui %gt3A_2466 : i1 to i32
          %cond3A_2468 = arith.constant 0 : i32
          %cond3A_2469 = arith.cmpi ne, %convert_element_type3A_2467, %cond3A_2468 : i32
          scf.if %cond3A_2469 {
            %iota3A_2529 = tpu.iota {dimensions = array<i32: 0>} : vector<16xi32>
            %dma_wait3A_2530 = arith.constant 2 : i32
            %dma_wait3A_2531 = arith.constant 2 : i32
            %dma_wait3A_2532 = arith.constant 0 : i32
            %dma_wait3A_2533 = arith.constant 0 : i32
            %dma_wait3A_2534 = tpu.memref_slice %arg11[%dma_wait3A_2530, %dma_wait3A_2532, %dma_wait3A_2533] : memref<3x32x128xf32, #tpu.memory_space<vmem>> -> memref<1x16x128xf32, #tpu.memory_space<vmem>>
            %dma_wait3A_2535 = tpu.memref_squeeze %dma_wait3A_2534 : memref<1x16x128xf32, #tpu.memory_space<vmem>> -> memref<16x128xf32, #tpu.memory_space<vmem>>
            %dma_wait3A_2536 = arith.constant 0 : i32
            %dma_wait3A_2537 = arith.constant 0 : i32
            %dma_wait3A_2538 = tpu.memref_slice %arg5[%dma_wait3A_2536, %dma_wait3A_2537] : memref<401408x128xf32, #tpu.memory_space<hbm>> -> memref<401408x128xf32, #tpu.memory_space<hbm>>
            %dma_wait3A_2539 = tpu.memref_slice %arg20[%dma_wait3A_2531] : memref<3x!tpu.dma_semaphore, #tpu.memory_space<semaphore_mem>> -> memref<1x!tpu.dma_semaphore, #tpu.memory_space<semaphore_mem>>
            %dma_wait3A_2540 = tpu.memref_squeeze %dma_wait3A_2539 : memref<1x!tpu.dma_semaphore, #tpu.memory_space<semaphore_mem>> -> memref<!tpu.dma_semaphore, #tpu.memory_space<semaphore_mem>>
            tpu.wait_indirect_dma semaphore(%dma_wait3A_2540 : memref<!tpu.dma_semaphore, #tpu.memory_space<semaphore_mem>>) src(%dma_wait3A_2535 : memref<16x128xf32, #tpu.memory_space<vmem>>) dst(%dma_wait3A_2538 : memref<401408x128xf32, #tpu.memory_space<hbm>>)
            %iota3A_2541 = tpu.iota {dimensions = array<i32: 0>} : vector<16xi32>
            %dma_wait3A_2542 = arith.constant 2 : i32
            %dma_wait3A_2543 = arith.constant 2 : i32
            %dma_wait3A_2544 = arith.constant 16 : i32
            %dma_wait3A_2545 = arith.constant 0 : i32
            %dma_wait3A_2546 = tpu.memref_slice %arg11[%dma_wait3A_2542, %dma_wait3A_2544, %dma_wait3A_2545] : memref<3x32x128xf32, #tpu.memory_space<vmem>> -> memref<1x16x128xf32, #tpu.memory_space<vmem>>
            %dma_wait3A_2547 = tpu.memref_squeeze %dma_wait3A_2546 : memref<1x16x128xf32, #tpu.memory_space<vmem>> -> memref<16x128xf32, #tpu.memory_space<vmem>>
            %dma_wait3A_2548 = arith.constant 0 : i32
            %dma_wait3A_2549 = arith.constant 0 : i32
            %dma_wait3A_2550 = tpu.memref_slice %arg5[%dma_wait3A_2548, %dma_wait3A_2549] : memref<401408x128xf32, #tpu.memory_space<hbm>> -> memref<401408x128xf32, #tpu.memory_space<hbm>>
            %dma_wait3A_2551 = tpu.memref_slice %arg20[%dma_wait3A_2543] : memref<3x!tpu.dma_semaphore, #tpu.memory_space<semaphore_mem>> -> memref<1x!tpu.dma_semaphore, #tpu.memory_space<semaphore_mem>>
            %dma_wait3A_2552 = tpu.memref_squeeze %dma_wait3A_2551 : memref<1x!tpu.dma_semaphore, #tpu.memory_space<semaphore_mem>> -> memref<!tpu.dma_semaphore, #tpu.memory_space<semaphore_mem>>
            tpu.wait_indirect_dma semaphore(%dma_wait3A_2552 : memref<!tpu.dma_semaphore, #tpu.memory_space<semaphore_mem>>) src(%dma_wait3A_2547 : memref<16x128xf32, #tpu.memory_space<vmem>>) dst(%dma_wait3A_2550 : memref<401408x128xf32, #tpu.memory_space<hbm>>)
          } else {
          }
          %dma_start3A = arith.constant 2 : i32
          %dma_start3A_2470 = arith.constant 2 : i32
          %dma_start3A_2471 = arith.constant 0 : i32
          %dma_start3A_2472 = arith.constant 0 : i32
          %dma_start3A_2473 = tpu.memref_slice %arg11[%dma_start3A, %dma_start3A_2471, %dma_start3A_2472] : memref<3x32x128xf32, #tpu.memory_space<vmem>> -> memref<1x32x128xf32, #tpu.memory_space<vmem>>
          %dma_start3A_2474 = tpu.memref_squeeze %dma_start3A_2473 : memref<1x32x128xf32, #tpu.memory_space<vmem>> -> memref<32x128xf32, #tpu.memory_space<vmem>>
          %dma_start3A_2475 = tpu.memref_slice %arg9[%multiple_of3A] : memref<13166xi32, #tpu.memory_space<vmem>> -> memref<32xi32, #tpu.memory_space<vmem>>
          %dma_start3A_2476 = arith.constant 0 : i32
          %dma_start3A_2477 = arith.constant 0 : i32
          %dma_start3A_2478 = tpu.memref_slice %arg16[%dma_start3A_2476, %dma_start3A_2477] : memref<6144x128xf32, #tpu.memory_space<vmem_shared>> -> memref<6144x128xf32, #tpu.memory_space<vmem_shared>>
          %dma_start3A_2479 = tpu.memref_slice %arg19[%dma_start3A_2470] : memref<3x!tpu.dma_semaphore, #tpu.memory_space<semaphore_mem>> -> memref<1x!tpu.dma_semaphore, #tpu.memory_space<semaphore_mem>>
          %dma_start3A_2480 = tpu.memref_squeeze %dma_start3A_2479 : memref<1x!tpu.dma_semaphore, #tpu.memory_space<semaphore_mem>> -> memref<!tpu.dma_semaphore, #tpu.memory_space<semaphore_mem>>
          tpu.enqueue_indirect_dma source(%dma_start3A_2478 : memref<6144x128xf32, #tpu.memory_space<vmem_shared>>) target(%dma_start3A_2474 : memref<32x128xf32, #tpu.memory_space<vmem>>) offsets(%dma_start3A_2475 : memref<32xi32, #tpu.memory_space<vmem>>) semaphore(%dma_start3A_2480 : memref<!tpu.dma_semaphore, #tpu.memory_space<semaphore_mem>>)
          %dma_wait3A = arith.constant 2 : i32
          %dma_wait3A_2481 = arith.constant 2 : i32
          %dma_wait3A_2482 = arith.constant 0 : i32
          %dma_wait3A_2483 = arith.constant 0 : i32
          %dma_wait3A_2484 = tpu.memref_slice %arg11[%dma_wait3A, %dma_wait3A_2482, %dma_wait3A_2483] : memref<3x32x128xf32, #tpu.memory_space<vmem>> -> memref<1x32x128xf32, #tpu.memory_space<vmem>>
          %dma_wait3A_2485 = tpu.memref_squeeze %dma_wait3A_2484 : memref<1x32x128xf32, #tpu.memory_space<vmem>> -> memref<32x128xf32, #tpu.memory_space<vmem>>
          %dma_wait3A_2486 = tpu.memref_slice %arg9[%multiple_of3A] : memref<13166xi32, #tpu.memory_space<vmem>> -> memref<32xi32, #tpu.memory_space<vmem>>
          %dma_wait3A_2487 = arith.constant 0 : i32
          %dma_wait3A_2488 = arith.constant 0 : i32
          %dma_wait3A_2489 = tpu.memref_slice %arg16[%dma_wait3A_2487, %dma_wait3A_2488] : memref<6144x128xf32, #tpu.memory_space<vmem_shared>> -> memref<6144x128xf32, #tpu.memory_space<vmem_shared>>
          %dma_wait3A_2490 = tpu.memref_slice %arg19[%dma_wait3A_2481] : memref<3x!tpu.dma_semaphore, #tpu.memory_space<semaphore_mem>> -> memref<1x!tpu.dma_semaphore, #tpu.memory_space<semaphore_mem>>
          %dma_wait3A_2491 = tpu.memref_squeeze %dma_wait3A_2490 : memref<1x!tpu.dma_semaphore, #tpu.memory_space<semaphore_mem>> -> memref<!tpu.dma_semaphore, #tpu.memory_space<semaphore_mem>>
          tpu.wait_indirect_dma semaphore(%dma_wait3A_2491 : memref<!tpu.dma_semaphore, #tpu.memory_space<semaphore_mem>>) src(%dma_wait3A_2489 : memref<6144x128xf32, #tpu.memory_space<vmem_shared>>) dst(%dma_wait3A_2485 : memref<32x128xf32, #tpu.memory_space<vmem>>)
          %add3A_2492 = arith.constant 0 : i32
          %add3A_2493 = arith.addi %multiple_of3A, %add3A_2492 : i32
          %iota3A_2494 = tpu.iota {dimensions = array<i32: 0>} : vector<16xi32>
          %add3A_2495 = vector.broadcast %add3A_2493 : i32 to vector<16xi32>
          %add3A_2496 = arith.addi %add3A_2495, %iota3A_2494 : vector<16xi32>
          %gather3A = tpu.vector_load_idx %arg10[%add3A_2496] : memref<13166xi32, #tpu.memory_space<vmem>>[vector<16xi32>], vector<16xi32>,
          %dma_start3A_2497 = arith.constant 2 : i32
          %dma_start3A_2498 = arith.constant 2 : i32
          %dma_start3A_2499 = arith.constant 0 : i32
          %dma_start3A_2500 = arith.constant 0 : i32
          %dma_start3A_2501 = tpu.memref_slice %arg11[%dma_start3A_2497, %dma_start3A_2499, %dma_start3A_2500] : memref<3x32x128xf32, #tpu.memory_space<vmem>> -> memref<1x16x128xf32, #tpu.memory_space<vmem>>
          %dma_start3A_2502 = tpu.memref_squeeze %dma_start3A_2501 : memref<1x16x128xf32, #tpu.memory_space<vmem>> -> memref<16x128xf32, #tpu.memory_space<vmem>>
          %dma_start3A_2503 = arith.constant 0 : i32
          %dma_start3A_2504 = arith.constant 0 : i32
          %dma_start3A_2505 = tpu.memref_slice %arg5[%dma_start3A_2503, %dma_start3A_2504] : memref<401408x128xf32, #tpu.memory_space<hbm>> -> memref<401408x128xf32, #tpu.memory_space<hbm>>
          %dma_start3A_2506 = tpu.memref_slice %arg20[%dma_start3A_2498] : memref<3x!tpu.dma_semaphore, #tpu.memory_space<semaphore_mem>> -> memref<1x!tpu.dma_semaphore, #tpu.memory_space<semaphore_mem>>
          %dma_start3A_2507 = tpu.memref_squeeze %dma_start3A_2506 : memref<1x!tpu.dma_semaphore, #tpu.memory_space<semaphore_mem>> -> memref<!tpu.dma_semaphore, #tpu.memory_space<semaphore_mem>>
          tpu.enqueue_indirect_dma source(%dma_start3A_2502 : memref<16x128xf32, #tpu.memory_space<vmem>>) target(%dma_start3A_2505 : memref<401408x128xf32, #tpu.memory_space<hbm>>) offsets(%gather3A : vector<16xi32>) semaphore(%dma_start3A_2507 : memref<!tpu.dma_semaphore, #tpu.memory_space<semaphore_mem>>)
          %add3A_2508 = arith.constant 16 : i32
          %add3A_2509 = arith.addi %multiple_of3A, %add3A_2508 : i32
          %iota3A_2510 = tpu.iota {dimensions = array<i32: 0>} : vector<16xi32>
          %add3A_2511 = vector.broadcast %add3A_2509 : i32 to vector<16xi32>
          %add3A_2512 = arith.addi %add3A_2511, %iota3A_2510 : vector<16xi32>
          %gather3A_2513 = tpu.vector_load_idx %arg10[%add3A_2512] : memref<13166xi32, #tpu.memory_space<vmem>>[vector<16xi32>], vector<16xi32>,
          %dma_start3A_2514 = arith.constant 2 : i32
          %dma_start3A_2515 = arith.constant 2 : i32
          %dma_start3A_2516 = arith.constant 16 : i32
          %dma_start3A_2517 = arith.constant 0 : i32
          %dma_start3A_2518 = tpu.memref_slice %arg11[%dma_start3A_2514, %dma_start3A_2516, %dma_start3A_2517] : memref<3x32x128xf32, #tpu.memory_space<vmem>> -> memref<1x16x128xf32, #tpu.memory_space<vmem>>
          %dma_start3A_2519 = tpu.memref_squeeze %dma_start3A_2518 : memref<1x16x128xf32, #tpu.memory_space<vmem>> -> memref<16x128xf32, #tpu.memory_space<vmem>>
          %dma_start3A_2520 = arith.constant 0 : i32
          %dma_start3A_2521 = arith.constant 0 : i32
          %dma_start3A_2522 = tpu.memref_slice %arg5[%dma_start3A_2520, %dma_start3A_2521] : memref<401408x128xf32, #tpu.memory_space<hbm>> -> memref<401408x128xf32, #tpu.memory_space<hbm>>
          %dma_start3A_2523 = tpu.memref_slice %arg20[%dma_start3A_2515] : memref<3x!tpu.dma_semaphore, #tpu.memory_space<semaphore_mem>> -> memref<1x!tpu.dma_semaphore, #tpu.memory_space<semaphore_mem>>
          %dma_start3A_2524 = tpu.memref_squeeze %dma_start3A_2523 : memref<1x!tpu.dma_semaphore, #tpu.memory_space<semaphore_mem>> -> memref<!tpu.dma_semaphore, #tpu.memory_space<semaphore_mem>>
          tpu.enqueue_indirect_dma source(%dma_start3A_2519 : memref<16x128xf32, #tpu.memory_space<vmem>>) target(%dma_start3A_2522 : memref<401408x128xf32, #tpu.memory_space<hbm>>) offsets(%gather3A_2513 : vector<16xi32>) semaphore(%dma_start3A_2524 : memref<!tpu.dma_semaphore, #tpu.memory_space<semaphore_mem>>)
          %swap3A_2525 = arith.constant 1 : i32
          %swap3A_2526 = arith.constant 38 : i32
          %swap3A_2527 = arith.index_cast %swap3A_2526 : i32 to index
          %swap3A_2528 = memref.load %arg18[%swap3A_2527] : memref<64xi32, #tpu.memory_space<smem>>
          memref.store %swap3A_2525, %arg18[%swap3A_2527] : memref<64xi32, #tpu.memory_space<smem>>
        } else {
        }
      }
      %while3A_2433 = arith.constant 1 : i32
      scf.for %while3A_2434 = %while3A_2431 to %while3A_2427 step %while3A_2433  : i32 {
        %mul3A_2435 = arith.constant 3 : i32
        %mul3A_2436 = arith.muli %while3A_2434, %mul3A_2435 : i32
        %add3A_2437 = arith.constant 0 : i32
        %add3A_2438 = arith.addi %mul3A_2436, %add3A_2437 : i32
        %lt3A_2439 = arith.cmpi slt, %add3A_2438, %select_n3A_2395 : i32
        %convert_element_type3A_2440 = arith.extui %lt3A_2439 : i1 to i32
        %cond3A_2441 = arith.constant 0 : i32
        %cond3A_2442 = arith.cmpi ne, %convert_element_type3A_2440, %cond3A_2441 : i32
        scf.if %cond3A_2442 {
          %mul3A_2459 = arith.constant 32 : i32
          %mul3A_2460 = arith.muli %add3A_2438, %mul3A_2459 : i32
          %add3A_2461 = arith.addi %get3A_2363, %mul3A_2460 : i32
          %multiple_of3A = tpu.assume_multiple %add3A_2461, 16 : i32
          %get3A_2462 = arith.constant 36 : i32
          %get3A_2463 = arith.index_cast %get3A_2462 : i32 to index
          %get3A_2464 = memref.load %arg18[%get3A_2463] : memref<64xi32, #tpu.memory_space<smem>>
          %gt3A_2465 = arith.constant 0 : i32
          %gt3A_2466 = arith.cmpi sgt, %get3A_2464, %gt3A_2465 : i32
          %convert_element_type3A_2467 = arith.extui %gt3A_2466 : i1 to i32
          %cond3A_2468 = arith.constant 0 : i32
          %cond3A_2469 = arith.cmpi ne, %convert_element_type3A_2467, %cond3A_2468 : i32
          scf.if %cond3A_2469 {
            %iota3A_2529 = tpu.iota {dimensions = array<i32: 0>} : vector<16xi32>
            %dma_wait3A_2530 = arith.constant 0 : i32
            %dma_wait3A_2531 = arith.constant 0 : i32
            %dma_wait3A_2532 = arith.constant 0 : i32
            %dma_wait3A_2533 = arith.constant 0 : i32
            %dma_wait3A_2534 = tpu.memref_slice %arg11[%dma_wait3A_2530, %dma_wait3A_2532, %dma_wait3A_2533] : memref<3x32x128xf32, #tpu.memory_space<vmem>> -> memref<1x16x128xf32, #tpu.memory_space<vmem>>
            %dma_wait3A_2535 = tpu.memref_squeeze %dma_wait3A_2534 : memref<1x16x128xf32, #tpu.memory_space<vmem>> -> memref<16x128xf32, #tpu.memory_space<vmem>>
            %dma_wait3A_2536 = arith.constant 0 : i32
            %dma_wait3A_2537 = arith.constant 0 : i32
            %dma_wait3A_2538 = tpu.memref_slice %arg5[%dma_wait3A_2536, %dma_wait3A_2537] : memref<401408x128xf32, #tpu.memory_space<hbm>> -> memref<401408x128xf32, #tpu.memory_space<hbm>>
            %dma_wait3A_2539 = tpu.memref_slice %arg20[%dma_wait3A_2531] : memref<3x!tpu.dma_semaphore, #tpu.memory_space<semaphore_mem>> -> memref<1x!tpu.dma_semaphore, #tpu.memory_space<semaphore_mem>>
            %dma_wait3A_2540 = tpu.memref_squeeze %dma_wait3A_2539 : memref<1x!tpu.dma_semaphore, #tpu.memory_space<semaphore_mem>> -> memref<!tpu.dma_semaphore, #tpu.memory_space<semaphore_mem>>
            tpu.wait_indirect_dma semaphore(%dma_wait3A_2540 : memref<!tpu.dma_semaphore, #tpu.memory_space<semaphore_mem>>) src(%dma_wait3A_2535 : memref<16x128xf32, #tpu.memory_space<vmem>>) dst(%dma_wait3A_2538 : memref<401408x128xf32, #tpu.memory_space<hbm>>)
            %iota3A_2541 = tpu.iota {dimensions = array<i32: 0>} : vector<16xi32>
            %dma_wait3A_2542 = arith.constant 0 : i32
            %dma_wait3A_2543 = arith.constant 0 : i32
            %dma_wait3A_2544 = arith.constant 16 : i32
            %dma_wait3A_2545 = arith.constant 0 : i32
            %dma_wait3A_2546 = tpu.memref_slice %arg11[%dma_wait3A_2542, %dma_wait3A_2544, %dma_wait3A_2545] : memref<3x32x128xf32, #tpu.memory_space<vmem>> -> memref<1x16x128xf32, #tpu.memory_space<vmem>>
            %dma_wait3A_2547 = tpu.memref_squeeze %dma_wait3A_2546 : memref<1x16x128xf32, #tpu.memory_space<vmem>> -> memref<16x128xf32, #tpu.memory_space<vmem>>
            %dma_wait3A_2548 = arith.constant 0 : i32
            %dma_wait3A_2549 = arith.constant 0 : i32
            %dma_wait3A_2550 = tpu.memref_slice %arg5[%dma_wait3A_2548, %dma_wait3A_2549] : memref<401408x128xf32, #tpu.memory_space<hbm>> -> memref<401408x128xf32, #tpu.memory_space<hbm>>
            %dma_wait3A_2551 = tpu.memref_slice %arg20[%dma_wait3A_2543] : memref<3x!tpu.dma_semaphore, #tpu.memory_space<semaphore_mem>> -> memref<1x!tpu.dma_semaphore, #tpu.memory_space<semaphore_mem>>
            %dma_wait3A_2552 = tpu.memref_squeeze %dma_wait3A_2551 : memref<1x!tpu.dma_semaphore, #tpu.memory_space<semaphore_mem>> -> memref<!tpu.dma_semaphore, #tpu.memory_space<semaphore_mem>>
            tpu.wait_indirect_dma semaphore(%dma_wait3A_2552 : memref<!tpu.dma_semaphore, #tpu.memory_space<semaphore_mem>>) src(%dma_wait3A_2547 : memref<16x128xf32, #tpu.memory_space<vmem>>) dst(%dma_wait3A_2550 : memref<401408x128xf32, #tpu.memory_space<hbm>>)
          } else {
          }
          %dma_start3A = arith.constant 0 : i32
          %dma_start3A_2470 = arith.constant 0 : i32
          %dma_start3A_2471 = arith.constant 0 : i32
          %dma_start3A_2472 = arith.constant 0 : i32
          %dma_start3A_2473 = tpu.memref_slice %arg11[%dma_start3A, %dma_start3A_2471, %dma_start3A_2472] : memref<3x32x128xf32, #tpu.memory_space<vmem>> -> memref<1x32x128xf32, #tpu.memory_space<vmem>>
          %dma_start3A_2474 = tpu.memref_squeeze %dma_start3A_2473 : memref<1x32x128xf32, #tpu.memory_space<vmem>> -> memref<32x128xf32, #tpu.memory_space<vmem>>
          %dma_start3A_2475 = tpu.memref_slice %arg9[%multiple_of3A] : memref<13166xi32, #tpu.memory_space<vmem>> -> memref<32xi32, #tpu.memory_space<vmem>>
          %dma_start3A_2476 = arith.constant 0 : i32
          %dma_start3A_2477 = arith.constant 0 : i32
          %dma_start3A_2478 = tpu.memref_slice %arg16[%dma_start3A_2476, %dma_start3A_2477] : memref<6144x128xf32, #tpu.memory_space<vmem_shared>> -> memref<6144x128xf32, #tpu.memory_space<vmem_shared>>
          %dma_start3A_2479 = tpu.memref_slice %arg19[%dma_start3A_2470] : memref<3x!tpu.dma_semaphore, #tpu.memory_space<semaphore_mem>> -> memref<1x!tpu.dma_semaphore, #tpu.memory_space<semaphore_mem>>
          %dma_start3A_2480 = tpu.memref_squeeze %dma_start3A_2479 : memref<1x!tpu.dma_semaphore, #tpu.memory_space<semaphore_mem>> -> memref<!tpu.dma_semaphore, #tpu.memory_space<semaphore_mem>>
          tpu.enqueue_indirect_dma source(%dma_start3A_2478 : memref<6144x128xf32, #tpu.memory_space<vmem_shared>>) target(%dma_start3A_2474 : memref<32x128xf32, #tpu.memory_space<vmem>>) offsets(%dma_start3A_2475 : memref<32xi32, #tpu.memory_space<vmem>>) semaphore(%dma_start3A_2480 : memref<!tpu.dma_semaphore, #tpu.memory_space<semaphore_mem>>)
          %dma_wait3A = arith.constant 0 : i32
          %dma_wait3A_2481 = arith.constant 0 : i32
          %dma_wait3A_2482 = arith.constant 0 : i32
          %dma_wait3A_2483 = arith.constant 0 : i32
          %dma_wait3A_2484 = tpu.memref_slice %arg11[%dma_wait3A, %dma_wait3A_2482, %dma_wait3A_2483] : memref<3x32x128xf32, #tpu.memory_space<vmem>> -> memref<1x32x128xf32, #tpu.memory_space<vmem>>
          %dma_wait3A_2485 = tpu.memref_squeeze %dma_wait3A_2484 : memref<1x32x128xf32, #tpu.memory_space<vmem>> -> memref<32x128xf32, #tpu.memory_space<vmem>>
          %dma_wait3A_2486 = tpu.memref_slice %arg9[%multiple_of3A] : memref<13166xi32, #tpu.memory_space<vmem>> -> memref<32xi32, #tpu.memory_space<vmem>>
          %dma_wait3A_2487 = arith.constant 0 : i32
          %dma_wait3A_2488 = arith.constant 0 : i32
          %dma_wait3A_2489 = tpu.memref_slice %arg16[%dma_wait3A_2487, %dma_wait3A_2488] : memref<6144x128xf32, #tpu.memory_space<vmem_shared>> -> memref<6144x128xf32, #tpu.memory_space<vmem_shared>>
          %dma_wait3A_2490 = tpu.memref_slice %arg19[%dma_wait3A_2481] : memref<3x!tpu.dma_semaphore, #tpu.memory_space<semaphore_mem>> -> memref<1x!tpu.dma_semaphore, #tpu.memory_space<semaphore_mem>>
          %dma_wait3A_2491 = tpu.memref_squeeze %dma_wait3A_2490 : memref<1x!tpu.dma_semaphore, #tpu.memory_space<semaphore_mem>> -> memref<!tpu.dma_semaphore, #tpu.memory_space<semaphore_mem>>
          tpu.wait_indirect_dma semaphore(%dma_wait3A_2491 : memref<!tpu.dma_semaphore, #tpu.memory_space<semaphore_mem>>) src(%dma_wait3A_2489 : memref<6144x128xf32, #tpu.memory_space<vmem_shared>>) dst(%dma_wait3A_2485 : memref<32x128xf32, #tpu.memory_space<vmem>>)
          %add3A_2492 = arith.constant 0 : i32
          %add3A_2493 = arith.addi %multiple_of3A, %add3A_2492 : i32
          %iota3A_2494 = tpu.iota {dimensions = array<i32: 0>} : vector<16xi32>
          %add3A_2495 = vector.broadcast %add3A_2493 : i32 to vector<16xi32>
          %add3A_2496 = arith.addi %add3A_2495, %iota3A_2494 : vector<16xi32>
          %gather3A = tpu.vector_load_idx %arg10[%add3A_2496] : memref<13166xi32, #tpu.memory_space<vmem>>[vector<16xi32>], vector<16xi32>,
          %dma_start3A_2497 = arith.constant 0 : i32
          %dma_start3A_2498 = arith.constant 0 : i32
          %dma_start3A_2499 = arith.constant 0 : i32
          %dma_start3A_2500 = arith.constant 0 : i32
          %dma_start3A_2501 = tpu.memref_slice %arg11[%dma_start3A_2497, %dma_start3A_2499, %dma_start3A_2500] : memref<3x32x128xf32, #tpu.memory_space<vmem>> -> memref<1x16x128xf32, #tpu.memory_space<vmem>>
          %dma_start3A_2502 = tpu.memref_squeeze %dma_start3A_2501 : memref<1x16x128xf32, #tpu.memory_space<vmem>> -> memref<16x128xf32, #tpu.memory_space<vmem>>
          %dma_start3A_2503 = arith.constant 0 : i32
          %dma_start3A_2504 = arith.constant 0 : i32
          %dma_start3A_2505 = tpu.memref_slice %arg5[%dma_start3A_2503, %dma_start3A_2504] : memref<401408x128xf32, #tpu.memory_space<hbm>> -> memref<401408x128xf32, #tpu.memory_space<hbm>>
          %dma_start3A_2506 = tpu.memref_slice %arg20[%dma_start3A_2498] : memref<3x!tpu.dma_semaphore, #tpu.memory_space<semaphore_mem>> -> memref<1x!tpu.dma_semaphore, #tpu.memory_space<semaphore_mem>>
          %dma_start3A_2507 = tpu.memref_squeeze %dma_start3A_2506 : memref<1x!tpu.dma_semaphore, #tpu.memory_space<semaphore_mem>> -> memref<!tpu.dma_semaphore, #tpu.memory_space<semaphore_mem>>
          tpu.enqueue_indirect_dma source(%dma_start3A_2502 : memref<16x128xf32, #tpu.memory_space<vmem>>) target(%dma_start3A_2505 : memref<401408x128xf32, #tpu.memory_space<hbm>>) offsets(%gather3A : vector<16xi32>) semaphore(%dma_start3A_2507 : memref<!tpu.dma_semaphore, #tpu.memory_space<semaphore_mem>>)
          %add3A_2508 = arith.constant 16 : i32
          %add3A_2509 = arith.addi %multiple_of3A, %add3A_2508 : i32
          %iota3A_2510 = tpu.iota {dimensions = array<i32: 0>} : vector<16xi32>
          %add3A_2511 = vector.broadcast %add3A_2509 : i32 to vector<16xi32>
          %add3A_2512 = arith.addi %add3A_2511, %iota3A_2510 : vector<16xi32>
          %gather3A_2513 = tpu.vector_load_idx %arg10[%add3A_2512] : memref<13166xi32, #tpu.memory_space<vmem>>[vector<16xi32>], vector<16xi32>,
          %dma_start3A_2514 = arith.constant 0 : i32
          %dma_start3A_2515 = arith.constant 0 : i32
          %dma_start3A_2516 = arith.constant 16 : i32
          %dma_start3A_2517 = arith.constant 0 : i32
          %dma_start3A_2518 = tpu.memref_slice %arg11[%dma_start3A_2514, %dma_start3A_2516, %dma_start3A_2517] : memref<3x32x128xf32, #tpu.memory_space<vmem>> -> memref<1x16x128xf32, #tpu.memory_space<vmem>>
          %dma_start3A_2519 = tpu.memref_squeeze %dma_start3A_2518 : memref<1x16x128xf32, #tpu.memory_space<vmem>> -> memref<16x128xf32, #tpu.memory_space<vmem>>
          %dma_start3A_2520 = arith.constant 0 : i32
          %dma_start3A_2521 = arith.constant 0 : i32
          %dma_start3A_2522 = tpu.memref_slice %arg5[%dma_start3A_2520, %dma_start3A_2521] : memref<401408x128xf32, #tpu.memory_space<hbm>> -> memref<401408x128xf32, #tpu.memory_space<hbm>>
          %dma_start3A_2523 = tpu.memref_slice %arg20[%dma_start3A_2515] : memref<3x!tpu.dma_semaphore, #tpu.memory_space<semaphore_mem>> -> memref<1x!tpu.dma_semaphore, #tpu.memory_space<semaphore_mem>>
          %dma_start3A_2524 = tpu.memref_squeeze %dma_start3A_2523 : memref<1x!tpu.dma_semaphore, #tpu.memory_space<semaphore_mem>> -> memref<!tpu.dma_semaphore, #tpu.memory_space<semaphore_mem>>
          tpu.enqueue_indirect_dma source(%dma_start3A_2519 : memref<16x128xf32, #tpu.memory_space<vmem>>) target(%dma_start3A_2522 : memref<401408x128xf32, #tpu.memory_space<hbm>>) offsets(%gather3A_2513 : vector<16xi32>) semaphore(%dma_start3A_2524 : memref<!tpu.dma_semaphore, #tpu.memory_space<semaphore_mem>>)
          %swap3A_2525 = arith.constant 1 : i32
          %swap3A_2526 = arith.constant 36 : i32
          %swap3A_2527 = arith.index_cast %swap3A_2526 : i32 to index
          %swap3A_2528 = memref.load %arg18[%swap3A_2527] : memref<64xi32, #tpu.memory_space<smem>>
          memref.store %swap3A_2525, %arg18[%swap3A_2527] : memref<64xi32, #tpu.memory_space<smem>>
        } else {
        }
        %mul3A_2443 = arith.constant 3 : i32
        %mul3A_2444 = arith.muli %while3A_2434, %mul3A_2443 : i32
        %add3A_2445 = arith.constant 1 : i32
        %add3A_2446 = arith.addi %mul3A_2444, %add3A_2445 : i32
        %lt3A_2447 = arith.cmpi slt, %add3A_2446, %select_n3A_2395 : i32
        %convert_element_type3A_2448 = arith.extui %lt3A_2447 : i1 to i32
        %cond3A_2449 = arith.constant 0 : i32
        %cond3A_2450 = arith.cmpi ne, %convert_element_type3A_2448, %cond3A_2449 : i32
        scf.if %cond3A_2450 {
          %mul3A_2459 = arith.constant 32 : i32
          %mul3A_2460 = arith.muli %add3A_2446, %mul3A_2459 : i32
          %add3A_2461 = arith.addi %get3A_2363, %mul3A_2460 : i32
          %multiple_of3A = tpu.assume_multiple %add3A_2461, 16 : i32
          %get3A_2462 = arith.constant 37 : i32
          %get3A_2463 = arith.index_cast %get3A_2462 : i32 to index
          %get3A_2464 = memref.load %arg18[%get3A_2463] : memref<64xi32, #tpu.memory_space<smem>>
          %gt3A_2465 = arith.constant 0 : i32
          %gt3A_2466 = arith.cmpi sgt, %get3A_2464, %gt3A_2465 : i32
          %convert_element_type3A_2467 = arith.extui %gt3A_2466 : i1 to i32
          %cond3A_2468 = arith.constant 0 : i32
          %cond3A_2469 = arith.cmpi ne, %convert_element_type3A_2467, %cond3A_2468 : i32
          scf.if %cond3A_2469 {
            %iota3A_2529 = tpu.iota {dimensions = array<i32: 0>} : vector<16xi32>
            %dma_wait3A_2530 = arith.constant 1 : i32
            %dma_wait3A_2531 = arith.constant 1 : i32
            %dma_wait3A_2532 = arith.constant 0 : i32
            %dma_wait3A_2533 = arith.constant 0 : i32
            %dma_wait3A_2534 = tpu.memref_slice %arg11[%dma_wait3A_2530, %dma_wait3A_2532, %dma_wait3A_2533] : memref<3x32x128xf32, #tpu.memory_space<vmem>> -> memref<1x16x128xf32, #tpu.memory_space<vmem>>
            %dma_wait3A_2535 = tpu.memref_squeeze %dma_wait3A_2534 : memref<1x16x128xf32, #tpu.memory_space<vmem>> -> memref<16x128xf32, #tpu.memory_space<vmem>>
            %dma_wait3A_2536 = arith.constant 0 : i32
            %dma_wait3A_2537 = arith.constant 0 : i32
            %dma_wait3A_2538 = tpu.memref_slice %arg5[%dma_wait3A_2536, %dma_wait3A_2537] : memref<401408x128xf32, #tpu.memory_space<hbm>> -> memref<401408x128xf32, #tpu.memory_space<hbm>>
            %dma_wait3A_2539 = tpu.memref_slice %arg20[%dma_wait3A_2531] : memref<3x!tpu.dma_semaphore, #tpu.memory_space<semaphore_mem>> -> memref<1x!tpu.dma_semaphore, #tpu.memory_space<semaphore_mem>>
            %dma_wait3A_2540 = tpu.memref_squeeze %dma_wait3A_2539 : memref<1x!tpu.dma_semaphore, #tpu.memory_space<semaphore_mem>> -> memref<!tpu.dma_semaphore, #tpu.memory_space<semaphore_mem>>
            tpu.wait_indirect_dma semaphore(%dma_wait3A_2540 : memref<!tpu.dma_semaphore, #tpu.memory_space<semaphore_mem>>) src(%dma_wait3A_2535 : memref<16x128xf32, #tpu.memory_space<vmem>>) dst(%dma_wait3A_2538 : memref<401408x128xf32, #tpu.memory_space<hbm>>)
            %iota3A_2541 = tpu.iota {dimensions = array<i32: 0>} : vector<16xi32>
            %dma_wait3A_2542 = arith.constant 1 : i32
            %dma_wait3A_2543 = arith.constant 1 : i32
            %dma_wait3A_2544 = arith.constant 16 : i32
            %dma_wait3A_2545 = arith.constant 0 : i32
            %dma_wait3A_2546 = tpu.memref_slice %arg11[%dma_wait3A_2542, %dma_wait3A_2544, %dma_wait3A_2545] : memref<3x32x128xf32, #tpu.memory_space<vmem>> -> memref<1x16x128xf32, #tpu.memory_space<vmem>>
            %dma_wait3A_2547 = tpu.memref_squeeze %dma_wait3A_2546 : memref<1x16x128xf32, #tpu.memory_space<vmem>> -> memref<16x128xf32, #tpu.memory_space<vmem>>
            %dma_wait3A_2548 = arith.constant 0 : i32
            %dma_wait3A_2549 = arith.constant 0 : i32
            %dma_wait3A_2550 = tpu.memref_slice %arg5[%dma_wait3A_2548, %dma_wait3A_2549] : memref<401408x128xf32, #tpu.memory_space<hbm>> -> memref<401408x128xf32, #tpu.memory_space<hbm>>
            %dma_wait3A_2551 = tpu.memref_slice %arg20[%dma_wait3A_2543] : memref<3x!tpu.dma_semaphore, #tpu.memory_space<semaphore_mem>> -> memref<1x!tpu.dma_semaphore, #tpu.memory_space<semaphore_mem>>
            %dma_wait3A_2552 = tpu.memref_squeeze %dma_wait3A_2551 : memref<1x!tpu.dma_semaphore, #tpu.memory_space<semaphore_mem>> -> memref<!tpu.dma_semaphore, #tpu.memory_space<semaphore_mem>>
            tpu.wait_indirect_dma semaphore(%dma_wait3A_2552 : memref<!tpu.dma_semaphore, #tpu.memory_space<semaphore_mem>>) src(%dma_wait3A_2547 : memref<16x128xf32, #tpu.memory_space<vmem>>) dst(%dma_wait3A_2550 : memref<401408x128xf32, #tpu.memory_space<hbm>>)
          } else {
          }
          %dma_start3A = arith.constant 1 : i32
          %dma_start3A_2470 = arith.constant 1 : i32
          %dma_start3A_2471 = arith.constant 0 : i32
          %dma_start3A_2472 = arith.constant 0 : i32
          %dma_start3A_2473 = tpu.memref_slice %arg11[%dma_start3A, %dma_start3A_2471, %dma_start3A_2472] : memref<3x32x128xf32, #tpu.memory_space<vmem>> -> memref<1x32x128xf32, #tpu.memory_space<vmem>>
          %dma_start3A_2474 = tpu.memref_squeeze %dma_start3A_2473 : memref<1x32x128xf32, #tpu.memory_space<vmem>> -> memref<32x128xf32, #tpu.memory_space<vmem>>
          %dma_start3A_2475 = tpu.memref_slice %arg9[%multiple_of3A] : memref<13166xi32, #tpu.memory_space<vmem>> -> memref<32xi32, #tpu.memory_space<vmem>>
          %dma_start3A_2476 = arith.constant 0 : i32
          %dma_start3A_2477 = arith.constant 0 : i32
          %dma_start3A_2478 = tpu.memref_slice %arg16[%dma_start3A_2476, %dma_start3A_2477] : memref<6144x128xf32, #tpu.memory_space<vmem_shared>> -> memref<6144x128xf32, #tpu.memory_space<vmem_shared>>
          %dma_start3A_2479 = tpu.memref_slice %arg19[%dma_start3A_2470] : memref<3x!tpu.dma_semaphore, #tpu.memory_space<semaphore_mem>> -> memref<1x!tpu.dma_semaphore, #tpu.memory_space<semaphore_mem>>
          %dma_start3A_2480 = tpu.memref_squeeze %dma_start3A_2479 : memref<1x!tpu.dma_semaphore, #tpu.memory_space<semaphore_mem>> -> memref<!tpu.dma_semaphore, #tpu.memory_space<semaphore_mem>>
          tpu.enqueue_indirect_dma source(%dma_start3A_2478 : memref<6144x128xf32, #tpu.memory_space<vmem_shared>>) target(%dma_start3A_2474 : memref<32x128xf32, #tpu.memory_space<vmem>>) offsets(%dma_start3A_2475 : memref<32xi32, #tpu.memory_space<vmem>>) semaphore(%dma_start3A_2480 : memref<!tpu.dma_semaphore, #tpu.memory_space<semaphore_mem>>)
          %dma_wait3A = arith.constant 1 : i32
          %dma_wait3A_2481 = arith.constant 1 : i32
          %dma_wait3A_2482 = arith.constant 0 : i32
          %dma_wait3A_2483 = arith.constant 0 : i32
          %dma_wait3A_2484 = tpu.memref_slice %arg11[%dma_wait3A, %dma_wait3A_2482, %dma_wait3A_2483] : memref<3x32x128xf32, #tpu.memory_space<vmem>> -> memref<1x32x128xf32, #tpu.memory_space<vmem>>
          %dma_wait3A_2485 = tpu.memref_squeeze %dma_wait3A_2484 : memref<1x32x128xf32, #tpu.memory_space<vmem>> -> memref<32x128xf32, #tpu.memory_space<vmem>>
          %dma_wait3A_2486 = tpu.memref_slice %arg9[%multiple_of3A] : memref<13166xi32, #tpu.memory_space<vmem>> -> memref<32xi32, #tpu.memory_space<vmem>>
          %dma_wait3A_2487 = arith.constant 0 : i32
          %dma_wait3A_2488 = arith.constant 0 : i32
          %dma_wait3A_2489 = tpu.memref_slice %arg16[%dma_wait3A_2487, %dma_wait3A_2488] : memref<6144x128xf32, #tpu.memory_space<vmem_shared>> -> memref<6144x128xf32, #tpu.memory_space<vmem_shared>>
          %dma_wait3A_2490 = tpu.memref_slice %arg19[%dma_wait3A_2481] : memref<3x!tpu.dma_semaphore, #tpu.memory_space<semaphore_mem>> -> memref<1x!tpu.dma_semaphore, #tpu.memory_space<semaphore_mem>>
          %dma_wait3A_2491 = tpu.memref_squeeze %dma_wait3A_2490 : memref<1x!tpu.dma_semaphore, #tpu.memory_space<semaphore_mem>> -> memref<!tpu.dma_semaphore, #tpu.memory_space<semaphore_mem>>
          tpu.wait_indirect_dma semaphore(%dma_wait3A_2491 : memref<!tpu.dma_semaphore, #tpu.memory_space<semaphore_mem>>) src(%dma_wait3A_2489 : memref<6144x128xf32, #tpu.memory_space<vmem_shared>>) dst(%dma_wait3A_2485 : memref<32x128xf32, #tpu.memory_space<vmem>>)
          %add3A_2492 = arith.constant 0 : i32
          %add3A_2493 = arith.addi %multiple_of3A, %add3A_2492 : i32
          %iota3A_2494 = tpu.iota {dimensions = array<i32: 0>} : vector<16xi32>
          %add3A_2495 = vector.broadcast %add3A_2493 : i32 to vector<16xi32>
          %add3A_2496 = arith.addi %add3A_2495, %iota3A_2494 : vector<16xi32>
          %gather3A = tpu.vector_load_idx %arg10[%add3A_2496] : memref<13166xi32, #tpu.memory_space<vmem>>[vector<16xi32>], vector<16xi32>,
          %dma_start3A_2497 = arith.constant 1 : i32
          %dma_start3A_2498 = arith.constant 1 : i32
          %dma_start3A_2499 = arith.constant 0 : i32
          %dma_start3A_2500 = arith.constant 0 : i32
          %dma_start3A_2501 = tpu.memref_slice %arg11[%dma_start3A_2497, %dma_start3A_2499, %dma_start3A_2500] : memref<3x32x128xf32, #tpu.memory_space<vmem>> -> memref<1x16x128xf32, #tpu.memory_space<vmem>>
          %dma_start3A_2502 = tpu.memref_squeeze %dma_start3A_2501 : memref<1x16x128xf32, #tpu.memory_space<vmem>> -> memref<16x128xf32, #tpu.memory_space<vmem>>
          %dma_start3A_2503 = arith.constant 0 : i32
          %dma_start3A_2504 = arith.constant 0 : i32
          %dma_start3A_2505 = tpu.memref_slice %arg5[%dma_start3A_2503, %dma_start3A_2504] : memref<401408x128xf32, #tpu.memory_space<hbm>> -> memref<401408x128xf32, #tpu.memory_space<hbm>>
          %dma_start3A_2506 = tpu.memref_slice %arg20[%dma_start3A_2498] : memref<3x!tpu.dma_semaphore, #tpu.memory_space<semaphore_mem>> -> memref<1x!tpu.dma_semaphore, #tpu.memory_space<semaphore_mem>>
          %dma_start3A_2507 = tpu.memref_squeeze %dma_start3A_2506 : memref<1x!tpu.dma_semaphore, #tpu.memory_space<semaphore_mem>> -> memref<!tpu.dma_semaphore, #tpu.memory_space<semaphore_mem>>
          tpu.enqueue_indirect_dma source(%dma_start3A_2502 : memref<16x128xf32, #tpu.memory_space<vmem>>) target(%dma_start3A_2505 : memref<401408x128xf32, #tpu.memory_space<hbm>>) offsets(%gather3A : vector<16xi32>) semaphore(%dma_start3A_2507 : memref<!tpu.dma_semaphore, #tpu.memory_space<semaphore_mem>>)
          %add3A_2508 = arith.constant 16 : i32
          %add3A_2509 = arith.addi %multiple_of3A, %add3A_2508 : i32
          %iota3A_2510 = tpu.iota {dimensions = array<i32: 0>} : vector<16xi32>
          %add3A_2511 = vector.broadcast %add3A_2509 : i32 to vector<16xi32>
          %add3A_2512 = arith.addi %add3A_2511, %iota3A_2510 : vector<16xi32>
          %gather3A_2513 = tpu.vector_load_idx %arg10[%add3A_2512] : memref<13166xi32, #tpu.memory_space<vmem>>[vector<16xi32>], vector<16xi32>,
          %dma_start3A_2514 = arith.constant 1 : i32
          %dma_start3A_2515 = arith.constant 1 : i32
          %dma_start3A_2516 = arith.constant 16 : i32
          %dma_start3A_2517 = arith.constant 0 : i32
          %dma_start3A_2518 = tpu.memref_slice %arg11[%dma_start3A_2514, %dma_start3A_2516, %dma_start3A_2517] : memref<3x32x128xf32, #tpu.memory_space<vmem>> -> memref<1x16x128xf32, #tpu.memory_space<vmem>>
          %dma_start3A_2519 = tpu.memref_squeeze %dma_start3A_2518 : memref<1x16x128xf32, #tpu.memory_space<vmem>> -> memref<16x128xf32, #tpu.memory_space<vmem>>
          %dma_start3A_2520 = arith.constant 0 : i32
          %dma_start3A_2521 = arith.constant 0 : i32
          %dma_start3A_2522 = tpu.memref_slice %arg5[%dma_start3A_2520, %dma_start3A_2521] : memref<401408x128xf32, #tpu.memory_space<hbm>> -> memref<401408x128xf32, #tpu.memory_space<hbm>>
          %dma_start3A_2523 = tpu.memref_slice %arg20[%dma_start3A_2515] : memref<3x!tpu.dma_semaphore, #tpu.memory_space<semaphore_mem>> -> memref<1x!tpu.dma_semaphore, #tpu.memory_space<semaphore_mem>>
          %dma_start3A_2524 = tpu.memref_squeeze %dma_start3A_2523 : memref<1x!tpu.dma_semaphore, #tpu.memory_space<semaphore_mem>> -> memref<!tpu.dma_semaphore, #tpu.memory_space<semaphore_mem>>
          tpu.enqueue_indirect_dma source(%dma_start3A_2519 : memref<16x128xf32, #tpu.memory_space<vmem>>) target(%dma_start3A_2522 : memref<401408x128xf32, #tpu.memory_space<hbm>>) offsets(%gather3A_2513 : vector<16xi32>) semaphore(%dma_start3A_2524 : memref<!tpu.dma_semaphore, #tpu.memory_space<semaphore_mem>>)
          %swap3A_2525 = arith.constant 1 : i32
          %swap3A_2526 = arith.constant 37 : i32
          %swap3A_2527 = arith.index_cast %swap3A_2526 : i32 to index
          %swap3A_2528 = memref.load %arg18[%swap3A_2527] : memref<64xi32, #tpu.memory_space<smem>>
          memref.store %swap3A_2525, %arg18[%swap3A_2527] : memref<64xi32, #tpu.memory_space<smem>>
        } else {
        }
        %mul3A_2451 = arith.constant 3 : i32
        %mul3A_2452 = arith.muli %while3A_2434, %mul3A_2451 : i32
        %add3A_2453 = arith.constant 2 : i32
        %add3A_2454 = arith.addi %mul3A_2452, %add3A_2453 : i32
        %lt3A_2455 = arith.cmpi slt, %add3A_2454, %select_n3A_2395 : i32
        %convert_element_type3A_2456 = arith.extui %lt3A_2455 : i1 to i32
        %cond3A_2457 = arith.constant 0 : i32
        %cond3A_2458 = arith.cmpi ne, %convert_element_type3A_2456, %cond3A_2457 : i32
        scf.if %cond3A_2458 {
          %mul3A_2459 = arith.constant 32 : i32
          %mul3A_2460 = arith.muli %add3A_2454, %mul3A_2459 : i32
          %add3A_2461 = arith.addi %get3A_2363, %mul3A_2460 : i32
          %multiple_of3A = tpu.assume_multiple %add3A_2461, 16 : i32
          %get3A_2462 = arith.constant 38 : i32
          %get3A_2463 = arith.index_cast %get3A_2462 : i32 to index
          %get3A_2464 = memref.load %arg18[%get3A_2463] : memref<64xi32, #tpu.memory_space<smem>>
          %gt3A_2465 = arith.constant 0 : i32
          %gt3A_2466 = arith.cmpi sgt, %get3A_2464, %gt3A_2465 : i32
          %convert_element_type3A_2467 = arith.extui %gt3A_2466 : i1 to i32
          %cond3A_2468 = arith.constant 0 : i32
          %cond3A_2469 = arith.cmpi ne, %convert_element_type3A_2467, %cond3A_2468 : i32
          scf.if %cond3A_2469 {
            %iota3A_2529 = tpu.iota {dimensions = array<i32: 0>} : vector<16xi32>
            %dma_wait3A_2530 = arith.constant 2 : i32
            %dma_wait3A_2531 = arith.constant 2 : i32
            %dma_wait3A_2532 = arith.constant 0 : i32
            %dma_wait3A_2533 = arith.constant 0 : i32
            %dma_wait3A_2534 = tpu.memref_slice %arg11[%dma_wait3A_2530, %dma_wait3A_2532, %dma_wait3A_2533] : memref<3x32x128xf32, #tpu.memory_space<vmem>> -> memref<1x16x128xf32, #tpu.memory_space<vmem>>
            %dma_wait3A_2535 = tpu.memref_squeeze %dma_wait3A_2534 : memref<1x16x128xf32, #tpu.memory_space<vmem>> -> memref<16x128xf32, #tpu.memory_space<vmem>>
            %dma_wait3A_2536 = arith.constant 0 : i32
            %dma_wait3A_2537 = arith.constant 0 : i32
            %dma_wait3A_2538 = tpu.memref_slice %arg5[%dma_wait3A_2536, %dma_wait3A_2537] : memref<401408x128xf32, #tpu.memory_space<hbm>> -> memref<401408x128xf32, #tpu.memory_space<hbm>>
            %dma_wait3A_2539 = tpu.memref_slice %arg20[%dma_wait3A_2531] : memref<3x!tpu.dma_semaphore, #tpu.memory_space<semaphore_mem>> -> memref<1x!tpu.dma_semaphore, #tpu.memory_space<semaphore_mem>>
            %dma_wait3A_2540 = tpu.memref_squeeze %dma_wait3A_2539 : memref<1x!tpu.dma_semaphore, #tpu.memory_space<semaphore_mem>> -> memref<!tpu.dma_semaphore, #tpu.memory_space<semaphore_mem>>
            tpu.wait_indirect_dma semaphore(%dma_wait3A_2540 : memref<!tpu.dma_semaphore, #tpu.memory_space<semaphore_mem>>) src(%dma_wait3A_2535 : memref<16x128xf32, #tpu.memory_space<vmem>>) dst(%dma_wait3A_2538 : memref<401408x128xf32, #tpu.memory_space<hbm>>)
            %iota3A_2541 = tpu.iota {dimensions = array<i32: 0>} : vector<16xi32>
            %dma_wait3A_2542 = arith.constant 2 : i32
            %dma_wait3A_2543 = arith.constant 2 : i32
            %dma_wait3A_2544 = arith.constant 16 : i32
            %dma_wait3A_2545 = arith.constant 0 : i32
            %dma_wait3A_2546 = tpu.memref_slice %arg11[%dma_wait3A_2542, %dma_wait3A_2544, %dma_wait3A_2545] : memref<3x32x128xf32, #tpu.memory_space<vmem>> -> memref<1x16x128xf32, #tpu.memory_space<vmem>>
            %dma_wait3A_2547 = tpu.memref_squeeze %dma_wait3A_2546 : memref<1x16x128xf32, #tpu.memory_space<vmem>> -> memref<16x128xf32, #tpu.memory_space<vmem>>
            %dma_wait3A_2548 = arith.constant 0 : i32
            %dma_wait3A_2549 = arith.constant 0 : i32
            %dma_wait3A_2550 = tpu.memref_slice %arg5[%dma_wait3A_2548, %dma_wait3A_2549] : memref<401408x128xf32, #tpu.memory_space<hbm>> -> memref<401408x128xf32, #tpu.memory_space<hbm>>
            %dma_wait3A_2551 = tpu.memref_slice %arg20[%dma_wait3A_2543] : memref<3x!tpu.dma_semaphore, #tpu.memory_space<semaphore_mem>> -> memref<1x!tpu.dma_semaphore, #tpu.memory_space<semaphore_mem>>
            %dma_wait3A_2552 = tpu.memref_squeeze %dma_wait3A_2551 : memref<1x!tpu.dma_semaphore, #tpu.memory_space<semaphore_mem>> -> memref<!tpu.dma_semaphore, #tpu.memory_space<semaphore_mem>>
            tpu.wait_indirect_dma semaphore(%dma_wait3A_2552 : memref<!tpu.dma_semaphore, #tpu.memory_space<semaphore_mem>>) src(%dma_wait3A_2547 : memref<16x128xf32, #tpu.memory_space<vmem>>) dst(%dma_wait3A_2550 : memref<401408x128xf32, #tpu.memory_space<hbm>>)
          } else {
          }
          %dma_start3A = arith.constant 2 : i32
          %dma_start3A_2470 = arith.constant 2 : i32
          %dma_start3A_2471 = arith.constant 0 : i32
          %dma_start3A_2472 = arith.constant 0 : i32
          %dma_start3A_2473 = tpu.memref_slice %arg11[%dma_start3A, %dma_start3A_2471, %dma_start3A_2472] : memref<3x32x128xf32, #tpu.memory_space<vmem>> -> memref<1x32x128xf32, #tpu.memory_space<vmem>>
          %dma_start3A_2474 = tpu.memref_squeeze %dma_start3A_2473 : memref<1x32x128xf32, #tpu.memory_space<vmem>> -> memref<32x128xf32, #tpu.memory_space<vmem>>
          %dma_start3A_2475 = tpu.memref_slice %arg9[%multiple_of3A] : memref<13166xi32, #tpu.memory_space<vmem>> -> memref<32xi32, #tpu.memory_space<vmem>>
          %dma_start3A_2476 = arith.constant 0 : i32
          %dma_start3A_2477 = arith.constant 0 : i32
          %dma_start3A_2478 = tpu.memref_slice %arg16[%dma_start3A_2476, %dma_start3A_2477] : memref<6144x128xf32, #tpu.memory_space<vmem_shared>> -> memref<6144x128xf32, #tpu.memory_space<vmem_shared>>
          %dma_start3A_2479 = tpu.memref_slice %arg19[%dma_start3A_2470] : memref<3x!tpu.dma_semaphore, #tpu.memory_space<semaphore_mem>> -> memref<1x!tpu.dma_semaphore, #tpu.memory_space<semaphore_mem>>
          %dma_start3A_2480 = tpu.memref_squeeze %dma_start3A_2479 : memref<1x!tpu.dma_semaphore, #tpu.memory_space<semaphore_mem>> -> memref<!tpu.dma_semaphore, #tpu.memory_space<semaphore_mem>>
          tpu.enqueue_indirect_dma source(%dma_start3A_2478 : memref<6144x128xf32, #tpu.memory_space<vmem_shared>>) target(%dma_start3A_2474 : memref<32x128xf32, #tpu.memory_space<vmem>>) offsets(%dma_start3A_2475 : memref<32xi32, #tpu.memory_space<vmem>>) semaphore(%dma_start3A_2480 : memref<!tpu.dma_semaphore, #tpu.memory_space<semaphore_mem>>)
          %dma_wait3A = arith.constant 2 : i32
          %dma_wait3A_2481 = arith.constant 2 : i32
          %dma_wait3A_2482 = arith.constant 0 : i32
          %dma_wait3A_2483 = arith.constant 0 : i32
          %dma_wait3A_2484 = tpu.memref_slice %arg11[%dma_wait3A, %dma_wait3A_2482, %dma_wait3A_2483] : memref<3x32x128xf32, #tpu.memory_space<vmem>> -> memref<1x32x128xf32, #tpu.memory_space<vmem>>
          %dma_wait3A_2485 = tpu.memref_squeeze %dma_wait3A_2484 : memref<1x32x128xf32, #tpu.memory_space<vmem>> -> memref<32x128xf32, #tpu.memory_space<vmem>>
          %dma_wait3A_2486 = tpu.memref_slice %arg9[%multiple_of3A] : memref<13166xi32, #tpu.memory_space<vmem>> -> memref<32xi32, #tpu.memory_space<vmem>>
          %dma_wait3A_2487 = arith.constant 0 : i32
          %dma_wait3A_2488 = arith.constant 0 : i32
          %dma_wait3A_2489 = tpu.memref_slice %arg16[%dma_wait3A_2487, %dma_wait3A_2488] : memref<6144x128xf32, #tpu.memory_space<vmem_shared>> -> memref<6144x128xf32, #tpu.memory_space<vmem_shared>>
          %dma_wait3A_2490 = tpu.memref_slice %arg19[%dma_wait3A_2481] : memref<3x!tpu.dma_semaphore, #tpu.memory_space<semaphore_mem>> -> memref<1x!tpu.dma_semaphore, #tpu.memory_space<semaphore_mem>>
          %dma_wait3A_2491 = tpu.memref_squeeze %dma_wait3A_2490 : memref<1x!tpu.dma_semaphore, #tpu.memory_space<semaphore_mem>> -> memref<!tpu.dma_semaphore, #tpu.memory_space<semaphore_mem>>
          tpu.wait_indirect_dma semaphore(%dma_wait3A_2491 : memref<!tpu.dma_semaphore, #tpu.memory_space<semaphore_mem>>) src(%dma_wait3A_2489 : memref<6144x128xf32, #tpu.memory_space<vmem_shared>>) dst(%dma_wait3A_2485 : memref<32x128xf32, #tpu.memory_space<vmem>>)
          %add3A_2492 = arith.constant 0 : i32
          %add3A_2493 = arith.addi %multiple_of3A, %add3A_2492 : i32
          %iota3A_2494 = tpu.iota {dimensions = array<i32: 0>} : vector<16xi32>
          %add3A_2495 = vector.broadcast %add3A_2493 : i32 to vector<16xi32>
          %add3A_2496 = arith.addi %add3A_2495, %iota3A_2494 : vector<16xi32>
          %gather3A = tpu.vector_load_idx %arg10[%add3A_2496] : memref<13166xi32, #tpu.memory_space<vmem>>[vector<16xi32>], vector<16xi32>,
          %dma_start3A_2497 = arith.constant 2 : i32
          %dma_start3A_2498 = arith.constant 2 : i32
          %dma_start3A_2499 = arith.constant 0 : i32
          %dma_start3A_2500 = arith.constant 0 : i32
          %dma_start3A_2501 = tpu.memref_slice %arg11[%dma_start3A_2497, %dma_start3A_2499, %dma_start3A_2500] : memref<3x32x128xf32, #tpu.memory_space<vmem>> -> memref<1x16x128xf32, #tpu.memory_space<vmem>>
          %dma_start3A_2502 = tpu.memref_squeeze %dma_start3A_2501 : memref<1x16x128xf32, #tpu.memory_space<vmem>> -> memref<16x128xf32, #tpu.memory_space<vmem>>
          %dma_start3A_2503 = arith.constant 0 : i32
          %dma_start3A_2504 = arith.constant 0 : i32
          %dma_start3A_2505 = tpu.memref_slice %arg5[%dma_start3A_2503, %dma_start3A_2504] : memref<401408x128xf32, #tpu.memory_space<hbm>> -> memref<401408x128xf32, #tpu.memory_space<hbm>>
          %dma_start3A_2506 = tpu.memref_slice %arg20[%dma_start3A_2498] : memref<3x!tpu.dma_semaphore, #tpu.memory_space<semaphore_mem>> -> memref<1x!tpu.dma_semaphore, #tpu.memory_space<semaphore_mem>>
          %dma_start3A_2507 = tpu.memref_squeeze %dma_start3A_2506 : memref<1x!tpu.dma_semaphore, #tpu.memory_space<semaphore_mem>> -> memref<!tpu.dma_semaphore, #tpu.memory_space<semaphore_mem>>
          tpu.enqueue_indirect_dma source(%dma_start3A_2502 : memref<16x128xf32, #tpu.memory_space<vmem>>) target(%dma_start3A_2505 : memref<401408x128xf32, #tpu.memory_space<hbm>>) offsets(%gather3A : vector<16xi32>) semaphore(%dma_start3A_2507 : memref<!tpu.dma_semaphore, #tpu.memory_space<semaphore_mem>>)
          %add3A_2508 = arith.constant 16 : i32
          %add3A_2509 = arith.addi %multiple_of3A, %add3A_2508 : i32
          %iota3A_2510 = tpu.iota {dimensions = array<i32: 0>} : vector<16xi32>
          %add3A_2511 = vector.broadcast %add3A_2509 : i32 to vector<16xi32>
          %add3A_2512 = arith.addi %add3A_2511, %iota3A_2510 : vector<16xi32>
          %gather3A_2513 = tpu.vector_load_idx %arg10[%add3A_2512] : memref<13166xi32, #tpu.memory_space<vmem>>[vector<16xi32>], vector<16xi32>,
          %dma_start3A_2514 = arith.constant 2 : i32
          %dma_start3A_2515 = arith.constant 2 : i32
          %dma_start3A_2516 = arith.constant 16 : i32
          %dma_start3A_2517 = arith.constant 0 : i32
          %dma_start3A_2518 = tpu.memref_slice %arg11[%dma_start3A_2514, %dma_start3A_2516, %dma_start3A_2517] : memref<3x32x128xf32, #tpu.memory_space<vmem>> -> memref<1x16x128xf32, #tpu.memory_space<vmem>>
          %dma_start3A_2519 = tpu.memref_squeeze %dma_start3A_2518 : memref<1x16x128xf32, #tpu.memory_space<vmem>> -> memref<16x128xf32, #tpu.memory_space<vmem>>
          %dma_start3A_2520 = arith.constant 0 : i32
          %dma_start3A_2521 = arith.constant 0 : i32
          %dma_start3A_2522 = tpu.memref_slice %arg5[%dma_start3A_2520, %dma_start3A_2521] : memref<401408x128xf32, #tpu.memory_space<hbm>> -> memref<401408x128xf32, #tpu.memory_space<hbm>>
          %dma_start3A_2523 = tpu.memref_slice %arg20[%dma_start3A_2515] : memref<3x!tpu.dma_semaphore, #tpu.memory_space<semaphore_mem>> -> memref<1x!tpu.dma_semaphore, #tpu.memory_space<semaphore_mem>>
          %dma_start3A_2524 = tpu.memref_squeeze %dma_start3A_2523 : memref<1x!tpu.dma_semaphore, #tpu.memory_space<semaphore_mem>> -> memref<!tpu.dma_semaphore, #tpu.memory_space<semaphore_mem>>
          tpu.enqueue_indirect_dma source(%dma_start3A_2519 : memref<16x128xf32, #tpu.memory_space<vmem>>) target(%dma_start3A_2522 : memref<401408x128xf32, #tpu.memory_space<hbm>>) offsets(%gather3A_2513 : vector<16xi32>) semaphore(%dma_start3A_2524 : memref<!tpu.dma_semaphore, #tpu.memory_space<semaphore_mem>>)
          %swap3A_2525 = arith.constant 1 : i32
          %swap3A_2526 = arith.constant 38 : i32
          %swap3A_2527 = arith.index_cast %swap3A_2526 : i32 to index
          %swap3A_2528 = memref.load %arg18[%swap3A_2527] : memref<64xi32, #tpu.memory_space<smem>>
          memref.store %swap3A_2525, %arg18[%swap3A_2527] : memref<64xi32, #tpu.memory_space<smem>>
        } else {
        }
      }
    }
    %scan3A_677 = arith.constant 17 : i32
    %get3A_678 = arith.constant 36 : i32
    %get3A_679 = arith.index_cast %get3A_678 : i32 to index
    %get3A_680 = memref.load %arg18[%get3A_679] : memref<64xi32, #tpu.memory_space<smem>>
    %gt3A = arith.constant 0 : i32
    %gt3A_681 = arith.cmpi sgt, %get3A_680, %gt3A : i32
    %convert_element_type3A = arith.extui %gt3A_681 : i1 to i32
    %cond3A = arith.constant 0 : i32
    %cond3A_682 = arith.cmpi ne, %convert_element_type3A, %cond3A : i32
    scf.if %cond3A_682 {
      %iota3A_2296 = tpu.iota {dimensions = array<i32: 0>} : vector<16xi32>
      %dma_wait3A = arith.constant 0 : i32
      %dma_wait3A_2297 = arith.constant 0 : i32
      %dma_wait3A_2298 = arith.constant 0 : i32
      %dma_wait3A_2299 = arith.constant 0 : i32
      %dma_wait3A_2300 = tpu.memref_slice %arg11[%dma_wait3A, %dma_wait3A_2298, %dma_wait3A_2299] : memref<3x32x128xf32, #tpu.memory_space<vmem>> -> memref<1x16x128xf32, #tpu.memory_space<vmem>>
      %dma_wait3A_2301 = tpu.memref_squeeze %dma_wait3A_2300 : memref<1x16x128xf32, #tpu.memory_space<vmem>> -> memref<16x128xf32, #tpu.memory_space<vmem>>
      %dma_wait3A_2302 = arith.constant 0 : i32
      %dma_wait3A_2303 = arith.constant 0 : i32
      %dma_wait3A_2304 = tpu.memref_slice %arg5[%dma_wait3A_2302, %dma_wait3A_2303] : memref<401408x128xf32, #tpu.memory_space<hbm>> -> memref<401408x128xf32, #tpu.memory_space<hbm>>
      %dma_wait3A_2305 = tpu.memref_slice %arg20[%dma_wait3A_2297] : memref<3x!tpu.dma_semaphore, #tpu.memory_space<semaphore_mem>> -> memref<1x!tpu.dma_semaphore, #tpu.memory_space<semaphore_mem>>
      %dma_wait3A_2306 = tpu.memref_squeeze %dma_wait3A_2305 : memref<1x!tpu.dma_semaphore, #tpu.memory_space<semaphore_mem>> -> memref<!tpu.dma_semaphore, #tpu.memory_space<semaphore_mem>>
      tpu.wait_indirect_dma semaphore(%dma_wait3A_2306 : memref<!tpu.dma_semaphore, #tpu.memory_space<semaphore_mem>>) src(%dma_wait3A_2301 : memref<16x128xf32, #tpu.memory_space<vmem>>) dst(%dma_wait3A_2304 : memref<401408x128xf32, #tpu.memory_space<hbm>>)
      %iota3A_2307 = tpu.iota {dimensions = array<i32: 0>} : vector<16xi32>
      %dma_wait3A_2308 = arith.constant 0 : i32
      %dma_wait3A_2309 = arith.constant 0 : i32
      %dma_wait3A_2310 = arith.constant 16 : i32
      %dma_wait3A_2311 = arith.constant 0 : i32
      %dma_wait3A_2312 = tpu.memref_slice %arg11[%dma_wait3A_2308, %dma_wait3A_2310, %dma_wait3A_2311] : memref<3x32x128xf32, #tpu.memory_space<vmem>> -> memref<1x16x128xf32, #tpu.memory_space<vmem>>
      %dma_wait3A_2313 = tpu.memref_squeeze %dma_wait3A_2312 : memref<1x16x128xf32, #tpu.memory_space<vmem>> -> memref<16x128xf32, #tpu.memory_space<vmem>>
      %dma_wait3A_2314 = arith.constant 0 : i32
      %dma_wait3A_2315 = arith.constant 0 : i32
      %dma_wait3A_2316 = tpu.memref_slice %arg5[%dma_wait3A_2314, %dma_wait3A_2315] : memref<401408x128xf32, #tpu.memory_space<hbm>> -> memref<401408x128xf32, #tpu.memory_space<hbm>>
      %dma_wait3A_2317 = tpu.memref_slice %arg20[%dma_wait3A_2309] : memref<3x!tpu.dma_semaphore, #tpu.memory_space<semaphore_mem>> -> memref<1x!tpu.dma_semaphore, #tpu.memory_space<semaphore_mem>>
      %dma_wait3A_2318 = tpu.memref_squeeze %dma_wait3A_2317 : memref<1x!tpu.dma_semaphore, #tpu.memory_space<semaphore_mem>> -> memref<!tpu.dma_semaphore, #tpu.memory_space<semaphore_mem>>
      tpu.wait_indirect_dma semaphore(%dma_wait3A_2318 : memref<!tpu.dma_semaphore, #tpu.memory_space<semaphore_mem>>) src(%dma_wait3A_2313 : memref<16x128xf32, #tpu.memory_space<vmem>>) dst(%dma_wait3A_2316 : memref<401408x128xf32, #tpu.memory_space<hbm>>)
    } else {
    }
    %get3A_683 = arith.constant 37 : i32
    %get3A_684 = arith.index_cast %get3A_683 : i32 to index
    %get3A_685 = memref.load %arg18[%get3A_684] : memref<64xi32, #tpu.memory_space<smem>>
    %gt3A_686 = arith.constant 0 : i32
    %gt3A_687 = arith.cmpi sgt, %get3A_685, %gt3A_686 : i32
    %convert_element_type3A_688 = arith.extui %gt3A_687 : i1 to i32
    %cond3A_689 = arith.constant 0 : i32
    %cond3A_690 = arith.cmpi ne, %convert_element_type3A_688, %cond3A_689 : i32
    scf.if %cond3A_690 {
      %iota3A_2296 = tpu.iota {dimensions = array<i32: 0>} : vector<16xi32>
      %dma_wait3A = arith.constant 1 : i32
      %dma_wait3A_2297 = arith.constant 1 : i32
      %dma_wait3A_2298 = arith.constant 0 : i32
      %dma_wait3A_2299 = arith.constant 0 : i32
      %dma_wait3A_2300 = tpu.memref_slice %arg11[%dma_wait3A, %dma_wait3A_2298, %dma_wait3A_2299] : memref<3x32x128xf32, #tpu.memory_space<vmem>> -> memref<1x16x128xf32, #tpu.memory_space<vmem>>
      %dma_wait3A_2301 = tpu.memref_squeeze %dma_wait3A_2300 : memref<1x16x128xf32, #tpu.memory_space<vmem>> -> memref<16x128xf32, #tpu.memory_space<vmem>>
      %dma_wait3A_2302 = arith.constant 0 : i32
      %dma_wait3A_2303 = arith.constant 0 : i32
      %dma_wait3A_2304 = tpu.memref_slice %arg5[%dma_wait3A_2302, %dma_wait3A_2303] : memref<401408x128xf32, #tpu.memory_space<hbm>> -> memref<401408x128xf32, #tpu.memory_space<hbm>>
      %dma_wait3A_2305 = tpu.memref_slice %arg20[%dma_wait3A_2297] : memref<3x!tpu.dma_semaphore, #tpu.memory_space<semaphore_mem>> -> memref<1x!tpu.dma_semaphore, #tpu.memory_space<semaphore_mem>>
      %dma_wait3A_2306 = tpu.memref_squeeze %dma_wait3A_2305 : memref<1x!tpu.dma_semaphore, #tpu.memory_space<semaphore_mem>> -> memref<!tpu.dma_semaphore, #tpu.memory_space<semaphore_mem>>
      tpu.wait_indirect_dma semaphore(%dma_wait3A_2306 : memref<!tpu.dma_semaphore, #tpu.memory_space<semaphore_mem>>) src(%dma_wait3A_2301 : memref<16x128xf32, #tpu.memory_space<vmem>>) dst(%dma_wait3A_2304 : memref<401408x128xf32, #tpu.memory_space<hbm>>)
      %iota3A_2307 = tpu.iota {dimensions = array<i32: 0>} : vector<16xi32>
      %dma_wait3A_2308 = arith.constant 1 : i32
      %dma_wait3A_2309 = arith.constant 1 : i32
      %dma_wait3A_2310 = arith.constant 16 : i32
      %dma_wait3A_2311 = arith.constant 0 : i32
      %dma_wait3A_2312 = tpu.memref_slice %arg11[%dma_wait3A_2308, %dma_wait3A_2310, %dma_wait3A_2311] : memref<3x32x128xf32, #tpu.memory_space<vmem>> -> memref<1x16x128xf32, #tpu.memory_space<vmem>>
      %dma_wait3A_2313 = tpu.memref_squeeze %dma_wait3A_2312 : memref<1x16x128xf32, #tpu.memory_space<vmem>> -> memref<16x128xf32, #tpu.memory_space<vmem>>
      %dma_wait3A_2314 = arith.constant 0 : i32
      %dma_wait3A_2315 = arith.constant 0 : i32
      %dma_wait3A_2316 = tpu.memref_slice %arg5[%dma_wait3A_2314, %dma_wait3A_2315] : memref<401408x128xf32, #tpu.memory_space<hbm>> -> memref<401408x128xf32, #tpu.memory_space<hbm>>
      %dma_wait3A_2317 = tpu.memref_slice %arg20[%dma_wait3A_2309] : memref<3x!tpu.dma_semaphore, #tpu.memory_space<semaphore_mem>> -> memref<1x!tpu.dma_semaphore, #tpu.memory_space<semaphore_mem>>
      %dma_wait3A_2318 = tpu.memref_squeeze %dma_wait3A_2317 : memref<1x!tpu.dma_semaphore, #tpu.memory_space<semaphore_mem>> -> memref<!tpu.dma_semaphore, #tpu.memory_space<semaphore_mem>>
      tpu.wait_indirect_dma semaphore(%dma_wait3A_2318 : memref<!tpu.dma_semaphore, #tpu.memory_space<semaphore_mem>>) src(%dma_wait3A_2313 : memref<16x128xf32, #tpu.memory_space<vmem>>) dst(%dma_wait3A_2316 : memref<401408x128xf32, #tpu.memory_space<hbm>>)
    } else {
    }
    %get3A_691 = arith.constant 38 : i32
    %get3A_692 = arith.index_cast %get3A_691 : i32 to index
    %get3A_693 = memref.load %arg18[%get3A_692] : memref<64xi32, #tpu.memory_space<smem>>
    %gt3A_694 = arith.constant 0 : i32
    %gt3A_695 = arith.cmpi sgt, %get3A_693, %gt3A_694 : i32
    %convert_element_type3A_696 = arith.extui %gt3A_695 : i1 to i32
    %cond3A_697 = arith.constant 0 : i32
    %cond3A_698 = arith.cmpi ne, %convert_element_type3A_696, %cond3A_697 : i32
    scf.if %cond3A_698 {
      %iota3A_2296 = tpu.iota {dimensions = array<i32: 0>} : vector<16xi32>
      %dma_wait3A = arith.constant 2 : i32
      %dma_wait3A_2297 = arith.constant 2 : i32
      %dma_wait3A_2298 = arith.constant 0 : i32
      %dma_wait3A_2299 = arith.constant 0 : i32
      %dma_wait3A_2300 = tpu.memref_slice %arg11[%dma_wait3A, %dma_wait3A_2298, %dma_wait3A_2299] : memref<3x32x128xf32, #tpu.memory_space<vmem>> -> memref<1x16x128xf32, #tpu.memory_space<vmem>>
      %dma_wait3A_2301 = tpu.memref_squeeze %dma_wait3A_2300 : memref<1x16x128xf32, #tpu.memory_space<vmem>> -> memref<16x128xf32, #tpu.memory_space<vmem>>
      %dma_wait3A_2302 = arith.constant 0 : i32
      %dma_wait3A_2303 = arith.constant 0 : i32
      %dma_wait3A_2304 = tpu.memref_slice %arg5[%dma_wait3A_2302, %dma_wait3A_2303] : memref<401408x128xf32, #tpu.memory_space<hbm>> -> memref<401408x128xf32, #tpu.memory_space<hbm>>
      %dma_wait3A_2305 = tpu.memref_slice %arg20[%dma_wait3A_2297] : memref<3x!tpu.dma_semaphore, #tpu.memory_space<semaphore_mem>> -> memref<1x!tpu.dma_semaphore, #tpu.memory_space<semaphore_mem>>
      %dma_wait3A_2306 = tpu.memref_squeeze %dma_wait3A_2305 : memref<1x!tpu.dma_semaphore, #tpu.memory_space<semaphore_mem>> -> memref<!tpu.dma_semaphore, #tpu.memory_space<semaphore_mem>>
      tpu.wait_indirect_dma semaphore(%dma_wait3A_2306 : memref<!tpu.dma_semaphore, #tpu.memory_space<semaphore_mem>>) src(%dma_wait3A_2301 : memref<16x128xf32, #tpu.memory_space<vmem>>) dst(%dma_wait3A_2304 : memref<401408x128xf32, #tpu.memory_space<hbm>>)
      %iota3A_2307 = tpu.iota {dimensions = array<i32: 0>} : vector<16xi32>
      %dma_wait3A_2308 = arith.constant 2 : i32
      %dma_wait3A_2309 = arith.constant 2 : i32
      %dma_wait3A_2310 = arith.constant 16 : i32
      %dma_wait3A_2311 = arith.constant 0 : i32
      %dma_wait3A_2312 = tpu.memref_slice %arg11[%dma_wait3A_2308, %dma_wait3A_2310, %dma_wait3A_2311] : memref<3x32x128xf32, #tpu.memory_space<vmem>> -> memref<1x16x128xf32, #tpu.memory_space<vmem>>
      %dma_wait3A_2313 = tpu.memref_squeeze %dma_wait3A_2312 : memref<1x16x128xf32, #tpu.memory_space<vmem>> -> memref<16x128xf32, #tpu.memory_space<vmem>>
      %dma_wait3A_2314 = arith.constant 0 : i32
      %dma_wait3A_2315 = arith.constant 0 : i32
      %dma_wait3A_2316 = tpu.memref_slice %arg5[%dma_wait3A_2314, %dma_wait3A_2315] : memref<401408x128xf32, #tpu.memory_space<hbm>> -> memref<401408x128xf32, #tpu.memory_space<hbm>>
      %dma_wait3A_2317 = tpu.memref_slice %arg20[%dma_wait3A_2309] : memref<3x!tpu.dma_semaphore, #tpu.memory_space<semaphore_mem>> -> memref<1x!tpu.dma_semaphore, #tpu.memory_space<semaphore_mem>>
      %dma_wait3A_2318 = tpu.memref_squeeze %dma_wait3A_2317 : memref<1x!tpu.dma_semaphore, #tpu.memory_space<semaphore_mem>> -> memref<!tpu.dma_semaphore, #tpu.memory_space<semaphore_mem>>
      tpu.wait_indirect_dma semaphore(%dma_wait3A_2318 : memref<!tpu.dma_semaphore, #tpu.memory_space<semaphore_mem>>) src(%dma_wait3A_2313 : memref<16x128xf32, #tpu.memory_space<vmem>>) dst(%dma_wait3A_2316 : memref<401408x128xf32, #tpu.memory_space<hbm>>)
    } else {
    }
    %broadcast_in_dim3A = arith.constant 0.000000e+00 : f32
    %broadcast_in_dim3A_699 = vector.broadcast %broadcast_in_dim3A : f32 to vector<16xf32>
    %swap3A_700 = arith.constant 0 : i32
    %swap3A_701 = arith.constant 0 : i32
    %swap3A_702 = arith.index_cast %swap3A_700 : i32 to index
    %swap3A_703 = arith.index_cast %swap3A_701 : i32 to index
    %swap3A_704 = arith.constant 0 : index
    %swap3A_705 = tpu.vector_load %arg11[%swap3A_702, %swap3A_703, %swap3A_704] {strides = array<i32>} : memref<3x32x128xf32, #tpu.memory_space<vmem>>, vector<16xf32>,
    tpu.vector_store %arg11[%swap3A_702, %swap3A_703, %swap3A_704], %broadcast_in_dim3A_699 {strides = array<i32>} : memref<3x32x128xf32, #tpu.memory_space<vmem>>, vector<16xf32>,
    %swap3A_706 = arith.constant 0 : i32
    %swap3A_707 = arith.constant 0 : i32
    %swap3A_708 = arith.index_cast %swap3A_706 : i32 to index
    %swap3A_709 = arith.index_cast %swap3A_707 : i32 to index
    %swap3A_710 = arith.constant 16 : index
    %swap3A_711 = tpu.vector_load %arg11[%swap3A_708, %swap3A_709, %swap3A_710] {strides = array<i32>} : memref<3x32x128xf32, #tpu.memory_space<vmem>>, vector<16xf32>,
    tpu.vector_store %arg11[%swap3A_708, %swap3A_709, %swap3A_710], %broadcast_in_dim3A_699 {strides = array<i32>} : memref<3x32x128xf32, #tpu.memory_space<vmem>>, vector<16xf32>,
    %swap3A_712 = arith.constant 0 : i32
    %swap3A_713 = arith.constant 0 : i32
    %swap3A_714 = arith.index_cast %swap3A_712 : i32 to index
    %swap3A_715 = arith.index_cast %swap3A_713 : i32 to index
    %swap3A_716 = arith.constant 32 : index
    %swap3A_717 = tpu.vector_load %arg11[%swap3A_714, %swap3A_715, %swap3A_716] {strides = array<i32>} : memref<3x32x128xf32, #tpu.memory_space<vmem>>, vector<16xf32>,
    tpu.vector_store %arg11[%swap3A_714, %swap3A_715, %swap3A_716], %broadcast_in_dim3A_699 {strides = array<i32>} : memref<3x32x128xf32, #tpu.memory_space<vmem>>, vector<16xf32>,
    %swap3A_718 = arith.constant 0 : i32
    %swap3A_719 = arith.constant 0 : i32
    %swap3A_720 = arith.index_cast %swap3A_718 : i32 to index
    %swap3A_721 = arith.index_cast %swap3A_719 : i32 to index
    %swap3A_722 = arith.constant 48 : index
    %swap3A_723 = tpu.vector_load %arg11[%swap3A_720, %swap3A_721, %swap3A_722] {strides = array<i32>} : memref<3x32x128xf32, #tpu.memory_space<vmem>>, vector<16xf32>,
    tpu.vector_store %arg11[%swap3A_720, %swap3A_721, %swap3A_722], %broadcast_in_dim3A_699 {strides = array<i32>} : memref<3x32x128xf32, #tpu.memory_space<vmem>>, vector<16xf32>,
    %swap3A_724 = arith.constant 0 : i32
    %swap3A_725 = arith.constant 0 : i32
    %swap3A_726 = arith.index_cast %swap3A_724 : i32 to index
    %swap3A_727 = arith.index_cast %swap3A_725 : i32 to index
    %swap3A_728 = arith.constant 64 : index
    %swap3A_729 = tpu.vector_load %arg11[%swap3A_726, %swap3A_727, %swap3A_728] {strides = array<i32>} : memref<3x32x128xf32, #tpu.memory_space<vmem>>, vector<16xf32>,
    tpu.vector_store %arg11[%swap3A_726, %swap3A_727, %swap3A_728], %broadcast_in_dim3A_699 {strides = array<i32>} : memref<3x32x128xf32, #tpu.memory_space<vmem>>, vector<16xf32>,
    %swap3A_730 = arith.constant 0 : i32
    %swap3A_731 = arith.constant 0 : i32
    %swap3A_732 = arith.index_cast %swap3A_730 : i32 to index
    %swap3A_733 = arith.index_cast %swap3A_731 : i32 to index
    %swap3A_734 = arith.constant 80 : index
    %swap3A_735 = tpu.vector_load %arg11[%swap3A_732, %swap3A_733, %swap3A_734] {strides = array<i32>} : memref<3x32x128xf32, #tpu.memory_space<vmem>>, vector<16xf32>,
    tpu.vector_store %arg11[%swap3A_732, %swap3A_733, %swap3A_734], %broadcast_in_dim3A_699 {strides = array<i32>} : memref<3x32x128xf32, #tpu.memory_space<vmem>>, vector<16xf32>,
    %swap3A_736 = arith.constant 0 : i32
    %swap3A_737 = arith.constant 0 : i32
    %swap3A_738 = arith.index_cast %swap3A_736 : i32 to index
    %swap3A_739 = arith.index_cast %swap3A_737 : i32 to index
    %swap3A_740 = arith.constant 96 : index
    %swap3A_741 = tpu.vector_load %arg11[%swap3A_738, %swap3A_739, %swap3A_740] {strides = array<i32>} : memref<3x32x128xf32, #tpu.memory_space<vmem>>, vector<16xf32>,
    tpu.vector_store %arg11[%swap3A_738, %swap3A_739, %swap3A_740], %broadcast_in_dim3A_699 {strides = array<i32>} : memref<3x32x128xf32, #tpu.memory_space<vmem>>, vector<16xf32>,
    %swap3A_742 = arith.constant 0 : i32
    %swap3A_743 = arith.constant 0 : i32
    %swap3A_744 = arith.index_cast %swap3A_742 : i32 to index
    %swap3A_745 = arith.index_cast %swap3A_743 : i32 to index
    %swap3A_746 = arith.constant 112 : index
    %swap3A_747 = tpu.vector_load %arg11[%swap3A_744, %swap3A_745, %swap3A_746] {strides = array<i32>} : memref<3x32x128xf32, #tpu.memory_space<vmem>>, vector<16xf32>,
    tpu.vector_store %arg11[%swap3A_744, %swap3A_745, %swap3A_746], %broadcast_in_dim3A_699 {strides = array<i32>} : memref<3x32x128xf32, #tpu.memory_space<vmem>>, vector<16xf32>,
    %swap3A_748 = arith.constant 0 : i32
    %swap3A_749 = arith.constant 1 : i32
    %swap3A_750 = arith.index_cast %swap3A_748 : i32 to index
    %swap3A_751 = arith.index_cast %swap3A_749 : i32 to index
    %swap3A_752 = arith.constant 0 : index
    %swap3A_753 = tpu.vector_load %arg11[%swap3A_750, %swap3A_751, %swap3A_752] {strides = array<i32>} : memref<3x32x128xf32, #tpu.memory_space<vmem>>, vector<16xf32>,
    tpu.vector_store %arg11[%swap3A_750, %swap3A_751, %swap3A_752], %broadcast_in_dim3A_699 {strides = array<i32>} : memref<3x32x128xf32, #tpu.memory_space<vmem>>, vector<16xf32>,
    %swap3A_754 = arith.constant 0 : i32
    %swap3A_755 = arith.constant 1 : i32
    %swap3A_756 = arith.index_cast %swap3A_754 : i32 to index
    %swap3A_757 = arith.index_cast %swap3A_755 : i32 to index
    %swap3A_758 = arith.constant 16 : index
    %swap3A_759 = tpu.vector_load %arg11[%swap3A_756, %swap3A_757, %swap3A_758] {strides = array<i32>} : memref<3x32x128xf32, #tpu.memory_space<vmem>>, vector<16xf32>,
    tpu.vector_store %arg11[%swap3A_756, %swap3A_757, %swap3A_758], %broadcast_in_dim3A_699 {strides = array<i32>} : memref<3x32x128xf32, #tpu.memory_space<vmem>>, vector<16xf32>,
    %swap3A_760 = arith.constant 0 : i32
    %swap3A_761 = arith.constant 1 : i32
    %swap3A_762 = arith.index_cast %swap3A_760 : i32 to index
    %swap3A_763 = arith.index_cast %swap3A_761 : i32 to index
    %swap3A_764 = arith.constant 32 : index
    %swap3A_765 = tpu.vector_load %arg11[%swap3A_762, %swap3A_763, %swap3A_764] {strides = array<i32>} : memref<3x32x128xf32, #tpu.memory_space<vmem>>, vector<16xf32>,
    tpu.vector_store %arg11[%swap3A_762, %swap3A_763, %swap3A_764], %broadcast_in_dim3A_699 {strides = array<i32>} : memref<3x32x128xf32, #tpu.memory_space<vmem>>, vector<16xf32>,
    %swap3A_766 = arith.constant 0 : i32
    %swap3A_767 = arith.constant 1 : i32
    %swap3A_768 = arith.index_cast %swap3A_766 : i32 to index
    %swap3A_769 = arith.index_cast %swap3A_767 : i32 to index
    %swap3A_770 = arith.constant 48 : index
    %swap3A_771 = tpu.vector_load %arg11[%swap3A_768, %swap3A_769, %swap3A_770] {strides = array<i32>} : memref<3x32x128xf32, #tpu.memory_space<vmem>>, vector<16xf32>,
    tpu.vector_store %arg11[%swap3A_768, %swap3A_769, %swap3A_770], %broadcast_in_dim3A_699 {strides = array<i32>} : memref<3x32x128xf32, #tpu.memory_space<vmem>>, vector<16xf32>,
    %swap3A_772 = arith.constant 0 : i32
    %swap3A_773 = arith.constant 1 : i32
    %swap3A_774 = arith.index_cast %swap3A_772 : i32 to index
    %swap3A_775 = arith.index_cast %swap3A_773 : i32 to index
    %swap3A_776 = arith.constant 64 : index
    %swap3A_777 = tpu.vector_load %arg11[%swap3A_774, %swap3A_775, %swap3A_776] {strides = array<i32>} : memref<3x32x128xf32, #tpu.memory_space<vmem>>, vector<16xf32>,
    tpu.vector_store %arg11[%swap3A_774, %swap3A_775, %swap3A_776], %broadcast_in_dim3A_699 {strides = array<i32>} : memref<3x32x128xf32, #tpu.memory_space<vmem>>, vector<16xf32>,
    %swap3A_778 = arith.constant 0 : i32
    %swap3A_779 = arith.constant 1 : i32
    %swap3A_780 = arith.index_cast %swap3A_778 : i32 to index
    %swap3A_781 = arith.index_cast %swap3A_779 : i32 to index
    %swap3A_782 = arith.constant 80 : index
    %swap3A_783 = tpu.vector_load %arg11[%swap3A_780, %swap3A_781, %swap3A_782] {strides = array<i32>} : memref<3x32x128xf32, #tpu.memory_space<vmem>>, vector<16xf32>,
    tpu.vector_store %arg11[%swap3A_780, %swap3A_781, %swap3A_782], %broadcast_in_dim3A_699 {strides = array<i32>} : memref<3x32x128xf32, #tpu.memory_space<vmem>>, vector<16xf32>,
    %swap3A_784 = arith.constant 0 : i32
    %swap3A_785 = arith.constant 1 : i32
    %swap3A_786 = arith.index_cast %swap3A_784 : i32 to index
    %swap3A_787 = arith.index_cast %swap3A_785 : i32 to index
    %swap3A_788 = arith.constant 96 : index
    %swap3A_789 = tpu.vector_load %arg11[%swap3A_786, %swap3A_787, %swap3A_788] {strides = array<i32>} : memref<3x32x128xf32, #tpu.memory_space<vmem>>, vector<16xf32>,
    tpu.vector_store %arg11[%swap3A_786, %swap3A_787, %swap3A_788], %broadcast_in_dim3A_699 {strides = array<i32>} : memref<3x32x128xf32, #tpu.memory_space<vmem>>, vector<16xf32>,
    %swap3A_790 = arith.constant 0 : i32
    %swap3A_791 = arith.constant 1 : i32
    %swap3A_792 = arith.index_cast %swap3A_790 : i32 to index
    %swap3A_793 = arith.index_cast %swap3A_791 : i32 to index
    %swap3A_794 = arith.constant 112 : index
    %swap3A_795 = tpu.vector_load %arg11[%swap3A_792, %swap3A_793, %swap3A_794] {strides = array<i32>} : memref<3x32x128xf32, #tpu.memory_space<vmem>>, vector<16xf32>,
    tpu.vector_store %arg11[%swap3A_792, %swap3A_793, %swap3A_794], %broadcast_in_dim3A_699 {strides = array<i32>} : memref<3x32x128xf32, #tpu.memory_space<vmem>>, vector<16xf32>,
    %swap3A_796 = arith.constant 0 : i32
    %swap3A_797 = arith.constant 2 : i32
    %swap3A_798 = arith.index_cast %swap3A_796 : i32 to index
    %swap3A_799 = arith.index_cast %swap3A_797 : i32 to index
    %swap3A_800 = arith.constant 0 : index
    %swap3A_801 = tpu.vector_load %arg11[%swap3A_798, %swap3A_799, %swap3A_800] {strides = array<i32>} : memref<3x32x128xf32, #tpu.memory_space<vmem>>, vector<16xf32>,
    tpu.vector_store %arg11[%swap3A_798, %swap3A_799, %swap3A_800], %broadcast_in_dim3A_699 {strides = array<i32>} : memref<3x32x128xf32, #tpu.memory_space<vmem>>, vector<16xf32>,
    %swap3A_802 = arith.constant 0 : i32
    %swap3A_803 = arith.constant 2 : i32
    %swap3A_804 = arith.index_cast %swap3A_802 : i32 to index
    %swap3A_805 = arith.index_cast %swap3A_803 : i32 to index
    %swap3A_806 = arith.constant 16 : index
    %swap3A_807 = tpu.vector_load %arg11[%swap3A_804, %swap3A_805, %swap3A_806] {strides = array<i32>} : memref<3x32x128xf32, #tpu.memory_space<vmem>>, vector<16xf32>,
    tpu.vector_store %arg11[%swap3A_804, %swap3A_805, %swap3A_806], %broadcast_in_dim3A_699 {strides = array<i32>} : memref<3x32x128xf32, #tpu.memory_space<vmem>>, vector<16xf32>,
    %swap3A_808 = arith.constant 0 : i32
    %swap3A_809 = arith.constant 2 : i32
    %swap3A_810 = arith.index_cast %swap3A_808 : i32 to index
    %swap3A_811 = arith.index_cast %swap3A_809 : i32 to index
    %swap3A_812 = arith.constant 32 : index
    %swap3A_813 = tpu.vector_load %arg11[%swap3A_810, %swap3A_811, %swap3A_812] {strides = array<i32>} : memref<3x32x128xf32, #tpu.memory_space<vmem>>, vector<16xf32>,
    tpu.vector_store %arg11[%swap3A_810, %swap3A_811, %swap3A_812], %broadcast_in_dim3A_699 {strides = array<i32>} : memref<3x32x128xf32, #tpu.memory_space<vmem>>, vector<16xf32>,
    %swap3A_814 = arith.constant 0 : i32
    %swap3A_815 = arith.constant 2 : i32
    %swap3A_816 = arith.index_cast %swap3A_814 : i32 to index
    %swap3A_817 = arith.index_cast %swap3A_815 : i32 to index
    %swap3A_818 = arith.constant 48 : index
    %swap3A_819 = tpu.vector_load %arg11[%swap3A_816, %swap3A_817, %swap3A_818] {strides = array<i32>} : memref<3x32x128xf32, #tpu.memory_space<vmem>>, vector<16xf32>,
    tpu.vector_store %arg11[%swap3A_816, %swap3A_817, %swap3A_818], %broadcast_in_dim3A_699 {strides = array<i32>} : memref<3x32x128xf32, #tpu.memory_space<vmem>>, vector<16xf32>,
    %swap3A_820 = arith.constant 0 : i32
    %swap3A_821 = arith.constant 2 : i32
    %swap3A_822 = arith.index_cast %swap3A_820 : i32 to index
    %swap3A_823 = arith.index_cast %swap3A_821 : i32 to index
    %swap3A_824 = arith.constant 64 : index
    %swap3A_825 = tpu.vector_load %arg11[%swap3A_822, %swap3A_823, %swap3A_824] {strides = array<i32>} : memref<3x32x128xf32, #tpu.memory_space<vmem>>, vector<16xf32>,
    tpu.vector_store %arg11[%swap3A_822, %swap3A_823, %swap3A_824], %broadcast_in_dim3A_699 {strides = array<i32>} : memref<3x32x128xf32, #tpu.memory_space<vmem>>, vector<16xf32>,
    %swap3A_826 = arith.constant 0 : i32
    %swap3A_827 = arith.constant 2 : i32
    %swap3A_828 = arith.index_cast %swap3A_826 : i32 to index
    %swap3A_829 = arith.index_cast %swap3A_827 : i32 to index
    %swap3A_830 = arith.constant 80 : index
    %swap3A_831 = tpu.vector_load %arg11[%swap3A_828, %swap3A_829, %swap3A_830] {strides = array<i32>} : memref<3x32x128xf32, #tpu.memory_space<vmem>>, vector<16xf32>,
    tpu.vector_store %arg11[%swap3A_828, %swap3A_829, %swap3A_830], %broadcast_in_dim3A_699 {strides = array<i32>} : memref<3x32x128xf32, #tpu.memory_space<vmem>>, vector<16xf32>,
    %swap3A_832 = arith.constant 0 : i32
    %swap3A_833 = arith.constant 2 : i32
    %swap3A_834 = arith.index_cast %swap3A_832 : i32 to index
    %swap3A_835 = arith.index_cast %swap3A_833 : i32 to index
    %swap3A_836 = arith.constant 96 : index
    %swap3A_837 = tpu.vector_load %arg11[%swap3A_834, %swap3A_835, %swap3A_836] {strides = array<i32>} : memref<3x32x128xf32, #tpu.memory_space<vmem>>, vector<16xf32>,
    tpu.vector_store %arg11[%swap3A_834, %swap3A_835, %swap3A_836], %broadcast_in_dim3A_699 {strides = array<i32>} : memref<3x32x128xf32, #tpu.memory_space<vmem>>, vector<16xf32>,
    %swap3A_838 = arith.constant 0 : i32
    %swap3A_839 = arith.constant 2 : i32
    %swap3A_840 = arith.index_cast %swap3A_838 : i32 to index
    %swap3A_841 = arith.index_cast %swap3A_839 : i32 to index
    %swap3A_842 = arith.constant 112 : index
    %swap3A_843 = tpu.vector_load %arg11[%swap3A_840, %swap3A_841, %swap3A_842] {strides = array<i32>} : memref<3x32x128xf32, #tpu.memory_space<vmem>>, vector<16xf32>,
    tpu.vector_store %arg11[%swap3A_840, %swap3A_841, %swap3A_842], %broadcast_in_dim3A_699 {strides = array<i32>} : memref<3x32x128xf32, #tpu.memory_space<vmem>>, vector<16xf32>,
    %swap3A_844 = arith.constant 0 : i32
    %swap3A_845 = arith.constant 3 : i32
    %swap3A_846 = arith.index_cast %swap3A_844 : i32 to index
    %swap3A_847 = arith.index_cast %swap3A_845 : i32 to index
    %swap3A_848 = arith.constant 0 : index
    %swap3A_849 = tpu.vector_load %arg11[%swap3A_846, %swap3A_847, %swap3A_848] {strides = array<i32>} : memref<3x32x128xf32, #tpu.memory_space<vmem>>, vector<16xf32>,
    tpu.vector_store %arg11[%swap3A_846, %swap3A_847, %swap3A_848], %broadcast_in_dim3A_699 {strides = array<i32>} : memref<3x32x128xf32, #tpu.memory_space<vmem>>, vector<16xf32>,
    %swap3A_850 = arith.constant 0 : i32
    %swap3A_851 = arith.constant 3 : i32
    %swap3A_852 = arith.index_cast %swap3A_850 : i32 to index
    %swap3A_853 = arith.index_cast %swap3A_851 : i32 to index
    %swap3A_854 = arith.constant 16 : index
    %swap3A_855 = tpu.vector_load %arg11[%swap3A_852, %swap3A_853, %swap3A_854] {strides = array<i32>} : memref<3x32x128xf32, #tpu.memory_space<vmem>>, vector<16xf32>,
    tpu.vector_store %arg11[%swap3A_852, %swap3A_853, %swap3A_854], %broadcast_in_dim3A_699 {strides = array<i32>} : memref<3x32x128xf32, #tpu.memory_space<vmem>>, vector<16xf32>,
    %swap3A_856 = arith.constant 0 : i32
    %swap3A_857 = arith.constant 3 : i32
    %swap3A_858 = arith.index_cast %swap3A_856 : i32 to index
    %swap3A_859 = arith.index_cast %swap3A_857 : i32 to index
    %swap3A_860 = arith.constant 32 : index
    %swap3A_861 = tpu.vector_load %arg11[%swap3A_858, %swap3A_859, %swap3A_860] {strides = array<i32>} : memref<3x32x128xf32, #tpu.memory_space<vmem>>, vector<16xf32>,
    tpu.vector_store %arg11[%swap3A_858, %swap3A_859, %swap3A_860], %broadcast_in_dim3A_699 {strides = array<i32>} : memref<3x32x128xf32, #tpu.memory_space<vmem>>, vector<16xf32>,
    %swap3A_862 = arith.constant 0 : i32
    %swap3A_863 = arith.constant 3 : i32
    %swap3A_864 = arith.index_cast %swap3A_862 : i32 to index
    %swap3A_865 = arith.index_cast %swap3A_863 : i32 to index
    %swap3A_866 = arith.constant 48 : index
    %swap3A_867 = tpu.vector_load %arg11[%swap3A_864, %swap3A_865, %swap3A_866] {strides = array<i32>} : memref<3x32x128xf32, #tpu.memory_space<vmem>>, vector<16xf32>,
    tpu.vector_store %arg11[%swap3A_864, %swap3A_865, %swap3A_866], %broadcast_in_dim3A_699 {strides = array<i32>} : memref<3x32x128xf32, #tpu.memory_space<vmem>>, vector<16xf32>,
    %swap3A_868 = arith.constant 0 : i32
    %swap3A_869 = arith.constant 3 : i32
    %swap3A_870 = arith.index_cast %swap3A_868 : i32 to index
    %swap3A_871 = arith.index_cast %swap3A_869 : i32 to index
    %swap3A_872 = arith.constant 64 : index
    %swap3A_873 = tpu.vector_load %arg11[%swap3A_870, %swap3A_871, %swap3A_872] {strides = array<i32>} : memref<3x32x128xf32, #tpu.memory_space<vmem>>, vector<16xf32>,
    tpu.vector_store %arg11[%swap3A_870, %swap3A_871, %swap3A_872], %broadcast_in_dim3A_699 {strides = array<i32>} : memref<3x32x128xf32, #tpu.memory_space<vmem>>, vector<16xf32>,
    %swap3A_874 = arith.constant 0 : i32
    %swap3A_875 = arith.constant 3 : i32
    %swap3A_876 = arith.index_cast %swap3A_874 : i32 to index
    %swap3A_877 = arith.index_cast %swap3A_875 : i32 to index
    %swap3A_878 = arith.constant 80 : index
    %swap3A_879 = tpu.vector_load %arg11[%swap3A_876, %swap3A_877, %swap3A_878] {strides = array<i32>} : memref<3x32x128xf32, #tpu.memory_space<vmem>>, vector<16xf32>,
    tpu.vector_store %arg11[%swap3A_876, %swap3A_877, %swap3A_878], %broadcast_in_dim3A_699 {strides = array<i32>} : memref<3x32x128xf32, #tpu.memory_space<vmem>>, vector<16xf32>,
    %swap3A_880 = arith.constant 0 : i32
    %swap3A_881 = arith.constant 3 : i32
    %swap3A_882 = arith.index_cast %swap3A_880 : i32 to index
    %swap3A_883 = arith.index_cast %swap3A_881 : i32 to index
    %swap3A_884 = arith.constant 96 : index
    %swap3A_885 = tpu.vector_load %arg11[%swap3A_882, %swap3A_883, %swap3A_884] {strides = array<i32>} : memref<3x32x128xf32, #tpu.memory_space<vmem>>, vector<16xf32>,
    tpu.vector_store %arg11[%swap3A_882, %swap3A_883, %swap3A_884], %broadcast_in_dim3A_699 {strides = array<i32>} : memref<3x32x128xf32, #tpu.memory_space<vmem>>, vector<16xf32>,
    %swap3A_886 = arith.constant 0 : i32
    %swap3A_887 = arith.constant 3 : i32
    %swap3A_888 = arith.index_cast %swap3A_886 : i32 to index
    %swap3A_889 = arith.index_cast %swap3A_887 : i32 to index
    %swap3A_890 = arith.constant 112 : index
    %swap3A_891 = tpu.vector_load %arg11[%swap3A_888, %swap3A_889, %swap3A_890] {strides = array<i32>} : memref<3x32x128xf32, #tpu.memory_space<vmem>>, vector<16xf32>,
    tpu.vector_store %arg11[%swap3A_888, %swap3A_889, %swap3A_890], %broadcast_in_dim3A_699 {strides = array<i32>} : memref<3x32x128xf32, #tpu.memory_space<vmem>>, vector<16xf32>,
    %swap3A_892 = arith.constant 0 : i32
    %swap3A_893 = arith.constant 4 : i32
    %swap3A_894 = arith.index_cast %swap3A_892 : i32 to index
    %swap3A_895 = arith.index_cast %swap3A_893 : i32 to index
    %swap3A_896 = arith.constant 0 : index
    %swap3A_897 = tpu.vector_load %arg11[%swap3A_894, %swap3A_895, %swap3A_896] {strides = array<i32>} : memref<3x32x128xf32, #tpu.memory_space<vmem>>, vector<16xf32>,
    tpu.vector_store %arg11[%swap3A_894, %swap3A_895, %swap3A_896], %broadcast_in_dim3A_699 {strides = array<i32>} : memref<3x32x128xf32, #tpu.memory_space<vmem>>, vector<16xf32>,
    %swap3A_898 = arith.constant 0 : i32
    %swap3A_899 = arith.constant 4 : i32
    %swap3A_900 = arith.index_cast %swap3A_898 : i32 to index
    %swap3A_901 = arith.index_cast %swap3A_899 : i32 to index
    %swap3A_902 = arith.constant 16 : index
    %swap3A_903 = tpu.vector_load %arg11[%swap3A_900, %swap3A_901, %swap3A_902] {strides = array<i32>} : memref<3x32x128xf32, #tpu.memory_space<vmem>>, vector<16xf32>,
    tpu.vector_store %arg11[%swap3A_900, %swap3A_901, %swap3A_902], %broadcast_in_dim3A_699 {strides = array<i32>} : memref<3x32x128xf32, #tpu.memory_space<vmem>>, vector<16xf32>,
    %swap3A_904 = arith.constant 0 : i32
    %swap3A_905 = arith.constant 4 : i32
    %swap3A_906 = arith.index_cast %swap3A_904 : i32 to index
    %swap3A_907 = arith.index_cast %swap3A_905 : i32 to index
    %swap3A_908 = arith.constant 32 : index
    %swap3A_909 = tpu.vector_load %arg11[%swap3A_906, %swap3A_907, %swap3A_908] {strides = array<i32>} : memref<3x32x128xf32, #tpu.memory_space<vmem>>, vector<16xf32>,
    tpu.vector_store %arg11[%swap3A_906, %swap3A_907, %swap3A_908], %broadcast_in_dim3A_699 {strides = array<i32>} : memref<3x32x128xf32, #tpu.memory_space<vmem>>, vector<16xf32>,
    %swap3A_910 = arith.constant 0 : i32
    %swap3A_911 = arith.constant 4 : i32
    %swap3A_912 = arith.index_cast %swap3A_910 : i32 to index
    %swap3A_913 = arith.index_cast %swap3A_911 : i32 to index
    %swap3A_914 = arith.constant 48 : index
    %swap3A_915 = tpu.vector_load %arg11[%swap3A_912, %swap3A_913, %swap3A_914] {strides = array<i32>} : memref<3x32x128xf32, #tpu.memory_space<vmem>>, vector<16xf32>,
    tpu.vector_store %arg11[%swap3A_912, %swap3A_913, %swap3A_914], %broadcast_in_dim3A_699 {strides = array<i32>} : memref<3x32x128xf32, #tpu.memory_space<vmem>>, vector<16xf32>,
    %swap3A_916 = arith.constant 0 : i32
    %swap3A_917 = arith.constant 4 : i32
    %swap3A_918 = arith.index_cast %swap3A_916 : i32 to index
    %swap3A_919 = arith.index_cast %swap3A_917 : i32 to index
    %swap3A_920 = arith.constant 64 : index
    %swap3A_921 = tpu.vector_load %arg11[%swap3A_918, %swap3A_919, %swap3A_920] {strides = array<i32>} : memref<3x32x128xf32, #tpu.memory_space<vmem>>, vector<16xf32>,
    tpu.vector_store %arg11[%swap3A_918, %swap3A_919, %swap3A_920], %broadcast_in_dim3A_699 {strides = array<i32>} : memref<3x32x128xf32, #tpu.memory_space<vmem>>, vector<16xf32>,
    %swap3A_922 = arith.constant 0 : i32
    %swap3A_923 = arith.constant 4 : i32
    %swap3A_924 = arith.index_cast %swap3A_922 : i32 to index
    %swap3A_925 = arith.index_cast %swap3A_923 : i32 to index
    %swap3A_926 = arith.constant 80 : index
    %swap3A_927 = tpu.vector_load %arg11[%swap3A_924, %swap3A_925, %swap3A_926] {strides = array<i32>} : memref<3x32x128xf32, #tpu.memory_space<vmem>>, vector<16xf32>,
    tpu.vector_store %arg11[%swap3A_924, %swap3A_925, %swap3A_926], %broadcast_in_dim3A_699 {strides = array<i32>} : memref<3x32x128xf32, #tpu.memory_space<vmem>>, vector<16xf32>,
    %swap3A_928 = arith.constant 0 : i32
    %swap3A_929 = arith.constant 4 : i32
    %swap3A_930 = arith.index_cast %swap3A_928 : i32 to index
    %swap3A_931 = arith.index_cast %swap3A_929 : i32 to index
    %swap3A_932 = arith.constant 96 : index
    %swap3A_933 = tpu.vector_load %arg11[%swap3A_930, %swap3A_931, %swap3A_932] {strides = array<i32>} : memref<3x32x128xf32, #tpu.memory_space<vmem>>, vector<16xf32>,
    tpu.vector_store %arg11[%swap3A_930, %swap3A_931, %swap3A_932], %broadcast_in_dim3A_699 {strides = array<i32>} : memref<3x32x128xf32, #tpu.memory_space<vmem>>, vector<16xf32>,
    %swap3A_934 = arith.constant 0 : i32
    %swap3A_935 = arith.constant 4 : i32
    %swap3A_936 = arith.index_cast %swap3A_934 : i32 to index
    %swap3A_937 = arith.index_cast %swap3A_935 : i32 to index
    %swap3A_938 = arith.constant 112 : index
    %swap3A_939 = tpu.vector_load %arg11[%swap3A_936, %swap3A_937, %swap3A_938] {strides = array<i32>} : memref<3x32x128xf32, #tpu.memory_space<vmem>>, vector<16xf32>,
    tpu.vector_store %arg11[%swap3A_936, %swap3A_937, %swap3A_938], %broadcast_in_dim3A_699 {strides = array<i32>} : memref<3x32x128xf32, #tpu.memory_space<vmem>>, vector<16xf32>,
    %swap3A_940 = arith.constant 0 : i32
    %swap3A_941 = arith.constant 5 : i32
    %swap3A_942 = arith.index_cast %swap3A_940 : i32 to index
    %swap3A_943 = arith.index_cast %swap3A_941 : i32 to index
    %swap3A_944 = arith.constant 0 : index
    %swap3A_945 = tpu.vector_load %arg11[%swap3A_942, %swap3A_943, %swap3A_944] {strides = array<i32>} : memref<3x32x128xf32, #tpu.memory_space<vmem>>, vector<16xf32>,
    tpu.vector_store %arg11[%swap3A_942, %swap3A_943, %swap3A_944], %broadcast_in_dim3A_699 {strides = array<i32>} : memref<3x32x128xf32, #tpu.memory_space<vmem>>, vector<16xf32>,
    %swap3A_946 = arith.constant 0 : i32
    %swap3A_947 = arith.constant 5 : i32
    %swap3A_948 = arith.index_cast %swap3A_946 : i32 to index
    %swap3A_949 = arith.index_cast %swap3A_947 : i32 to index
    %swap3A_950 = arith.constant 16 : index
    %swap3A_951 = tpu.vector_load %arg11[%swap3A_948, %swap3A_949, %swap3A_950] {strides = array<i32>} : memref<3x32x128xf32, #tpu.memory_space<vmem>>, vector<16xf32>,
    tpu.vector_store %arg11[%swap3A_948, %swap3A_949, %swap3A_950], %broadcast_in_dim3A_699 {strides = array<i32>} : memref<3x32x128xf32, #tpu.memory_space<vmem>>, vector<16xf32>,
    %swap3A_952 = arith.constant 0 : i32
    %swap3A_953 = arith.constant 5 : i32
    %swap3A_954 = arith.index_cast %swap3A_952 : i32 to index
    %swap3A_955 = arith.index_cast %swap3A_953 : i32 to index
    %swap3A_956 = arith.constant 32 : index
    %swap3A_957 = tpu.vector_load %arg11[%swap3A_954, %swap3A_955, %swap3A_956] {strides = array<i32>} : memref<3x32x128xf32, #tpu.memory_space<vmem>>, vector<16xf32>,
    tpu.vector_store %arg11[%swap3A_954, %swap3A_955, %swap3A_956], %broadcast_in_dim3A_699 {strides = array<i32>} : memref<3x32x128xf32, #tpu.memory_space<vmem>>, vector<16xf32>,
    %swap3A_958 = arith.constant 0 : i32
    %swap3A_959 = arith.constant 5 : i32
    %swap3A_960 = arith.index_cast %swap3A_958 : i32 to index
    %swap3A_961 = arith.index_cast %swap3A_959 : i32 to index
    %swap3A_962 = arith.constant 48 : index
    %swap3A_963 = tpu.vector_load %arg11[%swap3A_960, %swap3A_961, %swap3A_962] {strides = array<i32>} : memref<3x32x128xf32, #tpu.memory_space<vmem>>, vector<16xf32>,
    tpu.vector_store %arg11[%swap3A_960, %swap3A_961, %swap3A_962], %broadcast_in_dim3A_699 {strides = array<i32>} : memref<3x32x128xf32, #tpu.memory_space<vmem>>, vector<16xf32>,
    %swap3A_964 = arith.constant 0 : i32
    %swap3A_965 = arith.constant 5 : i32
    %swap3A_966 = arith.index_cast %swap3A_964 : i32 to index
    %swap3A_967 = arith.index_cast %swap3A_965 : i32 to index
    %swap3A_968 = arith.constant 64 : index
    %swap3A_969 = tpu.vector_load %arg11[%swap3A_966, %swap3A_967, %swap3A_968] {strides = array<i32>} : memref<3x32x128xf32, #tpu.memory_space<vmem>>, vector<16xf32>,
    tpu.vector_store %arg11[%swap3A_966, %swap3A_967, %swap3A_968], %broadcast_in_dim3A_699 {strides = array<i32>} : memref<3x32x128xf32, #tpu.memory_space<vmem>>, vector<16xf32>,
    %swap3A_970 = arith.constant 0 : i32
    %swap3A_971 = arith.constant 5 : i32
    %swap3A_972 = arith.index_cast %swap3A_970 : i32 to index
    %swap3A_973 = arith.index_cast %swap3A_971 : i32 to index
    %swap3A_974 = arith.constant 80 : index
    %swap3A_975 = tpu.vector_load %arg11[%swap3A_972, %swap3A_973, %swap3A_974] {strides = array<i32>} : memref<3x32x128xf32, #tpu.memory_space<vmem>>, vector<16xf32>,
    tpu.vector_store %arg11[%swap3A_972, %swap3A_973, %swap3A_974], %broadcast_in_dim3A_699 {strides = array<i32>} : memref<3x32x128xf32, #tpu.memory_space<vmem>>, vector<16xf32>,
    %swap3A_976 = arith.constant 0 : i32
    %swap3A_977 = arith.constant 5 : i32
    %swap3A_978 = arith.index_cast %swap3A_976 : i32 to index
    %swap3A_979 = arith.index_cast %swap3A_977 : i32 to index
    %swap3A_980 = arith.constant 96 : index
    %swap3A_981 = tpu.vector_load %arg11[%swap3A_978, %swap3A_979, %swap3A_980] {strides = array<i32>} : memref<3x32x128xf32, #tpu.memory_space<vmem>>, vector<16xf32>,
    tpu.vector_store %arg11[%swap3A_978, %swap3A_979, %swap3A_980], %broadcast_in_dim3A_699 {strides = array<i32>} : memref<3x32x128xf32, #tpu.memory_space<vmem>>, vector<16xf32>,
    %swap3A_982 = arith.constant 0 : i32
    %swap3A_983 = arith.constant 5 : i32
    %swap3A_984 = arith.index_cast %swap3A_982 : i32 to index
    %swap3A_985 = arith.index_cast %swap3A_983 : i32 to index
    %swap3A_986 = arith.constant 112 : index
    %swap3A_987 = tpu.vector_load %arg11[%swap3A_984, %swap3A_985, %swap3A_986] {strides = array<i32>} : memref<3x32x128xf32, #tpu.memory_space<vmem>>, vector<16xf32>,
    tpu.vector_store %arg11[%swap3A_984, %swap3A_985, %swap3A_986], %broadcast_in_dim3A_699 {strides = array<i32>} : memref<3x32x128xf32, #tpu.memory_space<vmem>>, vector<16xf32>,
    %swap3A_988 = arith.constant 0 : i32
    %swap3A_989 = arith.constant 6 : i32
    %swap3A_990 = arith.index_cast %swap3A_988 : i32 to index
    %swap3A_991 = arith.index_cast %swap3A_989 : i32 to index
    %swap3A_992 = arith.constant 0 : index
    %swap3A_993 = tpu.vector_load %arg11[%swap3A_990, %swap3A_991, %swap3A_992] {strides = array<i32>} : memref<3x32x128xf32, #tpu.memory_space<vmem>>, vector<16xf32>,
    tpu.vector_store %arg11[%swap3A_990, %swap3A_991, %swap3A_992], %broadcast_in_dim3A_699 {strides = array<i32>} : memref<3x32x128xf32, #tpu.memory_space<vmem>>, vector<16xf32>,
    %swap3A_994 = arith.constant 0 : i32
    %swap3A_995 = arith.constant 6 : i32
    %swap3A_996 = arith.index_cast %swap3A_994 : i32 to index
    %swap3A_997 = arith.index_cast %swap3A_995 : i32 to index
    %swap3A_998 = arith.constant 16 : index
    %swap3A_999 = tpu.vector_load %arg11[%swap3A_996, %swap3A_997, %swap3A_998] {strides = array<i32>} : memref<3x32x128xf32, #tpu.memory_space<vmem>>, vector<16xf32>,
    tpu.vector_store %arg11[%swap3A_996, %swap3A_997, %swap3A_998], %broadcast_in_dim3A_699 {strides = array<i32>} : memref<3x32x128xf32, #tpu.memory_space<vmem>>, vector<16xf32>,
    %swap3A_1000 = arith.constant 0 : i32
    %swap3A_1001 = arith.constant 6 : i32
    %swap3A_1002 = arith.index_cast %swap3A_1000 : i32 to index
    %swap3A_1003 = arith.index_cast %swap3A_1001 : i32 to index
    %swap3A_1004 = arith.constant 32 : index
    %swap3A_1005 = tpu.vector_load %arg11[%swap3A_1002, %swap3A_1003, %swap3A_1004] {strides = array<i32>} : memref<3x32x128xf32, #tpu.memory_space<vmem>>, vector<16xf32>,
    tpu.vector_store %arg11[%swap3A_1002, %swap3A_1003, %swap3A_1004], %broadcast_in_dim3A_699 {strides = array<i32>} : memref<3x32x128xf32, #tpu.memory_space<vmem>>, vector<16xf32>,
    %swap3A_1006 = arith.constant 0 : i32
    %swap3A_1007 = arith.constant 6 : i32
    %swap3A_1008 = arith.index_cast %swap3A_1006 : i32 to index
    %swap3A_1009 = arith.index_cast %swap3A_1007 : i32 to index
    %swap3A_1010 = arith.constant 48 : index
    %swap3A_1011 = tpu.vector_load %arg11[%swap3A_1008, %swap3A_1009, %swap3A_1010] {strides = array<i32>} : memref<3x32x128xf32, #tpu.memory_space<vmem>>, vector<16xf32>,
    tpu.vector_store %arg11[%swap3A_1008, %swap3A_1009, %swap3A_1010], %broadcast_in_dim3A_699 {strides = array<i32>} : memref<3x32x128xf32, #tpu.memory_space<vmem>>, vector<16xf32>,
    %swap3A_1012 = arith.constant 0 : i32
    %swap3A_1013 = arith.constant 6 : i32
    %swap3A_1014 = arith.index_cast %swap3A_1012 : i32 to index
    %swap3A_1015 = arith.index_cast %swap3A_1013 : i32 to index
    %swap3A_1016 = arith.constant 64 : index
    %swap3A_1017 = tpu.vector_load %arg11[%swap3A_1014, %swap3A_1015, %swap3A_1016] {strides = array<i32>} : memref<3x32x128xf32, #tpu.memory_space<vmem>>, vector<16xf32>,
    tpu.vector_store %arg11[%swap3A_1014, %swap3A_1015, %swap3A_1016], %broadcast_in_dim3A_699 {strides = array<i32>} : memref<3x32x128xf32, #tpu.memory_space<vmem>>, vector<16xf32>,
    %swap3A_1018 = arith.constant 0 : i32
    %swap3A_1019 = arith.constant 6 : i32
    %swap3A_1020 = arith.index_cast %swap3A_1018 : i32 to index
    %swap3A_1021 = arith.index_cast %swap3A_1019 : i32 to index
    %swap3A_1022 = arith.constant 80 : index
    %swap3A_1023 = tpu.vector_load %arg11[%swap3A_1020, %swap3A_1021, %swap3A_1022] {strides = array<i32>} : memref<3x32x128xf32, #tpu.memory_space<vmem>>, vector<16xf32>,
    tpu.vector_store %arg11[%swap3A_1020, %swap3A_1021, %swap3A_1022], %broadcast_in_dim3A_699 {strides = array<i32>} : memref<3x32x128xf32, #tpu.memory_space<vmem>>, vector<16xf32>,
    %swap3A_1024 = arith.constant 0 : i32
    %swap3A_1025 = arith.constant 6 : i32
    %swap3A_1026 = arith.index_cast %swap3A_1024 : i32 to index
    %swap3A_1027 = arith.index_cast %swap3A_1025 : i32 to index
    %swap3A_1028 = arith.constant 96 : index
    %swap3A_1029 = tpu.vector_load %arg11[%swap3A_1026, %swap3A_1027, %swap3A_1028] {strides = array<i32>} : memref<3x32x128xf32, #tpu.memory_space<vmem>>, vector<16xf32>,
    tpu.vector_store %arg11[%swap3A_1026, %swap3A_1027, %swap3A_1028], %broadcast_in_dim3A_699 {strides = array<i32>} : memref<3x32x128xf32, #tpu.memory_space<vmem>>, vector<16xf32>,
    %swap3A_1030 = arith.constant 0 : i32
    %swap3A_1031 = arith.constant 6 : i32
    %swap3A_1032 = arith.index_cast %swap3A_1030 : i32 to index
    %swap3A_1033 = arith.index_cast %swap3A_1031 : i32 to index
    %swap3A_1034 = arith.constant 112 : index
    %swap3A_1035 = tpu.vector_load %arg11[%swap3A_1032, %swap3A_1033, %swap3A_1034] {strides = array<i32>} : memref<3x32x128xf32, #tpu.memory_space<vmem>>, vector<16xf32>,
    tpu.vector_store %arg11[%swap3A_1032, %swap3A_1033, %swap3A_1034], %broadcast_in_dim3A_699 {strides = array<i32>} : memref<3x32x128xf32, #tpu.memory_space<vmem>>, vector<16xf32>,
    %swap3A_1036 = arith.constant 0 : i32
    %swap3A_1037 = arith.constant 7 : i32
    %swap3A_1038 = arith.index_cast %swap3A_1036 : i32 to index
    %swap3A_1039 = arith.index_cast %swap3A_1037 : i32 to index
    %swap3A_1040 = arith.constant 0 : index
    %swap3A_1041 = tpu.vector_load %arg11[%swap3A_1038, %swap3A_1039, %swap3A_1040] {strides = array<i32>} : memref<3x32x128xf32, #tpu.memory_space<vmem>>, vector<16xf32>,
    tpu.vector_store %arg11[%swap3A_1038, %swap3A_1039, %swap3A_1040], %broadcast_in_dim3A_699 {strides = array<i32>} : memref<3x32x128xf32, #tpu.memory_space<vmem>>, vector<16xf32>,
    %swap3A_1042 = arith.constant 0 : i32
    %swap3A_1043 = arith.constant 7 : i32
    %swap3A_1044 = arith.index_cast %swap3A_1042 : i32 to index
    %swap3A_1045 = arith.index_cast %swap3A_1043 : i32 to index
    %swap3A_1046 = arith.constant 16 : index
    %swap3A_1047 = tpu.vector_load %arg11[%swap3A_1044, %swap3A_1045, %swap3A_1046] {strides = array<i32>} : memref<3x32x128xf32, #tpu.memory_space<vmem>>, vector<16xf32>,
    tpu.vector_store %arg11[%swap3A_1044, %swap3A_1045, %swap3A_1046], %broadcast_in_dim3A_699 {strides = array<i32>} : memref<3x32x128xf32, #tpu.memory_space<vmem>>, vector<16xf32>,
    %swap3A_1048 = arith.constant 0 : i32
    %swap3A_1049 = arith.constant 7 : i32
    %swap3A_1050 = arith.index_cast %swap3A_1048 : i32 to index
    %swap3A_1051 = arith.index_cast %swap3A_1049 : i32 to index
    %swap3A_1052 = arith.constant 32 : index
    %swap3A_1053 = tpu.vector_load %arg11[%swap3A_1050, %swap3A_1051, %swap3A_1052] {strides = array<i32>} : memref<3x32x128xf32, #tpu.memory_space<vmem>>, vector<16xf32>,
    tpu.vector_store %arg11[%swap3A_1050, %swap3A_1051, %swap3A_1052], %broadcast_in_dim3A_699 {strides = array<i32>} : memref<3x32x128xf32, #tpu.memory_space<vmem>>, vector<16xf32>,
    %swap3A_1054 = arith.constant 0 : i32
    %swap3A_1055 = arith.constant 7 : i32
    %swap3A_1056 = arith.index_cast %swap3A_1054 : i32 to index
    %swap3A_1057 = arith.index_cast %swap3A_1055 : i32 to index
    %swap3A_1058 = arith.constant 48 : index
    %swap3A_1059 = tpu.vector_load %arg11[%swap3A_1056, %swap3A_1057, %swap3A_1058] {strides = array<i32>} : memref<3x32x128xf32, #tpu.memory_space<vmem>>, vector<16xf32>,
    tpu.vector_store %arg11[%swap3A_1056, %swap3A_1057, %swap3A_1058], %broadcast_in_dim3A_699 {strides = array<i32>} : memref<3x32x128xf32, #tpu.memory_space<vmem>>, vector<16xf32>,
    %swap3A_1060 = arith.constant 0 : i32
    %swap3A_1061 = arith.constant 7 : i32
    %swap3A_1062 = arith.index_cast %swap3A_1060 : i32 to index
    %swap3A_1063 = arith.index_cast %swap3A_1061 : i32 to index
    %swap3A_1064 = arith.constant 64 : index
    %swap3A_1065 = tpu.vector_load %arg11[%swap3A_1062, %swap3A_1063, %swap3A_1064] {strides = array<i32>} : memref<3x32x128xf32, #tpu.memory_space<vmem>>, vector<16xf32>,
    tpu.vector_store %arg11[%swap3A_1062, %swap3A_1063, %swap3A_1064], %broadcast_in_dim3A_699 {strides = array<i32>} : memref<3x32x128xf32, #tpu.memory_space<vmem>>, vector<16xf32>,
    %swap3A_1066 = arith.constant 0 : i32
    %swap3A_1067 = arith.constant 7 : i32
    %swap3A_1068 = arith.index_cast %swap3A_1066 : i32 to index
    %swap3A_1069 = arith.index_cast %swap3A_1067 : i32 to index
    %swap3A_1070 = arith.constant 80 : index
    %swap3A_1071 = tpu.vector_load %arg11[%swap3A_1068, %swap3A_1069, %swap3A_1070] {strides = array<i32>} : memref<3x32x128xf32, #tpu.memory_space<vmem>>, vector<16xf32>,
    tpu.vector_store %arg11[%swap3A_1068, %swap3A_1069, %swap3A_1070], %broadcast_in_dim3A_699 {strides = array<i32>} : memref<3x32x128xf32, #tpu.memory_space<vmem>>, vector<16xf32>,
    %swap3A_1072 = arith.constant 0 : i32
    %swap3A_1073 = arith.constant 7 : i32
    %swap3A_1074 = arith.index_cast %swap3A_1072 : i32 to index
    %swap3A_1075 = arith.index_cast %swap3A_1073 : i32 to index
    %swap3A_1076 = arith.constant 96 : index
    %swap3A_1077 = tpu.vector_load %arg11[%swap3A_1074, %swap3A_1075, %swap3A_1076] {strides = array<i32>} : memref<3x32x128xf32, #tpu.memory_space<vmem>>, vector<16xf32>,
    tpu.vector_store %arg11[%swap3A_1074, %swap3A_1075, %swap3A_1076], %broadcast_in_dim3A_699 {strides = array<i32>} : memref<3x32x128xf32, #tpu.memory_space<vmem>>, vector<16xf32>,
    %swap3A_1078 = arith.constant 0 : i32
    %swap3A_1079 = arith.constant 7 : i32
    %swap3A_1080 = arith.index_cast %swap3A_1078 : i32 to index
    %swap3A_1081 = arith.index_cast %swap3A_1079 : i32 to index
    %swap3A_1082 = arith.constant 112 : index
    %swap3A_1083 = tpu.vector_load %arg11[%swap3A_1080, %swap3A_1081, %swap3A_1082] {strides = array<i32>} : memref<3x32x128xf32, #tpu.memory_space<vmem>>, vector<16xf32>,
    tpu.vector_store %arg11[%swap3A_1080, %swap3A_1081, %swap3A_1082], %broadcast_in_dim3A_699 {strides = array<i32>} : memref<3x32x128xf32, #tpu.memory_space<vmem>>, vector<16xf32>,
    %swap3A_1084 = arith.constant 0 : i32
    %swap3A_1085 = arith.constant 8 : i32
    %swap3A_1086 = arith.index_cast %swap3A_1084 : i32 to index
    %swap3A_1087 = arith.index_cast %swap3A_1085 : i32 to index
    %swap3A_1088 = arith.constant 0 : index
    %swap3A_1089 = tpu.vector_load %arg11[%swap3A_1086, %swap3A_1087, %swap3A_1088] {strides = array<i32>} : memref<3x32x128xf32, #tpu.memory_space<vmem>>, vector<16xf32>,
    tpu.vector_store %arg11[%swap3A_1086, %swap3A_1087, %swap3A_1088], %broadcast_in_dim3A_699 {strides = array<i32>} : memref<3x32x128xf32, #tpu.memory_space<vmem>>, vector<16xf32>,
    %swap3A_1090 = arith.constant 0 : i32
    %swap3A_1091 = arith.constant 8 : i32
    %swap3A_1092 = arith.index_cast %swap3A_1090 : i32 to index
    %swap3A_1093 = arith.index_cast %swap3A_1091 : i32 to index
    %swap3A_1094 = arith.constant 16 : index
    %swap3A_1095 = tpu.vector_load %arg11[%swap3A_1092, %swap3A_1093, %swap3A_1094] {strides = array<i32>} : memref<3x32x128xf32, #tpu.memory_space<vmem>>, vector<16xf32>,
    tpu.vector_store %arg11[%swap3A_1092, %swap3A_1093, %swap3A_1094], %broadcast_in_dim3A_699 {strides = array<i32>} : memref<3x32x128xf32, #tpu.memory_space<vmem>>, vector<16xf32>,
    %swap3A_1096 = arith.constant 0 : i32
    %swap3A_1097 = arith.constant 8 : i32
    %swap3A_1098 = arith.index_cast %swap3A_1096 : i32 to index
    %swap3A_1099 = arith.index_cast %swap3A_1097 : i32 to index
    %swap3A_1100 = arith.constant 32 : index
    %swap3A_1101 = tpu.vector_load %arg11[%swap3A_1098, %swap3A_1099, %swap3A_1100] {strides = array<i32>} : memref<3x32x128xf32, #tpu.memory_space<vmem>>, vector<16xf32>,
    tpu.vector_store %arg11[%swap3A_1098, %swap3A_1099, %swap3A_1100], %broadcast_in_dim3A_699 {strides = array<i32>} : memref<3x32x128xf32, #tpu.memory_space<vmem>>, vector<16xf32>,
    %swap3A_1102 = arith.constant 0 : i32
    %swap3A_1103 = arith.constant 8 : i32
    %swap3A_1104 = arith.index_cast %swap3A_1102 : i32 to index
    %swap3A_1105 = arith.index_cast %swap3A_1103 : i32 to index
    %swap3A_1106 = arith.constant 48 : index
    %swap3A_1107 = tpu.vector_load %arg11[%swap3A_1104, %swap3A_1105, %swap3A_1106] {strides = array<i32>} : memref<3x32x128xf32, #tpu.memory_space<vmem>>, vector<16xf32>,
    tpu.vector_store %arg11[%swap3A_1104, %swap3A_1105, %swap3A_1106], %broadcast_in_dim3A_699 {strides = array<i32>} : memref<3x32x128xf32, #tpu.memory_space<vmem>>, vector<16xf32>,
    %swap3A_1108 = arith.constant 0 : i32
    %swap3A_1109 = arith.constant 8 : i32
    %swap3A_1110 = arith.index_cast %swap3A_1108 : i32 to index
    %swap3A_1111 = arith.index_cast %swap3A_1109 : i32 to index
    %swap3A_1112 = arith.constant 64 : index
    %swap3A_1113 = tpu.vector_load %arg11[%swap3A_1110, %swap3A_1111, %swap3A_1112] {strides = array<i32>} : memref<3x32x128xf32, #tpu.memory_space<vmem>>, vector<16xf32>,
    tpu.vector_store %arg11[%swap3A_1110, %swap3A_1111, %swap3A_1112], %broadcast_in_dim3A_699 {strides = array<i32>} : memref<3x32x128xf32, #tpu.memory_space<vmem>>, vector<16xf32>,
    %swap3A_1114 = arith.constant 0 : i32
    %swap3A_1115 = arith.constant 8 : i32
    %swap3A_1116 = arith.index_cast %swap3A_1114 : i32 to index
    %swap3A_1117 = arith.index_cast %swap3A_1115 : i32 to index
    %swap3A_1118 = arith.constant 80 : index
    %swap3A_1119 = tpu.vector_load %arg11[%swap3A_1116, %swap3A_1117, %swap3A_1118] {strides = array<i32>} : memref<3x32x128xf32, #tpu.memory_space<vmem>>, vector<16xf32>,
    tpu.vector_store %arg11[%swap3A_1116, %swap3A_1117, %swap3A_1118], %broadcast_in_dim3A_699 {strides = array<i32>} : memref<3x32x128xf32, #tpu.memory_space<vmem>>, vector<16xf32>,
    %swap3A_1120 = arith.constant 0 : i32
    %swap3A_1121 = arith.constant 8 : i32
    %swap3A_1122 = arith.index_cast %swap3A_1120 : i32 to index
    %swap3A_1123 = arith.index_cast %swap3A_1121 : i32 to index
    %swap3A_1124 = arith.constant 96 : index
    %swap3A_1125 = tpu.vector_load %arg11[%swap3A_1122, %swap3A_1123, %swap3A_1124] {strides = array<i32>} : memref<3x32x128xf32, #tpu.memory_space<vmem>>, vector<16xf32>,
    tpu.vector_store %arg11[%swap3A_1122, %swap3A_1123, %swap3A_1124], %broadcast_in_dim3A_699 {strides = array<i32>} : memref<3x32x128xf32, #tpu.memory_space<vmem>>, vector<16xf32>,
    %swap3A_1126 = arith.constant 0 : i32
    %swap3A_1127 = arith.constant 8 : i32
    %swap3A_1128 = arith.index_cast %swap3A_1126 : i32 to index
    %swap3A_1129 = arith.index_cast %swap3A_1127 : i32 to index
    %swap3A_1130 = arith.constant 112 : index
    %swap3A_1131 = tpu.vector_load %arg11[%swap3A_1128, %swap3A_1129, %swap3A_1130] {strides = array<i32>} : memref<3x32x128xf32, #tpu.memory_space<vmem>>, vector<16xf32>,
    tpu.vector_store %arg11[%swap3A_1128, %swap3A_1129, %swap3A_1130], %broadcast_in_dim3A_699 {strides = array<i32>} : memref<3x32x128xf32, #tpu.memory_space<vmem>>, vector<16xf32>,
    %swap3A_1132 = arith.constant 0 : i32
    %swap3A_1133 = arith.constant 9 : i32
    %swap3A_1134 = arith.index_cast %swap3A_1132 : i32 to index
    %swap3A_1135 = arith.index_cast %swap3A_1133 : i32 to index
    %swap3A_1136 = arith.constant 0 : index
    %swap3A_1137 = tpu.vector_load %arg11[%swap3A_1134, %swap3A_1135, %swap3A_1136] {strides = array<i32>} : memref<3x32x128xf32, #tpu.memory_space<vmem>>, vector<16xf32>,
    tpu.vector_store %arg11[%swap3A_1134, %swap3A_1135, %swap3A_1136], %broadcast_in_dim3A_699 {strides = array<i32>} : memref<3x32x128xf32, #tpu.memory_space<vmem>>, vector<16xf32>,
    %swap3A_1138 = arith.constant 0 : i32
    %swap3A_1139 = arith.constant 9 : i32
    %swap3A_1140 = arith.index_cast %swap3A_1138 : i32 to index
    %swap3A_1141 = arith.index_cast %swap3A_1139 : i32 to index
    %swap3A_1142 = arith.constant 16 : index
    %swap3A_1143 = tpu.vector_load %arg11[%swap3A_1140, %swap3A_1141, %swap3A_1142] {strides = array<i32>} : memref<3x32x128xf32, #tpu.memory_space<vmem>>, vector<16xf32>,
    tpu.vector_store %arg11[%swap3A_1140, %swap3A_1141, %swap3A_1142], %broadcast_in_dim3A_699 {strides = array<i32>} : memref<3x32x128xf32, #tpu.memory_space<vmem>>, vector<16xf32>,
    %swap3A_1144 = arith.constant 0 : i32
    %swap3A_1145 = arith.constant 9 : i32
    %swap3A_1146 = arith.index_cast %swap3A_1144 : i32 to index
    %swap3A_1147 = arith.index_cast %swap3A_1145 : i32 to index
    %swap3A_1148 = arith.constant 32 : index
    %swap3A_1149 = tpu.vector_load %arg11[%swap3A_1146, %swap3A_1147, %swap3A_1148] {strides = array<i32>} : memref<3x32x128xf32, #tpu.memory_space<vmem>>, vector<16xf32>,
    tpu.vector_store %arg11[%swap3A_1146, %swap3A_1147, %swap3A_1148], %broadcast_in_dim3A_699 {strides = array<i32>} : memref<3x32x128xf32, #tpu.memory_space<vmem>>, vector<16xf32>,
    %swap3A_1150 = arith.constant 0 : i32
    %swap3A_1151 = arith.constant 9 : i32
    %swap3A_1152 = arith.index_cast %swap3A_1150 : i32 to index
    %swap3A_1153 = arith.index_cast %swap3A_1151 : i32 to index
    %swap3A_1154 = arith.constant 48 : index
    %swap3A_1155 = tpu.vector_load %arg11[%swap3A_1152, %swap3A_1153, %swap3A_1154] {strides = array<i32>} : memref<3x32x128xf32, #tpu.memory_space<vmem>>, vector<16xf32>,
    tpu.vector_store %arg11[%swap3A_1152, %swap3A_1153, %swap3A_1154], %broadcast_in_dim3A_699 {strides = array<i32>} : memref<3x32x128xf32, #tpu.memory_space<vmem>>, vector<16xf32>,
    %swap3A_1156 = arith.constant 0 : i32
    %swap3A_1157 = arith.constant 9 : i32
    %swap3A_1158 = arith.index_cast %swap3A_1156 : i32 to index
    %swap3A_1159 = arith.index_cast %swap3A_1157 : i32 to index
    %swap3A_1160 = arith.constant 64 : index
    %swap3A_1161 = tpu.vector_load %arg11[%swap3A_1158, %swap3A_1159, %swap3A_1160] {strides = array<i32>} : memref<3x32x128xf32, #tpu.memory_space<vmem>>, vector<16xf32>,
    tpu.vector_store %arg11[%swap3A_1158, %swap3A_1159, %swap3A_1160], %broadcast_in_dim3A_699 {strides = array<i32>} : memref<3x32x128xf32, #tpu.memory_space<vmem>>, vector<16xf32>,
    %swap3A_1162 = arith.constant 0 : i32
    %swap3A_1163 = arith.constant 9 : i32
    %swap3A_1164 = arith.index_cast %swap3A_1162 : i32 to index
    %swap3A_1165 = arith.index_cast %swap3A_1163 : i32 to index
    %swap3A_1166 = arith.constant 80 : index
    %swap3A_1167 = tpu.vector_load %arg11[%swap3A_1164, %swap3A_1165, %swap3A_1166] {strides = array<i32>} : memref<3x32x128xf32, #tpu.memory_space<vmem>>, vector<16xf32>,
    tpu.vector_store %arg11[%swap3A_1164, %swap3A_1165, %swap3A_1166], %broadcast_in_dim3A_699 {strides = array<i32>} : memref<3x32x128xf32, #tpu.memory_space<vmem>>, vector<16xf32>,
    %swap3A_1168 = arith.constant 0 : i32
    %swap3A_1169 = arith.constant 9 : i32
    %swap3A_1170 = arith.index_cast %swap3A_1168 : i32 to index
    %swap3A_1171 = arith.index_cast %swap3A_1169 : i32 to index
    %swap3A_1172 = arith.constant 96 : index
    %swap3A_1173 = tpu.vector_load %arg11[%swap3A_1170, %swap3A_1171, %swap3A_1172] {strides = array<i32>} : memref<3x32x128xf32, #tpu.memory_space<vmem>>, vector<16xf32>,
    tpu.vector_store %arg11[%swap3A_1170, %swap3A_1171, %swap3A_1172], %broadcast_in_dim3A_699 {strides = array<i32>} : memref<3x32x128xf32, #tpu.memory_space<vmem>>, vector<16xf32>,
    %swap3A_1174 = arith.constant 0 : i32
    %swap3A_1175 = arith.constant 9 : i32
    %swap3A_1176 = arith.index_cast %swap3A_1174 : i32 to index
    %swap3A_1177 = arith.index_cast %swap3A_1175 : i32 to index
    %swap3A_1178 = arith.constant 112 : index
    %swap3A_1179 = tpu.vector_load %arg11[%swap3A_1176, %swap3A_1177, %swap3A_1178] {strides = array<i32>} : memref<3x32x128xf32, #tpu.memory_space<vmem>>, vector<16xf32>,
    tpu.vector_store %arg11[%swap3A_1176, %swap3A_1177, %swap3A_1178], %broadcast_in_dim3A_699 {strides = array<i32>} : memref<3x32x128xf32, #tpu.memory_space<vmem>>, vector<16xf32>,
    %swap3A_1180 = arith.constant 0 : i32
    %swap3A_1181 = arith.constant 10 : i32
    %swap3A_1182 = arith.index_cast %swap3A_1180 : i32 to index
    %swap3A_1183 = arith.index_cast %swap3A_1181 : i32 to index
    %swap3A_1184 = arith.constant 0 : index
    %swap3A_1185 = tpu.vector_load %arg11[%swap3A_1182, %swap3A_1183, %swap3A_1184] {strides = array<i32>} : memref<3x32x128xf32, #tpu.memory_space<vmem>>, vector<16xf32>,
    tpu.vector_store %arg11[%swap3A_1182, %swap3A_1183, %swap3A_1184], %broadcast_in_dim3A_699 {strides = array<i32>} : memref<3x32x128xf32, #tpu.memory_space<vmem>>, vector<16xf32>,
    %swap3A_1186 = arith.constant 0 : i32
    %swap3A_1187 = arith.constant 10 : i32
    %swap3A_1188 = arith.index_cast %swap3A_1186 : i32 to index
    %swap3A_1189 = arith.index_cast %swap3A_1187 : i32 to index
    %swap3A_1190 = arith.constant 16 : index
    %swap3A_1191 = tpu.vector_load %arg11[%swap3A_1188, %swap3A_1189, %swap3A_1190] {strides = array<i32>} : memref<3x32x128xf32, #tpu.memory_space<vmem>>, vector<16xf32>,
    tpu.vector_store %arg11[%swap3A_1188, %swap3A_1189, %swap3A_1190], %broadcast_in_dim3A_699 {strides = array<i32>} : memref<3x32x128xf32, #tpu.memory_space<vmem>>, vector<16xf32>,
    %swap3A_1192 = arith.constant 0 : i32
    %swap3A_1193 = arith.constant 10 : i32
    %swap3A_1194 = arith.index_cast %swap3A_1192 : i32 to index
    %swap3A_1195 = arith.index_cast %swap3A_1193 : i32 to index
    %swap3A_1196 = arith.constant 32 : index
    %swap3A_1197 = tpu.vector_load %arg11[%swap3A_1194, %swap3A_1195, %swap3A_1196] {strides = array<i32>} : memref<3x32x128xf32, #tpu.memory_space<vmem>>, vector<16xf32>,
    tpu.vector_store %arg11[%swap3A_1194, %swap3A_1195, %swap3A_1196], %broadcast_in_dim3A_699 {strides = array<i32>} : memref<3x32x128xf32, #tpu.memory_space<vmem>>, vector<16xf32>,
    %swap3A_1198 = arith.constant 0 : i32
    %swap3A_1199 = arith.constant 10 : i32
    %swap3A_1200 = arith.index_cast %swap3A_1198 : i32 to index
    %swap3A_1201 = arith.index_cast %swap3A_1199 : i32 to index
    %swap3A_1202 = arith.constant 48 : index
    %swap3A_1203 = tpu.vector_load %arg11[%swap3A_1200, %swap3A_1201, %swap3A_1202] {strides = array<i32>} : memref<3x32x128xf32, #tpu.memory_space<vmem>>, vector<16xf32>,
    tpu.vector_store %arg11[%swap3A_1200, %swap3A_1201, %swap3A_1202], %broadcast_in_dim3A_699 {strides = array<i32>} : memref<3x32x128xf32, #tpu.memory_space<vmem>>, vector<16xf32>,
    %swap3A_1204 = arith.constant 0 : i32
    %swap3A_1205 = arith.constant 10 : i32
    %swap3A_1206 = arith.index_cast %swap3A_1204 : i32 to index
    %swap3A_1207 = arith.index_cast %swap3A_1205 : i32 to index
    %swap3A_1208 = arith.constant 64 : index
    %swap3A_1209 = tpu.vector_load %arg11[%swap3A_1206, %swap3A_1207, %swap3A_1208] {strides = array<i32>} : memref<3x32x128xf32, #tpu.memory_space<vmem>>, vector<16xf32>,
    tpu.vector_store %arg11[%swap3A_1206, %swap3A_1207, %swap3A_1208], %broadcast_in_dim3A_699 {strides = array<i32>} : memref<3x32x128xf32, #tpu.memory_space<vmem>>, vector<16xf32>,
    %swap3A_1210 = arith.constant 0 : i32
    %swap3A_1211 = arith.constant 10 : i32
    %swap3A_1212 = arith.index_cast %swap3A_1210 : i32 to index
    %swap3A_1213 = arith.index_cast %swap3A_1211 : i32 to index
    %swap3A_1214 = arith.constant 80 : index
    %swap3A_1215 = tpu.vector_load %arg11[%swap3A_1212, %swap3A_1213, %swap3A_1214] {strides = array<i32>} : memref<3x32x128xf32, #tpu.memory_space<vmem>>, vector<16xf32>,
    tpu.vector_store %arg11[%swap3A_1212, %swap3A_1213, %swap3A_1214], %broadcast_in_dim3A_699 {strides = array<i32>} : memref<3x32x128xf32, #tpu.memory_space<vmem>>, vector<16xf32>,
    %swap3A_1216 = arith.constant 0 : i32
    %swap3A_1217 = arith.constant 10 : i32
    %swap3A_1218 = arith.index_cast %swap3A_1216 : i32 to index
    %swap3A_1219 = arith.index_cast %swap3A_1217 : i32 to index
    %swap3A_1220 = arith.constant 96 : index
    %swap3A_1221 = tpu.vector_load %arg11[%swap3A_1218, %swap3A_1219, %swap3A_1220] {strides = array<i32>} : memref<3x32x128xf32, #tpu.memory_space<vmem>>, vector<16xf32>,
    tpu.vector_store %arg11[%swap3A_1218, %swap3A_1219, %swap3A_1220], %broadcast_in_dim3A_699 {strides = array<i32>} : memref<3x32x128xf32, #tpu.memory_space<vmem>>, vector<16xf32>,
    %swap3A_1222 = arith.constant 0 : i32
    %swap3A_1223 = arith.constant 10 : i32
    %swap3A_1224 = arith.index_cast %swap3A_1222 : i32 to index
    %swap3A_1225 = arith.index_cast %swap3A_1223 : i32 to index
    %swap3A_1226 = arith.constant 112 : index
    %swap3A_1227 = tpu.vector_load %arg11[%swap3A_1224, %swap3A_1225, %swap3A_1226] {strides = array<i32>} : memref<3x32x128xf32, #tpu.memory_space<vmem>>, vector<16xf32>,
    tpu.vector_store %arg11[%swap3A_1224, %swap3A_1225, %swap3A_1226], %broadcast_in_dim3A_699 {strides = array<i32>} : memref<3x32x128xf32, #tpu.memory_space<vmem>>, vector<16xf32>,
    %swap3A_1228 = arith.constant 0 : i32
    %swap3A_1229 = arith.constant 11 : i32
    %swap3A_1230 = arith.index_cast %swap3A_1228 : i32 to index
    %swap3A_1231 = arith.index_cast %swap3A_1229 : i32 to index
    %swap3A_1232 = arith.constant 0 : index
    %swap3A_1233 = tpu.vector_load %arg11[%swap3A_1230, %swap3A_1231, %swap3A_1232] {strides = array<i32>} : memref<3x32x128xf32, #tpu.memory_space<vmem>>, vector<16xf32>,
    tpu.vector_store %arg11[%swap3A_1230, %swap3A_1231, %swap3A_1232], %broadcast_in_dim3A_699 {strides = array<i32>} : memref<3x32x128xf32, #tpu.memory_space<vmem>>, vector<16xf32>,
    %swap3A_1234 = arith.constant 0 : i32
    %swap3A_1235 = arith.constant 11 : i32
    %swap3A_1236 = arith.index_cast %swap3A_1234 : i32 to index
    %swap3A_1237 = arith.index_cast %swap3A_1235 : i32 to index
    %swap3A_1238 = arith.constant 16 : index
    %swap3A_1239 = tpu.vector_load %arg11[%swap3A_1236, %swap3A_1237, %swap3A_1238] {strides = array<i32>} : memref<3x32x128xf32, #tpu.memory_space<vmem>>, vector<16xf32>,
    tpu.vector_store %arg11[%swap3A_1236, %swap3A_1237, %swap3A_1238], %broadcast_in_dim3A_699 {strides = array<i32>} : memref<3x32x128xf32, #tpu.memory_space<vmem>>, vector<16xf32>,
    %swap3A_1240 = arith.constant 0 : i32
    %swap3A_1241 = arith.constant 11 : i32
    %swap3A_1242 = arith.index_cast %swap3A_1240 : i32 to index
    %swap3A_1243 = arith.index_cast %swap3A_1241 : i32 to index
    %swap3A_1244 = arith.constant 32 : index
    %swap3A_1245 = tpu.vector_load %arg11[%swap3A_1242, %swap3A_1243, %swap3A_1244] {strides = array<i32>} : memref<3x32x128xf32, #tpu.memory_space<vmem>>, vector<16xf32>,
    tpu.vector_store %arg11[%swap3A_1242, %swap3A_1243, %swap3A_1244], %broadcast_in_dim3A_699 {strides = array<i32>} : memref<3x32x128xf32, #tpu.memory_space<vmem>>, vector<16xf32>,
    %swap3A_1246 = arith.constant 0 : i32
    %swap3A_1247 = arith.constant 11 : i32
    %swap3A_1248 = arith.index_cast %swap3A_1246 : i32 to index
    %swap3A_1249 = arith.index_cast %swap3A_1247 : i32 to index
    %swap3A_1250 = arith.constant 48 : index
    %swap3A_1251 = tpu.vector_load %arg11[%swap3A_1248, %swap3A_1249, %swap3A_1250] {strides = array<i32>} : memref<3x32x128xf32, #tpu.memory_space<vmem>>, vector<16xf32>,
    tpu.vector_store %arg11[%swap3A_1248, %swap3A_1249, %swap3A_1250], %broadcast_in_dim3A_699 {strides = array<i32>} : memref<3x32x128xf32, #tpu.memory_space<vmem>>, vector<16xf32>,
    %swap3A_1252 = arith.constant 0 : i32
    %swap3A_1253 = arith.constant 11 : i32
    %swap3A_1254 = arith.index_cast %swap3A_1252 : i32 to index
    %swap3A_1255 = arith.index_cast %swap3A_1253 : i32 to index
    %swap3A_1256 = arith.constant 64 : index
    %swap3A_1257 = tpu.vector_load %arg11[%swap3A_1254, %swap3A_1255, %swap3A_1256] {strides = array<i32>} : memref<3x32x128xf32, #tpu.memory_space<vmem>>, vector<16xf32>,
    tpu.vector_store %arg11[%swap3A_1254, %swap3A_1255, %swap3A_1256], %broadcast_in_dim3A_699 {strides = array<i32>} : memref<3x32x128xf32, #tpu.memory_space<vmem>>, vector<16xf32>,
    %swap3A_1258 = arith.constant 0 : i32
    %swap3A_1259 = arith.constant 11 : i32
    %swap3A_1260 = arith.index_cast %swap3A_1258 : i32 to index
    %swap3A_1261 = arith.index_cast %swap3A_1259 : i32 to index
    %swap3A_1262 = arith.constant 80 : index
    %swap3A_1263 = tpu.vector_load %arg11[%swap3A_1260, %swap3A_1261, %swap3A_1262] {strides = array<i32>} : memref<3x32x128xf32, #tpu.memory_space<vmem>>, vector<16xf32>,
    tpu.vector_store %arg11[%swap3A_1260, %swap3A_1261, %swap3A_1262], %broadcast_in_dim3A_699 {strides = array<i32>} : memref<3x32x128xf32, #tpu.memory_space<vmem>>, vector<16xf32>,
    %swap3A_1264 = arith.constant 0 : i32
    %swap3A_1265 = arith.constant 11 : i32
    %swap3A_1266 = arith.index_cast %swap3A_1264 : i32 to index
    %swap3A_1267 = arith.index_cast %swap3A_1265 : i32 to index
    %swap3A_1268 = arith.constant 96 : index
    %swap3A_1269 = tpu.vector_load %arg11[%swap3A_1266, %swap3A_1267, %swap3A_1268] {strides = array<i32>} : memref<3x32x128xf32, #tpu.memory_space<vmem>>, vector<16xf32>,
    tpu.vector_store %arg11[%swap3A_1266, %swap3A_1267, %swap3A_1268], %broadcast_in_dim3A_699 {strides = array<i32>} : memref<3x32x128xf32, #tpu.memory_space<vmem>>, vector<16xf32>,
    %swap3A_1270 = arith.constant 0 : i32
    %swap3A_1271 = arith.constant 11 : i32
    %swap3A_1272 = arith.index_cast %swap3A_1270 : i32 to index
    %swap3A_1273 = arith.index_cast %swap3A_1271 : i32 to index
    %swap3A_1274 = arith.constant 112 : index
    %swap3A_1275 = tpu.vector_load %arg11[%swap3A_1272, %swap3A_1273, %swap3A_1274] {strides = array<i32>} : memref<3x32x128xf32, #tpu.memory_space<vmem>>, vector<16xf32>,
    tpu.vector_store %arg11[%swap3A_1272, %swap3A_1273, %swap3A_1274], %broadcast_in_dim3A_699 {strides = array<i32>} : memref<3x32x128xf32, #tpu.memory_space<vmem>>, vector<16xf32>,
    %swap3A_1276 = arith.constant 0 : i32
    %swap3A_1277 = arith.constant 12 : i32
    %swap3A_1278 = arith.index_cast %swap3A_1276 : i32 to index
    %swap3A_1279 = arith.index_cast %swap3A_1277 : i32 to index
    %swap3A_1280 = arith.constant 0 : index
    %swap3A_1281 = tpu.vector_load %arg11[%swap3A_1278, %swap3A_1279, %swap3A_1280] {strides = array<i32>} : memref<3x32x128xf32, #tpu.memory_space<vmem>>, vector<16xf32>,
    tpu.vector_store %arg11[%swap3A_1278, %swap3A_1279, %swap3A_1280], %broadcast_in_dim3A_699 {strides = array<i32>} : memref<3x32x128xf32, #tpu.memory_space<vmem>>, vector<16xf32>,
    %swap3A_1282 = arith.constant 0 : i32
    %swap3A_1283 = arith.constant 12 : i32
    %swap3A_1284 = arith.index_cast %swap3A_1282 : i32 to index
    %swap3A_1285 = arith.index_cast %swap3A_1283 : i32 to index
    %swap3A_1286 = arith.constant 16 : index
    %swap3A_1287 = tpu.vector_load %arg11[%swap3A_1284, %swap3A_1285, %swap3A_1286] {strides = array<i32>} : memref<3x32x128xf32, #tpu.memory_space<vmem>>, vector<16xf32>,
    tpu.vector_store %arg11[%swap3A_1284, %swap3A_1285, %swap3A_1286], %broadcast_in_dim3A_699 {strides = array<i32>} : memref<3x32x128xf32, #tpu.memory_space<vmem>>, vector<16xf32>,
    %swap3A_1288 = arith.constant 0 : i32
    %swap3A_1289 = arith.constant 12 : i32
    %swap3A_1290 = arith.index_cast %swap3A_1288 : i32 to index
    %swap3A_1291 = arith.index_cast %swap3A_1289 : i32 to index
    %swap3A_1292 = arith.constant 32 : index
    %swap3A_1293 = tpu.vector_load %arg11[%swap3A_1290, %swap3A_1291, %swap3A_1292] {strides = array<i32>} : memref<3x32x128xf32, #tpu.memory_space<vmem>>, vector<16xf32>,
    tpu.vector_store %arg11[%swap3A_1290, %swap3A_1291, %swap3A_1292], %broadcast_in_dim3A_699 {strides = array<i32>} : memref<3x32x128xf32, #tpu.memory_space<vmem>>, vector<16xf32>,
    %swap3A_1294 = arith.constant 0 : i32
    %swap3A_1295 = arith.constant 12 : i32
    %swap3A_1296 = arith.index_cast %swap3A_1294 : i32 to index
    %swap3A_1297 = arith.index_cast %swap3A_1295 : i32 to index
    %swap3A_1298 = arith.constant 48 : index
    %swap3A_1299 = tpu.vector_load %arg11[%swap3A_1296, %swap3A_1297, %swap3A_1298] {strides = array<i32>} : memref<3x32x128xf32, #tpu.memory_space<vmem>>, vector<16xf32>,
    tpu.vector_store %arg11[%swap3A_1296, %swap3A_1297, %swap3A_1298], %broadcast_in_dim3A_699 {strides = array<i32>} : memref<3x32x128xf32, #tpu.memory_space<vmem>>, vector<16xf32>,
    %swap3A_1300 = arith.constant 0 : i32
    %swap3A_1301 = arith.constant 12 : i32
    %swap3A_1302 = arith.index_cast %swap3A_1300 : i32 to index
    %swap3A_1303 = arith.index_cast %swap3A_1301 : i32 to index
    %swap3A_1304 = arith.constant 64 : index
    %swap3A_1305 = tpu.vector_load %arg11[%swap3A_1302, %swap3A_1303, %swap3A_1304] {strides = array<i32>} : memref<3x32x128xf32, #tpu.memory_space<vmem>>, vector<16xf32>,
    tpu.vector_store %arg11[%swap3A_1302, %swap3A_1303, %swap3A_1304], %broadcast_in_dim3A_699 {strides = array<i32>} : memref<3x32x128xf32, #tpu.memory_space<vmem>>, vector<16xf32>,
    %swap3A_1306 = arith.constant 0 : i32
    %swap3A_1307 = arith.constant 12 : i32
    %swap3A_1308 = arith.index_cast %swap3A_1306 : i32 to index
    %swap3A_1309 = arith.index_cast %swap3A_1307 : i32 to index
    %swap3A_1310 = arith.constant 80 : index
    %swap3A_1311 = tpu.vector_load %arg11[%swap3A_1308, %swap3A_1309, %swap3A_1310] {strides = array<i32>} : memref<3x32x128xf32, #tpu.memory_space<vmem>>, vector<16xf32>,
    tpu.vector_store %arg11[%swap3A_1308, %swap3A_1309, %swap3A_1310], %broadcast_in_dim3A_699 {strides = array<i32>} : memref<3x32x128xf32, #tpu.memory_space<vmem>>, vector<16xf32>,
    %swap3A_1312 = arith.constant 0 : i32
    %swap3A_1313 = arith.constant 12 : i32
    %swap3A_1314 = arith.index_cast %swap3A_1312 : i32 to index
    %swap3A_1315 = arith.index_cast %swap3A_1313 : i32 to index
    %swap3A_1316 = arith.constant 96 : index
    %swap3A_1317 = tpu.vector_load %arg11[%swap3A_1314, %swap3A_1315, %swap3A_1316] {strides = array<i32>} : memref<3x32x128xf32, #tpu.memory_space<vmem>>, vector<16xf32>,
    tpu.vector_store %arg11[%swap3A_1314, %swap3A_1315, %swap3A_1316], %broadcast_in_dim3A_699 {strides = array<i32>} : memref<3x32x128xf32, #tpu.memory_space<vmem>>, vector<16xf32>,
    %swap3A_1318 = arith.constant 0 : i32
    %swap3A_1319 = arith.constant 12 : i32
    %swap3A_1320 = arith.index_cast %swap3A_1318 : i32 to index
    %swap3A_1321 = arith.index_cast %swap3A_1319 : i32 to index
    %swap3A_1322 = arith.constant 112 : index
    %swap3A_1323 = tpu.vector_load %arg11[%swap3A_1320, %swap3A_1321, %swap3A_1322] {strides = array<i32>} : memref<3x32x128xf32, #tpu.memory_space<vmem>>, vector<16xf32>,
    tpu.vector_store %arg11[%swap3A_1320, %swap3A_1321, %swap3A_1322], %broadcast_in_dim3A_699 {strides = array<i32>} : memref<3x32x128xf32, #tpu.memory_space<vmem>>, vector<16xf32>,
    %swap3A_1324 = arith.constant 0 : i32
    %swap3A_1325 = arith.constant 13 : i32
    %swap3A_1326 = arith.index_cast %swap3A_1324 : i32 to index
    %swap3A_1327 = arith.index_cast %swap3A_1325 : i32 to index
    %swap3A_1328 = arith.constant 0 : index
    %swap3A_1329 = tpu.vector_load %arg11[%swap3A_1326, %swap3A_1327, %swap3A_1328] {strides = array<i32>} : memref<3x32x128xf32, #tpu.memory_space<vmem>>, vector<16xf32>,
    tpu.vector_store %arg11[%swap3A_1326, %swap3A_1327, %swap3A_1328], %broadcast_in_dim3A_699 {strides = array<i32>} : memref<3x32x128xf32, #tpu.memory_space<vmem>>, vector<16xf32>,
    %swap3A_1330 = arith.constant 0 : i32
    %swap3A_1331 = arith.constant 13 : i32
    %swap3A_1332 = arith.index_cast %swap3A_1330 : i32 to index
    %swap3A_1333 = arith.index_cast %swap3A_1331 : i32 to index
    %swap3A_1334 = arith.constant 16 : index
    %swap3A_1335 = tpu.vector_load %arg11[%swap3A_1332, %swap3A_1333, %swap3A_1334] {strides = array<i32>} : memref<3x32x128xf32, #tpu.memory_space<vmem>>, vector<16xf32>,
    tpu.vector_store %arg11[%swap3A_1332, %swap3A_1333, %swap3A_1334], %broadcast_in_dim3A_699 {strides = array<i32>} : memref<3x32x128xf32, #tpu.memory_space<vmem>>, vector<16xf32>,
    %swap3A_1336 = arith.constant 0 : i32
    %swap3A_1337 = arith.constant 13 : i32
    %swap3A_1338 = arith.index_cast %swap3A_1336 : i32 to index
    %swap3A_1339 = arith.index_cast %swap3A_1337 : i32 to index
    %swap3A_1340 = arith.constant 32 : index
    %swap3A_1341 = tpu.vector_load %arg11[%swap3A_1338, %swap3A_1339, %swap3A_1340] {strides = array<i32>} : memref<3x32x128xf32, #tpu.memory_space<vmem>>, vector<16xf32>,
    tpu.vector_store %arg11[%swap3A_1338, %swap3A_1339, %swap3A_1340], %broadcast_in_dim3A_699 {strides = array<i32>} : memref<3x32x128xf32, #tpu.memory_space<vmem>>, vector<16xf32>,
    %swap3A_1342 = arith.constant 0 : i32
    %swap3A_1343 = arith.constant 13 : i32
    %swap3A_1344 = arith.index_cast %swap3A_1342 : i32 to index
    %swap3A_1345 = arith.index_cast %swap3A_1343 : i32 to index
    %swap3A_1346 = arith.constant 48 : index
    %swap3A_1347 = tpu.vector_load %arg11[%swap3A_1344, %swap3A_1345, %swap3A_1346] {strides = array<i32>} : memref<3x32x128xf32, #tpu.memory_space<vmem>>, vector<16xf32>,
    tpu.vector_store %arg11[%swap3A_1344, %swap3A_1345, %swap3A_1346], %broadcast_in_dim3A_699 {strides = array<i32>} : memref<3x32x128xf32, #tpu.memory_space<vmem>>, vector<16xf32>,
    %swap3A_1348 = arith.constant 0 : i32
    %swap3A_1349 = arith.constant 13 : i32
    %swap3A_1350 = arith.index_cast %swap3A_1348 : i32 to index
    %swap3A_1351 = arith.index_cast %swap3A_1349 : i32 to index
    %swap3A_1352 = arith.constant 64 : index
    %swap3A_1353 = tpu.vector_load %arg11[%swap3A_1350, %swap3A_1351, %swap3A_1352] {strides = array<i32>} : memref<3x32x128xf32, #tpu.memory_space<vmem>>, vector<16xf32>,
    tpu.vector_store %arg11[%swap3A_1350, %swap3A_1351, %swap3A_1352], %broadcast_in_dim3A_699 {strides = array<i32>} : memref<3x32x128xf32, #tpu.memory_space<vmem>>, vector<16xf32>,
    %swap3A_1354 = arith.constant 0 : i32
    %swap3A_1355 = arith.constant 13 : i32
    %swap3A_1356 = arith.index_cast %swap3A_1354 : i32 to index
    %swap3A_1357 = arith.index_cast %swap3A_1355 : i32 to index
    %swap3A_1358 = arith.constant 80 : index
    %swap3A_1359 = tpu.vector_load %arg11[%swap3A_1356, %swap3A_1357, %swap3A_1358] {strides = array<i32>} : memref<3x32x128xf32, #tpu.memory_space<vmem>>, vector<16xf32>,
    tpu.vector_store %arg11[%swap3A_1356, %swap3A_1357, %swap3A_1358], %broadcast_in_dim3A_699 {strides = array<i32>} : memref<3x32x128xf32, #tpu.memory_space<vmem>>, vector<16xf32>,
    %swap3A_1360 = arith.constant 0 : i32
    %swap3A_1361 = arith.constant 13 : i32
    %swap3A_1362 = arith.index_cast %swap3A_1360 : i32 to index
    %swap3A_1363 = arith.index_cast %swap3A_1361 : i32 to index
    %swap3A_1364 = arith.constant 96 : index
    %swap3A_1365 = tpu.vector_load %arg11[%swap3A_1362, %swap3A_1363, %swap3A_1364] {strides = array<i32>} : memref<3x32x128xf32, #tpu.memory_space<vmem>>, vector<16xf32>,
    tpu.vector_store %arg11[%swap3A_1362, %swap3A_1363, %swap3A_1364], %broadcast_in_dim3A_699 {strides = array<i32>} : memref<3x32x128xf32, #tpu.memory_space<vmem>>, vector<16xf32>,
    %swap3A_1366 = arith.constant 0 : i32
    %swap3A_1367 = arith.constant 13 : i32
    %swap3A_1368 = arith.index_cast %swap3A_1366 : i32 to index
    %swap3A_1369 = arith.index_cast %swap3A_1367 : i32 to index
    %swap3A_1370 = arith.constant 112 : index
    %swap3A_1371 = tpu.vector_load %arg11[%swap3A_1368, %swap3A_1369, %swap3A_1370] {strides = array<i32>} : memref<3x32x128xf32, #tpu.memory_space<vmem>>, vector<16xf32>,
    tpu.vector_store %arg11[%swap3A_1368, %swap3A_1369, %swap3A_1370], %broadcast_in_dim3A_699 {strides = array<i32>} : memref<3x32x128xf32, #tpu.memory_space<vmem>>, vector<16xf32>,
    %swap3A_1372 = arith.constant 0 : i32
    %swap3A_1373 = arith.constant 14 : i32
    %swap3A_1374 = arith.index_cast %swap3A_1372 : i32 to index
    %swap3A_1375 = arith.index_cast %swap3A_1373 : i32 to index
    %swap3A_1376 = arith.constant 0 : index
    %swap3A_1377 = tpu.vector_load %arg11[%swap3A_1374, %swap3A_1375, %swap3A_1376] {strides = array<i32>} : memref<3x32x128xf32, #tpu.memory_space<vmem>>, vector<16xf32>,
    tpu.vector_store %arg11[%swap3A_1374, %swap3A_1375, %swap3A_1376], %broadcast_in_dim3A_699 {strides = array<i32>} : memref<3x32x128xf32, #tpu.memory_space<vmem>>, vector<16xf32>,
    %swap3A_1378 = arith.constant 0 : i32
    %swap3A_1379 = arith.constant 14 : i32
    %swap3A_1380 = arith.index_cast %swap3A_1378 : i32 to index
    %swap3A_1381 = arith.index_cast %swap3A_1379 : i32 to index
    %swap3A_1382 = arith.constant 16 : index
    %swap3A_1383 = tpu.vector_load %arg11[%swap3A_1380, %swap3A_1381, %swap3A_1382] {strides = array<i32>} : memref<3x32x128xf32, #tpu.memory_space<vmem>>, vector<16xf32>,
    tpu.vector_store %arg11[%swap3A_1380, %swap3A_1381, %swap3A_1382], %broadcast_in_dim3A_699 {strides = array<i32>} : memref<3x32x128xf32, #tpu.memory_space<vmem>>, vector<16xf32>,
    %swap3A_1384 = arith.constant 0 : i32
    %swap3A_1385 = arith.constant 14 : i32
    %swap3A_1386 = arith.index_cast %swap3A_1384 : i32 to index
    %swap3A_1387 = arith.index_cast %swap3A_1385 : i32 to index
    %swap3A_1388 = arith.constant 32 : index
    %swap3A_1389 = tpu.vector_load %arg11[%swap3A_1386, %swap3A_1387, %swap3A_1388] {strides = array<i32>} : memref<3x32x128xf32, #tpu.memory_space<vmem>>, vector<16xf32>,
    tpu.vector_store %arg11[%swap3A_1386, %swap3A_1387, %swap3A_1388], %broadcast_in_dim3A_699 {strides = array<i32>} : memref<3x32x128xf32, #tpu.memory_space<vmem>>, vector<16xf32>,
    %swap3A_1390 = arith.constant 0 : i32
    %swap3A_1391 = arith.constant 14 : i32
    %swap3A_1392 = arith.index_cast %swap3A_1390 : i32 to index
    %swap3A_1393 = arith.index_cast %swap3A_1391 : i32 to index
    %swap3A_1394 = arith.constant 48 : index
    %swap3A_1395 = tpu.vector_load %arg11[%swap3A_1392, %swap3A_1393, %swap3A_1394] {strides = array<i32>} : memref<3x32x128xf32, #tpu.memory_space<vmem>>, vector<16xf32>,
    tpu.vector_store %arg11[%swap3A_1392, %swap3A_1393, %swap3A_1394], %broadcast_in_dim3A_699 {strides = array<i32>} : memref<3x32x128xf32, #tpu.memory_space<vmem>>, vector<16xf32>,
    %swap3A_1396 = arith.constant 0 : i32
    %swap3A_1397 = arith.constant 14 : i32
    %swap3A_1398 = arith.index_cast %swap3A_1396 : i32 to index
    %swap3A_1399 = arith.index_cast %swap3A_1397 : i32 to index
    %swap3A_1400 = arith.constant 64 : index
    %swap3A_1401 = tpu.vector_load %arg11[%swap3A_1398, %swap3A_1399, %swap3A_1400] {strides = array<i32>} : memref<3x32x128xf32, #tpu.memory_space<vmem>>, vector<16xf32>,
    tpu.vector_store %arg11[%swap3A_1398, %swap3A_1399, %swap3A_1400], %broadcast_in_dim3A_699 {strides = array<i32>} : memref<3x32x128xf32, #tpu.memory_space<vmem>>, vector<16xf32>,
    %swap3A_1402 = arith.constant 0 : i32
    %swap3A_1403 = arith.constant 14 : i32
    %swap3A_1404 = arith.index_cast %swap3A_1402 : i32 to index
    %swap3A_1405 = arith.index_cast %swap3A_1403 : i32 to index
    %swap3A_1406 = arith.constant 80 : index
    %swap3A_1407 = tpu.vector_load %arg11[%swap3A_1404, %swap3A_1405, %swap3A_1406] {strides = array<i32>} : memref<3x32x128xf32, #tpu.memory_space<vmem>>, vector<16xf32>,
    tpu.vector_store %arg11[%swap3A_1404, %swap3A_1405, %swap3A_1406], %broadcast_in_dim3A_699 {strides = array<i32>} : memref<3x32x128xf32, #tpu.memory_space<vmem>>, vector<16xf32>,
    %swap3A_1408 = arith.constant 0 : i32
    %swap3A_1409 = arith.constant 14 : i32
    %swap3A_1410 = arith.index_cast %swap3A_1408 : i32 to index
    %swap3A_1411 = arith.index_cast %swap3A_1409 : i32 to index
    %swap3A_1412 = arith.constant 96 : index
    %swap3A_1413 = tpu.vector_load %arg11[%swap3A_1410, %swap3A_1411, %swap3A_1412] {strides = array<i32>} : memref<3x32x128xf32, #tpu.memory_space<vmem>>, vector<16xf32>,
    tpu.vector_store %arg11[%swap3A_1410, %swap3A_1411, %swap3A_1412], %broadcast_in_dim3A_699 {strides = array<i32>} : memref<3x32x128xf32, #tpu.memory_space<vmem>>, vector<16xf32>,
    %swap3A_1414 = arith.constant 0 : i32
    %swap3A_1415 = arith.constant 14 : i32
    %swap3A_1416 = arith.index_cast %swap3A_1414 : i32 to index
    %swap3A_1417 = arith.index_cast %swap3A_1415 : i32 to index
    %swap3A_1418 = arith.constant 112 : index
    %swap3A_1419 = tpu.vector_load %arg11[%swap3A_1416, %swap3A_1417, %swap3A_1418] {strides = array<i32>} : memref<3x32x128xf32, #tpu.memory_space<vmem>>, vector<16xf32>,
    tpu.vector_store %arg11[%swap3A_1416, %swap3A_1417, %swap3A_1418], %broadcast_in_dim3A_699 {strides = array<i32>} : memref<3x32x128xf32, #tpu.memory_space<vmem>>, vector<16xf32>,
    %swap3A_1420 = arith.constant 0 : i32
    %swap3A_1421 = arith.constant 15 : i32
    %swap3A_1422 = arith.index_cast %swap3A_1420 : i32 to index
    %swap3A_1423 = arith.index_cast %swap3A_1421 : i32 to index
    %swap3A_1424 = arith.constant 0 : index
    %swap3A_1425 = tpu.vector_load %arg11[%swap3A_1422, %swap3A_1423, %swap3A_1424] {strides = array<i32>} : memref<3x32x128xf32, #tpu.memory_space<vmem>>, vector<16xf32>,
    tpu.vector_store %arg11[%swap3A_1422, %swap3A_1423, %swap3A_1424], %broadcast_in_dim3A_699 {strides = array<i32>} : memref<3x32x128xf32, #tpu.memory_space<vmem>>, vector<16xf32>,
    %swap3A_1426 = arith.constant 0 : i32
    %swap3A_1427 = arith.constant 15 : i32
    %swap3A_1428 = arith.index_cast %swap3A_1426 : i32 to index
    %swap3A_1429 = arith.index_cast %swap3A_1427 : i32 to index
    %swap3A_1430 = arith.constant 16 : index
    %swap3A_1431 = tpu.vector_load %arg11[%swap3A_1428, %swap3A_1429, %swap3A_1430] {strides = array<i32>} : memref<3x32x128xf32, #tpu.memory_space<vmem>>, vector<16xf32>,
    tpu.vector_store %arg11[%swap3A_1428, %swap3A_1429, %swap3A_1430], %broadcast_in_dim3A_699 {strides = array<i32>} : memref<3x32x128xf32, #tpu.memory_space<vmem>>, vector<16xf32>,
    %swap3A_1432 = arith.constant 0 : i32
    %swap3A_1433 = arith.constant 15 : i32
    %swap3A_1434 = arith.index_cast %swap3A_1432 : i32 to index
    %swap3A_1435 = arith.index_cast %swap3A_1433 : i32 to index
    %swap3A_1436 = arith.constant 32 : index
    %swap3A_1437 = tpu.vector_load %arg11[%swap3A_1434, %swap3A_1435, %swap3A_1436] {strides = array<i32>} : memref<3x32x128xf32, #tpu.memory_space<vmem>>, vector<16xf32>,
    tpu.vector_store %arg11[%swap3A_1434, %swap3A_1435, %swap3A_1436], %broadcast_in_dim3A_699 {strides = array<i32>} : memref<3x32x128xf32, #tpu.memory_space<vmem>>, vector<16xf32>,
    %swap3A_1438 = arith.constant 0 : i32
    %swap3A_1439 = arith.constant 15 : i32
    %swap3A_1440 = arith.index_cast %swap3A_1438 : i32 to index
    %swap3A_1441 = arith.index_cast %swap3A_1439 : i32 to index
    %swap3A_1442 = arith.constant 48 : index
    %swap3A_1443 = tpu.vector_load %arg11[%swap3A_1440, %swap3A_1441, %swap3A_1442] {strides = array<i32>} : memref<3x32x128xf32, #tpu.memory_space<vmem>>, vector<16xf32>,
    tpu.vector_store %arg11[%swap3A_1440, %swap3A_1441, %swap3A_1442], %broadcast_in_dim3A_699 {strides = array<i32>} : memref<3x32x128xf32, #tpu.memory_space<vmem>>, vector<16xf32>,
    %swap3A_1444 = arith.constant 0 : i32
    %swap3A_1445 = arith.constant 15 : i32
    %swap3A_1446 = arith.index_cast %swap3A_1444 : i32 to index
    %swap3A_1447 = arith.index_cast %swap3A_1445 : i32 to index
    %swap3A_1448 = arith.constant 64 : index
    %swap3A_1449 = tpu.vector_load %arg11[%swap3A_1446, %swap3A_1447, %swap3A_1448] {strides = array<i32>} : memref<3x32x128xf32, #tpu.memory_space<vmem>>, vector<16xf32>,
    tpu.vector_store %arg11[%swap3A_1446, %swap3A_1447, %swap3A_1448], %broadcast_in_dim3A_699 {strides = array<i32>} : memref<3x32x128xf32, #tpu.memory_space<vmem>>, vector<16xf32>,
    %swap3A_1450 = arith.constant 0 : i32
    %swap3A_1451 = arith.constant 15 : i32
    %swap3A_1452 = arith.index_cast %swap3A_1450 : i32 to index
    %swap3A_1453 = arith.index_cast %swap3A_1451 : i32 to index
    %swap3A_1454 = arith.constant 80 : index
    %swap3A_1455 = tpu.vector_load %arg11[%swap3A_1452, %swap3A_1453, %swap3A_1454] {strides = array<i32>} : memref<3x32x128xf32, #tpu.memory_space<vmem>>, vector<16xf32>,
    tpu.vector_store %arg11[%swap3A_1452, %swap3A_1453, %swap3A_1454], %broadcast_in_dim3A_699 {strides = array<i32>} : memref<3x32x128xf32, #tpu.memory_space<vmem>>, vector<16xf32>,
    %swap3A_1456 = arith.constant 0 : i32
    %swap3A_1457 = arith.constant 15 : i32
    %swap3A_1458 = arith.index_cast %swap3A_1456 : i32 to index
    %swap3A_1459 = arith.index_cast %swap3A_1457 : i32 to index
    %swap3A_1460 = arith.constant 96 : index
    %swap3A_1461 = tpu.vector_load %arg11[%swap3A_1458, %swap3A_1459, %swap3A_1460] {strides = array<i32>} : memref<3x32x128xf32, #tpu.memory_space<vmem>>, vector<16xf32>,
    tpu.vector_store %arg11[%swap3A_1458, %swap3A_1459, %swap3A_1460], %broadcast_in_dim3A_699 {strides = array<i32>} : memref<3x32x128xf32, #tpu.memory_space<vmem>>, vector<16xf32>,
    %swap3A_1462 = arith.constant 0 : i32
    %swap3A_1463 = arith.constant 15 : i32
    %swap3A_1464 = arith.index_cast %swap3A_1462 : i32 to index
    %swap3A_1465 = arith.index_cast %swap3A_1463 : i32 to index
    %swap3A_1466 = arith.constant 112 : index
    %swap3A_1467 = tpu.vector_load %arg11[%swap3A_1464, %swap3A_1465, %swap3A_1466] {strides = array<i32>} : memref<3x32x128xf32, #tpu.memory_space<vmem>>, vector<16xf32>,
    tpu.vector_store %arg11[%swap3A_1464, %swap3A_1465, %swap3A_1466], %broadcast_in_dim3A_699 {strides = array<i32>} : memref<3x32x128xf32, #tpu.memory_space<vmem>>, vector<16xf32>,
    %swap3A_1468 = arith.constant 0 : i32
    %swap3A_1469 = arith.constant 16 : i32
    %swap3A_1470 = arith.index_cast %swap3A_1468 : i32 to index
    %swap3A_1471 = arith.index_cast %swap3A_1469 : i32 to index
    %swap3A_1472 = arith.constant 0 : index
    %swap3A_1473 = tpu.vector_load %arg11[%swap3A_1470, %swap3A_1471, %swap3A_1472] {strides = array<i32>} : memref<3x32x128xf32, #tpu.memory_space<vmem>>, vector<16xf32>,
    tpu.vector_store %arg11[%swap3A_1470, %swap3A_1471, %swap3A_1472], %broadcast_in_dim3A_699 {strides = array<i32>} : memref<3x32x128xf32, #tpu.memory_space<vmem>>, vector<16xf32>,
    %swap3A_1474 = arith.constant 0 : i32
    %swap3A_1475 = arith.constant 16 : i32
    %swap3A_1476 = arith.index_cast %swap3A_1474 : i32 to index
    %swap3A_1477 = arith.index_cast %swap3A_1475 : i32 to index
    %swap3A_1478 = arith.constant 16 : index
    %swap3A_1479 = tpu.vector_load %arg11[%swap3A_1476, %swap3A_1477, %swap3A_1478] {strides = array<i32>} : memref<3x32x128xf32, #tpu.memory_space<vmem>>, vector<16xf32>,
    tpu.vector_store %arg11[%swap3A_1476, %swap3A_1477, %swap3A_1478], %broadcast_in_dim3A_699 {strides = array<i32>} : memref<3x32x128xf32, #tpu.memory_space<vmem>>, vector<16xf32>,
    %swap3A_1480 = arith.constant 0 : i32
    %swap3A_1481 = arith.constant 16 : i32
    %swap3A_1482 = arith.index_cast %swap3A_1480 : i32 to index
    %swap3A_1483 = arith.index_cast %swap3A_1481 : i32 to index
    %swap3A_1484 = arith.constant 32 : index
    %swap3A_1485 = tpu.vector_load %arg11[%swap3A_1482, %swap3A_1483, %swap3A_1484] {strides = array<i32>} : memref<3x32x128xf32, #tpu.memory_space<vmem>>, vector<16xf32>,
    tpu.vector_store %arg11[%swap3A_1482, %swap3A_1483, %swap3A_1484], %broadcast_in_dim3A_699 {strides = array<i32>} : memref<3x32x128xf32, #tpu.memory_space<vmem>>, vector<16xf32>,
    %swap3A_1486 = arith.constant 0 : i32
    %swap3A_1487 = arith.constant 16 : i32
    %swap3A_1488 = arith.index_cast %swap3A_1486 : i32 to index
    %swap3A_1489 = arith.index_cast %swap3A_1487 : i32 to index
    %swap3A_1490 = arith.constant 48 : index
    %swap3A_1491 = tpu.vector_load %arg11[%swap3A_1488, %swap3A_1489, %swap3A_1490] {strides = array<i32>} : memref<3x32x128xf32, #tpu.memory_space<vmem>>, vector<16xf32>,
    tpu.vector_store %arg11[%swap3A_1488, %swap3A_1489, %swap3A_1490], %broadcast_in_dim3A_699 {strides = array<i32>} : memref<3x32x128xf32, #tpu.memory_space<vmem>>, vector<16xf32>,
    %swap3A_1492 = arith.constant 0 : i32
    %swap3A_1493 = arith.constant 16 : i32
    %swap3A_1494 = arith.index_cast %swap3A_1492 : i32 to index
    %swap3A_1495 = arith.index_cast %swap3A_1493 : i32 to index
    %swap3A_1496 = arith.constant 64 : index
    %swap3A_1497 = tpu.vector_load %arg11[%swap3A_1494, %swap3A_1495, %swap3A_1496] {strides = array<i32>} : memref<3x32x128xf32, #tpu.memory_space<vmem>>, vector<16xf32>,
    tpu.vector_store %arg11[%swap3A_1494, %swap3A_1495, %swap3A_1496], %broadcast_in_dim3A_699 {strides = array<i32>} : memref<3x32x128xf32, #tpu.memory_space<vmem>>, vector<16xf32>,
    %swap3A_1498 = arith.constant 0 : i32
    %swap3A_1499 = arith.constant 16 : i32
    %swap3A_1500 = arith.index_cast %swap3A_1498 : i32 to index
    %swap3A_1501 = arith.index_cast %swap3A_1499 : i32 to index
    %swap3A_1502 = arith.constant 80 : index
    %swap3A_1503 = tpu.vector_load %arg11[%swap3A_1500, %swap3A_1501, %swap3A_1502] {strides = array<i32>} : memref<3x32x128xf32, #tpu.memory_space<vmem>>, vector<16xf32>,
    tpu.vector_store %arg11[%swap3A_1500, %swap3A_1501, %swap3A_1502], %broadcast_in_dim3A_699 {strides = array<i32>} : memref<3x32x128xf32, #tpu.memory_space<vmem>>, vector<16xf32>,
    %swap3A_1504 = arith.constant 0 : i32
    %swap3A_1505 = arith.constant 16 : i32
    %swap3A_1506 = arith.index_cast %swap3A_1504 : i32 to index
    %swap3A_1507 = arith.index_cast %swap3A_1505 : i32 to index
    %swap3A_1508 = arith.constant 96 : index
    %swap3A_1509 = tpu.vector_load %arg11[%swap3A_1506, %swap3A_1507, %swap3A_1508] {strides = array<i32>} : memref<3x32x128xf32, #tpu.memory_space<vmem>>, vector<16xf32>,
    tpu.vector_store %arg11[%swap3A_1506, %swap3A_1507, %swap3A_1508], %broadcast_in_dim3A_699 {strides = array<i32>} : memref<3x32x128xf32, #tpu.memory_space<vmem>>, vector<16xf32>,
    %swap3A_1510 = arith.constant 0 : i32
    %swap3A_1511 = arith.constant 16 : i32
    %swap3A_1512 = arith.index_cast %swap3A_1510 : i32 to index
    %swap3A_1513 = arith.index_cast %swap3A_1511 : i32 to index
    %swap3A_1514 = arith.constant 112 : index
    %swap3A_1515 = tpu.vector_load %arg11[%swap3A_1512, %swap3A_1513, %swap3A_1514] {strides = array<i32>} : memref<3x32x128xf32, #tpu.memory_space<vmem>>, vector<16xf32>,
    tpu.vector_store %arg11[%swap3A_1512, %swap3A_1513, %swap3A_1514], %broadcast_in_dim3A_699 {strides = array<i32>} : memref<3x32x128xf32, #tpu.memory_space<vmem>>, vector<16xf32>,
    %swap3A_1516 = arith.constant 0 : i32
    %swap3A_1517 = arith.constant 17 : i32
    %swap3A_1518 = arith.index_cast %swap3A_1516 : i32 to index
    %swap3A_1519 = arith.index_cast %swap3A_1517 : i32 to index
    %swap3A_1520 = arith.constant 0 : index
    %swap3A_1521 = tpu.vector_load %arg11[%swap3A_1518, %swap3A_1519, %swap3A_1520] {strides = array<i32>} : memref<3x32x128xf32, #tpu.memory_space<vmem>>, vector<16xf32>,
    tpu.vector_store %arg11[%swap3A_1518, %swap3A_1519, %swap3A_1520], %broadcast_in_dim3A_699 {strides = array<i32>} : memref<3x32x128xf32, #tpu.memory_space<vmem>>, vector<16xf32>,
    %swap3A_1522 = arith.constant 0 : i32
    %swap3A_1523 = arith.constant 17 : i32
    %swap3A_1524 = arith.index_cast %swap3A_1522 : i32 to index
    %swap3A_1525 = arith.index_cast %swap3A_1523 : i32 to index
    %swap3A_1526 = arith.constant 16 : index
    %swap3A_1527 = tpu.vector_load %arg11[%swap3A_1524, %swap3A_1525, %swap3A_1526] {strides = array<i32>} : memref<3x32x128xf32, #tpu.memory_space<vmem>>, vector<16xf32>,
    tpu.vector_store %arg11[%swap3A_1524, %swap3A_1525, %swap3A_1526], %broadcast_in_dim3A_699 {strides = array<i32>} : memref<3x32x128xf32, #tpu.memory_space<vmem>>, vector<16xf32>,
    %swap3A_1528 = arith.constant 0 : i32
    %swap3A_1529 = arith.constant 17 : i32
    %swap3A_1530 = arith.index_cast %swap3A_1528 : i32 to index
    %swap3A_1531 = arith.index_cast %swap3A_1529 : i32 to index
    %swap3A_1532 = arith.constant 32 : index
    %swap3A_1533 = tpu.vector_load %arg11[%swap3A_1530, %swap3A_1531, %swap3A_1532] {strides = array<i32>} : memref<3x32x128xf32, #tpu.memory_space<vmem>>, vector<16xf32>,
    tpu.vector_store %arg11[%swap3A_1530, %swap3A_1531, %swap3A_1532], %broadcast_in_dim3A_699 {strides = array<i32>} : memref<3x32x128xf32, #tpu.memory_space<vmem>>, vector<16xf32>,
    %swap3A_1534 = arith.constant 0 : i32
    %swap3A_1535 = arith.constant 17 : i32
    %swap3A_1536 = arith.index_cast %swap3A_1534 : i32 to index
    %swap3A_1537 = arith.index_cast %swap3A_1535 : i32 to index
    %swap3A_1538 = arith.constant 48 : index
    %swap3A_1539 = tpu.vector_load %arg11[%swap3A_1536, %swap3A_1537, %swap3A_1538] {strides = array<i32>} : memref<3x32x128xf32, #tpu.memory_space<vmem>>, vector<16xf32>,
    tpu.vector_store %arg11[%swap3A_1536, %swap3A_1537, %swap3A_1538], %broadcast_in_dim3A_699 {strides = array<i32>} : memref<3x32x128xf32, #tpu.memory_space<vmem>>, vector<16xf32>,
    %swap3A_1540 = arith.constant 0 : i32
    %swap3A_1541 = arith.constant 17 : i32
    %swap3A_1542 = arith.index_cast %swap3A_1540 : i32 to index
    %swap3A_1543 = arith.index_cast %swap3A_1541 : i32 to index
    %swap3A_1544 = arith.constant 64 : index
    %swap3A_1545 = tpu.vector_load %arg11[%swap3A_1542, %swap3A_1543, %swap3A_1544] {strides = array<i32>} : memref<3x32x128xf32, #tpu.memory_space<vmem>>, vector<16xf32>,
    tpu.vector_store %arg11[%swap3A_1542, %swap3A_1543, %swap3A_1544], %broadcast_in_dim3A_699 {strides = array<i32>} : memref<3x32x128xf32, #tpu.memory_space<vmem>>, vector<16xf32>,
    %swap3A_1546 = arith.constant 0 : i32
    %swap3A_1547 = arith.constant 17 : i32
    %swap3A_1548 = arith.index_cast %swap3A_1546 : i32 to index
    %swap3A_1549 = arith.index_cast %swap3A_1547 : i32 to index
    %swap3A_1550 = arith.constant 80 : index
    %swap3A_1551 = tpu.vector_load %arg11[%swap3A_1548, %swap3A_1549, %swap3A_1550] {strides = array<i32>} : memref<3x32x128xf32, #tpu.memory_space<vmem>>, vector<16xf32>,
    tpu.vector_store %arg11[%swap3A_1548, %swap3A_1549, %swap3A_1550], %broadcast_in_dim3A_699 {strides = array<i32>} : memref<3x32x128xf32, #tpu.memory_space<vmem>>, vector<16xf32>,
    %swap3A_1552 = arith.constant 0 : i32
    %swap3A_1553 = arith.constant 17 : i32
    %swap3A_1554 = arith.index_cast %swap3A_1552 : i32 to index
    %swap3A_1555 = arith.index_cast %swap3A_1553 : i32 to index
    %swap3A_1556 = arith.constant 96 : index
    %swap3A_1557 = tpu.vector_load %arg11[%swap3A_1554, %swap3A_1555, %swap3A_1556] {strides = array<i32>} : memref<3x32x128xf32, #tpu.memory_space<vmem>>, vector<16xf32>,
    tpu.vector_store %arg11[%swap3A_1554, %swap3A_1555, %swap3A_1556], %broadcast_in_dim3A_699 {strides = array<i32>} : memref<3x32x128xf32, #tpu.memory_space<vmem>>, vector<16xf32>,
    %swap3A_1558 = arith.constant 0 : i32
    %swap3A_1559 = arith.constant 17 : i32
    %swap3A_1560 = arith.index_cast %swap3A_1558 : i32 to index
    %swap3A_1561 = arith.index_cast %swap3A_1559 : i32 to index
    %swap3A_1562 = arith.constant 112 : index
    %swap3A_1563 = tpu.vector_load %arg11[%swap3A_1560, %swap3A_1561, %swap3A_1562] {strides = array<i32>} : memref<3x32x128xf32, #tpu.memory_space<vmem>>, vector<16xf32>,
    tpu.vector_store %arg11[%swap3A_1560, %swap3A_1561, %swap3A_1562], %broadcast_in_dim3A_699 {strides = array<i32>} : memref<3x32x128xf32, #tpu.memory_space<vmem>>, vector<16xf32>,
    %swap3A_1564 = arith.constant 0 : i32
    %swap3A_1565 = arith.constant 18 : i32
    %swap3A_1566 = arith.index_cast %swap3A_1564 : i32 to index
    %swap3A_1567 = arith.index_cast %swap3A_1565 : i32 to index
    %swap3A_1568 = arith.constant 0 : index
    %swap3A_1569 = tpu.vector_load %arg11[%swap3A_1566, %swap3A_1567, %swap3A_1568] {strides = array<i32>} : memref<3x32x128xf32, #tpu.memory_space<vmem>>, vector<16xf32>,
    tpu.vector_store %arg11[%swap3A_1566, %swap3A_1567, %swap3A_1568], %broadcast_in_dim3A_699 {strides = array<i32>} : memref<3x32x128xf32, #tpu.memory_space<vmem>>, vector<16xf32>,
    %swap3A_1570 = arith.constant 0 : i32
    %swap3A_1571 = arith.constant 18 : i32
    %swap3A_1572 = arith.index_cast %swap3A_1570 : i32 to index
    %swap3A_1573 = arith.index_cast %swap3A_1571 : i32 to index
    %swap3A_1574 = arith.constant 16 : index
    %swap3A_1575 = tpu.vector_load %arg11[%swap3A_1572, %swap3A_1573, %swap3A_1574] {strides = array<i32>} : memref<3x32x128xf32, #tpu.memory_space<vmem>>, vector<16xf32>,
    tpu.vector_store %arg11[%swap3A_1572, %swap3A_1573, %swap3A_1574], %broadcast_in_dim3A_699 {strides = array<i32>} : memref<3x32x128xf32, #tpu.memory_space<vmem>>, vector<16xf32>,
    %swap3A_1576 = arith.constant 0 : i32
    %swap3A_1577 = arith.constant 18 : i32
    %swap3A_1578 = arith.index_cast %swap3A_1576 : i32 to index
    %swap3A_1579 = arith.index_cast %swap3A_1577 : i32 to index
    %swap3A_1580 = arith.constant 32 : index
    %swap3A_1581 = tpu.vector_load %arg11[%swap3A_1578, %swap3A_1579, %swap3A_1580] {strides = array<i32>} : memref<3x32x128xf32, #tpu.memory_space<vmem>>, vector<16xf32>,
    tpu.vector_store %arg11[%swap3A_1578, %swap3A_1579, %swap3A_1580], %broadcast_in_dim3A_699 {strides = array<i32>} : memref<3x32x128xf32, #tpu.memory_space<vmem>>, vector<16xf32>,
    %swap3A_1582 = arith.constant 0 : i32
    %swap3A_1583 = arith.constant 18 : i32
    %swap3A_1584 = arith.index_cast %swap3A_1582 : i32 to index
    %swap3A_1585 = arith.index_cast %swap3A_1583 : i32 to index
    %swap3A_1586 = arith.constant 48 : index
    %swap3A_1587 = tpu.vector_load %arg11[%swap3A_1584, %swap3A_1585, %swap3A_1586] {strides = array<i32>} : memref<3x32x128xf32, #tpu.memory_space<vmem>>, vector<16xf32>,
    tpu.vector_store %arg11[%swap3A_1584, %swap3A_1585, %swap3A_1586], %broadcast_in_dim3A_699 {strides = array<i32>} : memref<3x32x128xf32, #tpu.memory_space<vmem>>, vector<16xf32>,
    %swap3A_1588 = arith.constant 0 : i32
    %swap3A_1589 = arith.constant 18 : i32
    %swap3A_1590 = arith.index_cast %swap3A_1588 : i32 to index
    %swap3A_1591 = arith.index_cast %swap3A_1589 : i32 to index
    %swap3A_1592 = arith.constant 64 : index
    %swap3A_1593 = tpu.vector_load %arg11[%swap3A_1590, %swap3A_1591, %swap3A_1592] {strides = array<i32>} : memref<3x32x128xf32, #tpu.memory_space<vmem>>, vector<16xf32>,
    tpu.vector_store %arg11[%swap3A_1590, %swap3A_1591, %swap3A_1592], %broadcast_in_dim3A_699 {strides = array<i32>} : memref<3x32x128xf32, #tpu.memory_space<vmem>>, vector<16xf32>,
    %swap3A_1594 = arith.constant 0 : i32
    %swap3A_1595 = arith.constant 18 : i32
    %swap3A_1596 = arith.index_cast %swap3A_1594 : i32 to index
    %swap3A_1597 = arith.index_cast %swap3A_1595 : i32 to index
    %swap3A_1598 = arith.constant 80 : index
    %swap3A_1599 = tpu.vector_load %arg11[%swap3A_1596, %swap3A_1597, %swap3A_1598] {strides = array<i32>} : memref<3x32x128xf32, #tpu.memory_space<vmem>>, vector<16xf32>,
    tpu.vector_store %arg11[%swap3A_1596, %swap3A_1597, %swap3A_1598], %broadcast_in_dim3A_699 {strides = array<i32>} : memref<3x32x128xf32, #tpu.memory_space<vmem>>, vector<16xf32>,
    %swap3A_1600 = arith.constant 0 : i32
    %swap3A_1601 = arith.constant 18 : i32
    %swap3A_1602 = arith.index_cast %swap3A_1600 : i32 to index
    %swap3A_1603 = arith.index_cast %swap3A_1601 : i32 to index
    %swap3A_1604 = arith.constant 96 : index
    %swap3A_1605 = tpu.vector_load %arg11[%swap3A_1602, %swap3A_1603, %swap3A_1604] {strides = array<i32>} : memref<3x32x128xf32, #tpu.memory_space<vmem>>, vector<16xf32>,
    tpu.vector_store %arg11[%swap3A_1602, %swap3A_1603, %swap3A_1604], %broadcast_in_dim3A_699 {strides = array<i32>} : memref<3x32x128xf32, #tpu.memory_space<vmem>>, vector<16xf32>,
    %swap3A_1606 = arith.constant 0 : i32
    %swap3A_1607 = arith.constant 18 : i32
    %swap3A_1608 = arith.index_cast %swap3A_1606 : i32 to index
    %swap3A_1609 = arith.index_cast %swap3A_1607 : i32 to index
    %swap3A_1610 = arith.constant 112 : index
    %swap3A_1611 = tpu.vector_load %arg11[%swap3A_1608, %swap3A_1609, %swap3A_1610] {strides = array<i32>} : memref<3x32x128xf32, #tpu.memory_space<vmem>>, vector<16xf32>,
    tpu.vector_store %arg11[%swap3A_1608, %swap3A_1609, %swap3A_1610], %broadcast_in_dim3A_699 {strides = array<i32>} : memref<3x32x128xf32, #tpu.memory_space<vmem>>, vector<16xf32>,
    %swap3A_1612 = arith.constant 0 : i32
    %swap3A_1613 = arith.constant 19 : i32
    %swap3A_1614 = arith.index_cast %swap3A_1612 : i32 to index
    %swap3A_1615 = arith.index_cast %swap3A_1613 : i32 to index
    %swap3A_1616 = arith.constant 0 : index
    %swap3A_1617 = tpu.vector_load %arg11[%swap3A_1614, %swap3A_1615, %swap3A_1616] {strides = array<i32>} : memref<3x32x128xf32, #tpu.memory_space<vmem>>, vector<16xf32>,
    tpu.vector_store %arg11[%swap3A_1614, %swap3A_1615, %swap3A_1616], %broadcast_in_dim3A_699 {strides = array<i32>} : memref<3x32x128xf32, #tpu.memory_space<vmem>>, vector<16xf32>,
    %swap3A_1618 = arith.constant 0 : i32
    %swap3A_1619 = arith.constant 19 : i32
    %swap3A_1620 = arith.index_cast %swap3A_1618 : i32 to index
    %swap3A_1621 = arith.index_cast %swap3A_1619 : i32 to index
    %swap3A_1622 = arith.constant 16 : index
    %swap3A_1623 = tpu.vector_load %arg11[%swap3A_1620, %swap3A_1621, %swap3A_1622] {strides = array<i32>} : memref<3x32x128xf32, #tpu.memory_space<vmem>>, vector<16xf32>,
    tpu.vector_store %arg11[%swap3A_1620, %swap3A_1621, %swap3A_1622], %broadcast_in_dim3A_699 {strides = array<i32>} : memref<3x32x128xf32, #tpu.memory_space<vmem>>, vector<16xf32>,
    %swap3A_1624 = arith.constant 0 : i32
    %swap3A_1625 = arith.constant 19 : i32
    %swap3A_1626 = arith.index_cast %swap3A_1624 : i32 to index
    %swap3A_1627 = arith.index_cast %swap3A_1625 : i32 to index
    %swap3A_1628 = arith.constant 32 : index
    %swap3A_1629 = tpu.vector_load %arg11[%swap3A_1626, %swap3A_1627, %swap3A_1628] {strides = array<i32>} : memref<3x32x128xf32, #tpu.memory_space<vmem>>, vector<16xf32>,
    tpu.vector_store %arg11[%swap3A_1626, %swap3A_1627, %swap3A_1628], %broadcast_in_dim3A_699 {strides = array<i32>} : memref<3x32x128xf32, #tpu.memory_space<vmem>>, vector<16xf32>,
    %swap3A_1630 = arith.constant 0 : i32
    %swap3A_1631 = arith.constant 19 : i32
    %swap3A_1632 = arith.index_cast %swap3A_1630 : i32 to index
    %swap3A_1633 = arith.index_cast %swap3A_1631 : i32 to index
    %swap3A_1634 = arith.constant 48 : index
    %swap3A_1635 = tpu.vector_load %arg11[%swap3A_1632, %swap3A_1633, %swap3A_1634] {strides = array<i32>} : memref<3x32x128xf32, #tpu.memory_space<vmem>>, vector<16xf32>,
    tpu.vector_store %arg11[%swap3A_1632, %swap3A_1633, %swap3A_1634], %broadcast_in_dim3A_699 {strides = array<i32>} : memref<3x32x128xf32, #tpu.memory_space<vmem>>, vector<16xf32>,
    %swap3A_1636 = arith.constant 0 : i32
    %swap3A_1637 = arith.constant 19 : i32
    %swap3A_1638 = arith.index_cast %swap3A_1636 : i32 to index
    %swap3A_1639 = arith.index_cast %swap3A_1637 : i32 to index
    %swap3A_1640 = arith.constant 64 : index
    %swap3A_1641 = tpu.vector_load %arg11[%swap3A_1638, %swap3A_1639, %swap3A_1640] {strides = array<i32>} : memref<3x32x128xf32, #tpu.memory_space<vmem>>, vector<16xf32>,
    tpu.vector_store %arg11[%swap3A_1638, %swap3A_1639, %swap3A_1640], %broadcast_in_dim3A_699 {strides = array<i32>} : memref<3x32x128xf32, #tpu.memory_space<vmem>>, vector<16xf32>,
    %swap3A_1642 = arith.constant 0 : i32
    %swap3A_1643 = arith.constant 19 : i32
    %swap3A_1644 = arith.index_cast %swap3A_1642 : i32 to index
    %swap3A_1645 = arith.index_cast %swap3A_1643 : i32 to index
    %swap3A_1646 = arith.constant 80 : index
    %swap3A_1647 = tpu.vector_load %arg11[%swap3A_1644, %swap3A_1645, %swap3A_1646] {strides = array<i32>} : memref<3x32x128xf32, #tpu.memory_space<vmem>>, vector<16xf32>,
    tpu.vector_store %arg11[%swap3A_1644, %swap3A_1645, %swap3A_1646], %broadcast_in_dim3A_699 {strides = array<i32>} : memref<3x32x128xf32, #tpu.memory_space<vmem>>, vector<16xf32>,
    %swap3A_1648 = arith.constant 0 : i32
    %swap3A_1649 = arith.constant 19 : i32
    %swap3A_1650 = arith.index_cast %swap3A_1648 : i32 to index
    %swap3A_1651 = arith.index_cast %swap3A_1649 : i32 to index
    %swap3A_1652 = arith.constant 96 : index
    %swap3A_1653 = tpu.vector_load %arg11[%swap3A_1650, %swap3A_1651, %swap3A_1652] {strides = array<i32>} : memref<3x32x128xf32, #tpu.memory_space<vmem>>, vector<16xf32>,
    tpu.vector_store %arg11[%swap3A_1650, %swap3A_1651, %swap3A_1652], %broadcast_in_dim3A_699 {strides = array<i32>} : memref<3x32x128xf32, #tpu.memory_space<vmem>>, vector<16xf32>,
    %swap3A_1654 = arith.constant 0 : i32
    %swap3A_1655 = arith.constant 19 : i32
    %swap3A_1656 = arith.index_cast %swap3A_1654 : i32 to index
    %swap3A_1657 = arith.index_cast %swap3A_1655 : i32 to index
    %swap3A_1658 = arith.constant 112 : index
    %swap3A_1659 = tpu.vector_load %arg11[%swap3A_1656, %swap3A_1657, %swap3A_1658] {strides = array<i32>} : memref<3x32x128xf32, #tpu.memory_space<vmem>>, vector<16xf32>,
    tpu.vector_store %arg11[%swap3A_1656, %swap3A_1657, %swap3A_1658], %broadcast_in_dim3A_699 {strides = array<i32>} : memref<3x32x128xf32, #tpu.memory_space<vmem>>, vector<16xf32>,
    %swap3A_1660 = arith.constant 0 : i32
    %swap3A_1661 = arith.constant 20 : i32
    %swap3A_1662 = arith.index_cast %swap3A_1660 : i32 to index
    %swap3A_1663 = arith.index_cast %swap3A_1661 : i32 to index
    %swap3A_1664 = arith.constant 0 : index
    %swap3A_1665 = tpu.vector_load %arg11[%swap3A_1662, %swap3A_1663, %swap3A_1664] {strides = array<i32>} : memref<3x32x128xf32, #tpu.memory_space<vmem>>, vector<16xf32>,
    tpu.vector_store %arg11[%swap3A_1662, %swap3A_1663, %swap3A_1664], %broadcast_in_dim3A_699 {strides = array<i32>} : memref<3x32x128xf32, #tpu.memory_space<vmem>>, vector<16xf32>,
    %swap3A_1666 = arith.constant 0 : i32
    %swap3A_1667 = arith.constant 20 : i32
    %swap3A_1668 = arith.index_cast %swap3A_1666 : i32 to index
    %swap3A_1669 = arith.index_cast %swap3A_1667 : i32 to index
    %swap3A_1670 = arith.constant 16 : index
    %swap3A_1671 = tpu.vector_load %arg11[%swap3A_1668, %swap3A_1669, %swap3A_1670] {strides = array<i32>} : memref<3x32x128xf32, #tpu.memory_space<vmem>>, vector<16xf32>,
    tpu.vector_store %arg11[%swap3A_1668, %swap3A_1669, %swap3A_1670], %broadcast_in_dim3A_699 {strides = array<i32>} : memref<3x32x128xf32, #tpu.memory_space<vmem>>, vector<16xf32>,
    %swap3A_1672 = arith.constant 0 : i32
    %swap3A_1673 = arith.constant 20 : i32
    %swap3A_1674 = arith.index_cast %swap3A_1672 : i32 to index
    %swap3A_1675 = arith.index_cast %swap3A_1673 : i32 to index
    %swap3A_1676 = arith.constant 32 : index
    %swap3A_1677 = tpu.vector_load %arg11[%swap3A_1674, %swap3A_1675, %swap3A_1676] {strides = array<i32>} : memref<3x32x128xf32, #tpu.memory_space<vmem>>, vector<16xf32>,
    tpu.vector_store %arg11[%swap3A_1674, %swap3A_1675, %swap3A_1676], %broadcast_in_dim3A_699 {strides = array<i32>} : memref<3x32x128xf32, #tpu.memory_space<vmem>>, vector<16xf32>,
    %swap3A_1678 = arith.constant 0 : i32
    %swap3A_1679 = arith.constant 20 : i32
    %swap3A_1680 = arith.index_cast %swap3A_1678 : i32 to index
    %swap3A_1681 = arith.index_cast %swap3A_1679 : i32 to index
    %swap3A_1682 = arith.constant 48 : index
    %swap3A_1683 = tpu.vector_load %arg11[%swap3A_1680, %swap3A_1681, %swap3A_1682] {strides = array<i32>} : memref<3x32x128xf32, #tpu.memory_space<vmem>>, vector<16xf32>,
    tpu.vector_store %arg11[%swap3A_1680, %swap3A_1681, %swap3A_1682], %broadcast_in_dim3A_699 {strides = array<i32>} : memref<3x32x128xf32, #tpu.memory_space<vmem>>, vector<16xf32>,
    %swap3A_1684 = arith.constant 0 : i32
    %swap3A_1685 = arith.constant 20 : i32
    %swap3A_1686 = arith.index_cast %swap3A_1684 : i32 to index
    %swap3A_1687 = arith.index_cast %swap3A_1685 : i32 to index
    %swap3A_1688 = arith.constant 64 : index
    %swap3A_1689 = tpu.vector_load %arg11[%swap3A_1686, %swap3A_1687, %swap3A_1688] {strides = array<i32>} : memref<3x32x128xf32, #tpu.memory_space<vmem>>, vector<16xf32>,
    tpu.vector_store %arg11[%swap3A_1686, %swap3A_1687, %swap3A_1688], %broadcast_in_dim3A_699 {strides = array<i32>} : memref<3x32x128xf32, #tpu.memory_space<vmem>>, vector<16xf32>,
    %swap3A_1690 = arith.constant 0 : i32
    %swap3A_1691 = arith.constant 20 : i32
    %swap3A_1692 = arith.index_cast %swap3A_1690 : i32 to index
    %swap3A_1693 = arith.index_cast %swap3A_1691 : i32 to index
    %swap3A_1694 = arith.constant 80 : index
    %swap3A_1695 = tpu.vector_load %arg11[%swap3A_1692, %swap3A_1693, %swap3A_1694] {strides = array<i32>} : memref<3x32x128xf32, #tpu.memory_space<vmem>>, vector<16xf32>,
    tpu.vector_store %arg11[%swap3A_1692, %swap3A_1693, %swap3A_1694], %broadcast_in_dim3A_699 {strides = array<i32>} : memref<3x32x128xf32, #tpu.memory_space<vmem>>, vector<16xf32>,
    %swap3A_1696 = arith.constant 0 : i32
    %swap3A_1697 = arith.constant 20 : i32
    %swap3A_1698 = arith.index_cast %swap3A_1696 : i32 to index
    %swap3A_1699 = arith.index_cast %swap3A_1697 : i32 to index
    %swap3A_1700 = arith.constant 96 : index
    %swap3A_1701 = tpu.vector_load %arg11[%swap3A_1698, %swap3A_1699, %swap3A_1700] {strides = array<i32>} : memref<3x32x128xf32, #tpu.memory_space<vmem>>, vector<16xf32>,
    tpu.vector_store %arg11[%swap3A_1698, %swap3A_1699, %swap3A_1700], %broadcast_in_dim3A_699 {strides = array<i32>} : memref<3x32x128xf32, #tpu.memory_space<vmem>>, vector<16xf32>,
    %swap3A_1702 = arith.constant 0 : i32
    %swap3A_1703 = arith.constant 20 : i32
    %swap3A_1704 = arith.index_cast %swap3A_1702 : i32 to index
    %swap3A_1705 = arith.index_cast %swap3A_1703 : i32 to index
    %swap3A_1706 = arith.constant 112 : index
    %swap3A_1707 = tpu.vector_load %arg11[%swap3A_1704, %swap3A_1705, %swap3A_1706] {strides = array<i32>} : memref<3x32x128xf32, #tpu.memory_space<vmem>>, vector<16xf32>,
    tpu.vector_store %arg11[%swap3A_1704, %swap3A_1705, %swap3A_1706], %broadcast_in_dim3A_699 {strides = array<i32>} : memref<3x32x128xf32, #tpu.memory_space<vmem>>, vector<16xf32>,
    %swap3A_1708 = arith.constant 0 : i32
    %swap3A_1709 = arith.constant 21 : i32
    %swap3A_1710 = arith.index_cast %swap3A_1708 : i32 to index
    %swap3A_1711 = arith.index_cast %swap3A_1709 : i32 to index
    %swap3A_1712 = arith.constant 0 : index
    %swap3A_1713 = tpu.vector_load %arg11[%swap3A_1710, %swap3A_1711, %swap3A_1712] {strides = array<i32>} : memref<3x32x128xf32, #tpu.memory_space<vmem>>, vector<16xf32>,
    tpu.vector_store %arg11[%swap3A_1710, %swap3A_1711, %swap3A_1712], %broadcast_in_dim3A_699 {strides = array<i32>} : memref<3x32x128xf32, #tpu.memory_space<vmem>>, vector<16xf32>,
    %swap3A_1714 = arith.constant 0 : i32
    %swap3A_1715 = arith.constant 21 : i32
    %swap3A_1716 = arith.index_cast %swap3A_1714 : i32 to index
    %swap3A_1717 = arith.index_cast %swap3A_1715 : i32 to index
    %swap3A_1718 = arith.constant 16 : index
    %swap3A_1719 = tpu.vector_load %arg11[%swap3A_1716, %swap3A_1717, %swap3A_1718] {strides = array<i32>} : memref<3x32x128xf32, #tpu.memory_space<vmem>>, vector<16xf32>,
    tpu.vector_store %arg11[%swap3A_1716, %swap3A_1717, %swap3A_1718], %broadcast_in_dim3A_699 {strides = array<i32>} : memref<3x32x128xf32, #tpu.memory_space<vmem>>, vector<16xf32>,
    %swap3A_1720 = arith.constant 0 : i32
    %swap3A_1721 = arith.constant 21 : i32
    %swap3A_1722 = arith.index_cast %swap3A_1720 : i32 to index
    %swap3A_1723 = arith.index_cast %swap3A_1721 : i32 to index
    %swap3A_1724 = arith.constant 32 : index
    %swap3A_1725 = tpu.vector_load %arg11[%swap3A_1722, %swap3A_1723, %swap3A_1724] {strides = array<i32>} : memref<3x32x128xf32, #tpu.memory_space<vmem>>, vector<16xf32>,
    tpu.vector_store %arg11[%swap3A_1722, %swap3A_1723, %swap3A_1724], %broadcast_in_dim3A_699 {strides = array<i32>} : memref<3x32x128xf32, #tpu.memory_space<vmem>>, vector<16xf32>,
    %swap3A_1726 = arith.constant 0 : i32
    %swap3A_1727 = arith.constant 21 : i32
    %swap3A_1728 = arith.index_cast %swap3A_1726 : i32 to index
    %swap3A_1729 = arith.index_cast %swap3A_1727 : i32 to index
    %swap3A_1730 = arith.constant 48 : index
    %swap3A_1731 = tpu.vector_load %arg11[%swap3A_1728, %swap3A_1729, %swap3A_1730] {strides = array<i32>} : memref<3x32x128xf32, #tpu.memory_space<vmem>>, vector<16xf32>,
    tpu.vector_store %arg11[%swap3A_1728, %swap3A_1729, %swap3A_1730], %broadcast_in_dim3A_699 {strides = array<i32>} : memref<3x32x128xf32, #tpu.memory_space<vmem>>, vector<16xf32>,
    %swap3A_1732 = arith.constant 0 : i32
    %swap3A_1733 = arith.constant 21 : i32
    %swap3A_1734 = arith.index_cast %swap3A_1732 : i32 to index
    %swap3A_1735 = arith.index_cast %swap3A_1733 : i32 to index
    %swap3A_1736 = arith.constant 64 : index
    %swap3A_1737 = tpu.vector_load %arg11[%swap3A_1734, %swap3A_1735, %swap3A_1736] {strides = array<i32>} : memref<3x32x128xf32, #tpu.memory_space<vmem>>, vector<16xf32>,
    tpu.vector_store %arg11[%swap3A_1734, %swap3A_1735, %swap3A_1736], %broadcast_in_dim3A_699 {strides = array<i32>} : memref<3x32x128xf32, #tpu.memory_space<vmem>>, vector<16xf32>,
    %swap3A_1738 = arith.constant 0 : i32
    %swap3A_1739 = arith.constant 21 : i32
    %swap3A_1740 = arith.index_cast %swap3A_1738 : i32 to index
    %swap3A_1741 = arith.index_cast %swap3A_1739 : i32 to index
    %swap3A_1742 = arith.constant 80 : index
    %swap3A_1743 = tpu.vector_load %arg11[%swap3A_1740, %swap3A_1741, %swap3A_1742] {strides = array<i32>} : memref<3x32x128xf32, #tpu.memory_space<vmem>>, vector<16xf32>,
    tpu.vector_store %arg11[%swap3A_1740, %swap3A_1741, %swap3A_1742], %broadcast_in_dim3A_699 {strides = array<i32>} : memref<3x32x128xf32, #tpu.memory_space<vmem>>, vector<16xf32>,
    %swap3A_1744 = arith.constant 0 : i32
    %swap3A_1745 = arith.constant 21 : i32
    %swap3A_1746 = arith.index_cast %swap3A_1744 : i32 to index
    %swap3A_1747 = arith.index_cast %swap3A_1745 : i32 to index
    %swap3A_1748 = arith.constant 96 : index
    %swap3A_1749 = tpu.vector_load %arg11[%swap3A_1746, %swap3A_1747, %swap3A_1748] {strides = array<i32>} : memref<3x32x128xf32, #tpu.memory_space<vmem>>, vector<16xf32>,
    tpu.vector_store %arg11[%swap3A_1746, %swap3A_1747, %swap3A_1748], %broadcast_in_dim3A_699 {strides = array<i32>} : memref<3x32x128xf32, #tpu.memory_space<vmem>>, vector<16xf32>,
    %swap3A_1750 = arith.constant 0 : i32
    %swap3A_1751 = arith.constant 21 : i32
    %swap3A_1752 = arith.index_cast %swap3A_1750 : i32 to index
    %swap3A_1753 = arith.index_cast %swap3A_1751 : i32 to index
    %swap3A_1754 = arith.constant 112 : index
    %swap3A_1755 = tpu.vector_load %arg11[%swap3A_1752, %swap3A_1753, %swap3A_1754] {strides = array<i32>} : memref<3x32x128xf32, #tpu.memory_space<vmem>>, vector<16xf32>,
    tpu.vector_store %arg11[%swap3A_1752, %swap3A_1753, %swap3A_1754], %broadcast_in_dim3A_699 {strides = array<i32>} : memref<3x32x128xf32, #tpu.memory_space<vmem>>, vector<16xf32>,
    %swap3A_1756 = arith.constant 0 : i32
    %swap3A_1757 = arith.constant 22 : i32
    %swap3A_1758 = arith.index_cast %swap3A_1756 : i32 to index
    %swap3A_1759 = arith.index_cast %swap3A_1757 : i32 to index
    %swap3A_1760 = arith.constant 0 : index
    %swap3A_1761 = tpu.vector_load %arg11[%swap3A_1758, %swap3A_1759, %swap3A_1760] {strides = array<i32>} : memref<3x32x128xf32, #tpu.memory_space<vmem>>, vector<16xf32>,
    tpu.vector_store %arg11[%swap3A_1758, %swap3A_1759, %swap3A_1760], %broadcast_in_dim3A_699 {strides = array<i32>} : memref<3x32x128xf32, #tpu.memory_space<vmem>>, vector<16xf32>,
    %swap3A_1762 = arith.constant 0 : i32
    %swap3A_1763 = arith.constant 22 : i32
    %swap3A_1764 = arith.index_cast %swap3A_1762 : i32 to index
    %swap3A_1765 = arith.index_cast %swap3A_1763 : i32 to index
    %swap3A_1766 = arith.constant 16 : index
    %swap3A_1767 = tpu.vector_load %arg11[%swap3A_1764, %swap3A_1765, %swap3A_1766] {strides = array<i32>} : memref<3x32x128xf32, #tpu.memory_space<vmem>>, vector<16xf32>,
    tpu.vector_store %arg11[%swap3A_1764, %swap3A_1765, %swap3A_1766], %broadcast_in_dim3A_699 {strides = array<i32>} : memref<3x32x128xf32, #tpu.memory_space<vmem>>, vector<16xf32>,
    %swap3A_1768 = arith.constant 0 : i32
    %swap3A_1769 = arith.constant 22 : i32
    %swap3A_1770 = arith.index_cast %swap3A_1768 : i32 to index
    %swap3A_1771 = arith.index_cast %swap3A_1769 : i32 to index
    %swap3A_1772 = arith.constant 32 : index
    %swap3A_1773 = tpu.vector_load %arg11[%swap3A_1770, %swap3A_1771, %swap3A_1772] {strides = array<i32>} : memref<3x32x128xf32, #tpu.memory_space<vmem>>, vector<16xf32>,
    tpu.vector_store %arg11[%swap3A_1770, %swap3A_1771, %swap3A_1772], %broadcast_in_dim3A_699 {strides = array<i32>} : memref<3x32x128xf32, #tpu.memory_space<vmem>>, vector<16xf32>,
    %swap3A_1774 = arith.constant 0 : i32
    %swap3A_1775 = arith.constant 22 : i32
    %swap3A_1776 = arith.index_cast %swap3A_1774 : i32 to index
    %swap3A_1777 = arith.index_cast %swap3A_1775 : i32 to index
    %swap3A_1778 = arith.constant 48 : index
    %swap3A_1779 = tpu.vector_load %arg11[%swap3A_1776, %swap3A_1777, %swap3A_1778] {strides = array<i32>} : memref<3x32x128xf32, #tpu.memory_space<vmem>>, vector<16xf32>,
    tpu.vector_store %arg11[%swap3A_1776, %swap3A_1777, %swap3A_1778], %broadcast_in_dim3A_699 {strides = array<i32>} : memref<3x32x128xf32, #tpu.memory_space<vmem>>, vector<16xf32>,
    %swap3A_1780 = arith.constant 0 : i32
    %swap3A_1781 = arith.constant 22 : i32
    %swap3A_1782 = arith.index_cast %swap3A_1780 : i32 to index
    %swap3A_1783 = arith.index_cast %swap3A_1781 : i32 to index
    %swap3A_1784 = arith.constant 64 : index
    %swap3A_1785 = tpu.vector_load %arg11[%swap3A_1782, %swap3A_1783, %swap3A_1784] {strides = array<i32>} : memref<3x32x128xf32, #tpu.memory_space<vmem>>, vector<16xf32>,
    tpu.vector_store %arg11[%swap3A_1782, %swap3A_1783, %swap3A_1784], %broadcast_in_dim3A_699 {strides = array<i32>} : memref<3x32x128xf32, #tpu.memory_space<vmem>>, vector<16xf32>,
    %swap3A_1786 = arith.constant 0 : i32
    %swap3A_1787 = arith.constant 22 : i32
    %swap3A_1788 = arith.index_cast %swap3A_1786 : i32 to index
    %swap3A_1789 = arith.index_cast %swap3A_1787 : i32 to index
    %swap3A_1790 = arith.constant 80 : index
    %swap3A_1791 = tpu.vector_load %arg11[%swap3A_1788, %swap3A_1789, %swap3A_1790] {strides = array<i32>} : memref<3x32x128xf32, #tpu.memory_space<vmem>>, vector<16xf32>,
    tpu.vector_store %arg11[%swap3A_1788, %swap3A_1789, %swap3A_1790], %broadcast_in_dim3A_699 {strides = array<i32>} : memref<3x32x128xf32, #tpu.memory_space<vmem>>, vector<16xf32>,
    %swap3A_1792 = arith.constant 0 : i32
    %swap3A_1793 = arith.constant 22 : i32
    %swap3A_1794 = arith.index_cast %swap3A_1792 : i32 to index
    %swap3A_1795 = arith.index_cast %swap3A_1793 : i32 to index
    %swap3A_1796 = arith.constant 96 : index
    %swap3A_1797 = tpu.vector_load %arg11[%swap3A_1794, %swap3A_1795, %swap3A_1796] {strides = array<i32>} : memref<3x32x128xf32, #tpu.memory_space<vmem>>, vector<16xf32>,
    tpu.vector_store %arg11[%swap3A_1794, %swap3A_1795, %swap3A_1796], %broadcast_in_dim3A_699 {strides = array<i32>} : memref<3x32x128xf32, #tpu.memory_space<vmem>>, vector<16xf32>,
    %swap3A_1798 = arith.constant 0 : i32
    %swap3A_1799 = arith.constant 22 : i32
    %swap3A_1800 = arith.index_cast %swap3A_1798 : i32 to index
    %swap3A_1801 = arith.index_cast %swap3A_1799 : i32 to index
    %swap3A_1802 = arith.constant 112 : index
    %swap3A_1803 = tpu.vector_load %arg11[%swap3A_1800, %swap3A_1801, %swap3A_1802] {strides = array<i32>} : memref<3x32x128xf32, #tpu.memory_space<vmem>>, vector<16xf32>,
    tpu.vector_store %arg11[%swap3A_1800, %swap3A_1801, %swap3A_1802], %broadcast_in_dim3A_699 {strides = array<i32>} : memref<3x32x128xf32, #tpu.memory_space<vmem>>, vector<16xf32>,
    %swap3A_1804 = arith.constant 0 : i32
    %swap3A_1805 = arith.constant 23 : i32
    %swap3A_1806 = arith.index_cast %swap3A_1804 : i32 to index
    %swap3A_1807 = arith.index_cast %swap3A_1805 : i32 to index
    %swap3A_1808 = arith.constant 0 : index
    %swap3A_1809 = tpu.vector_load %arg11[%swap3A_1806, %swap3A_1807, %swap3A_1808] {strides = array<i32>} : memref<3x32x128xf32, #tpu.memory_space<vmem>>, vector<16xf32>,
    tpu.vector_store %arg11[%swap3A_1806, %swap3A_1807, %swap3A_1808], %broadcast_in_dim3A_699 {strides = array<i32>} : memref<3x32x128xf32, #tpu.memory_space<vmem>>, vector<16xf32>,
    %swap3A_1810 = arith.constant 0 : i32
    %swap3A_1811 = arith.constant 23 : i32
    %swap3A_1812 = arith.index_cast %swap3A_1810 : i32 to index
    %swap3A_1813 = arith.index_cast %swap3A_1811 : i32 to index
    %swap3A_1814 = arith.constant 16 : index
    %swap3A_1815 = tpu.vector_load %arg11[%swap3A_1812, %swap3A_1813, %swap3A_1814] {strides = array<i32>} : memref<3x32x128xf32, #tpu.memory_space<vmem>>, vector<16xf32>,
    tpu.vector_store %arg11[%swap3A_1812, %swap3A_1813, %swap3A_1814], %broadcast_in_dim3A_699 {strides = array<i32>} : memref<3x32x128xf32, #tpu.memory_space<vmem>>, vector<16xf32>,
    %swap3A_1816 = arith.constant 0 : i32
    %swap3A_1817 = arith.constant 23 : i32
    %swap3A_1818 = arith.index_cast %swap3A_1816 : i32 to index
    %swap3A_1819 = arith.index_cast %swap3A_1817 : i32 to index
    %swap3A_1820 = arith.constant 32 : index
    %swap3A_1821 = tpu.vector_load %arg11[%swap3A_1818, %swap3A_1819, %swap3A_1820] {strides = array<i32>} : memref<3x32x128xf32, #tpu.memory_space<vmem>>, vector<16xf32>,
    tpu.vector_store %arg11[%swap3A_1818, %swap3A_1819, %swap3A_1820], %broadcast_in_dim3A_699 {strides = array<i32>} : memref<3x32x128xf32, #tpu.memory_space<vmem>>, vector<16xf32>,
    %swap3A_1822 = arith.constant 0 : i32
    %swap3A_1823 = arith.constant 23 : i32
    %swap3A_1824 = arith.index_cast %swap3A_1822 : i32 to index
    %swap3A_1825 = arith.index_cast %swap3A_1823 : i32 to index
    %swap3A_1826 = arith.constant 48 : index
    %swap3A_1827 = tpu.vector_load %arg11[%swap3A_1824, %swap3A_1825, %swap3A_1826] {strides = array<i32>} : memref<3x32x128xf32, #tpu.memory_space<vmem>>, vector<16xf32>,
    tpu.vector_store %arg11[%swap3A_1824, %swap3A_1825, %swap3A_1826], %broadcast_in_dim3A_699 {strides = array<i32>} : memref<3x32x128xf32, #tpu.memory_space<vmem>>, vector<16xf32>,
    %swap3A_1828 = arith.constant 0 : i32
    %swap3A_1829 = arith.constant 23 : i32
    %swap3A_1830 = arith.index_cast %swap3A_1828 : i32 to index
    %swap3A_1831 = arith.index_cast %swap3A_1829 : i32 to index
    %swap3A_1832 = arith.constant 64 : index
    %swap3A_1833 = tpu.vector_load %arg11[%swap3A_1830, %swap3A_1831, %swap3A_1832] {strides = array<i32>} : memref<3x32x128xf32, #tpu.memory_space<vmem>>, vector<16xf32>,
    tpu.vector_store %arg11[%swap3A_1830, %swap3A_1831, %swap3A_1832], %broadcast_in_dim3A_699 {strides = array<i32>} : memref<3x32x128xf32, #tpu.memory_space<vmem>>, vector<16xf32>,
    %swap3A_1834 = arith.constant 0 : i32
    %swap3A_1835 = arith.constant 23 : i32
    %swap3A_1836 = arith.index_cast %swap3A_1834 : i32 to index
    %swap3A_1837 = arith.index_cast %swap3A_1835 : i32 to index
    %swap3A_1838 = arith.constant 80 : index
    %swap3A_1839 = tpu.vector_load %arg11[%swap3A_1836, %swap3A_1837, %swap3A_1838] {strides = array<i32>} : memref<3x32x128xf32, #tpu.memory_space<vmem>>, vector<16xf32>,
    tpu.vector_store %arg11[%swap3A_1836, %swap3A_1837, %swap3A_1838], %broadcast_in_dim3A_699 {strides = array<i32>} : memref<3x32x128xf32, #tpu.memory_space<vmem>>, vector<16xf32>,
    %swap3A_1840 = arith.constant 0 : i32
    %swap3A_1841 = arith.constant 23 : i32
    %swap3A_1842 = arith.index_cast %swap3A_1840 : i32 to index
    %swap3A_1843 = arith.index_cast %swap3A_1841 : i32 to index
    %swap3A_1844 = arith.constant 96 : index
    %swap3A_1845 = tpu.vector_load %arg11[%swap3A_1842, %swap3A_1843, %swap3A_1844] {strides = array<i32>} : memref<3x32x128xf32, #tpu.memory_space<vmem>>, vector<16xf32>,
    tpu.vector_store %arg11[%swap3A_1842, %swap3A_1843, %swap3A_1844], %broadcast_in_dim3A_699 {strides = array<i32>} : memref<3x32x128xf32, #tpu.memory_space<vmem>>, vector<16xf32>,
    %swap3A_1846 = arith.constant 0 : i32
    %swap3A_1847 = arith.constant 23 : i32
    %swap3A_1848 = arith.index_cast %swap3A_1846 : i32 to index
    %swap3A_1849 = arith.index_cast %swap3A_1847 : i32 to index
    %swap3A_1850 = arith.constant 112 : index
    %swap3A_1851 = tpu.vector_load %arg11[%swap3A_1848, %swap3A_1849, %swap3A_1850] {strides = array<i32>} : memref<3x32x128xf32, #tpu.memory_space<vmem>>, vector<16xf32>,
    tpu.vector_store %arg11[%swap3A_1848, %swap3A_1849, %swap3A_1850], %broadcast_in_dim3A_699 {strides = array<i32>} : memref<3x32x128xf32, #tpu.memory_space<vmem>>, vector<16xf32>,
    %swap3A_1852 = arith.constant 0 : i32
    %swap3A_1853 = arith.constant 24 : i32
    %swap3A_1854 = arith.index_cast %swap3A_1852 : i32 to index
    %swap3A_1855 = arith.index_cast %swap3A_1853 : i32 to index
    %swap3A_1856 = arith.constant 0 : index
    %swap3A_1857 = tpu.vector_load %arg11[%swap3A_1854, %swap3A_1855, %swap3A_1856] {strides = array<i32>} : memref<3x32x128xf32, #tpu.memory_space<vmem>>, vector<16xf32>,
    tpu.vector_store %arg11[%swap3A_1854, %swap3A_1855, %swap3A_1856], %broadcast_in_dim3A_699 {strides = array<i32>} : memref<3x32x128xf32, #tpu.memory_space<vmem>>, vector<16xf32>,
    %swap3A_1858 = arith.constant 0 : i32
    %swap3A_1859 = arith.constant 24 : i32
    %swap3A_1860 = arith.index_cast %swap3A_1858 : i32 to index
    %swap3A_1861 = arith.index_cast %swap3A_1859 : i32 to index
    %swap3A_1862 = arith.constant 16 : index
    %swap3A_1863 = tpu.vector_load %arg11[%swap3A_1860, %swap3A_1861, %swap3A_1862] {strides = array<i32>} : memref<3x32x128xf32, #tpu.memory_space<vmem>>, vector<16xf32>,
    tpu.vector_store %arg11[%swap3A_1860, %swap3A_1861, %swap3A_1862], %broadcast_in_dim3A_699 {strides = array<i32>} : memref<3x32x128xf32, #tpu.memory_space<vmem>>, vector<16xf32>,
    %swap3A_1864 = arith.constant 0 : i32
    %swap3A_1865 = arith.constant 24 : i32
    %swap3A_1866 = arith.index_cast %swap3A_1864 : i32 to index
    %swap3A_1867 = arith.index_cast %swap3A_1865 : i32 to index
    %swap3A_1868 = arith.constant 32 : index
    %swap3A_1869 = tpu.vector_load %arg11[%swap3A_1866, %swap3A_1867, %swap3A_1868] {strides = array<i32>} : memref<3x32x128xf32, #tpu.memory_space<vmem>>, vector<16xf32>,
    tpu.vector_store %arg11[%swap3A_1866, %swap3A_1867, %swap3A_1868], %broadcast_in_dim3A_699 {strides = array<i32>} : memref<3x32x128xf32, #tpu.memory_space<vmem>>, vector<16xf32>,
    %swap3A_1870 = arith.constant 0 : i32
    %swap3A_1871 = arith.constant 24 : i32
    %swap3A_1872 = arith.index_cast %swap3A_1870 : i32 to index
    %swap3A_1873 = arith.index_cast %swap3A_1871 : i32 to index
    %swap3A_1874 = arith.constant 48 : index
    %swap3A_1875 = tpu.vector_load %arg11[%swap3A_1872, %swap3A_1873, %swap3A_1874] {strides = array<i32>} : memref<3x32x128xf32, #tpu.memory_space<vmem>>, vector<16xf32>,
    tpu.vector_store %arg11[%swap3A_1872, %swap3A_1873, %swap3A_1874], %broadcast_in_dim3A_699 {strides = array<i32>} : memref<3x32x128xf32, #tpu.memory_space<vmem>>, vector<16xf32>,
    %swap3A_1876 = arith.constant 0 : i32
    %swap3A_1877 = arith.constant 24 : i32
    %swap3A_1878 = arith.index_cast %swap3A_1876 : i32 to index
    %swap3A_1879 = arith.index_cast %swap3A_1877 : i32 to index
    %swap3A_1880 = arith.constant 64 : index
    %swap3A_1881 = tpu.vector_load %arg11[%swap3A_1878, %swap3A_1879, %swap3A_1880] {strides = array<i32>} : memref<3x32x128xf32, #tpu.memory_space<vmem>>, vector<16xf32>,
    tpu.vector_store %arg11[%swap3A_1878, %swap3A_1879, %swap3A_1880], %broadcast_in_dim3A_699 {strides = array<i32>} : memref<3x32x128xf32, #tpu.memory_space<vmem>>, vector<16xf32>,
    %swap3A_1882 = arith.constant 0 : i32
    %swap3A_1883 = arith.constant 24 : i32
    %swap3A_1884 = arith.index_cast %swap3A_1882 : i32 to index
    %swap3A_1885 = arith.index_cast %swap3A_1883 : i32 to index
    %swap3A_1886 = arith.constant 80 : index
    %swap3A_1887 = tpu.vector_load %arg11[%swap3A_1884, %swap3A_1885, %swap3A_1886] {strides = array<i32>} : memref<3x32x128xf32, #tpu.memory_space<vmem>>, vector<16xf32>,
    tpu.vector_store %arg11[%swap3A_1884, %swap3A_1885, %swap3A_1886], %broadcast_in_dim3A_699 {strides = array<i32>} : memref<3x32x128xf32, #tpu.memory_space<vmem>>, vector<16xf32>,
    %swap3A_1888 = arith.constant 0 : i32
    %swap3A_1889 = arith.constant 24 : i32
    %swap3A_1890 = arith.index_cast %swap3A_1888 : i32 to index
    %swap3A_1891 = arith.index_cast %swap3A_1889 : i32 to index
    %swap3A_1892 = arith.constant 96 : index
    %swap3A_1893 = tpu.vector_load %arg11[%swap3A_1890, %swap3A_1891, %swap3A_1892] {strides = array<i32>} : memref<3x32x128xf32, #tpu.memory_space<vmem>>, vector<16xf32>,
    tpu.vector_store %arg11[%swap3A_1890, %swap3A_1891, %swap3A_1892], %broadcast_in_dim3A_699 {strides = array<i32>} : memref<3x32x128xf32, #tpu.memory_space<vmem>>, vector<16xf32>,
    %swap3A_1894 = arith.constant 0 : i32
    %swap3A_1895 = arith.constant 24 : i32
    %swap3A_1896 = arith.index_cast %swap3A_1894 : i32 to index
    %swap3A_1897 = arith.index_cast %swap3A_1895 : i32 to index
    %swap3A_1898 = arith.constant 112 : index
    %swap3A_1899 = tpu.vector_load %arg11[%swap3A_1896, %swap3A_1897, %swap3A_1898] {strides = array<i32>} : memref<3x32x128xf32, #tpu.memory_space<vmem>>, vector<16xf32>,
    tpu.vector_store %arg11[%swap3A_1896, %swap3A_1897, %swap3A_1898], %broadcast_in_dim3A_699 {strides = array<i32>} : memref<3x32x128xf32, #tpu.memory_space<vmem>>, vector<16xf32>,
    %swap3A_1900 = arith.constant 0 : i32
    %swap3A_1901 = arith.constant 25 : i32
    %swap3A_1902 = arith.index_cast %swap3A_1900 : i32 to index
    %swap3A_1903 = arith.index_cast %swap3A_1901 : i32 to index
    %swap3A_1904 = arith.constant 0 : index
    %swap3A_1905 = tpu.vector_load %arg11[%swap3A_1902, %swap3A_1903, %swap3A_1904] {strides = array<i32>} : memref<3x32x128xf32, #tpu.memory_space<vmem>>, vector<16xf32>,
    tpu.vector_store %arg11[%swap3A_1902, %swap3A_1903, %swap3A_1904], %broadcast_in_dim3A_699 {strides = array<i32>} : memref<3x32x128xf32, #tpu.memory_space<vmem>>, vector<16xf32>,
    %swap3A_1906 = arith.constant 0 : i32
    %swap3A_1907 = arith.constant 25 : i32
    %swap3A_1908 = arith.index_cast %swap3A_1906 : i32 to index
    %swap3A_1909 = arith.index_cast %swap3A_1907 : i32 to index
    %swap3A_1910 = arith.constant 16 : index
    %swap3A_1911 = tpu.vector_load %arg11[%swap3A_1908, %swap3A_1909, %swap3A_1910] {strides = array<i32>} : memref<3x32x128xf32, #tpu.memory_space<vmem>>, vector<16xf32>,
    tpu.vector_store %arg11[%swap3A_1908, %swap3A_1909, %swap3A_1910], %broadcast_in_dim3A_699 {strides = array<i32>} : memref<3x32x128xf32, #tpu.memory_space<vmem>>, vector<16xf32>,
    %swap3A_1912 = arith.constant 0 : i32
    %swap3A_1913 = arith.constant 25 : i32
    %swap3A_1914 = arith.index_cast %swap3A_1912 : i32 to index
    %swap3A_1915 = arith.index_cast %swap3A_1913 : i32 to index
    %swap3A_1916 = arith.constant 32 : index
    %swap3A_1917 = tpu.vector_load %arg11[%swap3A_1914, %swap3A_1915, %swap3A_1916] {strides = array<i32>} : memref<3x32x128xf32, #tpu.memory_space<vmem>>, vector<16xf32>,
    tpu.vector_store %arg11[%swap3A_1914, %swap3A_1915, %swap3A_1916], %broadcast_in_dim3A_699 {strides = array<i32>} : memref<3x32x128xf32, #tpu.memory_space<vmem>>, vector<16xf32>,
    %swap3A_1918 = arith.constant 0 : i32
    %swap3A_1919 = arith.constant 25 : i32
    %swap3A_1920 = arith.index_cast %swap3A_1918 : i32 to index
    %swap3A_1921 = arith.index_cast %swap3A_1919 : i32 to index
    %swap3A_1922 = arith.constant 48 : index
    %swap3A_1923 = tpu.vector_load %arg11[%swap3A_1920, %swap3A_1921, %swap3A_1922] {strides = array<i32>} : memref<3x32x128xf32, #tpu.memory_space<vmem>>, vector<16xf32>,
    tpu.vector_store %arg11[%swap3A_1920, %swap3A_1921, %swap3A_1922], %broadcast_in_dim3A_699 {strides = array<i32>} : memref<3x32x128xf32, #tpu.memory_space<vmem>>, vector<16xf32>,
    %swap3A_1924 = arith.constant 0 : i32
    %swap3A_1925 = arith.constant 25 : i32
    %swap3A_1926 = arith.index_cast %swap3A_1924 : i32 to index
    %swap3A_1927 = arith.index_cast %swap3A_1925 : i32 to index
    %swap3A_1928 = arith.constant 64 : index
    %swap3A_1929 = tpu.vector_load %arg11[%swap3A_1926, %swap3A_1927, %swap3A_1928] {strides = array<i32>} : memref<3x32x128xf32, #tpu.memory_space<vmem>>, vector<16xf32>,
    tpu.vector_store %arg11[%swap3A_1926, %swap3A_1927, %swap3A_1928], %broadcast_in_dim3A_699 {strides = array<i32>} : memref<3x32x128xf32, #tpu.memory_space<vmem>>, vector<16xf32>,
    %swap3A_1930 = arith.constant 0 : i32
    %swap3A_1931 = arith.constant 25 : i32
    %swap3A_1932 = arith.index_cast %swap3A_1930 : i32 to index
    %swap3A_1933 = arith.index_cast %swap3A_1931 : i32 to index
    %swap3A_1934 = arith.constant 80 : index
    %swap3A_1935 = tpu.vector_load %arg11[%swap3A_1932, %swap3A_1933, %swap3A_1934] {strides = array<i32>} : memref<3x32x128xf32, #tpu.memory_space<vmem>>, vector<16xf32>,
    tpu.vector_store %arg11[%swap3A_1932, %swap3A_1933, %swap3A_1934], %broadcast_in_dim3A_699 {strides = array<i32>} : memref<3x32x128xf32, #tpu.memory_space<vmem>>, vector<16xf32>,
    %swap3A_1936 = arith.constant 0 : i32
    %swap3A_1937 = arith.constant 25 : i32
    %swap3A_1938 = arith.index_cast %swap3A_1936 : i32 to index
    %swap3A_1939 = arith.index_cast %swap3A_1937 : i32 to index
    %swap3A_1940 = arith.constant 96 : index
    %swap3A_1941 = tpu.vector_load %arg11[%swap3A_1938, %swap3A_1939, %swap3A_1940] {strides = array<i32>} : memref<3x32x128xf32, #tpu.memory_space<vmem>>, vector<16xf32>,
    tpu.vector_store %arg11[%swap3A_1938, %swap3A_1939, %swap3A_1940], %broadcast_in_dim3A_699 {strides = array<i32>} : memref<3x32x128xf32, #tpu.memory_space<vmem>>, vector<16xf32>,
    %swap3A_1942 = arith.constant 0 : i32
    %swap3A_1943 = arith.constant 25 : i32
    %swap3A_1944 = arith.index_cast %swap3A_1942 : i32 to index
    %swap3A_1945 = arith.index_cast %swap3A_1943 : i32 to index
    %swap3A_1946 = arith.constant 112 : index
    %swap3A_1947 = tpu.vector_load %arg11[%swap3A_1944, %swap3A_1945, %swap3A_1946] {strides = array<i32>} : memref<3x32x128xf32, #tpu.memory_space<vmem>>, vector<16xf32>,
    tpu.vector_store %arg11[%swap3A_1944, %swap3A_1945, %swap3A_1946], %broadcast_in_dim3A_699 {strides = array<i32>} : memref<3x32x128xf32, #tpu.memory_space<vmem>>, vector<16xf32>,
    %swap3A_1948 = arith.constant 0 : i32
    %swap3A_1949 = arith.constant 26 : i32
    %swap3A_1950 = arith.index_cast %swap3A_1948 : i32 to index
    %swap3A_1951 = arith.index_cast %swap3A_1949 : i32 to index
    %swap3A_1952 = arith.constant 0 : index
    %swap3A_1953 = tpu.vector_load %arg11[%swap3A_1950, %swap3A_1951, %swap3A_1952] {strides = array<i32>} : memref<3x32x128xf32, #tpu.memory_space<vmem>>, vector<16xf32>,
    tpu.vector_store %arg11[%swap3A_1950, %swap3A_1951, %swap3A_1952], %broadcast_in_dim3A_699 {strides = array<i32>} : memref<3x32x128xf32, #tpu.memory_space<vmem>>, vector<16xf32>,
    %swap3A_1954 = arith.constant 0 : i32
    %swap3A_1955 = arith.constant 26 : i32
    %swap3A_1956 = arith.index_cast %swap3A_1954 : i32 to index
    %swap3A_1957 = arith.index_cast %swap3A_1955 : i32 to index
    %swap3A_1958 = arith.constant 16 : index
    %swap3A_1959 = tpu.vector_load %arg11[%swap3A_1956, %swap3A_1957, %swap3A_1958] {strides = array<i32>} : memref<3x32x128xf32, #tpu.memory_space<vmem>>, vector<16xf32>,
    tpu.vector_store %arg11[%swap3A_1956, %swap3A_1957, %swap3A_1958], %broadcast_in_dim3A_699 {strides = array<i32>} : memref<3x32x128xf32, #tpu.memory_space<vmem>>, vector<16xf32>,
    %swap3A_1960 = arith.constant 0 : i32
    %swap3A_1961 = arith.constant 26 : i32
    %swap3A_1962 = arith.index_cast %swap3A_1960 : i32 to index
    %swap3A_1963 = arith.index_cast %swap3A_1961 : i32 to index
    %swap3A_1964 = arith.constant 32 : index
    %swap3A_1965 = tpu.vector_load %arg11[%swap3A_1962, %swap3A_1963, %swap3A_1964] {strides = array<i32>} : memref<3x32x128xf32, #tpu.memory_space<vmem>>, vector<16xf32>,
    tpu.vector_store %arg11[%swap3A_1962, %swap3A_1963, %swap3A_1964], %broadcast_in_dim3A_699 {strides = array<i32>} : memref<3x32x128xf32, #tpu.memory_space<vmem>>, vector<16xf32>,
    %swap3A_1966 = arith.constant 0 : i32
    %swap3A_1967 = arith.constant 26 : i32
    %swap3A_1968 = arith.index_cast %swap3A_1966 : i32 to index
    %swap3A_1969 = arith.index_cast %swap3A_1967 : i32 to index
    %swap3A_1970 = arith.constant 48 : index
    %swap3A_1971 = tpu.vector_load %arg11[%swap3A_1968, %swap3A_1969, %swap3A_1970] {strides = array<i32>} : memref<3x32x128xf32, #tpu.memory_space<vmem>>, vector<16xf32>,
    tpu.vector_store %arg11[%swap3A_1968, %swap3A_1969, %swap3A_1970], %broadcast_in_dim3A_699 {strides = array<i32>} : memref<3x32x128xf32, #tpu.memory_space<vmem>>, vector<16xf32>,
    %swap3A_1972 = arith.constant 0 : i32
    %swap3A_1973 = arith.constant 26 : i32
    %swap3A_1974 = arith.index_cast %swap3A_1972 : i32 to index
    %swap3A_1975 = arith.index_cast %swap3A_1973 : i32 to index
    %swap3A_1976 = arith.constant 64 : index
    %swap3A_1977 = tpu.vector_load %arg11[%swap3A_1974, %swap3A_1975, %swap3A_1976] {strides = array<i32>} : memref<3x32x128xf32, #tpu.memory_space<vmem>>, vector<16xf32>,
    tpu.vector_store %arg11[%swap3A_1974, %swap3A_1975, %swap3A_1976], %broadcast_in_dim3A_699 {strides = array<i32>} : memref<3x32x128xf32, #tpu.memory_space<vmem>>, vector<16xf32>,
    %swap3A_1978 = arith.constant 0 : i32
    %swap3A_1979 = arith.constant 26 : i32
    %swap3A_1980 = arith.index_cast %swap3A_1978 : i32 to index
    %swap3A_1981 = arith.index_cast %swap3A_1979 : i32 to index
    %swap3A_1982 = arith.constant 80 : index
    %swap3A_1983 = tpu.vector_load %arg11[%swap3A_1980, %swap3A_1981, %swap3A_1982] {strides = array<i32>} : memref<3x32x128xf32, #tpu.memory_space<vmem>>, vector<16xf32>,
    tpu.vector_store %arg11[%swap3A_1980, %swap3A_1981, %swap3A_1982], %broadcast_in_dim3A_699 {strides = array<i32>} : memref<3x32x128xf32, #tpu.memory_space<vmem>>, vector<16xf32>,
    %swap3A_1984 = arith.constant 0 : i32
    %swap3A_1985 = arith.constant 26 : i32
    %swap3A_1986 = arith.index_cast %swap3A_1984 : i32 to index
    %swap3A_1987 = arith.index_cast %swap3A_1985 : i32 to index
    %swap3A_1988 = arith.constant 96 : index
    %swap3A_1989 = tpu.vector_load %arg11[%swap3A_1986, %swap3A_1987, %swap3A_1988] {strides = array<i32>} : memref<3x32x128xf32, #tpu.memory_space<vmem>>, vector<16xf32>,
    tpu.vector_store %arg11[%swap3A_1986, %swap3A_1987, %swap3A_1988], %broadcast_in_dim3A_699 {strides = array<i32>} : memref<3x32x128xf32, #tpu.memory_space<vmem>>, vector<16xf32>,
    %swap3A_1990 = arith.constant 0 : i32
    %swap3A_1991 = arith.constant 26 : i32
    %swap3A_1992 = arith.index_cast %swap3A_1990 : i32 to index
    %swap3A_1993 = arith.index_cast %swap3A_1991 : i32 to index
    %swap3A_1994 = arith.constant 112 : index
    %swap3A_1995 = tpu.vector_load %arg11[%swap3A_1992, %swap3A_1993, %swap3A_1994] {strides = array<i32>} : memref<3x32x128xf32, #tpu.memory_space<vmem>>, vector<16xf32>,
    tpu.vector_store %arg11[%swap3A_1992, %swap3A_1993, %swap3A_1994], %broadcast_in_dim3A_699 {strides = array<i32>} : memref<3x32x128xf32, #tpu.memory_space<vmem>>, vector<16xf32>,
    %swap3A_1996 = arith.constant 0 : i32
    %swap3A_1997 = arith.constant 27 : i32
    %swap3A_1998 = arith.index_cast %swap3A_1996 : i32 to index
    %swap3A_1999 = arith.index_cast %swap3A_1997 : i32 to index
    %swap3A_2000 = arith.constant 0 : index
    %swap3A_2001 = tpu.vector_load %arg11[%swap3A_1998, %swap3A_1999, %swap3A_2000] {strides = array<i32>} : memref<3x32x128xf32, #tpu.memory_space<vmem>>, vector<16xf32>,
    tpu.vector_store %arg11[%swap3A_1998, %swap3A_1999, %swap3A_2000], %broadcast_in_dim3A_699 {strides = array<i32>} : memref<3x32x128xf32, #tpu.memory_space<vmem>>, vector<16xf32>,
    %swap3A_2002 = arith.constant 0 : i32
    %swap3A_2003 = arith.constant 27 : i32
    %swap3A_2004 = arith.index_cast %swap3A_2002 : i32 to index
    %swap3A_2005 = arith.index_cast %swap3A_2003 : i32 to index
    %swap3A_2006 = arith.constant 16 : index
    %swap3A_2007 = tpu.vector_load %arg11[%swap3A_2004, %swap3A_2005, %swap3A_2006] {strides = array<i32>} : memref<3x32x128xf32, #tpu.memory_space<vmem>>, vector<16xf32>,
    tpu.vector_store %arg11[%swap3A_2004, %swap3A_2005, %swap3A_2006], %broadcast_in_dim3A_699 {strides = array<i32>} : memref<3x32x128xf32, #tpu.memory_space<vmem>>, vector<16xf32>,
    %swap3A_2008 = arith.constant 0 : i32
    %swap3A_2009 = arith.constant 27 : i32
    %swap3A_2010 = arith.index_cast %swap3A_2008 : i32 to index
    %swap3A_2011 = arith.index_cast %swap3A_2009 : i32 to index
    %swap3A_2012 = arith.constant 32 : index
    %swap3A_2013 = tpu.vector_load %arg11[%swap3A_2010, %swap3A_2011, %swap3A_2012] {strides = array<i32>} : memref<3x32x128xf32, #tpu.memory_space<vmem>>, vector<16xf32>,
    tpu.vector_store %arg11[%swap3A_2010, %swap3A_2011, %swap3A_2012], %broadcast_in_dim3A_699 {strides = array<i32>} : memref<3x32x128xf32, #tpu.memory_space<vmem>>, vector<16xf32>,
    %swap3A_2014 = arith.constant 0 : i32
    %swap3A_2015 = arith.constant 27 : i32
    %swap3A_2016 = arith.index_cast %swap3A_2014 : i32 to index
    %swap3A_2017 = arith.index_cast %swap3A_2015 : i32 to index
    %swap3A_2018 = arith.constant 48 : index
    %swap3A_2019 = tpu.vector_load %arg11[%swap3A_2016, %swap3A_2017, %swap3A_2018] {strides = array<i32>} : memref<3x32x128xf32, #tpu.memory_space<vmem>>, vector<16xf32>,
    tpu.vector_store %arg11[%swap3A_2016, %swap3A_2017, %swap3A_2018], %broadcast_in_dim3A_699 {strides = array<i32>} : memref<3x32x128xf32, #tpu.memory_space<vmem>>, vector<16xf32>,
    %swap3A_2020 = arith.constant 0 : i32
    %swap3A_2021 = arith.constant 27 : i32
    %swap3A_2022 = arith.index_cast %swap3A_2020 : i32 to index
    %swap3A_2023 = arith.index_cast %swap3A_2021 : i32 to index
    %swap3A_2024 = arith.constant 64 : index
    %swap3A_2025 = tpu.vector_load %arg11[%swap3A_2022, %swap3A_2023, %swap3A_2024] {strides = array<i32>} : memref<3x32x128xf32, #tpu.memory_space<vmem>>, vector<16xf32>,
    tpu.vector_store %arg11[%swap3A_2022, %swap3A_2023, %swap3A_2024], %broadcast_in_dim3A_699 {strides = array<i32>} : memref<3x32x128xf32, #tpu.memory_space<vmem>>, vector<16xf32>,
    %swap3A_2026 = arith.constant 0 : i32
    %swap3A_2027 = arith.constant 27 : i32
    %swap3A_2028 = arith.index_cast %swap3A_2026 : i32 to index
    %swap3A_2029 = arith.index_cast %swap3A_2027 : i32 to index
    %swap3A_2030 = arith.constant 80 : index
    %swap3A_2031 = tpu.vector_load %arg11[%swap3A_2028, %swap3A_2029, %swap3A_2030] {strides = array<i32>} : memref<3x32x128xf32, #tpu.memory_space<vmem>>, vector<16xf32>,
    tpu.vector_store %arg11[%swap3A_2028, %swap3A_2029, %swap3A_2030], %broadcast_in_dim3A_699 {strides = array<i32>} : memref<3x32x128xf32, #tpu.memory_space<vmem>>, vector<16xf32>,
    %swap3A_2032 = arith.constant 0 : i32
    %swap3A_2033 = arith.constant 27 : i32
    %swap3A_2034 = arith.index_cast %swap3A_2032 : i32 to index
    %swap3A_2035 = arith.index_cast %swap3A_2033 : i32 to index
    %swap3A_2036 = arith.constant 96 : index
    %swap3A_2037 = tpu.vector_load %arg11[%swap3A_2034, %swap3A_2035, %swap3A_2036] {strides = array<i32>} : memref<3x32x128xf32, #tpu.memory_space<vmem>>, vector<16xf32>,
    tpu.vector_store %arg11[%swap3A_2034, %swap3A_2035, %swap3A_2036], %broadcast_in_dim3A_699 {strides = array<i32>} : memref<3x32x128xf32, #tpu.memory_space<vmem>>, vector<16xf32>,
    %swap3A_2038 = arith.constant 0 : i32
    %swap3A_2039 = arith.constant 27 : i32
    %swap3A_2040 = arith.index_cast %swap3A_2038 : i32 to index
    %swap3A_2041 = arith.index_cast %swap3A_2039 : i32 to index
    %swap3A_2042 = arith.constant 112 : index
    %swap3A_2043 = tpu.vector_load %arg11[%swap3A_2040, %swap3A_2041, %swap3A_2042] {strides = array<i32>} : memref<3x32x128xf32, #tpu.memory_space<vmem>>, vector<16xf32>,
    tpu.vector_store %arg11[%swap3A_2040, %swap3A_2041, %swap3A_2042], %broadcast_in_dim3A_699 {strides = array<i32>} : memref<3x32x128xf32, #tpu.memory_space<vmem>>, vector<16xf32>,
    %swap3A_2044 = arith.constant 0 : i32
    %swap3A_2045 = arith.constant 28 : i32
    %swap3A_2046 = arith.index_cast %swap3A_2044 : i32 to index
    %swap3A_2047 = arith.index_cast %swap3A_2045 : i32 to index
    %swap3A_2048 = arith.constant 0 : index
    %swap3A_2049 = tpu.vector_load %arg11[%swap3A_2046, %swap3A_2047, %swap3A_2048] {strides = array<i32>} : memref<3x32x128xf32, #tpu.memory_space<vmem>>, vector<16xf32>,
    tpu.vector_store %arg11[%swap3A_2046, %swap3A_2047, %swap3A_2048], %broadcast_in_dim3A_699 {strides = array<i32>} : memref<3x32x128xf32, #tpu.memory_space<vmem>>, vector<16xf32>,
    %swap3A_2050 = arith.constant 0 : i32
    %swap3A_2051 = arith.constant 28 : i32
    %swap3A_2052 = arith.index_cast %swap3A_2050 : i32 to index
    %swap3A_2053 = arith.index_cast %swap3A_2051 : i32 to index
    %swap3A_2054 = arith.constant 16 : index
    %swap3A_2055 = tpu.vector_load %arg11[%swap3A_2052, %swap3A_2053, %swap3A_2054] {strides = array<i32>} : memref<3x32x128xf32, #tpu.memory_space<vmem>>, vector<16xf32>,
    tpu.vector_store %arg11[%swap3A_2052, %swap3A_2053, %swap3A_2054], %broadcast_in_dim3A_699 {strides = array<i32>} : memref<3x32x128xf32, #tpu.memory_space<vmem>>, vector<16xf32>,
    %swap3A_2056 = arith.constant 0 : i32
    %swap3A_2057 = arith.constant 28 : i32
    %swap3A_2058 = arith.index_cast %swap3A_2056 : i32 to index
    %swap3A_2059 = arith.index_cast %swap3A_2057 : i32 to index
    %swap3A_2060 = arith.constant 32 : index
    %swap3A_2061 = tpu.vector_load %arg11[%swap3A_2058, %swap3A_2059, %swap3A_2060] {strides = array<i32>} : memref<3x32x128xf32, #tpu.memory_space<vmem>>, vector<16xf32>,
    tpu.vector_store %arg11[%swap3A_2058, %swap3A_2059, %swap3A_2060], %broadcast_in_dim3A_699 {strides = array<i32>} : memref<3x32x128xf32, #tpu.memory_space<vmem>>, vector<16xf32>,
    %swap3A_2062 = arith.constant 0 : i32
    %swap3A_2063 = arith.constant 28 : i32
    %swap3A_2064 = arith.index_cast %swap3A_2062 : i32 to index
    %swap3A_2065 = arith.index_cast %swap3A_2063 : i32 to index
    %swap3A_2066 = arith.constant 48 : index
    %swap3A_2067 = tpu.vector_load %arg11[%swap3A_2064, %swap3A_2065, %swap3A_2066] {strides = array<i32>} : memref<3x32x128xf32, #tpu.memory_space<vmem>>, vector<16xf32>,
    tpu.vector_store %arg11[%swap3A_2064, %swap3A_2065, %swap3A_2066], %broadcast_in_dim3A_699 {strides = array<i32>} : memref<3x32x128xf32, #tpu.memory_space<vmem>>, vector<16xf32>,
    %swap3A_2068 = arith.constant 0 : i32
    %swap3A_2069 = arith.constant 28 : i32
    %swap3A_2070 = arith.index_cast %swap3A_2068 : i32 to index
    %swap3A_2071 = arith.index_cast %swap3A_2069 : i32 to index
    %swap3A_2072 = arith.constant 64 : index
    %swap3A_2073 = tpu.vector_load %arg11[%swap3A_2070, %swap3A_2071, %swap3A_2072] {strides = array<i32>} : memref<3x32x128xf32, #tpu.memory_space<vmem>>, vector<16xf32>,
    tpu.vector_store %arg11[%swap3A_2070, %swap3A_2071, %swap3A_2072], %broadcast_in_dim3A_699 {strides = array<i32>} : memref<3x32x128xf32, #tpu.memory_space<vmem>>, vector<16xf32>,
    %swap3A_2074 = arith.constant 0 : i32
    %swap3A_2075 = arith.constant 28 : i32
    %swap3A_2076 = arith.index_cast %swap3A_2074 : i32 to index
    %swap3A_2077 = arith.index_cast %swap3A_2075 : i32 to index
    %swap3A_2078 = arith.constant 80 : index
    %swap3A_2079 = tpu.vector_load %arg11[%swap3A_2076, %swap3A_2077, %swap3A_2078] {strides = array<i32>} : memref<3x32x128xf32, #tpu.memory_space<vmem>>, vector<16xf32>,
    tpu.vector_store %arg11[%swap3A_2076, %swap3A_2077, %swap3A_2078], %broadcast_in_dim3A_699 {strides = array<i32>} : memref<3x32x128xf32, #tpu.memory_space<vmem>>, vector<16xf32>,
    %swap3A_2080 = arith.constant 0 : i32
    %swap3A_2081 = arith.constant 28 : i32
    %swap3A_2082 = arith.index_cast %swap3A_2080 : i32 to index
    %swap3A_2083 = arith.index_cast %swap3A_2081 : i32 to index
    %swap3A_2084 = arith.constant 96 : index
    %swap3A_2085 = tpu.vector_load %arg11[%swap3A_2082, %swap3A_2083, %swap3A_2084] {strides = array<i32>} : memref<3x32x128xf32, #tpu.memory_space<vmem>>, vector<16xf32>,
    tpu.vector_store %arg11[%swap3A_2082, %swap3A_2083, %swap3A_2084], %broadcast_in_dim3A_699 {strides = array<i32>} : memref<3x32x128xf32, #tpu.memory_space<vmem>>, vector<16xf32>,
    %swap3A_2086 = arith.constant 0 : i32
    %swap3A_2087 = arith.constant 28 : i32
    %swap3A_2088 = arith.index_cast %swap3A_2086 : i32 to index
    %swap3A_2089 = arith.index_cast %swap3A_2087 : i32 to index
    %swap3A_2090 = arith.constant 112 : index
    %swap3A_2091 = tpu.vector_load %arg11[%swap3A_2088, %swap3A_2089, %swap3A_2090] {strides = array<i32>} : memref<3x32x128xf32, #tpu.memory_space<vmem>>, vector<16xf32>,
    tpu.vector_store %arg11[%swap3A_2088, %swap3A_2089, %swap3A_2090], %broadcast_in_dim3A_699 {strides = array<i32>} : memref<3x32x128xf32, #tpu.memory_space<vmem>>, vector<16xf32>,
    %swap3A_2092 = arith.constant 0 : i32
    %swap3A_2093 = arith.constant 29 : i32
    %swap3A_2094 = arith.index_cast %swap3A_2092 : i32 to index
    %swap3A_2095 = arith.index_cast %swap3A_2093 : i32 to index
    %swap3A_2096 = arith.constant 0 : index
    %swap3A_2097 = tpu.vector_load %arg11[%swap3A_2094, %swap3A_2095, %swap3A_2096] {strides = array<i32>} : memref<3x32x128xf32, #tpu.memory_space<vmem>>, vector<16xf32>,
    tpu.vector_store %arg11[%swap3A_2094, %swap3A_2095, %swap3A_2096], %broadcast_in_dim3A_699 {strides = array<i32>} : memref<3x32x128xf32, #tpu.memory_space<vmem>>, vector<16xf32>,
    %swap3A_2098 = arith.constant 0 : i32
    %swap3A_2099 = arith.constant 29 : i32
    %swap3A_2100 = arith.index_cast %swap3A_2098 : i32 to index
    %swap3A_2101 = arith.index_cast %swap3A_2099 : i32 to index
    %swap3A_2102 = arith.constant 16 : index
    %swap3A_2103 = tpu.vector_load %arg11[%swap3A_2100, %swap3A_2101, %swap3A_2102] {strides = array<i32>} : memref<3x32x128xf32, #tpu.memory_space<vmem>>, vector<16xf32>,
    tpu.vector_store %arg11[%swap3A_2100, %swap3A_2101, %swap3A_2102], %broadcast_in_dim3A_699 {strides = array<i32>} : memref<3x32x128xf32, #tpu.memory_space<vmem>>, vector<16xf32>,
    %swap3A_2104 = arith.constant 0 : i32
    %swap3A_2105 = arith.constant 29 : i32
    %swap3A_2106 = arith.index_cast %swap3A_2104 : i32 to index
    %swap3A_2107 = arith.index_cast %swap3A_2105 : i32 to index
    %swap3A_2108 = arith.constant 32 : index
    %swap3A_2109 = tpu.vector_load %arg11[%swap3A_2106, %swap3A_2107, %swap3A_2108] {strides = array<i32>} : memref<3x32x128xf32, #tpu.memory_space<vmem>>, vector<16xf32>,
    tpu.vector_store %arg11[%swap3A_2106, %swap3A_2107, %swap3A_2108], %broadcast_in_dim3A_699 {strides = array<i32>} : memref<3x32x128xf32, #tpu.memory_space<vmem>>, vector<16xf32>,
    %swap3A_2110 = arith.constant 0 : i32
    %swap3A_2111 = arith.constant 29 : i32
    %swap3A_2112 = arith.index_cast %swap3A_2110 : i32 to index
    %swap3A_2113 = arith.index_cast %swap3A_2111 : i32 to index
    %swap3A_2114 = arith.constant 48 : index
    %swap3A_2115 = tpu.vector_load %arg11[%swap3A_2112, %swap3A_2113, %swap3A_2114] {strides = array<i32>} : memref<3x32x128xf32, #tpu.memory_space<vmem>>, vector<16xf32>,
    tpu.vector_store %arg11[%swap3A_2112, %swap3A_2113, %swap3A_2114], %broadcast_in_dim3A_699 {strides = array<i32>} : memref<3x32x128xf32, #tpu.memory_space<vmem>>, vector<16xf32>,
    %swap3A_2116 = arith.constant 0 : i32
    %swap3A_2117 = arith.constant 29 : i32
    %swap3A_2118 = arith.index_cast %swap3A_2116 : i32 to index
    %swap3A_2119 = arith.index_cast %swap3A_2117 : i32 to index
    %swap3A_2120 = arith.constant 64 : index
    %swap3A_2121 = tpu.vector_load %arg11[%swap3A_2118, %swap3A_2119, %swap3A_2120] {strides = array<i32>} : memref<3x32x128xf32, #tpu.memory_space<vmem>>, vector<16xf32>,
    tpu.vector_store %arg11[%swap3A_2118, %swap3A_2119, %swap3A_2120], %broadcast_in_dim3A_699 {strides = array<i32>} : memref<3x32x128xf32, #tpu.memory_space<vmem>>, vector<16xf32>,
    %swap3A_2122 = arith.constant 0 : i32
    %swap3A_2123 = arith.constant 29 : i32
    %swap3A_2124 = arith.index_cast %swap3A_2122 : i32 to index
    %swap3A_2125 = arith.index_cast %swap3A_2123 : i32 to index
    %swap3A_2126 = arith.constant 80 : index
    %swap3A_2127 = tpu.vector_load %arg11[%swap3A_2124, %swap3A_2125, %swap3A_2126] {strides = array<i32>} : memref<3x32x128xf32, #tpu.memory_space<vmem>>, vector<16xf32>,
    tpu.vector_store %arg11[%swap3A_2124, %swap3A_2125, %swap3A_2126], %broadcast_in_dim3A_699 {strides = array<i32>} : memref<3x32x128xf32, #tpu.memory_space<vmem>>, vector<16xf32>,
    %swap3A_2128 = arith.constant 0 : i32
    %swap3A_2129 = arith.constant 29 : i32
    %swap3A_2130 = arith.index_cast %swap3A_2128 : i32 to index
    %swap3A_2131 = arith.index_cast %swap3A_2129 : i32 to index
    %swap3A_2132 = arith.constant 96 : index
    %swap3A_2133 = tpu.vector_load %arg11[%swap3A_2130, %swap3A_2131, %swap3A_2132] {strides = array<i32>} : memref<3x32x128xf32, #tpu.memory_space<vmem>>, vector<16xf32>,
    tpu.vector_store %arg11[%swap3A_2130, %swap3A_2131, %swap3A_2132], %broadcast_in_dim3A_699 {strides = array<i32>} : memref<3x32x128xf32, #tpu.memory_space<vmem>>, vector<16xf32>,
    %swap3A_2134 = arith.constant 0 : i32
    %swap3A_2135 = arith.constant 29 : i32
    %swap3A_2136 = arith.index_cast %swap3A_2134 : i32 to index
    %swap3A_2137 = arith.index_cast %swap3A_2135 : i32 to index
    %swap3A_2138 = arith.constant 112 : index
    %swap3A_2139 = tpu.vector_load %arg11[%swap3A_2136, %swap3A_2137, %swap3A_2138] {strides = array<i32>} : memref<3x32x128xf32, #tpu.memory_space<vmem>>, vector<16xf32>,
    tpu.vector_store %arg11[%swap3A_2136, %swap3A_2137, %swap3A_2138], %broadcast_in_dim3A_699 {strides = array<i32>} : memref<3x32x128xf32, #tpu.memory_space<vmem>>, vector<16xf32>,
    %swap3A_2140 = arith.constant 0 : i32
    %swap3A_2141 = arith.constant 30 : i32
    %swap3A_2142 = arith.index_cast %swap3A_2140 : i32 to index
    %swap3A_2143 = arith.index_cast %swap3A_2141 : i32 to index
    %swap3A_2144 = arith.constant 0 : index
    %swap3A_2145 = tpu.vector_load %arg11[%swap3A_2142, %swap3A_2143, %swap3A_2144] {strides = array<i32>} : memref<3x32x128xf32, #tpu.memory_space<vmem>>, vector<16xf32>,
    tpu.vector_store %arg11[%swap3A_2142, %swap3A_2143, %swap3A_2144], %broadcast_in_dim3A_699 {strides = array<i32>} : memref<3x32x128xf32, #tpu.memory_space<vmem>>, vector<16xf32>,
    %swap3A_2146 = arith.constant 0 : i32
    %swap3A_2147 = arith.constant 30 : i32
    %swap3A_2148 = arith.index_cast %swap3A_2146 : i32 to index
    %swap3A_2149 = arith.index_cast %swap3A_2147 : i32 to index
    %swap3A_2150 = arith.constant 16 : index
    %swap3A_2151 = tpu.vector_load %arg11[%swap3A_2148, %swap3A_2149, %swap3A_2150] {strides = array<i32>} : memref<3x32x128xf32, #tpu.memory_space<vmem>>, vector<16xf32>,
    tpu.vector_store %arg11[%swap3A_2148, %swap3A_2149, %swap3A_2150], %broadcast_in_dim3A_699 {strides = array<i32>} : memref<3x32x128xf32, #tpu.memory_space<vmem>>, vector<16xf32>,
    %swap3A_2152 = arith.constant 0 : i32
    %swap3A_2153 = arith.constant 30 : i32
    %swap3A_2154 = arith.index_cast %swap3A_2152 : i32 to index
    %swap3A_2155 = arith.index_cast %swap3A_2153 : i32 to index
    %swap3A_2156 = arith.constant 32 : index
    %swap3A_2157 = tpu.vector_load %arg11[%swap3A_2154, %swap3A_2155, %swap3A_2156] {strides = array<i32>} : memref<3x32x128xf32, #tpu.memory_space<vmem>>, vector<16xf32>,
    tpu.vector_store %arg11[%swap3A_2154, %swap3A_2155, %swap3A_2156], %broadcast_in_dim3A_699 {strides = array<i32>} : memref<3x32x128xf32, #tpu.memory_space<vmem>>, vector<16xf32>,
    %swap3A_2158 = arith.constant 0 : i32
    %swap3A_2159 = arith.constant 30 : i32
    %swap3A_2160 = arith.index_cast %swap3A_2158 : i32 to index
    %swap3A_2161 = arith.index_cast %swap3A_2159 : i32 to index
    %swap3A_2162 = arith.constant 48 : index
    %swap3A_2163 = tpu.vector_load %arg11[%swap3A_2160, %swap3A_2161, %swap3A_2162] {strides = array<i32>} : memref<3x32x128xf32, #tpu.memory_space<vmem>>, vector<16xf32>,
    tpu.vector_store %arg11[%swap3A_2160, %swap3A_2161, %swap3A_2162], %broadcast_in_dim3A_699 {strides = array<i32>} : memref<3x32x128xf32, #tpu.memory_space<vmem>>, vector<16xf32>,
    %swap3A_2164 = arith.constant 0 : i32
    %swap3A_2165 = arith.constant 30 : i32
    %swap3A_2166 = arith.index_cast %swap3A_2164 : i32 to index
    %swap3A_2167 = arith.index_cast %swap3A_2165 : i32 to index
    %swap3A_2168 = arith.constant 64 : index
    %swap3A_2169 = tpu.vector_load %arg11[%swap3A_2166, %swap3A_2167, %swap3A_2168] {strides = array<i32>} : memref<3x32x128xf32, #tpu.memory_space<vmem>>, vector<16xf32>,
    tpu.vector_store %arg11[%swap3A_2166, %swap3A_2167, %swap3A_2168], %broadcast_in_dim3A_699 {strides = array<i32>} : memref<3x32x128xf32, #tpu.memory_space<vmem>>, vector<16xf32>,
    %swap3A_2170 = arith.constant 0 : i32
    %swap3A_2171 = arith.constant 30 : i32
    %swap3A_2172 = arith.index_cast %swap3A_2170 : i32 to index
    %swap3A_2173 = arith.index_cast %swap3A_2171 : i32 to index
    %swap3A_2174 = arith.constant 80 : index
    %swap3A_2175 = tpu.vector_load %arg11[%swap3A_2172, %swap3A_2173, %swap3A_2174] {strides = array<i32>} : memref<3x32x128xf32, #tpu.memory_space<vmem>>, vector<16xf32>,
    tpu.vector_store %arg11[%swap3A_2172, %swap3A_2173, %swap3A_2174], %broadcast_in_dim3A_699 {strides = array<i32>} : memref<3x32x128xf32, #tpu.memory_space<vmem>>, vector<16xf32>,
    %swap3A_2176 = arith.constant 0 : i32
    %swap3A_2177 = arith.constant 30 : i32
    %swap3A_2178 = arith.index_cast %swap3A_2176 : i32 to index
    %swap3A_2179 = arith.index_cast %swap3A_2177 : i32 to index
    %swap3A_2180 = arith.constant 96 : index
    %swap3A_2181 = tpu.vector_load %arg11[%swap3A_2178, %swap3A_2179, %swap3A_2180] {strides = array<i32>} : memref<3x32x128xf32, #tpu.memory_space<vmem>>, vector<16xf32>,
    tpu.vector_store %arg11[%swap3A_2178, %swap3A_2179, %swap3A_2180], %broadcast_in_dim3A_699 {strides = array<i32>} : memref<3x32x128xf32, #tpu.memory_space<vmem>>, vector<16xf32>,
    %swap3A_2182 = arith.constant 0 : i32
    %swap3A_2183 = arith.constant 30 : i32
    %swap3A_2184 = arith.index_cast %swap3A_2182 : i32 to index
    %swap3A_2185 = arith.index_cast %swap3A_2183 : i32 to index
    %swap3A_2186 = arith.constant 112 : index
    %swap3A_2187 = tpu.vector_load %arg11[%swap3A_2184, %swap3A_2185, %swap3A_2186] {strides = array<i32>} : memref<3x32x128xf32, #tpu.memory_space<vmem>>, vector<16xf32>,
    tpu.vector_store %arg11[%swap3A_2184, %swap3A_2185, %swap3A_2186], %broadcast_in_dim3A_699 {strides = array<i32>} : memref<3x32x128xf32, #tpu.memory_space<vmem>>, vector<16xf32>,
    %swap3A_2188 = arith.constant 0 : i32
    %swap3A_2189 = arith.constant 31 : i32
    %swap3A_2190 = arith.index_cast %swap3A_2188 : i32 to index
    %swap3A_2191 = arith.index_cast %swap3A_2189 : i32 to index
    %swap3A_2192 = arith.constant 0 : index
    %swap3A_2193 = tpu.vector_load %arg11[%swap3A_2190, %swap3A_2191, %swap3A_2192] {strides = array<i32>} : memref<3x32x128xf32, #tpu.memory_space<vmem>>, vector<16xf32>,
    tpu.vector_store %arg11[%swap3A_2190, %swap3A_2191, %swap3A_2192], %broadcast_in_dim3A_699 {strides = array<i32>} : memref<3x32x128xf32, #tpu.memory_space<vmem>>, vector<16xf32>,
    %swap3A_2194 = arith.constant 0 : i32
    %swap3A_2195 = arith.constant 31 : i32
    %swap3A_2196 = arith.index_cast %swap3A_2194 : i32 to index
    %swap3A_2197 = arith.index_cast %swap3A_2195 : i32 to index
    %swap3A_2198 = arith.constant 16 : index
    %swap3A_2199 = tpu.vector_load %arg11[%swap3A_2196, %swap3A_2197, %swap3A_2198] {strides = array<i32>} : memref<3x32x128xf32, #tpu.memory_space<vmem>>, vector<16xf32>,
    tpu.vector_store %arg11[%swap3A_2196, %swap3A_2197, %swap3A_2198], %broadcast_in_dim3A_699 {strides = array<i32>} : memref<3x32x128xf32, #tpu.memory_space<vmem>>, vector<16xf32>,
    %swap3A_2200 = arith.constant 0 : i32
    %swap3A_2201 = arith.constant 31 : i32
    %swap3A_2202 = arith.index_cast %swap3A_2200 : i32 to index
    %swap3A_2203 = arith.index_cast %swap3A_2201 : i32 to index
    %swap3A_2204 = arith.constant 32 : index
    %swap3A_2205 = tpu.vector_load %arg11[%swap3A_2202, %swap3A_2203, %swap3A_2204] {strides = array<i32>} : memref<3x32x128xf32, #tpu.memory_space<vmem>>, vector<16xf32>,
    tpu.vector_store %arg11[%swap3A_2202, %swap3A_2203, %swap3A_2204], %broadcast_in_dim3A_699 {strides = array<i32>} : memref<3x32x128xf32, #tpu.memory_space<vmem>>, vector<16xf32>,
    %swap3A_2206 = arith.constant 0 : i32
    %swap3A_2207 = arith.constant 31 : i32
    %swap3A_2208 = arith.index_cast %swap3A_2206 : i32 to index
    %swap3A_2209 = arith.index_cast %swap3A_2207 : i32 to index
    %swap3A_2210 = arith.constant 48 : index
    %swap3A_2211 = tpu.vector_load %arg11[%swap3A_2208, %swap3A_2209, %swap3A_2210] {strides = array<i32>} : memref<3x32x128xf32, #tpu.memory_space<vmem>>, vector<16xf32>,
    tpu.vector_store %arg11[%swap3A_2208, %swap3A_2209, %swap3A_2210], %broadcast_in_dim3A_699 {strides = array<i32>} : memref<3x32x128xf32, #tpu.memory_space<vmem>>, vector<16xf32>,
    %swap3A_2212 = arith.constant 0 : i32
    %swap3A_2213 = arith.constant 31 : i32
    %swap3A_2214 = arith.index_cast %swap3A_2212 : i32 to index
    %swap3A_2215 = arith.index_cast %swap3A_2213 : i32 to index
    %swap3A_2216 = arith.constant 64 : index
    %swap3A_2217 = tpu.vector_load %arg11[%swap3A_2214, %swap3A_2215, %swap3A_2216] {strides = array<i32>} : memref<3x32x128xf32, #tpu.memory_space<vmem>>, vector<16xf32>,
    tpu.vector_store %arg11[%swap3A_2214, %swap3A_2215, %swap3A_2216], %broadcast_in_dim3A_699 {strides = array<i32>} : memref<3x32x128xf32, #tpu.memory_space<vmem>>, vector<16xf32>,
    %swap3A_2218 = arith.constant 0 : i32
    %swap3A_2219 = arith.constant 31 : i32
    %swap3A_2220 = arith.index_cast %swap3A_2218 : i32 to index
    %swap3A_2221 = arith.index_cast %swap3A_2219 : i32 to index
    %swap3A_2222 = arith.constant 80 : index
    %swap3A_2223 = tpu.vector_load %arg11[%swap3A_2220, %swap3A_2221, %swap3A_2222] {strides = array<i32>} : memref<3x32x128xf32, #tpu.memory_space<vmem>>, vector<16xf32>,
    tpu.vector_store %arg11[%swap3A_2220, %swap3A_2221, %swap3A_2222], %broadcast_in_dim3A_699 {strides = array<i32>} : memref<3x32x128xf32, #tpu.memory_space<vmem>>, vector<16xf32>,
    %swap3A_2224 = arith.constant 0 : i32
    %swap3A_2225 = arith.constant 31 : i32
    %swap3A_2226 = arith.index_cast %swap3A_2224 : i32 to index
    %swap3A_2227 = arith.index_cast %swap3A_2225 : i32 to index
    %swap3A_2228 = arith.constant 96 : index
    %swap3A_2229 = tpu.vector_load %arg11[%swap3A_2226, %swap3A_2227, %swap3A_2228] {strides = array<i32>} : memref<3x32x128xf32, #tpu.memory_space<vmem>>, vector<16xf32>,
    tpu.vector_store %arg11[%swap3A_2226, %swap3A_2227, %swap3A_2228], %broadcast_in_dim3A_699 {strides = array<i32>} : memref<3x32x128xf32, #tpu.memory_space<vmem>>, vector<16xf32>,
    %swap3A_2230 = arith.constant 0 : i32
    %swap3A_2231 = arith.constant 31 : i32
    %swap3A_2232 = arith.index_cast %swap3A_2230 : i32 to index
    %swap3A_2233 = arith.index_cast %swap3A_2231 : i32 to index
    %swap3A_2234 = arith.constant 112 : index
    %swap3A_2235 = tpu.vector_load %arg11[%swap3A_2232, %swap3A_2233, %swap3A_2234] {strides = array<i32>} : memref<3x32x128xf32, #tpu.memory_space<vmem>>, vector<16xf32>,
    tpu.vector_store %arg11[%swap3A_2232, %swap3A_2233, %swap3A_2234], %broadcast_in_dim3A_699 {strides = array<i32>} : memref<3x32x128xf32, #tpu.memory_space<vmem>>, vector<16xf32>,
    %get3A_2236 = arith.constant 17 : i32
    %get3A_2237 = arith.index_cast %get3A_2236 : i32 to index
    %get3A_2238 = memref.load %arg18[%get3A_2237] : memref<64xi32, #tpu.memory_space<smem>>
    %get3A_2239 = arith.constant 35 : i32
    %get3A_2240 = arith.index_cast %get3A_2239 : i32 to index
    %get3A_2241 = memref.load %arg18[%get3A_2240] : memref<64xi32, #tpu.memory_space<smem>>
    %add3A_2242 = arith.constant 32 : i32
    %add3A_2243 = arith.addi %get3A_2241, %add3A_2242 : i32
    %sub3A_2244 = arith.constant 1 : i32
    %sub3A_2245 = arith.subi %add3A_2243, %sub3A_2244 : i32
    %jit3A = arith.constant 32 : i32
    %div3A = arith.divsi %sub3A_2245, %jit3A : i32
    %sign3A = arith.constant 0 : i32
    %sign3A_2246 = arith.cmpi sgt, %sub3A_2245, %sign3A : i32
    %sign3A_2247 = arith.extui %sign3A_2246 : i1 to i32
    %sign3A_2248 = arith.constant 0 : i32
    %sign3A_2249 = arith.cmpi slt, %sub3A_2245, %sign3A_2248 : i32
    %sign3A_2250 = arith.extui %sign3A_2249 : i1 to i32
    %sign3A_2251 = arith.subi %sign3A_2247, %sign3A_2250 : i32
    %sign3A_2252 = arith.constant 0 : i32
    %sign3A_2253 = arith.cmpi sgt, %jit3A, %sign3A_2252 : i32
    %sign3A_2254 = arith.extui %sign3A_2253 : i1 to i32
    %sign3A_2255 = arith.constant 0 : i32
    %sign3A_2256 = arith.cmpi slt, %jit3A, %sign3A_2255 : i32
    %sign3A_2257 = arith.extui %sign3A_2256 : i1 to i32
    %sign3A_2258 = arith.subi %sign3A_2254, %sign3A_2257 : i32
    %ne3A = arith.cmpi ne, %sign3A_2251, %sign3A_2258 : i32
    %rem3A = arith.remsi %sub3A_2245, %jit3A : i32
    %ne3A_2259 = arith.constant 0 : i32
    %ne3A_2260 = arith.cmpi ne, %rem3A, %ne3A_2259 : i32
    %and3A_2261 = arith.andi %ne3A, %ne3A_2260 : i1
    %sub3A_2262 = arith.constant 1 : i32
    %sub3A_2263 = arith.subi %div3A, %sub3A_2262 : i32
    %select_n3A = arith.select %and3A_2261, %sub3A_2263, %div3A : i32
    %while3A = arith.constant 0 : i32
    %while3A_2264 = arith.constant 0 : i32
    %while3A_2265 = arith.subi %select_n3A, %while3A_2264 : i32
    %while3A_2266 = arith.addi %while3A_2264, %while3A_2265 : i32
    %while3A_2267 = arith.constant 1 : i32
    %while3A_2268 = arith.divsi %while3A_2265, %while3A_2267 : i32
    %while3A_2269 = arith.muli %while3A_2268, %while3A_2267 : i32
    %while3A_2270 = arith.addi %while3A_2264, %while3A_2269 : i32
    %while3A_2271 = arith.constant 1 : i32
    scf.for %while3A_2296 = %while3A_2264 to %while3A_2270 step %while3A_2271  : i32 {
      %mul3A_2297 = arith.constant 32 : i32
      %mul3A_2298 = arith.muli %while3A_2296, %mul3A_2297 : i32
      %add3A_2299 = arith.addi %get3A_2238, %mul3A_2298 : i32
      %multiple_of3A = tpu.assume_multiple %add3A_2299, 16 : i32
      %add3A_2300 = arith.constant 0 : i32
      %add3A_2301 = arith.addi %multiple_of3A, %add3A_2300 : i32
      %iota3A_2302 = tpu.iota {dimensions = array<i32: 0>} : vector<16xi32>
      %add3A_2303 = vector.broadcast %add3A_2301 : i32 to vector<16xi32>
      %add3A_2304 = arith.addi %add3A_2303, %iota3A_2302 : vector<16xi32>
      %gather3A = tpu.vector_load_idx %arg10[%add3A_2304] : memref<13166xi32, #tpu.memory_space<vmem>>[vector<16xi32>], vector<16xi32>,
      %dma_start3A = arith.constant 0 : i32
      %dma_start3A_2305 = arith.constant 0 : i32
      %dma_start3A_2306 = arith.constant 0 : i32
      %dma_start3A_2307 = arith.constant 0 : i32
      %dma_start3A_2308 = tpu.memref_slice %arg11[%dma_start3A, %dma_start3A_2306, %dma_start3A_2307] : memref<3x32x128xf32, #tpu.memory_space<vmem>> -> memref<1x16x128xf32, #tpu.memory_space<vmem>>
      %dma_start3A_2309 = tpu.memref_squeeze %dma_start3A_2308 : memref<1x16x128xf32, #tpu.memory_space<vmem>> -> memref<16x128xf32, #tpu.memory_space<vmem>>
      %dma_start3A_2310 = arith.constant 0 : i32
      %dma_start3A_2311 = arith.constant 0 : i32
      %dma_start3A_2312 = tpu.memref_slice %arg5[%dma_start3A_2310, %dma_start3A_2311] : memref<401408x128xf32, #tpu.memory_space<hbm>> -> memref<401408x128xf32, #tpu.memory_space<hbm>>
      %dma_start3A_2313 = tpu.memref_slice %arg20[%dma_start3A_2305] : memref<3x!tpu.dma_semaphore, #tpu.memory_space<semaphore_mem>> -> memref<1x!tpu.dma_semaphore, #tpu.memory_space<semaphore_mem>>
      %dma_start3A_2314 = tpu.memref_squeeze %dma_start3A_2313 : memref<1x!tpu.dma_semaphore, #tpu.memory_space<semaphore_mem>> -> memref<!tpu.dma_semaphore, #tpu.memory_space<semaphore_mem>>
      tpu.enqueue_indirect_dma source(%dma_start3A_2309 : memref<16x128xf32, #tpu.memory_space<vmem>>) target(%dma_start3A_2312 : memref<401408x128xf32, #tpu.memory_space<hbm>>) offsets(%gather3A : vector<16xi32>) semaphore(%dma_start3A_2314 : memref<!tpu.dma_semaphore, #tpu.memory_space<semaphore_mem>>)
      %add3A_2315 = arith.constant 16 : i32
      %add3A_2316 = arith.addi %multiple_of3A, %add3A_2315 : i32
      %iota3A_2317 = tpu.iota {dimensions = array<i32: 0>} : vector<16xi32>
      %add3A_2318 = vector.broadcast %add3A_2316 : i32 to vector<16xi32>
      %add3A_2319 = arith.addi %add3A_2318, %iota3A_2317 : vector<16xi32>
      %gather3A_2320 = tpu.vector_load_idx %arg10[%add3A_2319] : memref<13166xi32, #tpu.memory_space<vmem>>[vector<16xi32>], vector<16xi32>,
      %dma_start3A_2321 = arith.constant 0 : i32
      %dma_start3A_2322 = arith.constant 0 : i32
      %dma_start3A_2323 = arith.constant 16 : i32
      %dma_start3A_2324 = arith.constant 0 : i32
      %dma_start3A_2325 = tpu.memref_slice %arg11[%dma_start3A_2321, %dma_start3A_2323, %dma_start3A_2324] : memref<3x32x128xf32, #tpu.memory_space<vmem>> -> memref<1x16x128xf32, #tpu.memory_space<vmem>>
      %dma_start3A_2326 = tpu.memref_squeeze %dma_start3A_2325 : memref<1x16x128xf32, #tpu.memory_space<vmem>> -> memref<16x128xf32, #tpu.memory_space<vmem>>
      %dma_start3A_2327 = arith.constant 0 : i32
      %dma_start3A_2328 = arith.constant 0 : i32
      %dma_start3A_2329 = tpu.memref_slice %arg5[%dma_start3A_2327, %dma_start3A_2328] : memref<401408x128xf32, #tpu.memory_space<hbm>> -> memref<401408x128xf32, #tpu.memory_space<hbm>>
      %dma_start3A_2330 = tpu.memref_slice %arg20[%dma_start3A_2322] : memref<3x!tpu.dma_semaphore, #tpu.memory_space<semaphore_mem>> -> memref<1x!tpu.dma_semaphore, #tpu.memory_space<semaphore_mem>>
      %dma_start3A_2331 = tpu.memref_squeeze %dma_start3A_2330 : memref<1x!tpu.dma_semaphore, #tpu.memory_space<semaphore_mem>> -> memref<!tpu.dma_semaphore, #tpu.memory_space<semaphore_mem>>
      tpu.enqueue_indirect_dma source(%dma_start3A_2326 : memref<16x128xf32, #tpu.memory_space<vmem>>) target(%dma_start3A_2329 : memref<401408x128xf32, #tpu.memory_space<hbm>>) offsets(%gather3A_2320 : vector<16xi32>) semaphore(%dma_start3A_2331 : memref<!tpu.dma_semaphore, #tpu.memory_space<semaphore_mem>>)
      %iota3A_2332 = tpu.iota {dimensions = array<i32: 0>} : vector<16xi32>
      %dma_wait3A = arith.constant 0 : i32
      %dma_wait3A_2333 = arith.constant 0 : i32
      %dma_wait3A_2334 = arith.constant 0 : i32
      %dma_wait3A_2335 = arith.constant 0 : i32
      %dma_wait3A_2336 = tpu.memref_slice %arg11[%dma_wait3A, %dma_wait3A_2334, %dma_wait3A_2335] : memref<3x32x128xf32, #tpu.memory_space<vmem>> -> memref<1x16x128xf32, #tpu.memory_space<vmem>>
      %dma_wait3A_2337 = tpu.memref_squeeze %dma_wait3A_2336 : memref<1x16x128xf32, #tpu.memory_space<vmem>> -> memref<16x128xf32, #tpu.memory_space<vmem>>
      %dma_wait3A_2338 = arith.constant 0 : i32
      %dma_wait3A_2339 = arith.constant 0 : i32
      %dma_wait3A_2340 = tpu.memref_slice %arg5[%dma_wait3A_2338, %dma_wait3A_2339] : memref<401408x128xf32, #tpu.memory_space<hbm>> -> memref<401408x128xf32, #tpu.memory_space<hbm>>
      %dma_wait3A_2341 = tpu.memref_slice %arg20[%dma_wait3A_2333] : memref<3x!tpu.dma_semaphore, #tpu.memory_space<semaphore_mem>> -> memref<1x!tpu.dma_semaphore, #tpu.memory_space<semaphore_mem>>
      %dma_wait3A_2342 = tpu.memref_squeeze %dma_wait3A_2341 : memref<1x!tpu.dma_semaphore, #tpu.memory_space<semaphore_mem>> -> memref<!tpu.dma_semaphore, #tpu.memory_space<semaphore_mem>>
      tpu.wait_indirect_dma semaphore(%dma_wait3A_2342 : memref<!tpu.dma_semaphore, #tpu.memory_space<semaphore_mem>>) src(%dma_wait3A_2337 : memref<16x128xf32, #tpu.memory_space<vmem>>) dst(%dma_wait3A_2340 : memref<401408x128xf32, #tpu.memory_space<hbm>>)
      %iota3A_2343 = tpu.iota {dimensions = array<i32: 0>} : vector<16xi32>
      %dma_wait3A_2344 = arith.constant 0 : i32
      %dma_wait3A_2345 = arith.constant 0 : i32
      %dma_wait3A_2346 = arith.constant 16 : i32
      %dma_wait3A_2347 = arith.constant 0 : i32
      %dma_wait3A_2348 = tpu.memref_slice %arg11[%dma_wait3A_2344, %dma_wait3A_2346, %dma_wait3A_2347] : memref<3x32x128xf32, #tpu.memory_space<vmem>> -> memref<1x16x128xf32, #tpu.memory_space<vmem>>
      %dma_wait3A_2349 = tpu.memref_squeeze %dma_wait3A_2348 : memref<1x16x128xf32, #tpu.memory_space<vmem>> -> memref<16x128xf32, #tpu.memory_space<vmem>>
      %dma_wait3A_2350 = arith.constant 0 : i32
      %dma_wait3A_2351 = arith.constant 0 : i32
      %dma_wait3A_2352 = tpu.memref_slice %arg5[%dma_wait3A_2350, %dma_wait3A_2351] : memref<401408x128xf32, #tpu.memory_space<hbm>> -> memref<401408x128xf32, #tpu.memory_space<hbm>>
      %dma_wait3A_2353 = tpu.memref_slice %arg20[%dma_wait3A_2345] : memref<3x!tpu.dma_semaphore, #tpu.memory_space<semaphore_mem>> -> memref<1x!tpu.dma_semaphore, #tpu.memory_space<semaphore_mem>>
      %dma_wait3A_2354 = tpu.memref_squeeze %dma_wait3A_2353 : memref<1x!tpu.dma_semaphore, #tpu.memory_space<semaphore_mem>> -> memref<!tpu.dma_semaphore, #tpu.memory_space<semaphore_mem>>
      tpu.wait_indirect_dma semaphore(%dma_wait3A_2354 : memref<!tpu.dma_semaphore, #tpu.memory_space<semaphore_mem>>) src(%dma_wait3A_2349 : memref<16x128xf32, #tpu.memory_space<vmem>>) dst(%dma_wait3A_2352 : memref<401408x128xf32, #tpu.memory_space<hbm>>)
    }
    %while3A_2272 = arith.constant 1 : i32
    scf.for %while3A_2296 = %while3A_2270 to %while3A_2266 step %while3A_2272  : i32 {
      %mul3A_2297 = arith.constant 32 : i32
      %mul3A_2298 = arith.muli %while3A_2296, %mul3A_2297 : i32
      %add3A_2299 = arith.addi %get3A_2238, %mul3A_2298 : i32
      %multiple_of3A = tpu.assume_multiple %add3A_2299, 16 : i32
      %add3A_2300 = arith.constant 0 : i32
      %add3A_2301 = arith.addi %multiple_of3A, %add3A_2300 : i32
      %iota3A_2302 = tpu.iota {dimensions = array<i32: 0>} : vector<16xi32>
      %add3A_2303 = vector.broadcast %add3A_2301 : i32 to vector<16xi32>
      %add3A_2304 = arith.addi %add3A_2303, %iota3A_2302 : vector<16xi32>
      %gather3A = tpu.vector_load_idx %arg10[%add3A_2304] : memref<13166xi32, #tpu.memory_space<vmem>>[vector<16xi32>], vector<16xi32>,
      %dma_start3A = arith.constant 0 : i32
      %dma_start3A_2305 = arith.constant 0 : i32
      %dma_start3A_2306 = arith.constant 0 : i32
      %dma_start3A_2307 = arith.constant 0 : i32
      %dma_start3A_2308 = tpu.memref_slice %arg11[%dma_start3A, %dma_start3A_2306, %dma_start3A_2307] : memref<3x32x128xf32, #tpu.memory_space<vmem>> -> memref<1x16x128xf32, #tpu.memory_space<vmem>>
      %dma_start3A_2309 = tpu.memref_squeeze %dma_start3A_2308 : memref<1x16x128xf32, #tpu.memory_space<vmem>> -> memref<16x128xf32, #tpu.memory_space<vmem>>
      %dma_start3A_2310 = arith.constant 0 : i32
      %dma_start3A_2311 = arith.constant 0 : i32
      %dma_start3A_2312 = tpu.memref_slice %arg5[%dma_start3A_2310, %dma_start3A_2311] : memref<401408x128xf32, #tpu.memory_space<hbm>> -> memref<401408x128xf32, #tpu.memory_space<hbm>>
      %dma_start3A_2313 = tpu.memref_slice %arg20[%dma_start3A_2305] : memref<3x!tpu.dma_semaphore, #tpu.memory_space<semaphore_mem>> -> memref<1x!tpu.dma_semaphore, #tpu.memory_space<semaphore_mem>>
      %dma_start3A_2314 = tpu.memref_squeeze %dma_start3A_2313 : memref<1x!tpu.dma_semaphore, #tpu.memory_space<semaphore_mem>> -> memref<!tpu.dma_semaphore, #tpu.memory_space<semaphore_mem>>
      tpu.enqueue_indirect_dma source(%dma_start3A_2309 : memref<16x128xf32, #tpu.memory_space<vmem>>) target(%dma_start3A_2312 : memref<401408x128xf32, #tpu.memory_space<hbm>>) offsets(%gather3A : vector<16xi32>) semaphore(%dma_start3A_2314 : memref<!tpu.dma_semaphore, #tpu.memory_space<semaphore_mem>>)
      %add3A_2315 = arith.constant 16 : i32
      %add3A_2316 = arith.addi %multiple_of3A, %add3A_2315 : i32
      %iota3A_2317 = tpu.iota {dimensions = array<i32: 0>} : vector<16xi32>
      %add3A_2318 = vector.broadcast %add3A_2316 : i32 to vector<16xi32>
      %add3A_2319 = arith.addi %add3A_2318, %iota3A_2317 : vector<16xi32>
      %gather3A_2320 = tpu.vector_load_idx %arg10[%add3A_2319] : memref<13166xi32, #tpu.memory_space<vmem>>[vector<16xi32>], vector<16xi32>,
      %dma_start3A_2321 = arith.constant 0 : i32
      %dma_start3A_2322 = arith.constant 0 : i32
      %dma_start3A_2323 = arith.constant 16 : i32
      %dma_start3A_2324 = arith.constant 0 : i32
      %dma_start3A_2325 = tpu.memref_slice %arg11[%dma_start3A_2321, %dma_start3A_2323, %dma_start3A_2324] : memref<3x32x128xf32, #tpu.memory_space<vmem>> -> memref<1x16x128xf32, #tpu.memory_space<vmem>>
      %dma_start3A_2326 = tpu.memref_squeeze %dma_start3A_2325 : memref<1x16x128xf32, #tpu.memory_space<vmem>> -> memref<16x128xf32, #tpu.memory_space<vmem>>
      %dma_start3A_2327 = arith.constant 0 : i32
      %dma_start3A_2328 = arith.constant 0 : i32
      %dma_start3A_2329 = tpu.memref_slice %arg5[%dma_start3A_2327, %dma_start3A_2328] : memref<401408x128xf32, #tpu.memory_space<hbm>> -> memref<401408x128xf32, #tpu.memory_space<hbm>>
      %dma_start3A_2330 = tpu.memref_slice %arg20[%dma_start3A_2322] : memref<3x!tpu.dma_semaphore, #tpu.memory_space<semaphore_mem>> -> memref<1x!tpu.dma_semaphore, #tpu.memory_space<semaphore_mem>>
      %dma_start3A_2331 = tpu.memref_squeeze %dma_start3A_2330 : memref<1x!tpu.dma_semaphore, #tpu.memory_space<semaphore_mem>> -> memref<!tpu.dma_semaphore, #tpu.memory_space<semaphore_mem>>
      tpu.enqueue_indirect_dma source(%dma_start3A_2326 : memref<16x128xf32, #tpu.memory_space<vmem>>) target(%dma_start3A_2329 : memref<401408x128xf32, #tpu.memory_space<hbm>>) offsets(%gather3A_2320 : vector<16xi32>) semaphore(%dma_start3A_2331 : memref<!tpu.dma_semaphore, #tpu.memory_space<semaphore_mem>>)
      %iota3A_2332 = tpu.iota {dimensions = array<i32: 0>} : vector<16xi32>
      %dma_wait3A = arith.constant 0 : i32
      %dma_wait3A_2333 = arith.constant 0 : i32
      %dma_wait3A_2334 = arith.constant 0 : i32
      %dma_wait3A_2335 = arith.constant 0 : i32
      %dma_wait3A_2336 = tpu.memref_slice %arg11[%dma_wait3A, %dma_wait3A_2334, %dma_wait3A_2335] : memref<3x32x128xf32, #tpu.memory_space<vmem>> -> memref<1x16x128xf32, #tpu.memory_space<vmem>>
      %dma_wait3A_2337 = tpu.memref_squeeze %dma_wait3A_2336 : memref<1x16x128xf32, #tpu.memory_space<vmem>> -> memref<16x128xf32, #tpu.memory_space<vmem>>
      %dma_wait3A_2338 = arith.constant 0 : i32
      %dma_wait3A_2339 = arith.constant 0 : i32
      %dma_wait3A_2340 = tpu.memref_slice %arg5[%dma_wait3A_2338, %dma_wait3A_2339] : memref<401408x128xf32, #tpu.memory_space<hbm>> -> memref<401408x128xf32, #tpu.memory_space<hbm>>
      %dma_wait3A_2341 = tpu.memref_slice %arg20[%dma_wait3A_2333] : memref<3x!tpu.dma_semaphore, #tpu.memory_space<semaphore_mem>> -> memref<1x!tpu.dma_semaphore, #tpu.memory_space<semaphore_mem>>
      %dma_wait3A_2342 = tpu.memref_squeeze %dma_wait3A_2341 : memref<1x!tpu.dma_semaphore, #tpu.memory_space<semaphore_mem>> -> memref<!tpu.dma_semaphore, #tpu.memory_space<semaphore_mem>>
      tpu.wait_indirect_dma semaphore(%dma_wait3A_2342 : memref<!tpu.dma_semaphore, #tpu.memory_space<semaphore_mem>>) src(%dma_wait3A_2337 : memref<16x128xf32, #tpu.memory_space<vmem>>) dst(%dma_wait3A_2340 : memref<401408x128xf32, #tpu.memory_space<hbm>>)
      %iota3A_2343 = tpu.iota {dimensions = array<i32: 0>} : vector<16xi32>
      %dma_wait3A_2344 = arith.constant 0 : i32
      %dma_wait3A_2345 = arith.constant 0 : i32
      %dma_wait3A_2346 = arith.constant 16 : i32
      %dma_wait3A_2347 = arith.constant 0 : i32
      %dma_wait3A_2348 = tpu.memref_slice %arg11[%dma_wait3A_2344, %dma_wait3A_2346, %dma_wait3A_2347] : memref<3x32x128xf32, #tpu.memory_space<vmem>> -> memref<1x16x128xf32, #tpu.memory_space<vmem>>
      %dma_wait3A_2349 = tpu.memref_squeeze %dma_wait3A_2348 : memref<1x16x128xf32, #tpu.memory_space<vmem>> -> memref<16x128xf32, #tpu.memory_space<vmem>>
      %dma_wait3A_2350 = arith.constant 0 : i32
      %dma_wait3A_2351 = arith.constant 0 : i32
      %dma_wait3A_2352 = tpu.memref_slice %arg5[%dma_wait3A_2350, %dma_wait3A_2351] : memref<401408x128xf32, #tpu.memory_space<hbm>> -> memref<401408x128xf32, #tpu.memory_space<hbm>>
      %dma_wait3A_2353 = tpu.memref_slice %arg20[%dma_wait3A_2345] : memref<3x!tpu.dma_semaphore, #tpu.memory_space<semaphore_mem>> -> memref<1x!tpu.dma_semaphore, #tpu.memory_space<semaphore_mem>>
      %dma_wait3A_2354 = tpu.memref_squeeze %dma_wait3A_2353 : memref<1x!tpu.dma_semaphore, #tpu.memory_space<semaphore_mem>> -> memref<!tpu.dma_semaphore, #tpu.memory_space<semaphore_mem>>
      tpu.wait_indirect_dma semaphore(%dma_wait3A_2354 : memref<!tpu.dma_semaphore, #tpu.memory_space<semaphore_mem>>) src(%dma_wait3A_2349 : memref<16x128xf32, #tpu.memory_space<vmem>>) dst(%dma_wait3A_2352 : memref<401408x128xf32, #tpu.memory_space<hbm>>)
    }
    %get3A_2273 = arith.constant 0 : index
    %get3A_2274 = tpu.vector_load %arg8[%get3A_2273] {strides = array<i32>} : memref<12544xi32, #tpu.memory_space<vmem>>, vector<16xi32>,
    %slice3A_2275 = vector.extract_strided_slice %get3A_2274 {offsets = [0], sizes = [1], strides = [1]} : vector<16xi32> to vector<1xi32>
    %squeeze3A_2276 = vector.extract %slice3A_2275[0] : i32 from vector<1xi32>
    %broadcast_in_dim3A_2277 = arith.constant 0 : i32
    %broadcast_in_dim3A_2278 = vector.broadcast %broadcast_in_dim3A_2277 : i32 to vector<16xi32>
    %add3A_2279 = vector.broadcast %mul3A_2 : i32 to vector<16xi32>
    %add3A_2280 = arith.addi %broadcast_in_dim3A_2278, %add3A_2279 : vector<16xi32>
    %ge3A = arith.constant 100000 : i32
    %ge3A_2281 = arith.cmpi sge, %squeeze3A_2276, %ge3A : i32
    %convert_element_type3A_2282 = arith.extui %ge3A_2281 : i1 to i32
    %cond3A_2283 = arith.constant 0 : i32
    %cond3A_2284 = arith.cmpi ne, %convert_element_type3A_2282, %cond3A_2283 : i32
    scf.if %cond3A_2284 {
      %dma_start3A = arith.constant 0 : i32
      %dma_start3A_2296 = arith.constant 0 : i32
      %dma_start3A_2297 = arith.constant 0 : i32
      %dma_start3A_2298 = arith.constant 0 : i32
      %dma_start3A_2299 = tpu.memref_slice %arg11[%dma_start3A, %dma_start3A_2297, %dma_start3A_2298] : memref<3x32x128xf32, #tpu.memory_space<vmem>> -> memref<1x16x128xf32, #tpu.memory_space<vmem>>
      %dma_start3A_2300 = tpu.memref_squeeze %dma_start3A_2299 : memref<1x16x128xf32, #tpu.memory_space<vmem>> -> memref<16x128xf32, #tpu.memory_space<vmem>>
      %dma_start3A_2301 = arith.constant 0 : i32
      %dma_start3A_2302 = arith.constant 0 : i32
      %dma_start3A_2303 = tpu.memref_slice %arg5[%dma_start3A_2301, %dma_start3A_2302] : memref<401408x128xf32, #tpu.memory_space<hbm>> -> memref<401408x128xf32, #tpu.memory_space<hbm>>
      %dma_start3A_2304 = tpu.memref_slice %arg20[%dma_start3A_2296] : memref<3x!tpu.dma_semaphore, #tpu.memory_space<semaphore_mem>> -> memref<1x!tpu.dma_semaphore, #tpu.memory_space<semaphore_mem>>
      %dma_start3A_2305 = tpu.memref_squeeze %dma_start3A_2304 : memref<1x!tpu.dma_semaphore, #tpu.memory_space<semaphore_mem>> -> memref<!tpu.dma_semaphore, #tpu.memory_space<semaphore_mem>>
      tpu.enqueue_indirect_dma source(%dma_start3A_2300 : memref<16x128xf32, #tpu.memory_space<vmem>>) target(%dma_start3A_2303 : memref<401408x128xf32, #tpu.memory_space<hbm>>) offsets(%add3A_2280 : vector<16xi32>) semaphore(%dma_start3A_2305 : memref<!tpu.dma_semaphore, #tpu.memory_space<semaphore_mem>>)
      %dma_wait3A = arith.constant 0 : i32
      %dma_wait3A_2306 = arith.constant 0 : i32
      %dma_wait3A_2307 = arith.constant 0 : i32
      %dma_wait3A_2308 = arith.constant 0 : i32
      %dma_wait3A_2309 = tpu.memref_slice %arg11[%dma_wait3A, %dma_wait3A_2307, %dma_wait3A_2308] : memref<3x32x128xf32, #tpu.memory_space<vmem>> -> memref<1x16x128xf32, #tpu.memory_space<vmem>>
      %dma_wait3A_2310 = tpu.memref_squeeze %dma_wait3A_2309 : memref<1x16x128xf32, #tpu.memory_space<vmem>> -> memref<16x128xf32, #tpu.memory_space<vmem>>
      %dma_wait3A_2311 = arith.constant 0 : i32
      %dma_wait3A_2312 = arith.constant 0 : i32
      %dma_wait3A_2313 = tpu.memref_slice %arg5[%dma_wait3A_2311, %dma_wait3A_2312] : memref<401408x128xf32, #tpu.memory_space<hbm>> -> memref<401408x128xf32, #tpu.memory_space<hbm>>
      %dma_wait3A_2314 = tpu.memref_slice %arg20[%dma_wait3A_2306] : memref<3x!tpu.dma_semaphore, #tpu.memory_space<semaphore_mem>> -> memref<1x!tpu.dma_semaphore, #tpu.memory_space<semaphore_mem>>
      %dma_wait3A_2315 = tpu.memref_squeeze %dma_wait3A_2314 : memref<1x!tpu.dma_semaphore, #tpu.memory_space<semaphore_mem>> -> memref<!tpu.dma_semaphore, #tpu.memory_space<semaphore_mem>>
      tpu.wait_indirect_dma semaphore(%dma_wait3A_2315 : memref<!tpu.dma_semaphore, #tpu.memory_space<semaphore_mem>>) src(%dma_wait3A_2310 : memref<16x128xf32, #tpu.memory_space<vmem>>) dst(%dma_wait3A_2313 : memref<401408x128xf32, #tpu.memory_space<hbm>>)
    } else {
    }
    %lt3A = arith.constant 100000 : i32
    %lt3A_2285 = arith.cmpi slt, %squeeze3A_2276, %lt3A : i32
    %convert_element_type3A_2286 = arith.extui %lt3A_2285 : i1 to i32
    %cond3A_2287 = arith.constant 0 : i32
    %cond3A_2288 = arith.cmpi ne, %convert_element_type3A_2286, %cond3A_2287 : i32
    scf.if %cond3A_2288 {
      %broadcast_in_dim3A_2296 = arith.constant 0 : i32
      %broadcast_in_dim3A_2297 = vector.broadcast %broadcast_in_dim3A_2296 : i32 to vector<16xi32>
      %add3A_2298 = vector.broadcast %squeeze3A_2276 : i32 to vector<16xi32>
      %add3A_2299 = arith.addi %broadcast_in_dim3A_2297, %add3A_2298 : vector<16xi32>
      %dma_start3A = arith.constant 1 : i32
      %dma_start3A_2300 = arith.constant 1 : i32
      %dma_start3A_2301 = arith.constant 0 : i32
      %dma_start3A_2302 = arith.constant 0 : i32
      %dma_start3A_2303 = tpu.memref_slice %arg11[%dma_start3A, %dma_start3A_2301, %dma_start3A_2302] : memref<3x32x128xf32, #tpu.memory_space<vmem>> -> memref<1x16x128xf32, #tpu.memory_space<vmem>>
      %dma_start3A_2304 = tpu.memref_squeeze %dma_start3A_2303 : memref<1x16x128xf32, #tpu.memory_space<vmem>> -> memref<16x128xf32, #tpu.memory_space<vmem>>
      %dma_start3A_2305 = arith.constant 0 : i32
      %dma_start3A_2306 = arith.constant 0 : i32
      %dma_start3A_2307 = tpu.memref_slice %arg2[%dma_start3A_2305, %dma_start3A_2306] : memref<100000x128xf32, #tpu.memory_space<hbm>> -> memref<100000x128xf32, #tpu.memory_space<hbm>>
      %dma_start3A_2308 = tpu.memref_slice %arg19[%dma_start3A_2300] : memref<3x!tpu.dma_semaphore, #tpu.memory_space<semaphore_mem>> -> memref<1x!tpu.dma_semaphore, #tpu.memory_space<semaphore_mem>>
      %dma_start3A_2309 = tpu.memref_squeeze %dma_start3A_2308 : memref<1x!tpu.dma_semaphore, #tpu.memory_space<semaphore_mem>> -> memref<!tpu.dma_semaphore, #tpu.memory_space<semaphore_mem>>
      tpu.enqueue_indirect_dma source(%dma_start3A_2307 : memref<100000x128xf32, #tpu.memory_space<hbm>>) target(%dma_start3A_2304 : memref<16x128xf32, #tpu.memory_space<vmem>>) offsets(%add3A_2299 : vector<16xi32>) semaphore(%dma_start3A_2309 : memref<!tpu.dma_semaphore, #tpu.memory_space<semaphore_mem>>)
      %dma_wait3A = arith.constant 1 : i32
      %dma_wait3A_2310 = arith.constant 1 : i32
      %dma_wait3A_2311 = arith.constant 0 : i32
      %dma_wait3A_2312 = arith.constant 0 : i32
      %dma_wait3A_2313 = tpu.memref_slice %arg11[%dma_wait3A, %dma_wait3A_2311, %dma_wait3A_2312] : memref<3x32x128xf32, #tpu.memory_space<vmem>> -> memref<1x16x128xf32, #tpu.memory_space<vmem>>
      %dma_wait3A_2314 = tpu.memref_squeeze %dma_wait3A_2313 : memref<1x16x128xf32, #tpu.memory_space<vmem>> -> memref<16x128xf32, #tpu.memory_space<vmem>>
      %dma_wait3A_2315 = arith.constant 0 : i32
      %dma_wait3A_2316 = arith.constant 0 : i32
      %dma_wait3A_2317 = tpu.memref_slice %arg2[%dma_wait3A_2315, %dma_wait3A_2316] : memref<100000x128xf32, #tpu.memory_space<hbm>> -> memref<100000x128xf32, #tpu.memory_space<hbm>>
      %dma_wait3A_2318 = tpu.memref_slice %arg19[%dma_wait3A_2310] : memref<3x!tpu.dma_semaphore, #tpu.memory_space<semaphore_mem>> -> memref<1x!tpu.dma_semaphore, #tpu.memory_space<semaphore_mem>>
      %dma_wait3A_2319 = tpu.memref_squeeze %dma_wait3A_2318 : memref<1x!tpu.dma_semaphore, #tpu.memory_space<semaphore_mem>> -> memref<!tpu.dma_semaphore, #tpu.memory_space<semaphore_mem>>
      tpu.wait_indirect_dma semaphore(%dma_wait3A_2319 : memref<!tpu.dma_semaphore, #tpu.memory_space<semaphore_mem>>) src(%dma_wait3A_2317 : memref<100000x128xf32, #tpu.memory_space<hbm>>) dst(%dma_wait3A_2314 : memref<16x128xf32, #tpu.memory_space<vmem>>)
      %dma_start3A_2320 = arith.constant 1 : i32
      %dma_start3A_2321 = arith.constant 1 : i32
      %dma_start3A_2322 = arith.constant 0 : i32
      %dma_start3A_2323 = arith.constant 0 : i32
      %dma_start3A_2324 = tpu.memref_slice %arg11[%dma_start3A_2320, %dma_start3A_2322, %dma_start3A_2323] : memref<3x32x128xf32, #tpu.memory_space<vmem>> -> memref<1x16x128xf32, #tpu.memory_space<vmem>>
      %dma_start3A_2325 = tpu.memref_squeeze %dma_start3A_2324 : memref<1x16x128xf32, #tpu.memory_space<vmem>> -> memref<16x128xf32, #tpu.memory_space<vmem>>
      %dma_start3A_2326 = arith.constant 0 : i32
      %dma_start3A_2327 = arith.constant 0 : i32
      %dma_start3A_2328 = tpu.memref_slice %arg5[%dma_start3A_2326, %dma_start3A_2327] : memref<401408x128xf32, #tpu.memory_space<hbm>> -> memref<401408x128xf32, #tpu.memory_space<hbm>>
      %dma_start3A_2329 = tpu.memref_slice %arg20[%dma_start3A_2321] : memref<3x!tpu.dma_semaphore, #tpu.memory_space<semaphore_mem>> -> memref<1x!tpu.dma_semaphore, #tpu.memory_space<semaphore_mem>>
      %dma_start3A_2330 = tpu.memref_squeeze %dma_start3A_2329 : memref<1x!tpu.dma_semaphore, #tpu.memory_space<semaphore_mem>> -> memref<!tpu.dma_semaphore, #tpu.memory_space<semaphore_mem>>
      tpu.enqueue_indirect_dma source(%dma_start3A_2325 : memref<16x128xf32, #tpu.memory_space<vmem>>) target(%dma_start3A_2328 : memref<401408x128xf32, #tpu.memory_space<hbm>>) offsets(%add3A_2280 : vector<16xi32>) semaphore(%dma_start3A_2330 : memref<!tpu.dma_semaphore, #tpu.memory_space<semaphore_mem>>)
      %dma_wait3A_2331 = arith.constant 1 : i32
      %dma_wait3A_2332 = arith.constant 1 : i32
      %dma_wait3A_2333 = arith.constant 0 : i32
      %dma_wait3A_2334 = arith.constant 0 : i32
      %dma_wait3A_2335 = tpu.memref_slice %arg11[%dma_wait3A_2331, %dma_wait3A_2333, %dma_wait3A_2334] : memref<3x32x128xf32, #tpu.memory_space<vmem>> -> memref<1x16x128xf32, #tpu.memory_space<vmem>>
      %dma_wait3A_2336 = tpu.memref_squeeze %dma_wait3A_2335 : memref<1x16x128xf32, #tpu.memory_space<vmem>> -> memref<16x128xf32, #tpu.memory_space<vmem>>
      %dma_wait3A_2337 = arith.constant 0 : i32
      %dma_wait3A_2338 = arith.constant 0 : i32
      %dma_wait3A_2339 = tpu.memref_slice %arg5[%dma_wait3A_2337, %dma_wait3A_2338] : memref<401408x128xf32, #tpu.memory_space<hbm>> -> memref<401408x128xf32, #tpu.memory_space<hbm>>
      %dma_wait3A_2340 = tpu.memref_slice %arg20[%dma_wait3A_2332] : memref<3x!tpu.dma_semaphore, #tpu.memory_space<semaphore_mem>> -> memref<1x!tpu.dma_semaphore, #tpu.memory_space<semaphore_mem>>
      %dma_wait3A_2341 = tpu.memref_squeeze %dma_wait3A_2340 : memref<1x!tpu.dma_semaphore, #tpu.memory_space<semaphore_mem>> -> memref<!tpu.dma_semaphore, #tpu.memory_space<semaphore_mem>>
      tpu.wait_indirect_dma semaphore(%dma_wait3A_2341 : memref<!tpu.dma_semaphore, #tpu.memory_space<semaphore_mem>>) src(%dma_wait3A_2336 : memref<16x128xf32, #tpu.memory_space<vmem>>) dst(%dma_wait3A_2339 : memref<401408x128xf32, #tpu.memory_space<hbm>>)
    } else {
    }
    %barrier3A = arith.constant 0 : index
    tpu.barrier barrier_id(%barrier3A)
    %mul3A_2289 = arith.constant 6272 : i32
    %mul3A_2290 = arith.muli %arg1, %mul3A_2289 : i32
    %mul3A_2291 = arith.constant 100352 : i32
    %mul3A_2292 = arith.muli %arg0, %mul3A_2291 : i32
    %mul3A_2293 = arith.constant 6272 : i32
    %mul3A_2294 = arith.muli %arg1, %mul3A_2293 : i32
    %add3A_2295 = arith.addi %mul3A_2292, %mul3A_2294 : i32
    "tpu.region"() ({
      %run_scoped3A_2296 = tpu.sem_alloc : memref<!tpu.dma_semaphore, #tpu.memory_space<semaphore_mem>>
      %dma_start3A = tpu.memref_slice %arg6[%add3A_2295] : memref<200704xi32, #tpu.memory_space<hbm>> -> memref<6272xi32, #tpu.memory_space<hbm>>
      %dma_start3A_2297 = tpu.memref_slice %arg17[%mul3A_2290] : memref<100352xi32, #tpu.memory_space<vmem_shared>> -> memref<6272xi32, #tpu.memory_space<vmem_shared>>
      tpu.enqueue_dma source(%dma_start3A_2297 : memref<6272xi32, #tpu.memory_space<vmem_shared>>) target(%dma_start3A : memref<6272xi32, #tpu.memory_space<hbm>>) target_semaphore(%run_scoped3A_2296 : memref<!tpu.dma_semaphore, #tpu.memory_space<semaphore_mem>>)
      %dma_wait3A = tpu.memref_slice %arg6[%add3A_2295] : memref<200704xi32, #tpu.memory_space<hbm>> -> memref<6272xi32, #tpu.memory_space<hbm>>
      %dma_wait3A_2298 = tpu.memref_slice %arg17[%mul3A_2290] : memref<100352xi32, #tpu.memory_space<vmem_shared>> -> memref<6272xi32, #tpu.memory_space<vmem_shared>>
      tpu.wait_dma2 semaphore(%run_scoped3A_2296 : memref<!tpu.dma_semaphore, #tpu.memory_space<semaphore_mem>>) src(%dma_wait3A_2298 : memref<6272xi32, #tpu.memory_space<vmem_shared>>) dst(%dma_wait3A : memref<6272xi32, #tpu.memory_space<hbm>>)
      tpu.yield
    }) : () -> ()
    return
  }
}

module attributes {stable_mosaic.version = 14 : i64} {
  func.func @body(%arg0: memref<2x784x128xi32, #tpu.memory_space<vmem>>, %arg1: memref<784x128xi32, #tpu.memory_space<vmem>>) attributes {dimension_semantics = [], scalar_prefetch = 0 : i64, scratch_operands = 0 : i64, tpu.core_type = #tpu.core_type<tc>} {
    %get3A = arith.constant 0 : index
    %get3A_0 = arith.constant 0 : index
    %get3A_1 = arith.constant 0 : index
    %get3A_2 = vector.load %arg0[%get3A, %get3A_0, %get3A_1] : memref<2x784x128xi32, #tpu.memory_space<vmem>>, vector<1x784x128xi32>
    %get3A_3 = vector.shape_cast %get3A_2 : vector<1x784x128xi32> to vector<784x128xi32>
    %get3A_4 = arith.constant 1 : index
    %get3A_5 = arith.constant 0 : index
    %get3A_6 = arith.constant 0 : index
    %get3A_7 = vector.load %arg0[%get3A_4, %get3A_5, %get3A_6] : memref<2x784x128xi32, #tpu.memory_space<vmem>>, vector<1x784x128xi32>
    %get3A_8 = vector.shape_cast %get3A_7 : vector<1x784x128xi32> to vector<784x128xi32>
    %add3A = arith.addi %get3A_3, %get3A_8 : vector<784x128xi32>
    %swap3A = arith.constant 0 : index
    %swap3A_9 = arith.constant 0 : index
    %swap3A_10 = vector.load %arg1[%swap3A, %swap3A_9] : memref<784x128xi32, #tpu.memory_space<vmem>>, vector<784x128xi32>
    tpu.vector_store %arg1[%swap3A, %swap3A_9], %add3A {strides = array<i32>} : memref<784x128xi32, #tpu.memory_space<vmem>>, vector<784x128xi32>,
    return
  }
}

</mosaic_0001>

<sc_bundles>
// kernel: kernel.4.cloned.1.call-start
scs
__scs_entry_jumppad:
0x0: {  	(pc) =	sbr.rel $0x88, $3  }
0x1: {  	(tag) =	ssettag $0x0;
	lr =	simm.s32 $0x1  }
0x2: {  	[smem:$0x3F9F] =	sst lr;
	_ =	strace $0xD0000000  }
0x3: {  	_ = 	snop  }
0x4: {  	_ = 	snop  }
0x5: {  	_ = 	snop  }
0x6: {  	_ = 	snop  }
0x7: {  	_ = 	snop  }
__scs_overlays_trampoline_lowered:
0x8: {  	[smem:$0x3FAE] =	sst s0  }
0x9: {  	[smem:$0x3FAF] =	sst s1  }
0xa: {  	[smem:$0x3FB0] =	sst s2  }
0xb: {  	[smem:$0x3FB1] =	sst s3  }
0xc: {  	[smem:$0x3FB2] =	sst s4  }
0xd: {  	[smem:$0x3FB3] =	sst s5  }
0xe: {  	[smem:$0x3FB4] =	sst s6  }
0xf: {  	[smem:$0x3FB5] =	sst s7  }
0x10: {  	[smem:$0x3FB6] =	sst s8  }
0x11: {  	[smem:$0x3FB7] =	sst s9;
	s0 =	simm.s32 @!p0 $0x0  }
0x12: {  	s1 =	sld [smem:$0x3F9D];
	s0 =	simm.s32 @p0 $0x1  }
0x13: {  	[smem:$0x3FB8] =	sst s0;
	s0 =	simm.s32 @!p1 $0x0  }
0x14: {  	s2 =	sld [smem:$0x3F9C];
	s0 =	simm.s32 @p1 $0x1  }
0x15: {  	[smem:$0x3FB9] =	sst s0;
	s0 =	simm.s32 @!p2 $0x0  }
0x16: {  	s3 =	sld [smem:$0x3FDB];
	s0 =	simm.s32 @p2 $0x1  }
0x17: {  	s4 =	simm.s32 $0x1BF5;
	[smem:$0x3FBB] =	sst s0  }
0x18: {  	s0 =	sld [smem:$0x3F9E];
	_ =	swait.ge [sflag:s4], $0x0  }
0x19: {  	s7 =	sld [smem:$0x3F9F]  }
0x1a: {  	s8 =	sadd.s32 $0xFFFFE003, lr  }
0x1b: {  	s9 =	sadd.s32 $0xFFFFFEF7, lr;
	s5 =	simm.s32 $0xFFFFFFFF;
	p2 =	slt.u32 s8, $0xFFFFF086  }
0x1c: {  	p1 =	slt.u32 s9, $0xF7A;
	s5 =	simm.s32 @!p2 $0x0  }
0x1d: {  	s5 =	simm.s32 @p1 $0x1;
	p0 =	seq.s32 s7, s2  }
0x1e: {  	s7 =	smul.u32 @!p0 $0xF7A, s2;
	p2 =	seq.s32 @!p0 s5, $0x0  }
0x1f: {  	s9 =	smul.u32 $0xF7A, s1;
	s8 =	simm.s32 @!p0 $0x1BF5;
	p2 =	por !p2, p0  }
0x20: {  	[sflag:s8] =	ssyncset.s32 @!p0 $0xFFFFF086;
	s6 =	sadd.s32 @!p0 s3, s7;
	s7 =	simm.s32 @!p0 $0x108  }
0x21: {  	s3 =	sadd.s32 s3, s9;
	s6 =	sadd.s32 @!p0 $0x88, s6;
	s7 =	simm.s32 @p2 $0x1082  }
0x22: {  	[simem:s7], [sflag:s8] =	dma.local @!p0 [hbm:s6], $0xF7A  }
0x23: {  	s9 =	sor.u32 $0xD0000000, s2;
	s6 =	simm.s32 $0x108;
	_ =	swait.ge @!p0 [sflag:s8], $0x0  }
0x24: {  	s3 =	sadd.s32 $0x88, s3;
	s6 =	simm.s32 @!p1 $0x1082;
	[sflag:s4] =	ssyncset.s32 $0xFFFFF086  }
0x25: {  	[simem:s6], [sflag:s4] =	dma.local [hbm:s3], $0xF7A  }
0x26: {  	[smem:$0x3F9F] =	sst s1;
	(tag) =	ssettag s2;
	_ =	strace s9  }
0x27: {  	s1 =	sld [smem:$0x3FAF]  }
0x28: {  	s2 =	sld [smem:$0x3FB0]  }
0x29: {  	s4 =	sld [smem:$0x3FB2]  }
0x2a: {  	p0 =	seq.s32 s5, $0x0;
	s5 =	sld [smem:$0x3FB3]  }
0x2b: {  	s6 =	sld [smem:$0x3FB4]  }
0x2c: {  	s7 =	sld [smem:$0x3FB5]  }
0x2d: {  	s3 =	simm.s32 $0x108;
	s8 =	sld [smem:$0x3FB6]  }
0x2e: {  	s3 =	simm.s32 @!p0 $0x1082;
	s9 =	sld [smem:$0x3FB7]  }
0x2f: {  	lr =	sadd.s32 s0, s3;
	s0 =	sld [smem:$0x3FAE]  }
0x30: {  	s3 =	sld [smem:$0x3FB1]  }
0x31: {  	[smem:$0x3FBA] =	sst s10  }
0x32: {  	s10 =	sld [smem:$0x3FB8];
	_ =	sdelay $0x3  }
0x33: {  	p0 =	seq.s32 s10, $0x1;
	s10 =	sld [smem:$0x3FBA];
	_ =	sdelay $0x3  }
0x34: {  	[smem:$0x3FBA] =	sst s10  }
0x35: {  	s10 =	sld [smem:$0x3FB9];
	_ =	sdelay $0x3  }
0x36: {  	p1 =	seq.s32 s10, $0x1;
	s10 =	sld [smem:$0x3FBA];
	_ =	sdelay $0x3  }
0x37: {  	[smem:$0x3FBA] =	sst s10  }
0x38: {  	s10 =	sld [smem:$0x3FBB]  }
0x39: {  	_ = 	snop;
	(pc) =	sbr.ind lr, $3  }
0x3a: {  	_ = 	snop  }
0x3b: {  	_ = 	snop  }
0x3c: {  	p2 =	seq.s32 s10, $0x1;
	s10 =	sld [smem:$0x3FBA]  }
0x3d: {  	_ =	shalt  }
0x3e: {  	_ =	shalt  }
0x3f: {  	_ =	shalt  }
0x40: {  	_ =	shalt  }
0x41: {  	_ =	shalt  }
0x42: {  	_ =	shalt  }
0x43: {  	_ =	shalt  }
0x44: {  	_ =	shalt  }
0x45: {  	_ =	shalt  }
0x46: {  	_ =	shalt  }
0x47: {  	_ =	shalt  }
0x48: {  	_ =	shalt  }
0x49: {  	_ =	shalt  }
0x4a: {  	_ =	shalt  }
0x4b: {  	_ =	shalt  }
0x4c: {  	_ =	shalt  }
0x4d: {  	_ =	shalt  }
0x4e: {  	_ =	shalt  }
0x4f: {  	_ =	shalt  }
0x50: {  	_ =	shalt  }
0x51: {  	_ =	shalt  }
0x52: {  	_ =	shalt  }
0x53: {  	_ =	shalt  }
0x54: {  	_ =	shalt  }
0x55: {  	_ =	shalt  }
0x56: {  	_ =	shalt  }
0x57: {  	_ =	shalt  }
0x58: {  	_ =	shalt  }
0x59: {  	_ =	shalt  }
0x5a: {  	_ =	shalt  }
0x5b: {  	_ =	shalt  }
0x5c: {  	_ =	shalt  }
0x5d: {  	_ =	shalt  }
0x5e: {  	_ =	shalt  }
0x5f: {  	_ =	shalt  }
0x60: {  	_ =	shalt  }
0x61: {  	_ =	shalt  }
0x62: {  	_ =	shalt  }
0x63: {  	_ =	shalt  }
0x64: {  	_ =	shalt  }
0x65: {  	_ =	shalt  }
0x66: {  	_ =	shalt  }
0x67: {  	_ =	shalt  }
0x68: {  	_ =	shalt  }
0x69: {  	_ =	shalt  }
0x6a: {  	_ =	shalt  }
0x6b: {  	_ =	shalt  }
0x6c: {  	_ =	shalt  }
0x6d: {  	_ =	shalt  }
0x6e: {  	_ =	shalt  }
0x6f: {  	_ =	shalt  }
0x70: {  	_ =	shalt  }
0x71: {  	_ =	shalt  }
0x72: {  	_ =	shalt  }
0x73: {  	_ =	shalt  }
0x74: {  	_ =	shalt  }
0x75: {  	_ =	shalt  }
0x76: {  	_ =	shalt  }
0x77: {  	_ =	shalt  }
0x78: {  	_ =	shalt  }
0x79: {  	_ =	shalt  }
0x7a: {  	_ =	shalt  }
0x7b: {  	_ =	shalt  }
0x7c: {  	_ =	shalt  }
0x7d: {  	_ =	shalt  }
0x7e: {  	_ =	shalt  }
0x7f: {  	_ =	shalt  }
0x80: {  	_ =	shalt  }
0x81: {  	_ =	shalt  }
0x82: {  	_ =	shalt  }
0x83: {  	_ =	shalt  }
0x84: {  	_ =	shalt  }
0x85: {  	_ =	shalt  }
0x86: {  	_ =	shalt  }
0x87: {  	_ =	shalt  }
.Lfunc_end0:
.L_simem_size_0:
called_computation_lowered:
.L_overlay_start_0:
0x88: {  	s2 =	sld [smem:$0x3FD9]  }
0x89: {  	s3 =	sld [smem:$0x3FFE];
	_ =	sdelay $0x1  }
0x8a: {  	s1 =	srdreg.scid  }
0x8b: {  	s0 =	sand.u32 $0x1, s1  }
0x8c: {  	s14 =	sshll.u32 s0, $0xA;
	s2 =	sadd.s32 s3, s2  }
0x8d: {  	s2 =	sadd.s32 s2, s14  }
0x8e: {  	[smem:$0x3FC6] =	sst s2  }
0x8f: {  	_ = 	snop  }
0x90: {  	s2 =	sld [smem:$0x3FD0];
	_ =	sdelay $0x2  }
0x91: {  	s4 =	simm.s32 $0xA;
	s5 =	simm.s32 $0x10;
	s15 =	sld [smem:$0x3FC9]  }
0x92: {  	[smem:s5], [sflag:s4] =	dma.local [hbm:s2], $0x1  }
0x93: {  	_ =	swait.eq [sflag:s4], $0x1  }
0x94: {  	[sflag:s4] =	ssyncset.done $0x0  }
0x95: {  	s16 =	sld [smem:$0x10];
	[sflag:s4] =	ssyncadd.s32 $0xFFFFFFFF  }
0x96: {  	s17 =	sld [smem:$0x11];
	(tm) =	ssettm $0x1  }
0x97: {  	s18 =	sld [smem:$0x3FFB];
	_ =	sdelay $0x3  }
0x98: {  	_ =	strace s18  }
0x99: {  	s5 =	sld [smem:$0x3FFC];
	_ =	sdelay $0x3  }
0x9a: {  	_ =	strace s5  }
0x9b: {  	s5 =	sld [smem:$0x3FFD];
	_ =	sdelay $0x3  }
0x9c: {  	_ =	strace s5  }
0x9d: {  	_ =	strace $0x8FFFFFFF  }
0x9e: {  	s19 =	sld [smem:$0x3FDB];
	_ =	sdelay $0x1  }
0x9f: {  	s6 =	simm.s32 $_scs_section_size  }
0xa0: {  	s7 =	simm.s32 $_size__tile_overlayer_lowered;
	s8 =	simm.s32 $_tile_overlayer_lowered  }
0xa1: {  	s22 =	simm.s32 $0x1BFF;
	s21 =	sshll.u32 s8, $0x1;
	s5 =	sadd.s32 s6, s19  }
0xa2: {  	s9 =	simm.s32 $0x0;
	s20 =	sshll.u32 s7, $0x1;
	s7 =	sadd.s32 s21, s5  }
0xa3: {  	[timem:s9], [sflag:s22] =	dma.local [hbm:s7], s20  }
0xa4: {  	_ =	swait.ge [sflag:s22], s20  }
0xa5: {  	s6 =	ssub.s32 $0x0, s20;
	[sflag:s22] =	ssyncset.done $0x0  }
0xa6: {  	[sflag:s22] =	ssyncadd.s32 s6;
	_ =	sdelay $0x1  }
0xa7: {  	s23 =	simm.s32 $0x1B8B  }
0xa8: {  	_ =	swait.ge [sflag:s23], $0x1  }
0xa9: {  	[sflag:s23] =	ssyncset.done $0x0  }
0xaa: {  	s25 =	simm.s32 $0x1B8E;
	s24 =	sld [smem:$0x3FFE];
	[sflag:s23] =	ssyncadd.s32 $0xFFFFFFFF  }
0xab: {  	s26 =	simm.s32 $execute0_lowered;
	[smem:$0x3FD2] =	sst s25  }
0xac: {  	s7 =	sshll.u32 s26, $0x1;
	_ =	strace $0x80000046;
	[dreg:$0x1] =	wrdreg $0xFFFFFFFF  }
0xad: {  	s28 =	simm.s32 $_size_execute0_lowered;
	s5 =	sadd.s32 s5, s7;
	[dreg:$0x0] =	wrdreg $0x0  }
0xae: {  	s7 =	sshll.u32 s28, $0x1;
	[dreg:$0x2] =	wrdreg s5  }
0xaf: {  	[dreg:$0x3] =	wrdreg s7  }
0xb0: {  	[dreg:$0x4] =	wrdreg $0xC0  }
0xb1: {  	_ =	task [dreg:s9], $0x5FFFF  }
0xb2: {  	[dreg:$0x1] =	wrdreg $0xFFFFFFFF  }
0xb3: {  	[dreg:$0x0] =	wrdreg $0x60  }
0xb4: {  	[dreg:$0x2] =	wrdreg s15  }
0xb5: {  	[dreg:$0x3] =	wrdreg s17  }
0xb6: {  	[dreg:$0x4] =	wrdreg s24  }
0xb7: {  	[dreg:$0x5] =	wrdreg s16  }
0xb8: {  	[dreg:$0x6] =	wrdreg $0x103000  }
0xb9: {  	[dreg:$0x7] =	wrdreg $0x1C3000  }
0xba: {  	[dreg:$0x8] =	wrdreg $0x9  }
0xbb: {  	_ =	task.clear_ibuf [dreg:s9], $0x9FFFF;
	_ =	strace $0x90000046  }
0xbc: {  	s29 =	simm.s32 $0x9;
	_ =	strace $0x80000048  }
0xbd: {  	_ =	swait.ge [sflag:s29], $0x1  }
0xbe: {  	[sflag:s29] =	ssyncadd.s32 $0xFFFFFFFF  }
0xbf: {  	_ =	strace $0x90000048  }
0xc0: {  	_ =	sfence  }
0xc1: {  	s30 =	sld [smem:$0x0];
	_ =	sdelay $0x2  }
0xc2: {  	s31 =	sshll.u32 s1, $0xD;
	s1 =	sshrl.u32 s1, $0x2  }
0xc3: {  	s3 =	sand.u32 $0x4000, s31;
	s1 =	sadd.s32 s1, s30  }
0xc4: {  	s0 =	sor.u32 s3, s0;
	s1 =	sshll.u32 s1, $0x11  }
0xc5: {  	s0 =	sor.u32 s1, s0  }
0xc6: {  	s0 =	sadd.s32 $0x8F2B, s0  }
0xc7: {  	[sflag:s0] =	ssyncadd.remote.s32 $0x1  }
0xc8: {  	_ =	sfence.sel $0xFFFF  }
0xc9: {  	[dreg:$0x0] =	wrdreg $0xFFFFFFFF;
	(pc) =	sbr.abs _section_cstart, $3  }
0xca: {  	[dreg:$0x1] =	wrdreg $0xFFFFFFFF  }
0xcb: {  	_ =	task.clear_ibuf [dreg:s9], $0x2FFFF;
	_ =	strace $0x9FFFFFFF  }
0xcc: {  	(tm) =	ssettm $0x7FFFFFFF  }
0xcd: {  	_ =	shalt  }
tec
execute0_lowered:
.L_overlay_start_1:
0x0: {  	(tag) =	ssettag $0x1  }
0x1: {  	s14 =	rddreg [dreg:$0x0]  }
0x2: {  	s1 =	rddreg [dreg:$0x1]  }
0x3: {  	s7 =	rddreg [dreg:$0x2]  }
0x4: {  	s2 =	srdreg.scid;
	s3 =	rddreg [dreg:$0x3]  }
0x5: {  	s0 =	stileid.u32;
	s5 =	rddreg [dreg:$0x5];
	s6 =	simm.s32 $0x0  }
0x6: {  	s28 =	simm.s32 $0x3400;
	s30 =	simm.s32 $0x6500;
	s10 =	smul.u32 $0x1880, s0  }
0x7: {  	s31 =	simm.s32 $0x9880;
	s2 =	sand.u32 $0x1, s2;
	s24 =	smul.u32 $0x1800, s0  }
0x8: {  	s4 =	sshll.u32 s0, $0x1;
	[smem:$0x7FF] =	sst s6;
	s29 =	smul.u32 $0x30000, s0  }
0x9: {  	s18 =	sshll.u32 s0, $0xE;
	s19 =	sshll.u32 s0, $0xB;
	s8 =	sor.u32 s2, s4  }
0xa: {  	s4 =	rddreg [dreg:$0x4];
	s11 =	smul.u32 $0x18800, s2;
	_ =	strace $0x80000047  }
0xb: {  	s13 =	ssub.s32 $0x2, s2;
	s2 =	smul.u32 $0x3100, s2;
	s15 =	sadd.s32 s10, s5  }
0xc: {  	s9 =	smul.u32 $0x3100, s8;
	s23 =	sadd.s32 $0x310, s15;
	[dreg:$0x8] =	wrdreg s15  }
0xd: {  	s8 =	smul.u32 $0x680, s8;
	s25 =	sadd.s32 $0x620, s15;
	[dreg:$0xa] =	wrdreg s23  }
0xe: {  	s21 =	sshrl.u32 s13, $0x1;
	s26 =	sadd.s32 $0x930, s15;
	[dreg:$0xb] =	wrdreg s25  }
0xf: {  	s11 =	sadd.s32 s10, s11;
	s10 =	sadd.s32 $0xC40, s15;
	[dreg:$0xc] =	wrdreg s26  }
0x10: {  	s16 =	sadd.s32 $0x1260, s15;
	s17 =	sadd.s32 $0x1570, s15;
	[dreg:$0xd] =	wrdreg s10  }
0x11: {  	s12 =	sshrl.u32 s9, $0x3;
	s11 =	sshrl.u32 s11, $0x3;
	[dreg:$0xf] =	wrdreg s16  }
0x12: {  	s1 =	sadd.s32 s1, s8;
	s8 =	sshrl.u32 s29, $0x2;
	[dreg:$0x10] =	wrdreg s17  }
0x13: {  	s25 =	sadd.s32 $0x34000, s4;
	s29 =	sadd.s32 $0x186800, s14;
	[dreg:$0x7] =	wrdreg s1  }
0x14: {  	s23 =	sadd.s32 s19, s14;
	v0 =	vmov s9;
	s9 =	simm.s32 $0xD400;
	[dreg:$0x19] =	wrdreg s29  }
0x15: {  	s12 =	sadd.s32 s12, s7;
	s1 =	sadd.s32 s18, s4;
	[dreg:$0x14] =	wrdreg s25  }
0x16: {  	s7 =	sadd.s32 s11, s7;
	s20 =	sadd.s32 s8, s4;
	[dreg:$0x15] =	wrdreg s1  }
0x17: {  	s11 =	ssub.s32 s13, s21;
	s21 =	sadd.s32 s14, s24;
	[dreg:$0x11] =	wrdreg s20  }
0x18: {  	s10 =	simm.s32 $0x4;
	s22 =	sadd.s32 $0xC00, s12;
	[dreg:$0x12] =	wrdreg s21  }
0x19: {  	s13 =	smul.u32 $0x6200, s0;
	s12 =	sadd.s32 $0xF50, s15;
	[dreg:$0x9] =	wrdreg s22  }
.Ltmp0:
0x1a: {  	s1 =	sadd.s32 $0x180000, s23;
	[dreg:$0xe] =	wrdreg s12;
	(pc) =	sbr.rel .LBB2_1-.Ltmp0, $4  }
0x1b: {  	s24 =	sadd.s32 $0xD000, s7;
	s26 =	smax.u32 s11, $0x1;
	[dreg:$0x16] =	wrdreg s1  }
0x1c: {  	s7 =	simm.s32 $0xCC00;
	s22 =	sadd.s32 s2, s13;
	[dreg:$0x17] =	wrdreg s24  }
0x1d: {  	v1 =	vimm.s32 $0x0;
	[dreg:$0x18] =	wrdreg s26;
	s26 =	simm.s32 $0x7;
	s2 =	simm.s32 $0x80  }
0x1e: {  	v2 =	vimm.s32 $0x1;
	v3 =	vlaneseq.u32;
	v4 =	vimm.f32 $0.0e+00;
	s1 =	simm.s32 $0x10280;
	s13 =	simm.s32 $0x0;
	[dreg:$0x13] =	wrdreg s22  }
.LBB2_20:
0x1f: {  	_ =	sdelay $0x2  }
0x20: {  	[sflag:s10] =	ssyncadd.s32 @p0 $0xFFFFF800  }
0x21: {  	v5 =	vld.idx.msk [tilespmem:v5+s31+$0x0], $0xffff;
	_ =	sdelay $0x3  }
0x22: {  	v6 =	vor.u32 s8, v3;
	_ =	sdelay $0x2  }
0x23: {  	vm0 =	vmmov $0xffff  }
0x24: {  	[hbm4b:s3+s6] =	stream.indirect_vreg.scatter [tilespmem:s7], [sflag:$0x4], $0x80, v5, vm0, $0xb8;
	[tilespmem:$0x1DB80] =	vst v63  }
0x25: {  	v5 =	vld.idx.msk [tilespmem:v6+s31+$0x0], $0xffff;
	_ =	sdelay $0x7  }
0x26: {  	[hbm4b:s3+s6] =	stream.indirect_vreg.scatter [tilespmem:s9], [sflag:$0x4], $0x80, v5, vm0, $0xb8;
	[tilespmem:$0x1DB80] =	vst v63  }
0x27: {  	_ =	swait.ge [sflag:s10], $0x800  }
0x28: {  	[sflag:s10] =	ssyncset.done $0x0  }
0x29: {  	[sflag:s10] =	ssyncadd.s32 $0xFFFFF800  }
0x2a: {  	_ =	swait.ge [sflag:s10], $0x800  }
0x2b: {  	[sflag:s10] =	ssyncset.done $0x0  }
0x2c: {  	s13 =	rddreg [dreg:$0x1a];
	[sflag:s10] =	ssyncadd.s32 $0xFFFFF800  }
.LBB2_21:
0x2d: {  	v5 =	vld [tilespmem:$0x3400];
	_ =	sdelay $0x4  }
0x2e: {  	(v2sf) =	vpush v5, $0x0;
	_ =	sdelay $0xe  }
0x2f: {  	s8 =	spop (v2sf)  }
0x30: {  	p0 =	slt.s32 s8, $0x186A0  }
0x31: {  	v5 =	vbroadcast @p0 v5, $0x0;
	_ =	sdelay $0x4  }
0x32: {  	s12 =	rddreg [dreg:$0x0];
	vm0 =	vmmov @p0 $0xffff;
	s8 =	simm.s32 @p0 $0x0;
	s11 =	simm.s32 @p0 $0xDC00  }
0x33: {  	[tilespmem:s11], [sflag:$0x2] =	stream.indirect_vreg.gather @p0 [hbm4b:s12+s8], $0x80, v5, vm0, $0xb8;
	[tilespmem:$0x1DB80] =	vst v63  }
0x34: {  	s12 =	simm.s32 @p0 $0x2  }
0x35: {  	_ =	swait.ge @p0 [sflag:s12], $0x800  }
0x36: {  	[sflag:s12] =	ssyncset.done @p0 $0x0  }
0x37: {  	[sflag:s12] =	ssyncadd.s32 @p0 $0xFFFFF800  }
0x38: {  	[hbm4b:s3+s8] =	stream.indirect_vreg.scatter @p0 [tilespmem:s11], [sflag:$0x5], $0x80, v0, vm0, $0xb8;
	[tilespmem:$0x1DB80] =	vst v63  }
0x39: {  	vm0 =	vmmov @!p0 $0xffff;
	s8 =	simm.s32 @!p0 $0x0;
	s11 =	simm.s32 @!p0 $0xCC00  }
0x3a: {  	[hbm4b:s3+s8] =	stream.indirect_vreg.scatter @!p0 [tilespmem:s11], [sflag:$0x4], $0x80, v0, vm0, $0xb8;
	[tilespmem:$0x1DB80] =	vst v63  }
0x3b: {  	s8 =	simm.s32 @!p0 $0x4  }
0x3c: {  	s8 =	simm.s32 @p0 $0x5  }
0x3d: {  	_ =	swait.ge [sflag:s8], $0x800  }
0x3e: {  	[sflag:s8] =	ssyncset.done $0x0  }
0x3f: {  	[sflag:s8] =	ssyncadd.s32 $0xFFFFF800  }
0x40: {  	s23 =	sshll.u32 s0, $0x6;
	[bflag:$0x0] =	sbarrier.arrive $0xFFFF  }
0x41: {  	s24 =	sshrl.u32 s15, $0x3;
	s8 =	sor.u32 $0x1C07, s23;
	s25 =	rddreg [dreg:$0x17]  }
0x42: {  	[hbm:s25], [sflag:s8] =	dma.local [spmem:s24], $0x310  }
0x43: {  	_ =	swait.ge [sflag:s26], $0x310  }
0x44: {  	s13 =	sadd.s32 $0x1, s13;
	s29 =	rddreg [dreg:$0x18]  }
0x45: {  	p0 =	sne.s32 s13, s29  }
.Ltmp1:
0x46: {  	_ = 	snop;
	(pc) =	sbr.rel @!p0 .LBB2_22-.Ltmp1, $3  }
0x47: {  	_ =	sdelay $0x1  }
0x48: {  	[sflag:s26] =	ssyncset.done $0x0  }
0x49: {  	[sflag:s26] =	ssyncadd.s32 $0xFFFFFCF0  }
.LBB2_1:
0x4a: {  	[dreg:$0x1a] =	wrdreg s13  }
0x4b: {  	s8 =	rddreg [dreg:$0x7]  }
0x4c: {  	[tilespmem:s6], [sflag:$0x7] =	stream.linear.gather [hbm4b:s8+s6], $0x3100, $0x38;
	[tilespmem:$0x1DB80] =	vst v63  }
0x4d: {  	_ =	swait.ge [sflag:s26], $0x3100  }
0x4e: {  	[sflag:s26] =	ssyncset.done $0x0  }
0x4f: {  	s29 =	rddreg [dreg:$0x9];
	[sflag:s26] =	ssyncadd.s32 $0xFFFFCF00  }
0x50: {  	[tilespmem:s28], [sflag:$0x7] =	stream.linear.gather [hbm4b:s29+s6], $0x3100, $0x38;
	[tilespmem:$0x1DB80] =	vst v63  }
0x51: {  	_ =	swait.ge [sflag:s26], $0x3100  }
0x52: {  	[sflag:s26] =	ssyncset.done $0x0  }
0x53: {  	[sflag:s26] =	ssyncadd.s32 $0xFFFFCF00  }
0x54: {  	[tilespmem:$0xFC00] =	vst v1  }
0x55: {  	[tilespmem:$0xFC10] =	vst v1  }
0x56: {  	[tilespmem:$0xFC20] =	vst v1  }
0x57: {  	[tilespmem:$0xFC30] =	vst v1  }
0x58: {  	[tilespmem:$0xFC40] =	vst v1  }
0x59: {  	[tilespmem:$0xFC50] =	vst v1  }
0x5a: {  	[tilespmem:$0xFC60] =	vst v1  }
0x5b: {  	[tilespmem:$0xFC70] =	vst v1  }
0x5c: {  	[tilespmem:$0xFC80] =	vst v1  }
0x5d: {  	[tilespmem:$0xFC90] =	vst v1  }
0x5e: {  	[tilespmem:$0xFCA0] =	vst v1  }
0x5f: {  	[tilespmem:$0xFCB0] =	vst v1  }
0x60: {  	[tilespmem:$0xFCC0] =	vst v1  }
0x61: {  	[tilespmem:$0xFCD0] =	vst v1  }
0x62: {  	[tilespmem:$0xFCE0] =	vst v1  }
0x63: {  	[tilespmem:$0xFCF0] =	vst v1  }
0x64: {  	[tilespmem:$0xFD00] =	vst v1  }
0x65: {  	[tilespmem:$0xFD10] =	vst v1  }
0x66: {  	[tilespmem:$0xFD20] =	vst v1  }
0x67: {  	[tilespmem:$0xFD30] =	vst v1  }
0x68: {  	[tilespmem:$0xFD40] =	vst v1  }
0x69: {  	[tilespmem:$0xFD50] =	vst v1  }
0x6a: {  	[tilespmem:$0xFD60] =	vst v1  }
0x6b: {  	[tilespmem:$0xFD70] =	vst v1  }
0x6c: {  	[tilespmem:$0xFD80] =	vst v1  }
0x6d: {  	[tilespmem:$0xFD90] =	vst v1  }
0x6e: {  	[tilespmem:$0xFDA0] =	vst v1  }
0x6f: {  	[tilespmem:$0xFDB0] =	vst v1  }
0x70: {  	[tilespmem:$0xFDC0] =	vst v1  }
0x71: {  	[tilespmem:$0xFDD0] =	vst v1  }
0x72: {  	[tilespmem:$0xFDE0] =	vst v1  }
0x73: {  	[tilespmem:$0xFDF0] =	vst v1  }
0x74: {  	[tilespmem:$0xFE00] =	vst v1  }
0x75: {  	[tilespmem:$0xFE10] =	vst v1  }
0x76: {  	[tilespmem:$0xFE20] =	vst v1  }
0x77: {  	[tilespmem:$0xFE30] =	vst v1  }
0x78: {  	[tilespmem:$0xFE40] =	vst v1  }
0x79: {  	[tilespmem:$0xFE50] =	vst v1  }
0x7a: {  	[tilespmem:$0xFE60] =	vst v1  }
0x7b: {  	[tilespmem:$0xFE70] =	vst v1  }
0x7c: {  	[tilespmem:$0xFE80] =	vst v1  }
0x7d: {  	[tilespmem:$0xFE90] =	vst v1  }
0x7e: {  	[tilespmem:$0xFEA0] =	vst v1  }
0x7f: {  	[tilespmem:$0xFEB0] =	vst v1  }
0x80: {  	[tilespmem:$0xFEC0] =	vst v1  }
0x81: {  	[tilespmem:$0xFED0] =	vst v1  }
0x82: {  	[tilespmem:$0xFEE0] =	vst v1  }
0x83: {  	[tilespmem:$0xFEF0] =	vst v1  }
0x84: {  	[tilespmem:$0xFF00] =	vst v1  }
0x85: {  	[tilespmem:$0x10280] =	vst v2  }
0x86: {  	[tilespmem:$0x10290] =	vst v2  }
0x87: {  	[tilespmem:$0x102A0] =	vst v2  }
0x88: {  	[tilespmem:$0x102B0] =	vst v2  }
0x89: {  	[tilespmem:$0x102C0] =	vst v2  }
0x8a: {  	[tilespmem:$0x102D0] =	vst v2  }
0x8b: {  	[tilespmem:$0x102E0] =	vst v2  }
0x8c: {  	s12 =	simm.s32 $0x0;
	s8 =	simm.s32 $0x40;
	[tilespmem:$0x102F0] =	vst v2  }
.LBB2_2:
0x8d: {  	p0 =	sne.s32 s8, $0xCD40;
	[tilespmem:s12+$0x6500] =	vst v1;
	s13 =	smov.u32 s8;
	s8 =	sadd.s32 $0x40, s8  }
.Ltmp2:
0x8e: {  	[tilespmem:s12+$0x9880] =	vst v0;
	(pc) =	sbr.rel @p0 .LBB2_2-.Ltmp2, $2  }
0x8f: {  	_ =	sdelay $0x2  }
0x90: {  	s12 =	sshra.s32 s13, $0x2  }
0x91: {  	[tilespmem:s12+$0x6500] =	vst v1  }
0x92: {  	[tilespmem:s12+$0x9880] =	vst v0;
	s11 =	simm.s32 $0xFC00  }
0x93: {  	[spmem:s15] =	stream.linear.scatter [tilespmem:s11], [sflag:$0x7], $0x310, $0x38;
	[tilespmem:$0x1DB80] =	vst v63  }
0x94: {  	_ =	swait.ge [sflag:s26], $0x310  }
0x95: {  	[sflag:s26] =	ssyncset.done $0x0  }
0x96: {  	s8 =	rddreg [dreg:$0xa];
	[sflag:s26] =	ssyncadd.s32 $0xFFFFFCF0  }
0x97: {  	[spmem:s8] =	stream.linear.scatter [tilespmem:s11], [sflag:$0x7], $0x310, $0x38;
	[tilespmem:$0x1DB80] =	vst v63  }
0x98: {  	_ =	swait.ge [sflag:s26], $0x310  }
0x99: {  	[sflag:s26] =	ssyncset.done $0x0  }
0x9a: {  	s19 =	rddreg [dreg:$0xb];
	[sflag:s26] =	ssyncadd.s32 $0xFFFFFCF0  }
0x9b: {  	[spmem:s19] =	stream.linear.scatter [tilespmem:s11], [sflag:$0x7], $0x310, $0x38;
	[tilespmem:$0x1DB80] =	vst v63  }
0x9c: {  	_ =	swait.ge [sflag:s26], $0x310  }
0x9d: {  	[sflag:s26] =	ssyncset.done $0x0  }
0x9e: {  	s20 =	rddreg [dreg:$0xc];
	[sflag:s26] =	ssyncadd.s32 $0xFFFFFCF0  }
0x9f: {  	[spmem:s20] =	stream.linear.scatter [tilespmem:s11], [sflag:$0x7], $0x310, $0x38;
	[tilespmem:$0x1DB80] =	vst v63  }
0xa0: {  	_ =	swait.ge [sflag:s26], $0x310  }
0xa1: {  	[sflag:s26] =	ssyncset.done $0x0  }
0xa2: {  	s21 =	rddreg [dreg:$0xd];
	[sflag:s26] =	ssyncadd.s32 $0xFFFFFCF0  }
0xa3: {  	[spmem:s21] =	stream.linear.scatter [tilespmem:s11], [sflag:$0x7], $0x310, $0x38;
	[tilespmem:$0x1DB80] =	vst v63  }
0xa4: {  	_ =	swait.ge [sflag:s26], $0x310  }
0xa5: {  	[sflag:s26] =	ssyncset.done $0x0  }
0xa6: {  	s22 =	rddreg [dreg:$0xe];
	[sflag:s26] =	ssyncadd.s32 $0xFFFFFCF0  }
0xa7: {  	[spmem:s22] =	stream.linear.scatter [tilespmem:s11], [sflag:$0x7], $0x310, $0x38;
	[tilespmem:$0x1DB80] =	vst v63  }
0xa8: {  	_ =	swait.ge [sflag:s26], $0x310  }
0xa9: {  	[sflag:s26] =	ssyncset.done $0x0  }
0xaa: {  	s23 =	rddreg [dreg:$0xf];
	[sflag:s26] =	ssyncadd.s32 $0xFFFFFCF0  }
0xab: {  	[spmem:s23] =	stream.linear.scatter [tilespmem:s11], [sflag:$0x7], $0x310, $0x38;
	[tilespmem:$0x1DB80] =	vst v63  }
0xac: {  	_ =	swait.ge [sflag:s26], $0x310  }
0xad: {  	[sflag:s26] =	ssyncset.done $0x0  }
0xae: {  	s24 =	rddreg [dreg:$0x10];
	[sflag:s26] =	ssyncadd.s32 $0xFFFFFCF0  }
0xaf: {  	[spmem:s24] =	stream.linear.scatter [tilespmem:s11], [sflag:$0x7], $0x310, $0x38;
	[tilespmem:$0x1DB80] =	vst v63  }
0xb0: {  	_ =	swait.ge [sflag:s26], $0x310  }
0xb1: {  	[sflag:s26] =	ssyncset.done $0x0  }
0xb2: {  	v7 =	vimm.s32 $0x0;
	[sflag:s26] =	ssyncadd.s32 $0xFFFFFCF0  }
0xb3: {  	[tilespmem:$0xFF80] =	vst v7  }
0xb4: {  	[tilespmem:$0xFF90] =	vst v7  }
0xb5: {  	[tilespmem:$0xFFA0] =	vst v7  }
0xb6: {  	[tilespmem:$0xFFB0] =	vst v7  }
0xb7: {  	[tilespmem:$0xFFC0] =	vst v7  }
0xb8: {  	[tilespmem:$0xFFD0] =	vst v7  }
0xb9: {  	[tilespmem:$0xFFE0] =	vst v7  }
0xba: {  	[tilespmem:$0xFFF0] =	vst v7  }
0xbb: {  	[tilespmem:$0x10000] =	vst v7  }
0xbc: {  	[tilespmem:$0x10010] =	vst v7  }
0xbd: {  	[tilespmem:$0x10020] =	vst v7  }
0xbe: {  	[tilespmem:$0x10030] =	vst v7  }
0xbf: {  	s25 =	simm.s32 $0x0;
	[tilespmem:$0x10040] =	vst v7  }
0xc0: {  	v5 =	vor.u32 s25, v3;
	[tilespmem:$0x10050] =	vst v7  }
0xc1: {  	[tilespmem:$0x10060] =	vst v7  }
0xc2: {  	[tilespmem:$0x10070] =	vst v7  }
0xc3: {  	[tilespmem:$0x10080] =	vst v7  }
0xc4: {  	[tilespmem:$0x10090] =	vst v7  }
0xc5: {  	v5 =	vld.idx.msk [tilespmem:v5+s28+$0x0], $0xffff;
	_ =	sdelay $0x4  }
0xc6: {  	v6 =	vshra.s32 v5, $0xB  }
0xc7: {  	v6 =	vmul.u32 $0x2AB, v6;
	_ =	sdelay $0x1  }
0xc8: {  	vm0 =	vgt.s32 v5, $0x1869F;
	v6 =	vshra.s32 v6, $0xB  }
0xc9: {  	v5 =	vsel vm0, $0x11, v6  }
0xca: {  	vm0 =	veq.s32 v5, $0x0;
	vm1 =	veq.s32 v5, $0x1  }
0xcb: {  	vm2 =	veq.s32 v5, $0x2;
	vm13 =	veq.s32 v5, $0x3;
	vm14 =	veq.s32 v5, $0x4  }
0xcc: {  	vm15 =	veq.s32 v5, $0x5;
	vm4 =	veq.s32 v5, $0x6;
	v6 =	vmpcnt.ones.xlane vm0  }
0xcd: {  	vm5 =	veq.s32 v5, $0x7;
	vm6 =	veq.s32 v5, $0x8;
	v8 =	vmpcnt.ones.xlane vm1  }
0xce: {  	v9 =	vmpcnt.ones.xlane vm2;
	v17 =	vadd.s32 v7, v6;
	v6 =	vmpcnt.ones.xlane vm14  }
0xcf: {  	vm7 =	veq.s32 v5, $0x9;
	v10 =	vmpcnt.ones.xlane vm13;
	v18 =	vadd.s32 v7, v8;
	[tilespmem:$0xFF80] =	vst v17  }
0xd0: {  	v20 =	vadd.s32 v7, v9;
	[tilespmem:$0xFF90] =	vst v18;
	v14 =	vadd.s32 v7, v6;
	v6 =	vmpcnt.ones.xlane vm15  }
0xd1: {  	v21 =	vadd.s32 v7, v10;
	v8 =	vmpcnt.ones.xlane vm4;
	v9 =	vmpcnt.ones.xlane vm6;
	[tilespmem:$0xFFA0] =	vst v20  }
0xd2: {  	vm8 =	veq.s32 v5, $0xA;
	[tilespmem:$0xFFB0] =	vst v21;
	v16 =	vadd.s32 v7, v6;
	v6 =	vmpcnt.ones.xlane vm5  }
0xd3: {  	vm10 =	veq.s32 v5, $0xC;
	v22 =	vadd.s32 v7, v8;
	v15 =	vadd.s32 v7, v9;
	[tilespmem:$0xFFC0] =	vst v14  }
0xd4: {  	v8 =	vmpcnt.ones.xlane vm8;
	[tilespmem:$0xFFE0] =	vst v22;
	v19 =	vadd.s32 v7, v6;
	v6 =	vmpcnt.ones.xlane vm7  }
0xd5: {  	vm9 =	veq.s32 v5, $0xB;
	v9 =	vmpcnt.ones.xlane vm10;
	[tilespmem:$0x10000] =	vst v15  }
0xd6: {  	v12 =	vadd.s32 v7, v8;
	[tilespmem:$0xFFD0] =	vst v16;
	v13 =	vadd.s32 v7, v6;
	v6 =	vmpcnt.ones.xlane vm9  }
0xd7: {  	vm11 =	veq.s32 v5, $0xD;
	v8 =	vadd.s32 v7, v9;
	[tilespmem:$0x10020] =	vst v12  }
0xd8: {  	vm12 =	veq.s32 v5, $0xE;
	[tilespmem:$0x10040] =	vst v8;
	v11 =	vadd.s32 v7, v6;
	v6 =	vmpcnt.ones.xlane vm11  }
0xd9: {  	vm13 =	veq.s32 v5, $0xF;
	v10 =	vmpcnt.ones.xlane vm12;
	vm14 =	veq.s32 v5, $0x10;
	[tilespmem:$0xFFF0] =	vst v19  }
0xda: {  	s29 =	simm.s32 $0x10;
	v24 =	vmpcnt.ones.xlane vm14;
	[tilespmem:$0x10010] =	vst v13;
	v9 =	vadd.s32 v7, v6;
	v6 =	vmpcnt.ones.xlane vm13  }
0xdb: {  	v23 =	vor.u32 s29, v3;
	v10 =	vadd.s32 v7, v10;
	vm15 =	veq.s32 v5, $0x11;
	[tilespmem:$0x10030] =	vst v11  }
0xdc: {  	s12 =	simm.s32 $0x20;
	v5 =	vadd.s32 v7, v24;
	v24 =	vmpcnt.ones.xlane vm15;
	[tilespmem:$0x10050] =	vst v9;
	v6 =	vadd.s32 v7, v6  }
.LBB2_4:
0xdd: {  	p0 =	sne.s32 s12, $0x30F0;
	[tilespmem:$0x10060] =	vst v10  }
0xde: {  	[tilespmem:$0x10070] =	vst v6;
	v7 =	vadd.s32 v7, v24  }
0xdf: {  	[tilespmem:$0x10080] =	vst v5  }
0xe0: {  	[tilespmem:$0x10090] =	vst v7  }
0xe1: {  	v23 =	vld.idx.msk [tilespmem:v23+s28+$0x0], $0xffff;
	_ =	sdelay $0x5  }
0xe2: {  	v24 =	vshra.s32 v23, $0xB  }
0xe3: {  	v24 =	vmul.u32 $0x2AB, v24;
	_ =	sdelay $0x1  }
0xe4: {  	vm0 =	vgt.s32 v23, $0x1869F;
	v24 =	vshra.s32 v24, $0xB  }
0xe5: {  	v24 =	vsel vm0, $0x11, v24  }
0xe6: {  	vm0 =	veq.s32 v24, $0x0;
	vm1 =	veq.s32 v24, $0x1;
	vm2 =	veq.s32 v24, $0x2  }
0xe7: {  	v23 =	vmpcnt.ones.xlane vm0;
	v25 =	vmpcnt.ones.xlane vm1;
	vm0 =	veq.s32 v24, $0x3  }
0xe8: {  	v26 =	vmpcnt.ones.xlane vm2;
	v27 =	vmpcnt.ones.xlane vm0;
	vm0 =	veq.s32 v24, $0x4  }
0xe9: {  	v17 =	vadd.s32 v17, v23;
	v18 =	vadd.s32 v18, v25;
	v23 =	vmpcnt.ones.xlane vm0  }
0xea: {  	v20 =	vadd.s32 v20, v26;
	vm0 =	veq.s32 v24, $0x5;
	v21 =	vadd.s32 v21, v27;
	[tilespmem:$0xFF80] =	vst v17  }
0xeb: {  	v14 =	vadd.s32 v14, v23;
	v23 =	vmpcnt.ones.xlane vm0;
	vm0 =	veq.s32 v24, $0x6;
	[tilespmem:$0xFF90] =	vst v18  }
0xec: {  	vm1 =	veq.s32 v24, $0x8;
	v25 =	vmpcnt.ones.xlane vm0;
	vm0 =	veq.s32 v24, $0x7;
	[tilespmem:$0xFFA0] =	vst v20  }
0xed: {  	v26 =	vmpcnt.ones.xlane vm1;
	v16 =	vadd.s32 v16, v23;
	v23 =	vmpcnt.ones.xlane vm0;
	[tilespmem:$0xFFB0] =	vst v21  }
0xee: {  	vm1 =	veq.s32 v24, $0xA;
	vm0 =	veq.s32 v24, $0x9;
	v22 =	vadd.s32 v22, v25;
	[tilespmem:$0xFFC0] =	vst v14  }
0xef: {  	v15 =	vadd.s32 v15, v26;
	v19 =	vadd.s32 v19, v23;
	v23 =	vmpcnt.ones.xlane vm0;
	[tilespmem:$0xFFD0] =	vst v16  }
0xf0: {  	v25 =	vmpcnt.ones.xlane vm1;
	vm1 =	veq.s32 v24, $0xC;
	vm0 =	veq.s32 v24, $0xB;
	[tilespmem:$0xFFE0] =	vst v22  }
0xf1: {  	v26 =	vmpcnt.ones.xlane vm1;
	v13 =	vadd.s32 v13, v23;
	v23 =	vmpcnt.ones.xlane vm0;
	[tilespmem:$0xFFF0] =	vst v19  }
0xf2: {  	vm1 =	veq.s32 v24, $0xE;
	v12 =	vadd.s32 v12, v25;
	vm0 =	veq.s32 v24, $0xD;
	[tilespmem:$0x10000] =	vst v15  }
.Ltmp3:
0xf3: {  	v8 =	vadd.s32 v8, v26;
	v11 =	vadd.s32 v11, v23;
	v23 =	vmpcnt.ones.xlane vm0;
	[tilespmem:$0x10010] =	vst v13;
	(pc) =	sbr.rel @p0 .LBB2_4-.Ltmp3, $4  }
0xf4: {  	v25 =	vmpcnt.ones.xlane vm1;
	vm1 =	veq.s32 v24, $0x10;
	vm0 =	veq.s32 v24, $0xF;
	[tilespmem:$0x10020] =	vst v12  }
0xf5: {  	v27 =	vmpcnt.ones.xlane vm1;
	v26 =	vmpcnt.ones.xlane vm0;
	v9 =	vadd.s32 v9, v23;
	[tilespmem:$0x10030] =	vst v11  }
0xf6: {  	v10 =	vadd.s32 v10, v25;
	vm0 =	veq.s32 v24, $0x11;
	v23 =	vor.u32 s12, v3;
	[tilespmem:$0x10040] =	vst v8  }
0xf7: {  	v5 =	vadd.s32 v5, v27;
	s12 =	sadd.s32 $0x10, s12;
	v24 =	vmpcnt.ones.xlane vm0;
	v6 =	vadd.s32 v6, v26;
	[tilespmem:$0x10050] =	vst v9  }
0xf8: {  	[tilespmem:$0x10060] =	vst v10  }
0xf9: {  	[tilespmem:$0x10070] =	vst v6  }
0xfa: {  	[tilespmem:$0x10080] =	vst v5;
	v7 =	vadd.s32 v7, v24  }
0xfb: {  	[tilespmem:$0x10090] =	vst v7  }
0xfc: {  	v23 =	vld.idx.msk [tilespmem:v23+s28+$0x0], $0xffff;
	_ =	sdelay $0x4  }
0xfd: {  	v33 =	vshra.s32 v23, $0xB  }
0xfe: {  	v24 =	vmul.u32 $0x2AB, v33;
	_ =	sdelay $0x1  }
0xff: {  	vm0 =	vgt.s32 v23, $0x1869F;
	v24 =	vshra.s32 v24, $0xB  }
0x100: {  	v23 =	vsel vm0, $0x11, v24  }
0x101: {  	vm0 =	veq.s32 v23, $0x0;
	vm1 =	veq.s32 v23, $0x1  }
0x102: {  	vm2 =	veq.s32 v23, $0x2;
	vm13 =	veq.s32 v23, $0x3;
	vm14 =	veq.s32 v23, $0x4  }
0x103: {  	vm15 =	veq.s32 v23, $0x5;
	vm4 =	veq.s32 v23, $0x6;
	vm5 =	veq.s32 v23, $0x7  }
0x104: {  	vm6 =	veq.s32 v23, $0x8;
	vm7 =	veq.s32 v23, $0x9;
	v25 =	vmpcnt.ones.xlane vm1  }
0x105: {  	vm8 =	veq.s32 v23, $0xA;
	vm9 =	veq.s32 v23, $0xB;
	v26 =	vmpcnt.ones.xlane vm2  }
0x106: {  	vm10 =	veq.s32 v23, $0xC;
	v27 =	vmpcnt.ones.xlane vm13;
	v18 =	vadd.s32 v18, v25  }
0x107: {  	vm11 =	veq.s32 v23, $0xD;
	v35 =	vmpcnt.ones.xlane vm14;
	v20 =	vadd.s32 v20, v26;
	[tilespmem:$0xFF90] =	vst v18  }
0x108: {  	vm12 =	veq.s32 v23, $0xE;
	v36 =	vmpcnt.ones.xlane vm15;
	v21 =	vadd.s32 v21, v27;
	[tilespmem:$0xFFA0] =	vst v20;
	v39 =	vld [tilespmem:$0xFF90]  }
0x109: {  	v34 =	vmpcnt.ones.xlane vm0;
	v37 =	vmpcnt.ones.xlane vm4;
	v14 =	vadd.s32 v14, v35;
	[tilespmem:$0xFFB0] =	vst v21;
	v42 =	vld [tilespmem:$0xFFA0]  }
0x10a: {  	v38 =	vmpcnt.ones.xlane vm5;
	v40 =	vmpcnt.ones.xlane vm6;
	v16 =	vadd.s32 v16, v36;
	[tilespmem:$0xFFC0] =	vst v14;
	v44 =	vld [tilespmem:$0xFFB0]  }
0x10b: {  	v45 =	vmpcnt.ones.xlane vm7;
	v17 =	vadd.s32 v17, v34;
	v41 =	vadd.s32 v22, v37;
	[tilespmem:$0xFFD0] =	vst v16;
	v47 =	vld [tilespmem:$0xFFC0]  }
0x10c: {  	v46 =	vmpcnt.ones.xlane vm8;
	v43 =	vadd.s32 v19, v38;
	[tilespmem:$0xFFE0] =	vst v41;
	(v2sf) =	vpush v17, $0x0;
	v48 =	vld [tilespmem:$0xFFD0]  }
0x10d: {  	v49 =	vmpcnt.ones.xlane vm9;
	v15 =	vadd.s32 v15, v40;
	[tilespmem:$0xFFF0] =	vst v43;
	v50 =	vld [tilespmem:$0xFFE0];
	(v2sf) =	vpush v39, $0x0  }
0x10e: {  	v51 =	vmpcnt.ones.xlane vm10;
	v13 =	vadd.s32 v13, v45;
	[tilespmem:$0x10000] =	vst v15;
	v52 =	vld [tilespmem:$0xFFF0];
	(v2sf) =	vpush v42, $0x0  }
0x10f: {  	v54 =	vmpcnt.ones.xlane vm11;
	v12 =	vadd.s32 v12, v46;
	[tilespmem:$0x10010] =	vst v13;
	v53 =	vld [tilespmem:$0x10000];
	(v2sf) =	vpush v44, $0x0  }
0x110: {  	v56 =	vmpcnt.ones.xlane vm12;
	v11 =	vadd.s32 v11, v49;
	[tilespmem:$0x10020] =	vst v12;
	v55 =	vld [tilespmem:$0x10010];
	(v2sf) =	vpush v47, $0x0  }
0x111: {  	vm13 =	veq.s32 v23, $0xF;
	v8 =	vadd.s32 v8, v51;
	[tilespmem:$0x10030] =	vst v11;
	v57 =	vld [tilespmem:$0x10020];
	(v2sf) =	vpush v48, $0x0  }
0x112: {  	v63 =	vmpcnt.ones.xlane vm13;
	v9 =	vadd.s32 v9, v54;
	[tilespmem:$0x10040] =	vst v8;
	v58 =	vld [tilespmem:$0x10030];
	(v2sf) =	vpush v50, $0x0  }
0x113: {  	v59 =	vadd.s32 v10, v56;
	[tilespmem:$0x10050] =	vst v9;
	v60 =	vld [tilespmem:$0x10040];
	(v2sf) =	vpush v52, $0x0  }
0x114: {  	[tilespmem:$0x10060] =	vst v59;
	v6 =	vadd.s32 v6, v63;
	v61 =	vld [tilespmem:$0x10050];
	(v2sf) =	vpush v53, $0x0  }
0x115: {  	v62 =	vld [tilespmem:$0x10060];
	[tilespmem:$0x10070] =	vst v6;
	(v2sf) =	vpush v55, $0x0  }
0x116: {  	v6 =	vld [tilespmem:$0x10070];
	(v2sf) =	vpush v57, $0x0  }
0x117: {  	(v2sf) =	vpush v58, $0x0  }
0x118: {  	(v2sf) =	vpush v60, $0x0  }
0x119: {  	(v2sf) =	vpush v61, $0x0  }
0x11a: {  	(v2sf) =	vpush v62, $0x0  }
0x11b: {  	s16 =	spop (v2sf);
	(v2sf) =	vpush v6, $0x0  }
0x11c: {  	s29 =	spop (v2sf)  }
0x11d: {  	s11 =	spop (v2sf)  }
0x11e: {  	s17 =	spop (v2sf)  }
0x11f: {  	s18 =	spop (v2sf)  }
0x120: {  	vm14 =	veq.s32 v23, $0x10;
	s19 =	spop (v2sf)  }
0x121: {  	v6 =	vmpcnt.ones.xlane vm14;
	s20 =	spop (v2sf)  }
0x122: {  	s21 =	spop (v2sf)  }
0x123: {  	s12 =	simm.s32 $0x0;
	s16 =	sadd.s32 $0x1F, s16;
	v5 =	vadd.s32 v5, v6;
	s22 =	spop (v2sf)  }
0x124: {  	[smem:$0x0] =	sst s12;
	s25 =	sand.u32 $0xFFFFFFE0, s16;
	[tilespmem:$0x10080] =	vst v5;
	s24 =	spop (v2sf)  }
0x125: {  	[smem:$0x1] =	sst s25;
	s29 =	sadd.s32 $0x1F, s29;
	v5 =	vld [tilespmem:$0x10080];
	s23 =	spop (v2sf)  }
0x126: {  	s29 =	sand.u32 $0xFFFFFFE0, s29;
	s11 =	sadd.s32 $0x1F, s11;
	s15 =	spop (v2sf)  }
0x127: {  	s29 =	sadd.s32 s25, s29;
	s11 =	sand.u32 $0xFFFFFFE0, s11;
	s14 =	spop (v2sf)  }
0x128: {  	s17 =	sadd.s32 $0x1F, s17;
	[smem:$0x2] =	sst s29;
	s13 =	spop (v2sf)  }
0x129: {  	vm15 =	veq.s32 v23, $0x11;
	s11 =	sadd.s32 s29, s11;
	s17 =	sand.u32 $0xFFFFFFE0, s17;
	s8 =	spop (v2sf)  }
0x12a: {  	v6 =	vmpcnt.ones.xlane vm15;
	s18 =	sadd.s32 $0x1F, s18;
	[smem:$0x3] =	sst s11;
	s16 =	spop (v2sf);
	(v2sf) =	vpush v5, $0x0  }
0x12b: {  	[tilespmem:$0x10100] =	vst v1;
	s17 =	sadd.s32 s11, s17;
	s18 =	sand.u32 $0xFFFFFFE0, s18;
	s19 =	sadd.s32 $0x1F, s19  }
0x12c: {  	[tilespmem:$0xFF80] =	vst v17;
	[smem:$0x4] =	sst s17;
	s18 =	sadd.s32 s17, s18;
	s19 =	sand.u32 $0xFFFFFFE0, s19;
	v5 =	vadd.s32 v7, v6  }
0x12d: {  	s20 =	sadd.s32 $0x1F, s20;
	[smem:$0x5] =	sst s18;
	s19 =	sadd.s32 s18, s19;
	v6 =	vmov s29;
	[tilespmem:$0x10090] =	vst v5  }
0x12e: {  	s20 =	sand.u32 $0xFFFFFFE0, s20;
	s21 =	sadd.s32 $0x1F, s21;
	s15 =	sadd.s32 $0x1F, s15;
	v5 =	vmov s25;
	[tilespmem:$0x10120] =	vst v6  }
0x12f: {  	[smem:$0x6] =	sst s19;
	s15 =	sand.u32 $0xFFFFFFE0, s15;
	s14 =	sadd.s32 $0x1F, s14;
	v6 =	vmov s17;
	[tilespmem:$0x10110] =	vst v5  }
0x130: {  	s14 =	sand.u32 $0xFFFFFFE0, s14;
	s29 =	sadd.s32 $0x1F, s22;
	s25 =	sand.u32 $0xFFFFFFE0, s21;
	v5 =	vmov s11;
	[tilespmem:$0x10140] =	vst v6  }
0x131: {  	s21 =	sadd.s32 $0x1F, s24;
	s24 =	sadd.s32 $0x1F, s23;
	s11 =	sadd.s32 s19, s20;
	v6 =	vmov s19;
	[tilespmem:$0x10130] =	vst v5  }
0x132: {  	s20 =	sand.u32 $0xFFFFFFE0, s29;
	[smem:$0x7] =	sst s11;
	s17 =	sadd.s32 s11, s25;
	v5 =	vmov s18;
	[tilespmem:$0x10160] =	vst v6  }
0x133: {  	s22 =	sand.u32 $0xFFFFFFE0, s21;
	[smem:$0x8] =	sst s17;
	[tilespmem:$0x10150] =	vst v5;
	s18 =	sadd.s32 s17, s20;
	v5 =	vmov s11  }
0x134: {  	s29 =	sand.u32 $0xFFFFFFE0, s24;
	v6 =	vmov s17;
	[smem:$0x9] =	sst s18;
	s25 =	sadd.s32 s18, s22;
	[tilespmem:$0x10170] =	vst v5  }
0x135: {  	s13 =	sadd.s32 $0x1F, s13;
	v5 =	vmov s18;
	[tilespmem:$0x10180] =	vst v6;
	[smem:$0xA] =	sst s25;
	s20 =	sadd.s32 s25, s29  }
0x136: {  	s13 =	sand.u32 $0xFFFFFFE0, s13;
	v6 =	vmov s25;
	[tilespmem:$0x10190] =	vst v5;
	[smem:$0xB] =	sst s20;
	s21 =	sadd.s32 s20, s15  }
0x137: {  	s8 =	sadd.s32 $0x1F, s8;
	v5 =	vmov s20;
	[tilespmem:$0x101A0] =	vst v6;
	[smem:$0xC] =	sst s21;
	s14 =	sadd.s32 s21, s14  }
0x138: {  	s8 =	sand.u32 $0xFFFFFFE0, s8;
	s23 =	sadd.s32 $0x1F, s16;
	v6 =	vmov s21;
	[tilespmem:$0x101B0] =	vst v5;
	[smem:$0xD] =	sst s14  }
0x139: {  	s22 =	sadd.s32 s14, s13;
	[tilespmem:$0x101C0] =	vst v6;
	v5 =	vmov s14;
	s13 =	sand.u32 $0xFFFFFFE0, s23;
	s24 =	spop (v2sf)  }
0x13a: {  	[tilespmem:$0x101D0] =	vst v5;
	v5 =	vmov s22;
	s8 =	sadd.s32 s22, s8;
	[smem:$0xE] =	sst s22;
	s14 =	sadd.s32 $0x1F, s24  }
0x13b: {  	s22 =	rddreg [dreg:$0x13];
	[tilespmem:$0x101E0] =	vst v5;
	v5 =	vmov s8;
	s25 =	sadd.s32 s8, s13;
	s29 =	sand.u32 $0xFFFFFFE0, s14  }
0x13c: {  	[smem:$0xF] =	sst s8;
	[tilespmem:$0x101F0] =	vst v5;
	v5 =	vmov s25;
	s13 =	sadd.s32 s25, s29  }
0x13d: {  	[smem:$0x10] =	sst s25;
	[tilespmem:$0x10200] =	vst v5;
	v5 =	vmov s13  }
0x13e: {  	[smem:$0x11] =	sst s13;
	[tilespmem:$0x10210] =	vst v5  }
.LBB2_6:
0x13f: {  	v5 =	vor.u32 s12, v3;
	_ =	sdelay $0x4  }
0x140: {  	v5 =	vld.idx.msk [tilespmem:v5+s28+$0x0], $0xffff;
	_ =	sdelay $0x4  }
0x141: {  	v6 =	vshra.s32 v5, $0xB  }
0x142: {  	v6 =	vmul.u32 $0x2AB, v6;
	_ =	sdelay $0x1  }
0x143: {  	vm0 =	vgt.s32 v5, $0x1869F;
	v6 =	vshra.s32 v6, $0xB  }
0x144: {  	v7 =	vsel vm0, $0x11, v6  }
0x145: {  	vm0 =	veq.s32 v7, $0x0  }
0x146: {  	v6 =	vsel vm0, $0x1, v1  }
0x147: {  	(xrf0) =	vadd.scan.msk.s32 $0xffff, v6;
	_ =	sdelay $0x1  }
0x148: {  	v8 =	vld [tilespmem:$0x10100];
	_ =	sdelay $0x3  }
0x149: {  	v6, _, _ =	vpop (xrf0)  }
0x14a: {  	v6 =	vadd.s32 v6, v8  }
0x14b: {  	v9 =	vadd.s32 $0xFFFFFFFF, v6;
	_ =	sdelay $0x2  }
0x14c: {  	vm1 =	veq.s32 v7, $0x1  }
0x14d: {  	s8 =	sadd.s32 s12, s22;
	v10 =	vsel vm1, $0x1, v1  }
0x14e: {  	(xrf0) =	vadd.scan.msk.s32 $0xffff, v10;
	v6 =	vor.u32 s8, v3;
	[tilespmem:v9+s30+$0x0] =	vst.idx.msk vm0, v5  }
0x14f: {  	[tilespmem:v9+s31+$0x0] =	vst.idx.msk vm0, v6  }
0x150: {  	v9 =	vld [tilespmem:$0x10110];
	_ =	sdelay $0x3  }
0x151: {  	v10, _, _ =	vpop (xrf0)  }
0x152: {  	v10 =	vadd.s32 v10, v9  }
0x153: {  	v10 =	vadd.s32 $0xFFFFFFFF, v10  }
0x154: {  	v11 =	vmpcnt.ones.xlane vm0;
	_ =	sdelay $0x1  }
0x155: {  	vm12 =	veq.s32 v7, $0x2;
	v8 =	vadd.s32 v8, v11  }
0x156: {  	v54 =	vadd.s32 $0xFFFFE800, v5;
	v55 =	vsel vm12, $0x1, v1;
	[tilespmem:$0x10100] =	vst v8  }
0x157: {  	(xrf0) =	vadd.scan.msk.s32 $0xffff, v55;
	[tilespmem:v10+s30+$0x0] =	vst.idx.msk vm1, v54  }
0x158: {  	[tilespmem:v10+s31+$0x0] =	vst.idx.msk vm1, v6  }
0x159: {  	v8 =	vld [tilespmem:$0x10120];
	_ =	sdelay $0x3  }
0x15a: {  	v56, _, _ =	vpop (xrf0)  }
0x15b: {  	v10 =	vadd.s32 v8, v56  }
0x15c: {  	v10 =	vadd.s32 $0xFFFFFFFF, v10  }
0x15d: {  	v57 =	vmpcnt.ones.xlane vm1;
	_ =	sdelay $0x1  }
0x15e: {  	vm13 =	veq.s32 v7, $0x3;
	v9 =	vadd.s32 v9, v57  }
0x15f: {  	v58 =	vadd.s32 $0xFFFFD000, v5;
	v59 =	vsel vm13, $0x1, v1;
	[tilespmem:$0x10110] =	vst v9  }
0x160: {  	(xrf0) =	vadd.scan.msk.s32 $0xffff, v59;
	[tilespmem:v10+s30+$0x0] =	vst.idx.msk vm12, v58  }
0x161: {  	[tilespmem:v10+s31+$0x0] =	vst.idx.msk vm12, v6  }
0x162: {  	v9 =	vld [tilespmem:$0x10130];
	_ =	sdelay $0x3  }
0x163: {  	v60, _, _ =	vpop (xrf0)  }
0x164: {  	v10 =	vadd.s32 v9, v60  }
0x165: {  	v10 =	vadd.s32 $0xFFFFFFFF, v10  }
0x166: {  	v61 =	vmpcnt.ones.xlane vm12;
	_ =	sdelay $0x1  }
0x167: {  	vm14 =	veq.s32 v7, $0x4;
	v8 =	vadd.s32 v8, v61  }
0x168: {  	v62 =	vadd.s32 $0xFFFFB800, v5;
	v63 =	vsel vm14, $0x1, v1;
	[tilespmem:$0x10120] =	vst v8  }
0x169: {  	(xrf0) =	vadd.scan.msk.s32 $0xffff, v63;
	[tilespmem:v10+s30+$0x0] =	vst.idx.msk vm13, v62  }
0x16a: {  	[tilespmem:v10+s31+$0x0] =	vst.idx.msk vm13, v6  }
0x16b: {  	v8 =	vld [tilespmem:$0x10140];
	_ =	sdelay $0x3  }
0x16c: {  	v12, _, _ =	vpop (xrf0)  }
0x16d: {  	v10 =	vadd.s32 v8, v12  }
0x16e: {  	v10 =	vadd.s32 $0xFFFFFFFF, v10  }
0x16f: {  	v13 =	vmpcnt.ones.xlane vm13;
	_ =	sdelay $0x1  }
0x170: {  	vm15 =	veq.s32 v7, $0x5;
	v9 =	vadd.s32 v9, v13  }
0x171: {  	v14 =	vadd.s32 $0xFFFFA000, v5;
	v15 =	vsel vm15, $0x1, v1;
	[tilespmem:$0x10130] =	vst v9  }
0x172: {  	(xrf0) =	vadd.scan.msk.s32 $0xffff, v15;
	[tilespmem:v10+s30+$0x0] =	vst.idx.msk vm14, v14  }
0x173: {  	[tilespmem:v10+s31+$0x0] =	vst.idx.msk vm14, v6  }
0x174: {  	v9 =	vld [tilespmem:$0x10150];
	_ =	sdelay $0x3  }
0x175: {  	v16, _, _ =	vpop (xrf0)  }
0x176: {  	v10 =	vadd.s32 v9, v16  }
0x177: {  	v10 =	vadd.s32 $0xFFFFFFFF, v10  }
0x178: {  	v17 =	vmpcnt.ones.xlane vm14;
	_ =	sdelay $0x1  }
0x179: {  	vm4 =	veq.s32 v7, $0x6;
	v8 =	vadd.s32 v8, v17  }
0x17a: {  	v18 =	vadd.s32 $0xFFFF8800, v5;
	v19 =	vsel vm4, $0x1, v1;
	[tilespmem:$0x10140] =	vst v8  }
0x17b: {  	(xrf0) =	vadd.scan.msk.s32 $0xffff, v19;
	[tilespmem:v10+s30+$0x0] =	vst.idx.msk vm15, v18  }
0x17c: {  	[tilespmem:v10+s31+$0x0] =	vst.idx.msk vm15, v6  }
0x17d: {  	v8 =	vld [tilespmem:$0x10160];
	_ =	sdelay $0x3  }
0x17e: {  	v20, _, _ =	vpop (xrf0)  }
0x17f: {  	v10 =	vadd.s32 v8, v20  }
0x180: {  	v10 =	vadd.s32 $0xFFFFFFFF, v10  }
0x181: {  	v21 =	vmpcnt.ones.xlane vm15;
	_ =	sdelay $0x1  }
0x182: {  	vm5 =	veq.s32 v7, $0x7;
	v9 =	vadd.s32 v9, v21  }
0x183: {  	v22 =	vadd.s32 $0xFFFF7000, v5;
	v23 =	vsel vm5, $0x1, v1;
	[tilespmem:$0x10150] =	vst v9  }
0x184: {  	(xrf0) =	vadd.scan.msk.s32 $0xffff, v23;
	[tilespmem:v10+s30+$0x0] =	vst.idx.msk vm4, v22  }
0x185: {  	[tilespmem:v10+s31+$0x0] =	vst.idx.msk vm4, v6  }
0x186: {  	v9 =	vld [tilespmem:$0x10170];
	_ =	sdelay $0x3  }
0x187: {  	v24, _, _ =	vpop (xrf0)  }
0x188: {  	v10 =	vadd.s32 v9, v24  }
0x189: {  	v10 =	vadd.s32 $0xFFFFFFFF, v10  }
0x18a: {  	v25 =	vmpcnt.ones.xlane vm4;
	_ =	sdelay $0x1  }
0x18b: {  	vm6 =	veq.s32 v7, $0x8;
	v8 =	vadd.s32 v8, v25  }
0x18c: {  	v26 =	vadd.s32 $0xFFFF5800, v5;
	v27 =	vsel vm6, $0x1, v1;
	[tilespmem:$0x10160] =	vst v8  }
0x18d: {  	(xrf0) =	vadd.scan.msk.s32 $0xffff, v27;
	[tilespmem:v10+s30+$0x0] =	vst.idx.msk vm5, v26  }
0x18e: {  	[tilespmem:v10+s31+$0x0] =	vst.idx.msk vm5, v6  }
0x18f: {  	v8 =	vld [tilespmem:$0x10180];
	_ =	sdelay $0x3  }
0x190: {  	v28, _, _ =	vpop (xrf0)  }
0x191: {  	v10 =	vadd.s32 v8, v28  }
0x192: {  	v10 =	vadd.s32 $0xFFFFFFFF, v10  }
0x193: {  	v29 =	vmpcnt.ones.xlane vm5;
	_ =	sdelay $0x1  }
0x194: {  	vm7 =	veq.s32 v7, $0x9;
	v9 =	vadd.s32 v9, v29  }
0x195: {  	v30 =	vadd.s32 $0xFFFF4000, v5;
	v31 =	vsel vm7, $0x1, v1;
	[tilespmem:$0x10170] =	vst v9  }
0x196: {  	(xrf0) =	vadd.scan.msk.s32 $0xffff, v31;
	[tilespmem:v10+s30+$0x0] =	vst.idx.msk vm6, v30  }
0x197: {  	[tilespmem:v10+s31+$0x0] =	vst.idx.msk vm6, v6  }
0x198: {  	v9 =	vld [tilespmem:$0x10190];
	_ =	sdelay $0x3  }
0x199: {  	v32, _, _ =	vpop (xrf0)  }
0x19a: {  	v10 =	vadd.s32 v9, v32  }
0x19b: {  	v10 =	vadd.s32 $0xFFFFFFFF, v10  }
0x19c: {  	v33 =	vmpcnt.ones.xlane vm6;
	_ =	sdelay $0x1  }
0x19d: {  	vm8 =	veq.s32 v7, $0xA;
	v8 =	vadd.s32 v8, v33  }
0x19e: {  	v34 =	vadd.s32 $0xFFFF2800, v5;
	v35 =	vsel vm8, $0x1, v1;
	[tilespmem:$0x10180] =	vst v8  }
0x19f: {  	(xrf0) =	vadd.scan.msk.s32 $0xffff, v35;
	[tilespmem:v10+s30+$0x0] =	vst.idx.msk vm7, v34  }
0x1a0: {  	[tilespmem:v10+s31+$0x0] =	vst.idx.msk vm7, v6  }
0x1a1: {  	v8 =	vld [tilespmem:$0x101A0];
	_ =	sdelay $0x3  }
0x1a2: {  	v36, _, _ =	vpop (xrf0)  }
0x1a3: {  	v10 =	vadd.s32 v8, v36  }
0x1a4: {  	v10 =	vadd.s32 $0xFFFFFFFF, v10  }
0x1a5: {  	v37 =	vmpcnt.ones.xlane vm7;
	_ =	sdelay $0x1  }
0x1a6: {  	vm9 =	veq.s32 v7, $0xB;
	v9 =	vadd.s32 v9, v37  }
0x1a7: {  	v38 =	vadd.s32 $0xFFFF1000, v5;
	v39 =	vsel vm9, $0x1, v1;
	[tilespmem:$0x10190] =	vst v9  }
0x1a8: {  	(xrf0) =	vadd.scan.msk.s32 $0xffff, v39;
	[tilespmem:v10+s30+$0x0] =	vst.idx.msk vm8, v38  }
0x1a9: {  	[tilespmem:v10+s31+$0x0] =	vst.idx.msk vm8, v6  }
0x1aa: {  	v9 =	vld [tilespmem:$0x101B0];
	_ =	sdelay $0x3  }
0x1ab: {  	v40, _, _ =	vpop (xrf0)  }
0x1ac: {  	v10 =	vadd.s32 v9, v40  }
0x1ad: {  	v10 =	vadd.s32 $0xFFFFFFFF, v10  }
0x1ae: {  	v41 =	vmpcnt.ones.xlane vm8;
	_ =	sdelay $0x1  }
0x1af: {  	vm10 =	veq.s32 v7, $0xC;
	v8 =	vadd.s32 v8, v41  }
0x1b0: {  	v42 =	vadd.s32 $0xFFFEF800, v5;
	v43 =	vsel vm10, $0x1, v1;
	[tilespmem:$0x101A0] =	vst v8  }
0x1b1: {  	(xrf0) =	vadd.scan.msk.s32 $0xffff, v43;
	[tilespmem:v10+s30+$0x0] =	vst.idx.msk vm9, v42  }
0x1b2: {  	[tilespmem:v10+s31+$0x0] =	vst.idx.msk vm9, v6  }
0x1b3: {  	v8 =	vld [tilespmem:$0x101C0];
	_ =	sdelay $0x3  }
0x1b4: {  	v44, _, _ =	vpop (xrf0)  }
0x1b5: {  	v10 =	vadd.s32 v8, v44  }
0x1b6: {  	v10 =	vadd.s32 $0xFFFFFFFF, v10  }
0x1b7: {  	v45 =	vmpcnt.ones.xlane vm9;
	_ =	sdelay $0x1  }
0x1b8: {  	vm11 =	veq.s32 v7, $0xD;
	v9 =	vadd.s32 v9, v45  }
0x1b9: {  	v46 =	vadd.s32 $0xFFFEE000, v5;
	v47 =	vsel vm11, $0x1, v1;
	[tilespmem:$0x101B0] =	vst v9  }
0x1ba: {  	(xrf0) =	vadd.scan.msk.s32 $0xffff, v47;
	[tilespmem:v10+s30+$0x0] =	vst.idx.msk vm10, v46  }
0x1bb: {  	[tilespmem:v10+s31+$0x0] =	vst.idx.msk vm10, v6  }
0x1bc: {  	v9 =	vld [tilespmem:$0x101D0];
	_ =	sdelay $0x3  }
0x1bd: {  	v48, _, _ =	vpop (xrf0)  }
0x1be: {  	v10 =	vadd.s32 v9, v48  }
0x1bf: {  	v10 =	vadd.s32 $0xFFFFFFFF, v10  }
0x1c0: {  	v49 =	vmpcnt.ones.xlane vm10;
	_ =	sdelay $0x1  }
0x1c1: {  	vm12 =	veq.s32 v7, $0xE;
	v8 =	vadd.s32 v8, v49  }
0x1c2: {  	v50 =	vadd.s32 $0xFFFEC800, v5;
	v51 =	vsel vm12, $0x1, v1;
	[tilespmem:$0x101C0] =	vst v8  }
0x1c3: {  	(xrf0) =	vadd.scan.msk.s32 $0xffff, v51;
	[tilespmem:v10+s30+$0x0] =	vst.idx.msk vm11, v50  }
0x1c4: {  	[tilespmem:v10+s31+$0x0] =	vst.idx.msk vm11, v6  }
0x1c5: {  	v8 =	vld [tilespmem:$0x101E0];
	_ =	sdelay $0x3  }
0x1c6: {  	v52, _, _ =	vpop (xrf0)  }
0x1c7: {  	v10 =	vadd.s32 v8, v52  }
0x1c8: {  	v10 =	vadd.s32 $0xFFFFFFFF, v10  }
0x1c9: {  	v53 =	vmpcnt.ones.xlane vm11;
	_ =	sdelay $0x1  }
0x1ca: {  	vm13 =	veq.s32 v7, $0xF;
	v9 =	vadd.s32 v9, v53  }
0x1cb: {  	v54 =	vadd.s32 $0xFFFEB000, v5;
	v55 =	vsel vm13, $0x1, v1;
	[tilespmem:$0x101D0] =	vst v9  }
0x1cc: {  	(xrf0) =	vadd.scan.msk.s32 $0xffff, v55;
	[tilespmem:v10+s30+$0x0] =	vst.idx.msk vm12, v54  }
0x1cd: {  	[tilespmem:v10+s31+$0x0] =	vst.idx.msk vm12, v6  }
0x1ce: {  	v9 =	vld [tilespmem:$0x101F0];
	_ =	sdelay $0x3  }
0x1cf: {  	v56, _, _ =	vpop (xrf0)  }
0x1d0: {  	v10 =	vadd.s32 v9, v56  }
0x1d1: {  	v10 =	vadd.s32 $0xFFFFFFFF, v10  }
0x1d2: {  	v57 =	vmpcnt.ones.xlane vm12;
	_ =	sdelay $0x1  }
0x1d3: {  	vm14 =	veq.s32 v7, $0x10;
	v8 =	vadd.s32 v8, v57  }
0x1d4: {  	v58 =	vadd.s32 $0xFFFE9800, v5;
	v59 =	vsel vm14, $0x1, v1;
	[tilespmem:$0x101E0] =	vst v8  }
0x1d5: {  	(xrf0) =	vadd.scan.msk.s32 $0xffff, v59;
	[tilespmem:v10+s30+$0x0] =	vst.idx.msk vm13, v58  }
0x1d6: {  	[tilespmem:v10+s31+$0x0] =	vst.idx.msk vm13, v6  }
0x1d7: {  	v8 =	vld [tilespmem:$0x10200];
	_ =	sdelay $0x3  }
0x1d8: {  	v60, _, _ =	vpop (xrf0)  }
0x1d9: {  	v10 =	vadd.s32 v8, v60  }
0x1da: {  	v10 =	vadd.s32 $0xFFFFFFFF, v10  }
0x1db: {  	v61 =	vmpcnt.ones.xlane vm13;
	_ =	sdelay $0x1  }
0x1dc: {  	vm15 =	veq.s32 v7, $0x11;
	v9 =	vadd.s32 v9, v61  }
0x1dd: {  	v5 =	vadd.s32 $0xFFFE8000, v5;
	v7 =	vsel vm15, $0x1, v1;
	[tilespmem:$0x101F0] =	vst v9  }
0x1de: {  	(xrf0) =	vadd.scan.msk.s32 $0xffff, v7;
	[tilespmem:v10+s30+$0x0] =	vst.idx.msk vm14, v5  }
0x1df: {  	[tilespmem:v10+s31+$0x0] =	vst.idx.msk vm14, v6  }
0x1e0: {  	v5 =	vld [tilespmem:$0x10210];
	_ =	sdelay $0x3  }
0x1e1: {  	v7, _, _ =	vpop (xrf0)  }
0x1e2: {  	v7 =	vadd.s32 v5, v7  }
0x1e3: {  	v7 =	vadd.s32 $0xFFFFFFFF, v7  }
0x1e4: {  	p0 =	sne.s32 s12, $0x30F0;
	v62 =	vmpcnt.ones.xlane vm14  }
.Ltmp4:
0x1e5: {  	_ = 	snop;
	(pc) =	sbr.rel @p0 .LBB2_6-.Ltmp4, $4  }
0x1e6: {  	v63 =	vmpcnt.ones.xlane vm15;
	v8 =	vadd.s32 v8, v62  }
0x1e7: {  	[tilespmem:$0x10200] =	vst v8  }
0x1e8: {  	v5 =	vadd.s32 v5, v63;
	[tilespmem:v7+s31+$0x0] =	vst.idx.msk vm15, v6  }
0x1e9: {  	s12 =	sadd.s32 $0x10, s12;
	[tilespmem:$0x10210] =	vst v5  }
0x1ea: {  	v6 =	vld [tilespmem:$0x10100];
	_ =	sdelay $0x3  }
0x1eb: {  	v7 =	vld [tilespmem:$0x10110]  }
0x1ec: {  	(v2sf) =	vpush v6, $0x0;
	v6 =	vld [tilespmem:$0x10120];
	_ =	sdelay $0x2  }
0x1ed: {  	v8 =	vld [tilespmem:$0x10130]  }
0x1ee: {  	v9 =	vld [tilespmem:$0x10140];
	(v2sf) =	vpush v7, $0x0  }
0x1ef: {  	(v2sf) =	vpush v6, $0x0;
	v6 =	vld [tilespmem:$0x10150]  }
0x1f0: {  	v7 =	vld [tilespmem:$0x10160];
	_ =	sdelay $0x1  }
0x1f1: {  	(v2sf) =	vpush v8, $0x0  }
0x1f2: {  	v58 =	vld [tilespmem:$0x10170];
	(v2sf) =	vpush v9, $0x0  }
0x1f3: {  	(v2sf) =	vpush v6, $0x0  }
0x1f4: {  	(v2sf) =	vpush v7, $0x0  }
0x1f5: {  	v59 =	vld [tilespmem:$0x10180]  }
0x1f6: {  	s25 =	sld [smem:$0x1]  }
0x1f7: {  	s11 =	sld [smem:$0x2];
	(v2sf) =	vpush v58, $0x0  }
0x1f8: {  	s14 =	sld [smem:$0x3];
	v6 =	vld [tilespmem:$0x10190]  }
0x1f9: {  	s15 =	sld [smem:$0x4];
	v7 =	vld [tilespmem:$0x101A0]  }
0x1fa: {  	s21 =	sld [smem:$0x5];
	(v2sf) =	vpush v59, $0x0  }
0x1fb: {  	v60 =	vld [tilespmem:$0x101B0];
	s22 =	sld [smem:$0x6];
	s8 =	spop (v2sf)  }
0x1fc: {  	v61 =	vld [tilespmem:$0x101C0];
	s24 =	sld [smem:$0x7];
	s12 =	spop (v2sf)  }
0x1fd: {  	[smem:$0x12] =	sst s8;
	(v2sf) =	vpush v6, $0x0;
	v6 =	vld [tilespmem:$0x101D0];
	s8 =	ssub.s32 s12, s25  }
0x1fe: {  	[smem:$0x13] =	sst s8;
	s29 =	spop (v2sf);
	(v2sf) =	vpush v7, $0x0;
	v7 =	vld [tilespmem:$0x101E0]  }
0x1ff: {  	s16 =	ssub.s32 s29, s11;
	s29 =	sld [smem:$0x8]  }
0x200: {  	s17 =	spop (v2sf);
	(v2sf) =	vpush v60, $0x0;
	[smem:$0x14] =	sst s16  }
0x201: {  	v62 =	vld [tilespmem:$0x101F0];
	s18 =	ssub.s32 s17, s14;
	s19 =	spop (v2sf);
	(v2sf) =	vpush v61, $0x0;
	s14 =	sld [smem:$0xD]  }
0x202: {  	v63 =	vld [tilespmem:$0x10200];
	[smem:$0x15] =	sst s18;
	s23 =	spop (v2sf);
	(v2sf) =	vpush v6, $0x0  }
0x203: {  	s20 =	ssub.s32 s19, s15;
	s19 =	sld [smem:$0x9];
	s25 =	spop (v2sf);
	(v2sf) =	vpush v7, $0x0  }
0x204: {  	s15 =	sld [smem:$0xE]  }
0x205: {  	[smem:$0x16] =	sst s20  }
0x206: {  	s20 =	sld [smem:$0xA];
	s8 =	ssub.s32 s23, s21;
	s12 =	spop (v2sf);
	(v2sf) =	vpush v62, $0x0  }
0x207: {  	[smem:$0x17] =	sst s8;
	(v2sf) =	vpush v63, $0x0  }
0x208: {  	s11 =	ssub.s32 s25, s22;
	s22 =	sld [smem:$0xB]  }
0x209: {  	[smem:$0x18] =	sst s11;
	s17 =	spop (v2sf);
	(v2sf) =	vpush v5, $0x0  }
0x20a: {  	s16 =	ssub.s32 s12, s24;
	s24 =	sld [smem:$0xC]  }
0x20b: {  	[smem:$0x19] =	sst s16  }
0x20c: {  	s18 =	ssub.s32 s17, s29;
	s17 =	sld [smem:$0xF]  }
0x20d: {  	[smem:$0x1A] =	sst s18;
	s21 =	spop (v2sf)  }
0x20e: {  	s8 =	ssub.s32 s21, s19;
	s19 =	sld [smem:$0x10];
	s23 =	spop (v2sf)  }
0x20f: {  	[smem:$0x1B] =	sst s8;
	s25 =	spop (v2sf);
	s11 =	ssub.s32 s23, s20  }
0x210: {  	s29 =	spop (v2sf);
	[smem:$0x1C] =	sst s11;
	s8 =	ssub.s32 s25, s22  }
0x211: {  	[smem:$0x1D] =	sst s8;
	s12 =	ssub.s32 s29, s24;
	s16 =	spop (v2sf)  }
0x212: {  	[smem:$0x1E] =	sst s12;
	s18 =	spop (v2sf);
	s8 =	ssub.s32 s16, s14  }
0x213: {  	[smem:$0x1F] =	sst s8;
	s20 =	ssub.s32 s18, s15  }
0x214: {  	[smem:$0x20] =	sst s20  }
0x215: {  	s21 =	spop (v2sf);
	s20 =	rddreg [dreg:$0x11]  }
0x216: {  	s22 =	ssub.s32 s21, s17;
	s23 =	spop (v2sf);
	s21 =	rddreg [dreg:$0x12]  }
0x217: {  	[smem:$0x21] =	sst s22;
	s24 =	ssub.s32 s23, s19  }
0x218: {  	s25 =	spop (v2sf);
	[smem:$0x22] =	sst s24  }
.Ltmp5:
0x219: {  	s29 =	ssub.s32 s25, s13;
	s25 =	rddreg [dreg:$0x14];
	(pc) =	sbr.rel .LBB2_8-.Ltmp5, $4  }
0x21a: {  	s12 =	simm.s32 $0x0;
	[smem:$0x23] =	sst s29  }
0x21b: {  	[smem:$0x24] =	sst s12  }
0x21c: {  	[smem:$0x25] =	sst s12  }
0x21d: {  	[smem:$0x26] =	sst s12  }
.LBB2_10:
0x21e: {  	s15 =	smov.u32 s23  }
.LBB2_14:
0x21f: {  	_ =	sdelay $0x2  }
0x220: {  	s11 =	simm.s32 @!p4 $0x4;
	p2 =	por p3, !p0  }
0x221: {  	[hbm4b:s3+s29] =	stream.indirect_vreg.scatter @!p2 [tilespmem:s8], [sflag:$0x6], $0x80, v7, vm0, $0xb8;
	[tilespmem:$0x1DB80] =	vst v63  }
0x222: {  	_ =	swait.ge @!p4 [sflag:s11], $0x800  }
0x223: {  	[sflag:s11] =	ssyncset.done @!p4 $0x0  }
0x224: {  	[sflag:s11] =	ssyncadd.s32 @!p4 $0xFFFFF800  }
0x225: {  	s17 =	simm.s32 @!p1 $0xCC00;
	_ =	swait.ge @!p4 [sflag:s11], $0x800  }
0x226: {  	s8 =	sadd.s32 @p0 $0x60, s15;
	s15 =	simm.s32 @!p1 $0x1;
	[sflag:s11] =	ssyncset.done @!p4 $0x0  }
0x227: {  	s23 =	smov.u32 @p0 s8;
	[sflag:s11] =	ssyncadd.s32 @!p4 $0xFFFFF800;
	s11 =	simm.s32 @!p1 $0x20  }
0x228: {  	[tilespmem:s17], [sflag:$0x1] =	stream.indirect.gather @!p1 [spmem:s4], $0x80, s23, s11, $0xb8;
	[tilespmem:$0x1DB80] =	vst v63  }
0x229: {  	_ =	swait.ge @!p1 [sflag:s15], $0x1000  }
0x22a: {  	[sflag:s15] =	ssyncset.done @!p1 $0x0  }
0x22b: {  	s8 =	simm.s32 @!p1 $0x9880;
	[sflag:s15] =	ssyncadd.s32 @!p1 $0xFFFFF000  }
0x22c: {  	v6 =	vld.idx.msk @!p1 [tilespmem:v6+s8+$0x0], $0xffff;
	_ =	sdelay $0x6  }
0x22d: {  	vm0 =	vmmov @!p1 $0xffff;
	s11 =	simm.s32 @!p1 $0x0  }
0x22e: {  	[hbm4b:s3+s11] =	stream.indirect_vreg.scatter @!p1 [tilespmem:s17], [sflag:$0x4], $0x80, v6, vm0, $0xb8;
	[tilespmem:$0x1DB80] =	vst v63  }
0x22f: {  	s29 =	sadd.s32 $0xFFFFFFFF, s16;
	v5 =	vld.idx.msk @!p1 [tilespmem:v5+s8+$0x0], $0xffff  }
0x230: {  	p0 =	sge.s32 s29, s14;
	[smem:$0x24] =	sst @!p1 s15  }
0x231: {  	s8 =	sld @!p0 [smem:$0x25];
	_ =	sdelay $0x2  }
0x232: {  	p2 =	slt.s32 @!p0 s8, $0x1  }
0x233: {  	p2 =	por p2, p0  }
0x234: {  	s8 =	simm.s32 @!p1 $0xD400;
	s15 =	simm.s32 @!p2 $0x5  }
0x235: {  	[hbm4b:s3+s11] =	stream.indirect_vreg.scatter @!p1 [tilespmem:s8], [sflag:$0x4], $0x80, v5, vm0, $0xb8;
	[tilespmem:$0x1DB80] =	vst v63  }
0x236: {  	_ =	swait.ge @!p2 [sflag:s15], $0x800  }
0x237: {  	[sflag:s15] =	ssyncset.done @!p2 $0x0  }
0x238: {  	[sflag:s15] =	ssyncadd.s32 @!p2 $0xFFFFF800  }
0x239: {  	s17 =	sadd.s32 @!p0 $0x20, s23;
	_ =	swait.ge @!p2 [sflag:s15], $0x800  }
0x23a: {  	s8 =	sadd.s32 @!p0 $0x20, s13;
	v5 =	vlaneseq.u32 @!p0;
	s11 =	simm.s32 @!p0 $0xDC00;
	[sflag:s15] =	ssyncset.done @!p2 $0x0  }
0x23b: {  	v6 =	vor.u32 @!p0 s8, v5;
	s8 =	simm.s32 @!p0 $0x20;
	[sflag:s15] =	ssyncadd.s32 @!p2 $0xFFFFF800;
	s15 =	simm.s32 @!p0 $0x2  }
0x23c: {  	[tilespmem:s11], [sflag:$0x2] =	stream.indirect.gather @!p0 [spmem:s4], $0x80, s17, s8, $0xb8;
	[tilespmem:$0x1DB80] =	vst v63  }
0x23d: {  	_ =	swait.ge @!p0 [sflag:s15], $0x1000  }
0x23e: {  	[sflag:s15] =	ssyncset.done @!p0 $0x0  }
0x23f: {  	s8 =	simm.s32 @!p0 $0x9880;
	[sflag:s15] =	ssyncadd.s32 @!p0 $0xFFFFF000  }
0x240: {  	v6 =	vld.idx.msk @!p0 [tilespmem:v6+s8+$0x0], $0xffff;
	_ =	sdelay $0x2  }
0x241: {  	s15 =	sadd.s32 @!p0 $0x30, s13  }
0x242: {  	v5 =	vor.u32 @!p0 s15, v5;
	_ =	sdelay $0x2  }
0x243: {  	vm0 =	vmmov @!p0 $0xffff;
	s15 =	simm.s32 @!p0 $0x0  }
0x244: {  	[hbm4b:s3+s15] =	stream.indirect_vreg.scatter @!p0 [tilespmem:s11], [sflag:$0x5], $0x80, v6, vm0, $0xb8;
	[tilespmem:$0x1DB80] =	vst v63  }
0x245: {  	s11 =	simm.s32 @!p0 $0x1;
	v5 =	vld.idx.msk @!p0 [tilespmem:v5+s8+$0x0], $0xffff  }
0x246: {  	p1 =	sge.s32 s16, s14;
	[smem:$0x25] =	sst @!p0 s11  }
0x247: {  	s8 =	sld @!p1 [smem:$0x26];
	_ =	sdelay $0x2  }
0x248: {  	p2 =	slt.s32 @!p1 s8, $0x1  }
0x249: {  	p2 =	por p2, p1  }
0x24a: {  	s8 =	simm.s32 @!p0 $0xE400;
	s11 =	simm.s32 @!p2 $0x6  }
0x24b: {  	[hbm4b:s3+s15] =	stream.indirect_vreg.scatter @!p0 [tilespmem:s8], [sflag:$0x5], $0x80, v5, vm0, $0xb8;
	[tilespmem:$0x1DB80] =	vst v63  }
0x24c: {  	_ =	swait.ge @!p2 [sflag:s11], $0x800  }
0x24d: {  	[sflag:s11] =	ssyncset.done @!p2 $0x0  }
0x24e: {  	[sflag:s11] =	ssyncadd.s32 @!p2 $0xFFFFF800  }
0x24f: {  	s14 =	simm.s32 @!p1 $0xEC00;
	_ =	swait.ge @!p2 [sflag:s11], $0x800  }
0x250: {  	s8 =	sadd.s32 @!p1 $0x40, s13;
	v5 =	vlaneseq.u32 @!p1;
	s15 =	sadd.s32 @!p1 $0x40, s23;
	[sflag:s11] =	ssyncset.done @!p2 $0x0  }
0x251: {  	v6 =	vor.u32 @!p1 s8, v5;
	s8 =	simm.s32 @!p1 $0x20;
	[sflag:s11] =	ssyncadd.s32 @!p2 $0xFFFFF800;
	s11 =	simm.s32 @!p1 $0x3  }
0x252: {  	[tilespmem:s14], [sflag:$0x3] =	stream.indirect.gather @!p1 [spmem:s4], $0x80, s15, s8, $0xb8;
	[tilespmem:$0x1DB80] =	vst v63  }
0x253: {  	_ =	swait.ge @!p1 [sflag:s11], $0x1000  }
0x254: {  	[sflag:s11] =	ssyncset.done @!p1 $0x0  }
0x255: {  	s8 =	simm.s32 @!p1 $0x9880;
	[sflag:s11] =	ssyncadd.s32 @!p1 $0xFFFFF000  }
0x256: {  	v6 =	vld.idx.msk @!p1 [tilespmem:v6+s8+$0x0], $0xffff;
	_ =	sdelay $0x2  }
0x257: {  	s11 =	sadd.s32 @!p1 $0x50, s13  }
0x258: {  	v5 =	vor.u32 @!p1 s11, v5;
	_ =	sdelay $0x2  }
0x259: {  	vm0 =	vmmov @!p1 $0xffff;
	s11 =	simm.s32 @!p1 $0x0  }
0x25a: {  	[hbm4b:s3+s11] =	stream.indirect_vreg.scatter @!p1 [tilespmem:s14], [sflag:$0x6], $0x80, v6, vm0, $0xb8;
	[tilespmem:$0x1DB80] =	vst v63  }
0x25b: {  	v5 =	vld.idx.msk @!p1 [tilespmem:v5+s8+$0x0], $0xffff;
	_ =	sdelay $0x6  }
0x25c: {  	s8 =	simm.s32 @!p1 $0xF400  }
0x25d: {  	[hbm4b:s3+s11] =	stream.indirect_vreg.scatter @!p1 [tilespmem:s8], [sflag:$0x6], $0x80, v5, vm0, $0xb8;
	[tilespmem:$0x1DB80] =	vst v63  }
0x25e: {  	s8 =	simm.s32 @!p1 $0x1  }
0x25f: {  	[smem:$0x26] =	sst @!p1 s8  }
.LBB2_15:
0x260: {  	s12 =	sadd.s32 $0x1, s12  }
0x261: {  	p0 =	sne.s32 s12, $0x11  }
.Ltmp6:
0x262: {  	_ = 	snop;
	(pc) =	sbr.rel @!p0 .LBB2_16-.Ltmp6, $1  }
0x263: {  	_ =	sdelay $0x3  }
.LBB2_8:
0x264: {  	p0 =	seq.s32 s12, $0x10  }
0x265: {  	p1 =	sgt.u32 @p0 s0, $0xC  }
0x266: {  	p2 =	por !p1, !p0  }
0x267: {  	p2 =	sne.s32 @!p2 s0, $0xD  }
0x268: {  	p2 =	por @p0 p2, !p1  }
0x269: {  	[bflag:$0x0] =	sbarrier.arrive $0xFFFF;
	p2 =	por p2, !p0  }
0x26a: {  	s13 =	rddreg [dreg:$0x19];
	s8 =	sshrl.u32 @!p2 s25, $0x3;
	s11 =	simm.s32 @!p2 $0x1F47  }
0x26b: {  	[spmem:s8], [sflag:s11] =	dma.local @!p2 [hbm:s13], $0x200  }
0x26c: {  	s8 =	simm.s32 @!p2 $0x7  }
0x26d: {  	p1 =	por p1, !p0;
	_ =	swait.ge @!p2 [sflag:s8], $0x200  }
0x26e: {  	s11 =	sshll.u32 @!p1 s0, $0x6;
	[sflag:s8] =	ssyncset.done @!p2 $0x0  }
0x26f: {  	[sflag:s8] =	ssyncadd.s32 @!p2 $0xFFFFFE00;
	s8 =	sor.u32 @!p1 $0x1C07, s11;
	s11 =	rddreg [dreg:$0x15]  }
0x270: {  	s13 =	rddreg [dreg:$0x16];
	s11 =	sshrl.u32 @!p1 s11, $0x3  }
0x271: {  	[spmem:s11], [sflag:s8] =	dma.local @!p1 [hbm:s13], $0x800  }
0x272: {  	s8 =	simm.s32 @!p1 $0x7  }
0x273: {  	_ =	swait.ge @!p1 [sflag:s8], $0x800  }
0x274: {  	s11 =	smul.u32 @!p0 $0x18000, s12;
	[sflag:s8] =	ssyncset.done @!p1 $0x0  }
0x275: {  	[sflag:s8] =	ssyncadd.s32 @!p1 $0xFFFFF800;
	s8 =	sshll.u32 @!p0 s0, $0x6  }
0x276: {  	s13 =	sshrl.u32 @!p0 s20, $0x3;
	s11 =	sadd.s32 @!p0 s21, s11;
	s8 =	sor.u32 @!p0 $0x1C07, s8  }
0x277: {  	[spmem:s13], [sflag:s8] =	dma.local @!p0 [hbm:s11], $0x1800  }
0x278: {  	s8 =	simm.s32 @!p0 $0x7  }
0x279: {  	_ =	swait.ge @!p0 [sflag:s8], $0x1800  }
0x27a: {  	s17 =	smul.u32 $0xC00, s12;
	[sflag:s8] =	ssyncset.done @!p0 $0x0  }
0x27b: {  	[sflag:s8] =	ssyncadd.s32 @!p0 $0xFFFFE800  }
0x27c: {  	s11 =	sshra.s32 s17, $0x2;
	[bflag:$0x0] =	sbarrier.arrive $0xFFFF  }
0x27d: {  	[spmem:s5] =	stream.indirect.scatter.add.s32 [tilespmem:s1], [sflag:$0x7], $0x1, s11, s2, $0xb8;
	[tilespmem:$0x1DB80] =	vst v63  }
0x27e: {  	_ =	swait.ge [sflag:s26], $0x80  }
0x27f: {  	[sflag:s26] =	ssyncset.done $0x0  }
0x280: {  	s18 =	sor.u32 $0x80, s11;
	[sflag:s26] =	ssyncadd.s32 $0xFFFFFF80  }
0x281: {  	[spmem:s5] =	stream.indirect.scatter.add.s32 [tilespmem:s1], [sflag:$0x7], $0x1, s18, s2, $0xb8;
	[tilespmem:$0x1DB80] =	vst v63  }
0x282: {  	_ =	swait.ge [sflag:s26], $0x80  }
0x283: {  	s14 =	simm.s32 @!p0 $0x80;
	[sflag:s26] =	ssyncset.done $0x0  }
0x284: {  	s15 =	simm.s32 @!p0 $0x10280;
	s13 =	sadd.s32 @!p0 $0x100, s11;
	[sflag:s26] =	ssyncadd.s32 $0xFFFFFF80  }
0x285: {  	[spmem:s5] =	stream.indirect.scatter.add.s32 @!p0 [tilespmem:s15], [sflag:$0x7], $0x1, s13, s14, $0xb8;
	[tilespmem:$0x1DB80] =	vst v63  }
0x286: {  	_ =	swait.ge @!p0 [sflag:s8], $0x80  }
0x287: {  	[sflag:s8] =	ssyncset.done @!p0 $0x0  }
0x288: {  	s13 =	sadd.s32 @!p0 $0x180, s11;
	[sflag:s8] =	ssyncadd.s32 @!p0 $0xFFFFFF80  }
0x289: {  	[spmem:s5] =	stream.indirect.scatter.add.s32 @!p0 [tilespmem:s15], [sflag:$0x7], $0x1, s13, s14, $0xb8;
	[tilespmem:$0x1DB80] =	vst v63  }
0x28a: {  	_ =	swait.ge @!p0 [sflag:s8], $0x80  }
0x28b: {  	[sflag:s8] =	ssyncset.done @!p0 $0x0  }
0x28c: {  	s13 =	sadd.s32 @!p0 $0x200, s11;
	[sflag:s8] =	ssyncadd.s32 @!p0 $0xFFFFFF80  }
0x28d: {  	[spmem:s5] =	stream.indirect.scatter.add.s32 @!p0 [tilespmem:s15], [sflag:$0x7], $0x1, s13, s14, $0xb8;
	[tilespmem:$0x1DB80] =	vst v63  }
0x28e: {  	_ =	swait.ge @!p0 [sflag:s8], $0x80  }
0x28f: {  	[sflag:s8] =	ssyncset.done @!p0 $0x0  }
0x290: {  	s11 =	sadd.s32 @!p0 $0x280, s11;
	[sflag:s8] =	ssyncadd.s32 @!p0 $0xFFFFFF80  }
0x291: {  	[spmem:s5] =	stream.indirect.scatter.add.s32 @!p0 [tilespmem:s15], [sflag:$0x7], $0x1, s11, s14, $0xb8;
	[tilespmem:$0x1DB80] =	vst v63  }
0x292: {  	_ =	swait.ge @!p0 [sflag:s8], $0x80  }
0x293: {  	[sflag:s8] =	ssyncset.done @!p0 $0x0  }
0x294: {  	[sflag:s8] =	ssyncadd.s32 @!p0 $0xFFFFFF80  }
0x295: {  	s8 =	sld [smem:s12+$0x12];
	_ =	sdelay $0x2  }
0x296: {  	s8 =	sadd.s32 $0x1F, s8  }
0x297: {  	s19 =	sand.u32 $0x1F, s8  }
0x298: {  	s22 =	sshra.s32 s8, $0x1F;
	p3 =	slt.s32 s8, $0x1;
	p4 =	sne.s32 s19, $0x0  }
0x299: {  	s23 =	sshrl.u32 s22, $0x1B;
	p0 =	por !p3, !p4  }
0x29a: {  	s11 =	simm.s32 $0x1;
	s8 =	sadd.s32 s23, s8;
	p0 =	por !p0, !p0  }
0x29b: {  	s8 =	sshra.s32 s8, $0x5;
	s11 =	simm.s32 @!p0 $0x0  }
0x29c: {  	s14 =	ssub.s32 s8, s11  }
0x29d: {  	s8 =	sadd.s32 $0x2, s14  }
0x29e: {  	s24 =	smulhi.u32 $0x55555556, s8;
	s8 =	sshra.s32 s8, $0x1F  }
0x29f: {  	s8 =	smul.u32 $0x55555556, s8;
	_ =	sdelay $0x1  }
0x2a0: {  	s8 =	sadd.s32 s8, s24  }
0x2a1: {  	s11 =	sshrl.u32 s8, $0x1F  }
0x2a2: {  	s8 =	sadd.s32 s11, s8  }
0x2a3: {  	s11 =	smul.u32 $0xFFFFFFFD, s8  }
0x2a4: {  	s29 =	ssub.s32 $0xFFFFFFFE, s14  }
0x2a5: {  	p5 =	slt.s32 s14, $0xFFFFFFFF;
	p6 =	sne.s32 s11, s29  }
0x2a6: {  	p0 =	por !p5, !p6  }
0x2a7: {  	s11 =	simm.s32 $0x1;
	p0 =	por !p0, !p0  }
0x2a8: {  	s11 =	simm.s32 @!p0 $0x0  }
0x2a9: {  	s8 =	ssub.s32 s8, s11  }
0x2aa: {  	p0 =	slt.s32 s8, $0x1  }
.Ltmp7:
0x2ab: {  	_ = 	snop;
	(pc) =	sbr.rel @p0 .LBB2_15-.Ltmp7, $1  }
0x2ac: {  	_ =	sdelay $0x3  }
0x2ad: {  	s13 =	sld [smem:s12+$0x0];
	s8 =	sadd.s32 $0xFFFFFFFF, s8  }
0x2ae: {  	p1 =	sle.s32 s14, $0x0;
	p2 =	sne.s32 s8, $0x0  }
.Ltmp8:
0x2af: {  	s15 =	sld @!p1 [smem:$0x24];
	(pc) =	sbr.rel @!p2 .LBB2_10-.Ltmp8, $4  }
0x2b0: {  	s11 =	sshll.u32 s13, $0x2  }
0x2b1: {  	s11 =	sshra.s32 s11, $0x2  }
0x2b2: {  	v5 =	vlaneseq.u32 @!p1;
	p0 =	slt.s32 @!p1 s15, $0x1;
	s23 =	sadd.s32 $0x6500, s11;
	s11 =	sadd.s32 @!p1 $0x10, s13  }
0x2b3: {  	s16 =	simm.s32 $0x2;
	v6 =	vor.u32 @!p1 s13, v5;
	p4 =	por p0, p1;
	p0 =	por $0x0, $0x0;
	v5 =	vor.u32 @!p1 s11, v5  }
0x2b4: {  	s11 =	simm.s32 @!p4 $0x4  }
0x2b5: {  	_ =	swait.ge @!p4 [sflag:s11], $0x800  }
0x2b6: {  	[sflag:s11] =	ssyncset.done @!p4 $0x0  }
0x2b7: {  	[sflag:s11] =	ssyncadd.s32 @!p4 $0xFFFFF800  }
0x2b8: {  	_ =	swait.ge @!p4 [sflag:s11], $0x800  }
0x2b9: {  	s15 =	simm.s32 @!p1 $0x1;
	[sflag:s11] =	ssyncset.done @!p4 $0x0  }
0x2ba: {  	s16 =	simm.s32 @!p1 $0xCC00;
	[sflag:s11] =	ssyncadd.s32 @!p4 $0xFFFFF800;
	s11 =	simm.s32 @!p1 $0x20  }
0x2bb: {  	[tilespmem:s16], [sflag:$0x1] =	stream.indirect.gather @!p1 [spmem:s4], $0x80, s23, s11, $0xb8;
	[tilespmem:$0x1DB80] =	vst v63  }
0x2bc: {  	_ =	swait.ge @!p1 [sflag:s15], $0x1000  }
0x2bd: {  	[sflag:s15] =	ssyncset.done @!p1 $0x0  }
0x2be: {  	s11 =	simm.s32 @!p1 $0x9880;
	[sflag:s15] =	ssyncadd.s32 @!p1 $0xFFFFF000  }
0x2bf: {  	v6 =	vld.idx.msk @!p1 [tilespmem:v6+s11+$0x0], $0xffff;
	_ =	sdelay $0x6  }
0x2c0: {  	vm0 =	vmmov @!p1 $0xffff;
	s17 =	simm.s32 @!p1 $0x0  }
0x2c1: {  	[hbm4b:s3+s17] =	stream.indirect_vreg.scatter @!p1 [tilespmem:s16], [sflag:$0x4], $0x80, v6, vm0, $0xb8;
	[tilespmem:$0x1DB80] =	vst v63  }
0x2c2: {  	v5 =	vld.idx.msk @!p1 [tilespmem:v5+s11+$0x0], $0xffff  }
0x2c3: {  	p0 =	sle.s32 s14, $0x1;
	[smem:$0x24] =	sst @!p1 s15  }
0x2c4: {  	s11 =	sld @!p0 [smem:$0x25];
	_ =	sdelay $0x2  }
0x2c5: {  	p2 =	slt.s32 @!p0 s11, $0x1  }
0x2c6: {  	p2 =	por p2, p0  }
0x2c7: {  	s11 =	simm.s32 @!p1 $0xD400;
	s15 =	simm.s32 @!p2 $0x5  }
0x2c8: {  	[hbm4b:s3+s17] =	stream.indirect_vreg.scatter @!p1 [tilespmem:s11], [sflag:$0x4], $0x80, v5, vm0, $0xb8;
	[tilespmem:$0x1DB80] =	vst v63  }
0x2c9: {  	_ =	swait.ge @!p2 [sflag:s15], $0x800  }
0x2ca: {  	[sflag:s15] =	ssyncset.done @!p2 $0x0  }
0x2cb: {  	[sflag:s15] =	ssyncadd.s32 @!p2 $0xFFFFF800  }
0x2cc: {  	s16 =	simm.s32 @!p0 $0xDC00;
	_ =	swait.ge @!p2 [sflag:s15], $0x800  }
0x2cd: {  	s11 =	sadd.s32 @!p0 $0x20, s13;
	v5 =	vlaneseq.u32 @!p0;
	s17 =	sadd.s32 @!p0 $0x20, s23;
	[sflag:s15] =	ssyncset.done @!p2 $0x0  }
0x2ce: {  	v6 =	vor.u32 @!p0 s11, v5;
	s11 =	simm.s32 @!p0 $0x20;
	[sflag:s15] =	ssyncadd.s32 @!p2 $0xFFFFF800;
	s15 =	simm.s32 @!p0 $0x2  }
0x2cf: {  	[tilespmem:s16], [sflag:$0x2] =	stream.indirect.gather @!p0 [spmem:s4], $0x80, s17, s11, $0xb8;
	[tilespmem:$0x1DB80] =	vst v63  }
0x2d0: {  	_ =	swait.ge @!p0 [sflag:s15], $0x1000  }
0x2d1: {  	[sflag:s15] =	ssyncset.done @!p0 $0x0  }
0x2d2: {  	s11 =	simm.s32 @!p0 $0x9880;
	[sflag:s15] =	ssyncadd.s32 @!p0 $0xFFFFF000  }
0x2d3: {  	v6 =	vld.idx.msk @!p0 [tilespmem:v6+s11+$0x0], $0xffff;
	_ =	sdelay $0x2  }
0x2d4: {  	s15 =	sadd.s32 @!p0 $0x30, s13  }
0x2d5: {  	v5 =	vor.u32 @!p0 s15, v5;
	_ =	sdelay $0x2  }
0x2d6: {  	vm0 =	vmmov @!p0 $0xffff;
	s15 =	simm.s32 @!p0 $0x0  }
0x2d7: {  	[hbm4b:s3+s15] =	stream.indirect_vreg.scatter @!p0 [tilespmem:s16], [sflag:$0x5], $0x80, v6, vm0, $0xb8;
	[tilespmem:$0x1DB80] =	vst v63  }
0x2d8: {  	s16 =	simm.s32 @!p0 $0x1;
	v5 =	vld.idx.msk @!p0 [tilespmem:v5+s11+$0x0], $0xffff  }
0x2d9: {  	p3 =	sle.s32 s14, $0x2;
	[smem:$0x25] =	sst @!p0 s16  }
0x2da: {  	s11 =	sld @!p3 [smem:$0x26];
	_ =	sdelay $0x2  }
0x2db: {  	p1 =	slt.s32 @!p3 s11, $0x1  }
0x2dc: {  	p1 =	por p1, p3  }
0x2dd: {  	s11 =	simm.s32 @!p0 $0xE400;
	s16 =	simm.s32 @!p1 $0x6  }
0x2de: {  	[hbm4b:s3+s15] =	stream.indirect_vreg.scatter @!p0 [tilespmem:s11], [sflag:$0x5], $0x80, v5, vm0, $0xb8;
	[tilespmem:$0x1DB80] =	vst v63  }
0x2df: {  	_ =	swait.ge @!p1 [sflag:s16], $0x800  }
0x2e0: {  	[sflag:s16] =	ssyncset.done @!p1 $0x0  }
0x2e1: {  	[sflag:s16] =	ssyncadd.s32 @!p1 $0xFFFFF800  }
0x2e2: {  	s17 =	sadd.s32 @!p3 $0x40, s23;
	_ =	swait.ge @!p1 [sflag:s16], $0x800  }
0x2e3: {  	s11 =	sadd.s32 @!p3 $0x40, s13;
	v5 =	vlaneseq.u32 @!p3;
	s15 =	simm.s32 @!p3 $0xEC00;
	[sflag:s16] =	ssyncset.done @!p1 $0x0  }
0x2e4: {  	v6 =	vor.u32 @!p3 s11, v5;
	s11 =	simm.s32 @!p3 $0x20;
	[sflag:s16] =	ssyncadd.s32 @!p1 $0xFFFFF800;
	s16 =	simm.s32 @!p3 $0x3  }
0x2e5: {  	[tilespmem:s15], [sflag:$0x3] =	stream.indirect.gather @!p3 [spmem:s4], $0x80, s17, s11, $0xb8;
	[tilespmem:$0x1DB80] =	vst v63  }
0x2e6: {  	_ =	swait.ge @!p3 [sflag:s16], $0x1000  }
0x2e7: {  	[sflag:s16] =	ssyncset.done @!p3 $0x0  }
0x2e8: {  	s11 =	simm.s32 @!p3 $0x9880;
	[sflag:s16] =	ssyncadd.s32 @!p3 $0xFFFFF000  }
0x2e9: {  	v6 =	vld.idx.msk @!p3 [tilespmem:v6+s11+$0x0], $0xffff;
	_ =	sdelay $0x2  }
0x2ea: {  	s16 =	sadd.s32 @!p3 $0x50, s13  }
0x2eb: {  	v5 =	vor.u32 @!p3 s16, v5;
	_ =	sdelay $0x2  }
0x2ec: {  	s24 =	sadd.s32 $0xFFFFFFFF, s8;
	s29 =	simm.s32 @!p3 $0x0;
	vm0 =	vmmov @!p3 $0xffff;
	s17 =	simm.s32 @!p3 $0x1  }
0x2ed: {  	[hbm4b:s3+s29] =	stream.indirect_vreg.scatter @!p3 [tilespmem:s15], [sflag:$0x6], $0x80, v6, vm0, $0xb8;
	[tilespmem:$0x1DB80] =	vst v63  }
0x2ee: {  	p2 =	sne.s32 s24, $0x0;
	p1 =	sle.s32 s14, $0x3;
	[smem:$0x26] =	sst @!p3 s17;
	v7 =	vld.idx.msk @!p3 [tilespmem:v5+s11+$0x0], $0xffff  }
.Ltmp9:
0x2ef: {  	s16 =	sld @!p1 [smem:$0x24];
	(pc) =	sbr.rel @!p2 .LBB2_12-.Ltmp9, $4  }
0x2f0: {  	_ = 	snop  }
0x2f1: {  	s8 =	simm.s32 @!p3 $0xF400;
	s13 =	sadd.s32 $0x60, s13  }
0x2f2: {  	v8 =	vlaneseq.u32 @!p1;
	p0 =	slt.s32 @!p1 s16, $0x1;
	s16 =	simm.s32 $0x5;
	s15 =	sadd.s32 @!p1 $0x10, s13  }
0x2f3: {  	p4 =	por p0, p1;
	p0 =	por $0x1, $0x1;
	v6 =	vor.u32 @!p1 s13, v8;
	v5 =	vor.u32 @!p1 s15, v8;
	s15 =	smov.u32 s23  }
.LBB2_13:
0x2f4: {  	s24 =	sadd.s32 $0xFFFFFFFF, s24;
	s11 =	simm.s32 @!p4 $0x4;
	s15 =	sadd.s32 $0x60, s15  }
0x2f5: {  	p2 =	sne.s32 s24, $0x0  }
0x2f6: {  	[hbm4b:s3+s29] =	stream.indirect_vreg.scatter @!p3 [tilespmem:s8], [sflag:$0x6], $0x80, v7, vm0, $0xb8;
	[tilespmem:$0x1DB80] =	vst v63  }
0x2f7: {  	_ =	swait.ge @!p4 [sflag:s11], $0x800  }
0x2f8: {  	[sflag:s11] =	ssyncset.done @!p4 $0x0  }
0x2f9: {  	[sflag:s11] =	ssyncadd.s32 @!p4 $0xFFFFF800  }
0x2fa: {  	_ =	swait.ge @!p4 [sflag:s11], $0x800  }
0x2fb: {  	s8 =	simm.s32 @!p1 $0x1;
	[sflag:s11] =	ssyncset.done @!p4 $0x0  }
0x2fc: {  	s17 =	simm.s32 @!p1 $0xCC00;
	[sflag:s11] =	ssyncadd.s32 @!p4 $0xFFFFF800;
	s11 =	simm.s32 @!p1 $0x20  }
0x2fd: {  	[tilespmem:s17], [sflag:$0x1] =	stream.indirect.gather @!p1 [spmem:s4], $0x80, s15, s11, $0xb8;
	[tilespmem:$0x1DB80] =	vst v63  }
0x2fe: {  	_ =	swait.ge @!p1 [sflag:s8], $0x1000  }
0x2ff: {  	[sflag:s8] =	ssyncset.done @!p1 $0x0  }
0x300: {  	s18 =	sadd.s32 $0xFFFFFFFF, s16;
	s11 =	simm.s32 @!p1 $0x9880;
	[sflag:s8] =	ssyncadd.s32 @!p1 $0xFFFFF000  }
0x301: {  	p4 =	sge.s32 s18, s14;
	v6 =	vld.idx.msk @!p1 [tilespmem:v6+s11+$0x0], $0xffff;
	[smem:$0x24] =	sst @!p1 s8  }
0x302: {  	v7 =	vlaneseq.u32 @!p4;
	s19 =	sadd.s32 @!p4 $0x30, s13;
	s8 =	sadd.s32 @!p4 $0x20, s13;
	s18 =	sld @!p4 [smem:$0x25]  }
0x303: {  	v8 =	vor.u32 @!p4 s8, v7;
	v7 =	vor.u32 @!p4 s19, v7;
	_ =	sdelay $0x4  }
0x304: {  	vm0 =	vmmov @!p1 $0xffff;
	s8 =	simm.s32 @!p1 $0x0  }
0x305: {  	[hbm4b:s3+s8] =	stream.indirect_vreg.scatter @!p1 [tilespmem:s17], [sflag:$0x4], $0x80, v6, vm0, $0xb8;
	[tilespmem:$0x1DB80] =	vst v63  }
0x306: {  	v5 =	vld.idx.msk @!p1 [tilespmem:v5+s11+$0x0], $0xffff;
	_ =	sdelay $0x4  }
0x307: {  	p3 =	slt.s32 @!p4 s18, $0x1  }
0x308: {  	p3 =	por p3, p4;
	s11 =	simm.s32 @!p1 $0xD400  }
0x309: {  	s17 =	simm.s32 @!p3 $0x5  }
0x30a: {  	[hbm4b:s3+s8] =	stream.indirect_vreg.scatter @!p1 [tilespmem:s11], [sflag:$0x4], $0x80, v5, vm0, $0xb8;
	[tilespmem:$0x1DB80] =	vst v63  }
0x30b: {  	_ =	swait.ge @!p3 [sflag:s17], $0x800  }
0x30c: {  	[sflag:s17] =	ssyncset.done @!p3 $0x0  }
0x30d: {  	[sflag:s17] =	ssyncadd.s32 @!p3 $0xFFFFF800  }
0x30e: {  	s11 =	simm.s32 @!p4 $0xDC00;
	_ =	swait.ge @!p3 [sflag:s17], $0x800  }
0x30f: {  	s18 =	simm.s32 @!p4 $0x20;
	s8 =	sadd.s32 @!p4 $0x20, s15;
	[sflag:s17] =	ssyncset.done @!p3 $0x0  }
0x310: {  	[sflag:s17] =	ssyncadd.s32 @!p3 $0xFFFFF800;
	s17 =	simm.s32 @!p4 $0x2  }
0x311: {  	[tilespmem:s11], [sflag:$0x2] =	stream.indirect.gather @!p4 [spmem:s4], $0x80, s8, s18, $0xb8;
	[tilespmem:$0x1DB80] =	vst v63  }
0x312: {  	_ =	swait.ge @!p4 [sflag:s17], $0x1000  }
0x313: {  	s18 =	simm.s32 @!p4 $0x9880;
	[sflag:s17] =	ssyncset.done @!p4 $0x0  }
0x314: {  	s8 =	simm.s32 @!p4 $0x1;
	[sflag:s17] =	ssyncadd.s32 @!p4 $0xFFFFF000  }
0x315: {  	p3 =	sge.s32 s16, s14;
	v5 =	vld.idx.msk @!p4 [tilespmem:v8+s18+$0x0], $0xffff;
	[smem:$0x25] =	sst @!p4 s8  }
0x316: {  	v6 =	vlaneseq.u32 @!p3;
	s19 =	sadd.s32 @!p3 $0x50, s13;
	s8 =	sadd.s32 @!p3 $0x40, s13;
	s17 =	sld @!p3 [smem:$0x26]  }
0x317: {  	v8 =	vor.u32 @!p3 s8, v6;
	v6 =	vor.u32 @!p3 s19, v6;
	s8 =	simm.s32 @!p3 $0xF400;
	_ =	sdelay $0x1  }
0x318: {  	p1 =	slt.s32 @!p3 s17, $0x1;
	_ =	sdelay $0x1  }
0x319: {  	vm0 =	vmmov @!p4 $0xffff;
	s17 =	simm.s32 @!p4 $0x0;
	_ =	sdelay $0x1  }
0x31a: {  	[hbm4b:s3+s17] =	stream.indirect_vreg.scatter @!p4 [tilespmem:s11], [sflag:$0x5], $0x80, v5, vm0, $0xb8;
	[tilespmem:$0x1DB80] =	vst v63  }
0x31b: {  	v5 =	vld.idx.msk @!p4 [tilespmem:v7+s18+$0x0], $0xffff;
	_ =	sdelay $0x5  }
0x31c: {  	p1 =	por p1, p3;
	s11 =	simm.s32 @!p4 $0xE400  }
0x31d: {  	s18 =	simm.s32 @!p1 $0x6  }
0x31e: {  	[hbm4b:s3+s17] =	stream.indirect_vreg.scatter @!p4 [tilespmem:s11], [sflag:$0x5], $0x80, v5, vm0, $0xb8;
	[tilespmem:$0x1DB80] =	vst v63  }
0x31f: {  	_ =	swait.ge @!p1 [sflag:s18], $0x800  }
0x320: {  	[sflag:s18] =	ssyncset.done @!p1 $0x0  }
0x321: {  	[sflag:s18] =	ssyncadd.s32 @!p1 $0xFFFFF800  }
0x322: {  	s11 =	simm.s32 @!p3 $0xEC00;
	_ =	swait.ge @!p1 [sflag:s18], $0x800  }
0x323: {  	s19 =	simm.s32 @!p3 $0x20;
	s17 =	sadd.s32 @!p3 $0x40, s15;
	[sflag:s18] =	ssyncset.done @!p1 $0x0  }
0x324: {  	[sflag:s18] =	ssyncadd.s32 @!p1 $0xFFFFF800;
	s18 =	simm.s32 @!p3 $0x3  }
0x325: {  	[tilespmem:s11], [sflag:$0x3] =	stream.indirect.gather @!p3 [spmem:s4], $0x80, s17, s19, $0xb8;
	[tilespmem:$0x1DB80] =	vst v63  }
0x326: {  	_ =	swait.ge @!p3 [sflag:s18], $0x1000  }
0x327: {  	s17 =	simm.s32 @!p3 $0x9880;
	[sflag:s18] =	ssyncset.done @!p3 $0x0  }
0x328: {  	[sflag:s18] =	ssyncadd.s32 @!p3 $0xFFFFF000;
	s18 =	simm.s32 @!p3 $0x1  }
0x329: {  	v5 =	vld.idx.msk @!p3 [tilespmem:v8+s17+$0x0], $0xffff;
	[smem:$0x26] =	sst @!p3 s18;
	_ =	sdelay $0x5  }
0x32a: {  	s16 =	sadd.s32 $0x3, s16;
	s29 =	simm.s32 @!p3 $0x0;
	vm0 =	vmmov @!p3 $0xffff  }
0x32b: {  	s18 =	sadd.s32 $0xFFFFFFFE, s16  }
0x32c: {  	[hbm4b:s3+s29] =	stream.indirect_vreg.scatter @!p3 [tilespmem:s11], [sflag:$0x6], $0x80, v5, vm0, $0xb8;
	[tilespmem:$0x1DB80] =	vst v63  }
0x32d: {  	s13 =	sadd.s32 $0x60, s13;
	p1 =	sge.s32 s18, s14;
	v7 =	vld.idx.msk @!p3 [tilespmem:v6+s17+$0x0], $0xffff  }
.Ltmp10:
0x32e: {  	v5 =	vlaneseq.u32 @!p1;
	s17 =	sadd.s32 @!p1 $0x10, s13;
	s11 =	sld @!p1 [smem:$0x24];
	(pc) =	sbr.rel @p2 .LBB2_13-.Ltmp10, $3  }
0x32f: {  	v6 =	vor.u32 @!p1 s13, v5;
	v5 =	vor.u32 @!p1 s17, v5;
	_ =	sdelay $0x1  }
0x330: {  	p4 =	slt.s32 @!p1 s11, $0x1  }
0x331: {  	p4 =	por p4, p1  }
.Ltmp11:
0x332: {  	_ = 	snop;
	(pc) =	sbr.rel .LBB2_14-.Ltmp11, $1  }
0x333: {  	_ =	sdelay $0x3  }
.LBB2_12:
.Ltmp12:
0x334: {  	(pc) =	sbr.rel .LBB2_14-.Ltmp12, $2  }
0x335: {  	_ =	sdelay $0x2  }
0x336: {  	s15 =	smov.u32 s23  }
.LBB2_16:
0x337: {  	s8 =	sld [smem:$0x24];
	_ =	sdelay $0x2  }
0x338: {  	p0 =	slt.s32 s8, $0x1  }
0x339: {  	s8 =	simm.s32 @!p0 $0x4  }
0x33a: {  	_ =	swait.ge @!p0 [sflag:s8], $0x800  }
0x33b: {  	[sflag:s8] =	ssyncset.done @!p0 $0x0  }
0x33c: {  	[sflag:s8] =	ssyncadd.s32 @!p0 $0xFFFFF800  }
0x33d: {  	_ =	swait.ge @!p0 [sflag:s8], $0x800  }
0x33e: {  	[sflag:s8] =	ssyncset.done @!p0 $0x0  }
0x33f: {  	[sflag:s8] =	ssyncadd.s32 @!p0 $0xFFFFF800  }
0x340: {  	s8 =	sld [smem:$0x25];
	_ =	sdelay $0x2  }
0x341: {  	p0 =	slt.s32 s8, $0x1  }
0x342: {  	s8 =	simm.s32 @!p0 $0x5  }
0x343: {  	_ =	swait.ge @!p0 [sflag:s8], $0x800  }
0x344: {  	[sflag:s8] =	ssyncset.done @!p0 $0x0  }
0x345: {  	[sflag:s8] =	ssyncadd.s32 @!p0 $0xFFFFF800  }
0x346: {  	_ =	swait.ge @!p0 [sflag:s8], $0x800  }
0x347: {  	[sflag:s8] =	ssyncset.done @!p0 $0x0  }
0x348: {  	[sflag:s8] =	ssyncadd.s32 @!p0 $0xFFFFF800  }
0x349: {  	s8 =	sld [smem:$0x26];
	_ =	sdelay $0x2  }
0x34a: {  	p0 =	slt.s32 s8, $0x1  }
0x34b: {  	s8 =	simm.s32 @!p0 $0x6  }
0x34c: {  	_ =	swait.ge @!p0 [sflag:s8], $0x800  }
0x34d: {  	[sflag:s8] =	ssyncset.done @!p0 $0x0  }
0x34e: {  	[sflag:s8] =	ssyncadd.s32 @!p0 $0xFFFFF800  }
0x34f: {  	_ =	swait.ge @!p0 [sflag:s8], $0x800  }
0x350: {  	[sflag:s8] =	ssyncset.done @!p0 $0x0  }
0x351: {  	[sflag:s8] =	ssyncadd.s32 @!p0 $0xFFFFF800  }
0x352: {  	[tilespmem:$0xCC00] =	vst v4  }
0x353: {  	[tilespmem:$0xCC10] =	vst v4  }
0x354: {  	[tilespmem:$0xCC20] =	vst v4  }
0x355: {  	[tilespmem:$0xCC30] =	vst v4  }
0x356: {  	[tilespmem:$0xCC40] =	vst v4  }
0x357: {  	[tilespmem:$0xCC50] =	vst v4  }
0x358: {  	[tilespmem:$0xCC60] =	vst v4  }
0x359: {  	[tilespmem:$0xCC70] =	vst v4  }
0x35a: {  	[tilespmem:$0xCC80] =	vst v4  }
0x35b: {  	[tilespmem:$0xCC90] =	vst v4  }
0x35c: {  	[tilespmem:$0xCCA0] =	vst v4  }
0x35d: {  	[tilespmem:$0xCCB0] =	vst v4  }
0x35e: {  	[tilespmem:$0xCCC0] =	vst v4  }
0x35f: {  	[tilespmem:$0xCCD0] =	vst v4  }
0x360: {  	[tilespmem:$0xCCE0] =	vst v4  }
0x361: {  	[tilespmem:$0xCCF0] =	vst v4  }
0x362: {  	[tilespmem:$0xCD00] =	vst v4  }
0x363: {  	[tilespmem:$0xCD10] =	vst v4  }
0x364: {  	[tilespmem:$0xCD20] =	vst v4  }
0x365: {  	[tilespmem:$0xCD30] =	vst v4  }
0x366: {  	[tilespmem:$0xCD40] =	vst v4  }
0x367: {  	[tilespmem:$0xCD50] =	vst v4  }
0x368: {  	[tilespmem:$0xCD60] =	vst v4  }
0x369: {  	[tilespmem:$0xCD70] =	vst v4  }
0x36a: {  	[tilespmem:$0xCD80] =	vst v4  }
0x36b: {  	[tilespmem:$0xCD90] =	vst v4  }
0x36c: {  	[tilespmem:$0xCDA0] =	vst v4  }
0x36d: {  	[tilespmem:$0xCDB0] =	vst v4  }
0x36e: {  	[tilespmem:$0xCDC0] =	vst v4  }
0x36f: {  	[tilespmem:$0xCDD0] =	vst v4  }
0x370: {  	[tilespmem:$0xCDE0] =	vst v4  }
0x371: {  	[tilespmem:$0xCDF0] =	vst v4  }
0x372: {  	[tilespmem:$0xCE00] =	vst v4  }
0x373: {  	[tilespmem:$0xCE10] =	vst v4  }
0x374: {  	[tilespmem:$0xCE20] =	vst v4  }
0x375: {  	[tilespmem:$0xCE30] =	vst v4  }
0x376: {  	[tilespmem:$0xCE40] =	vst v4  }
0x377: {  	[tilespmem:$0xCE50] =	vst v4  }
0x378: {  	[tilespmem:$0xCE60] =	vst v4  }
0x379: {  	[tilespmem:$0xCE70] =	vst v4  }
0x37a: {  	[tilespmem:$0xCE80] =	vst v4  }
0x37b: {  	[tilespmem:$0xCE90] =	vst v4  }
0x37c: {  	[tilespmem:$0xCEA0] =	vst v4  }
0x37d: {  	[tilespmem:$0xCEB0] =	vst v4  }
0x37e: {  	[tilespmem:$0xCEC0] =	vst v4  }
0x37f: {  	[tilespmem:$0xCED0] =	vst v4  }
0x380: {  	[tilespmem:$0xCEE0] =	vst v4  }
0x381: {  	[tilespmem:$0xCEF0] =	vst v4  }
0x382: {  	[tilespmem:$0xCF00] =	vst v4  }
0x383: {  	[tilespmem:$0xCF10] =	vst v4  }
0x384: {  	[tilespmem:$0xCF20] =	vst v4  }
0x385: {  	[tilespmem:$0xCF30] =	vst v4  }
0x386: {  	[tilespmem:$0xCF40] =	vst v4  }
0x387: {  	[tilespmem:$0xCF50] =	vst v4  }
0x388: {  	[tilespmem:$0xCF60] =	vst v4  }
0x389: {  	[tilespmem:$0xCF70] =	vst v4  }
0x38a: {  	[tilespmem:$0xCF80] =	vst v4  }
0x38b: {  	[tilespmem:$0xCF90] =	vst v4  }
0x38c: {  	[tilespmem:$0xCFA0] =	vst v4  }
0x38d: {  	[tilespmem:$0xCFB0] =	vst v4  }
0x38e: {  	[tilespmem:$0xCFC0] =	vst v4  }
0x38f: {  	[tilespmem:$0xCFD0] =	vst v4  }
0x390: {  	[tilespmem:$0xCFE0] =	vst v4  }
0x391: {  	[tilespmem:$0xCFF0] =	vst v4  }
0x392: {  	[tilespmem:$0xD000] =	vst v4  }
0x393: {  	[tilespmem:$0xD010] =	vst v4  }
0x394: {  	[tilespmem:$0xD020] =	vst v4  }
0x395: {  	[tilespmem:$0xD030] =	vst v4  }
0x396: {  	[tilespmem:$0xD040] =	vst v4  }
0x397: {  	[tilespmem:$0xD050] =	vst v4  }
0x398: {  	[tilespmem:$0xD060] =	vst v4  }
0x399: {  	[tilespmem:$0xD070] =	vst v4  }
0x39a: {  	[tilespmem:$0xD080] =	vst v4  }
0x39b: {  	[tilespmem:$0xD090] =	vst v4  }
0x39c: {  	[tilespmem:$0xD0A0] =	vst v4  }
0x39d: {  	[tilespmem:$0xD0B0] =	vst v4  }
0x39e: {  	[tilespmem:$0xD0C0] =	vst v4  }
0x39f: {  	[tilespmem:$0xD0D0] =	vst v4  }
0x3a0: {  	[tilespmem:$0xD0E0] =	vst v4  }
0x3a1: {  	[tilespmem:$0xD0F0] =	vst v4  }
0x3a2: {  	[tilespmem:$0xD100] =	vst v4  }
0x3a3: {  	[tilespmem:$0xD110] =	vst v4  }
0x3a4: {  	[tilespmem:$0xD120] =	vst v4  }
0x3a5: {  	[tilespmem:$0xD130] =	vst v4  }
0x3a6: {  	[tilespmem:$0xD140] =	vst v4  }
0x3a7: {  	[tilespmem:$0xD150] =	vst v4  }
0x3a8: {  	[tilespmem:$0xD160] =	vst v4  }
0x3a9: {  	[tilespmem:$0xD170] =	vst v4  }
0x3aa: {  	[tilespmem:$0xD180] =	vst v4  }
0x3ab: {  	[tilespmem:$0xD190] =	vst v4  }
0x3ac: {  	[tilespmem:$0xD1A0] =	vst v4  }
0x3ad: {  	[tilespmem:$0xD1B0] =	vst v4  }
0x3ae: {  	[tilespmem:$0xD1C0] =	vst v4  }
0x3af: {  	[tilespmem:$0xD1D0] =	vst v4  }
0x3b0: {  	[tilespmem:$0xD1E0] =	vst v4  }
0x3b1: {  	[tilespmem:$0xD1F0] =	vst v4  }
0x3b2: {  	[tilespmem:$0xD200] =	vst v4  }
0x3b3: {  	[tilespmem:$0xD210] =	vst v4  }
0x3b4: {  	[tilespmem:$0xD220] =	vst v4  }
0x3b5: {  	[tilespmem:$0xD230] =	vst v4  }
0x3b6: {  	[tilespmem:$0xD240] =	vst v4  }
0x3b7: {  	[tilespmem:$0xD250] =	vst v4  }
0x3b8: {  	[tilespmem:$0xD260] =	vst v4  }
0x3b9: {  	[tilespmem:$0xD270] =	vst v4  }
0x3ba: {  	[tilespmem:$0xD280] =	vst v4  }
0x3bb: {  	[tilespmem:$0xD290] =	vst v4  }
0x3bc: {  	[tilespmem:$0xD2A0] =	vst v4  }
0x3bd: {  	[tilespmem:$0xD2B0] =	vst v4  }
0x3be: {  	[tilespmem:$0xD2C0] =	vst v4  }
0x3bf: {  	[tilespmem:$0xD2D0] =	vst v4  }
0x3c0: {  	[tilespmem:$0xD2E0] =	vst v4  }
0x3c1: {  	[tilespmem:$0xD2F0] =	vst v4  }
0x3c2: {  	[tilespmem:$0xD300] =	vst v4  }
0x3c3: {  	[tilespmem:$0xD310] =	vst v4  }
0x3c4: {  	[tilespmem:$0xD320] =	vst v4  }
0x3c5: {  	[tilespmem:$0xD330] =	vst v4  }
0x3c6: {  	[tilespmem:$0xD340] =	vst v4  }
0x3c7: {  	[tilespmem:$0xD350] =	vst v4  }
0x3c8: {  	[tilespmem:$0xD360] =	vst v4  }
0x3c9: {  	[tilespmem:$0xD370] =	vst v4  }
0x3ca: {  	[tilespmem:$0xD380] =	vst v4  }
0x3cb: {  	[tilespmem:$0xD390] =	vst v4  }
0x3cc: {  	[tilespmem:$0xD3A0] =	vst v4  }
0x3cd: {  	[tilespmem:$0xD3B0] =	vst v4  }
0x3ce: {  	[tilespmem:$0xD3C0] =	vst v4  }
0x3cf: {  	[tilespmem:$0xD3D0] =	vst v4  }
0x3d0: {  	[tilespmem:$0xD3E0] =	vst v4  }
0x3d1: {  	[tilespmem:$0xD3F0] =	vst v4  }
0x3d2: {  	[tilespmem:$0xD400] =	vst v4  }
0x3d3: {  	[tilespmem:$0xD410] =	vst v4  }
0x3d4: {  	[tilespmem:$0xD420] =	vst v4  }
0x3d5: {  	[tilespmem:$0xD430] =	vst v4  }
0x3d6: {  	[tilespmem:$0xD440] =	vst v4  }
0x3d7: {  	[tilespmem:$0xD450] =	vst v4  }
0x3d8: {  	[tilespmem:$0xD460] =	vst v4  }
0x3d9: {  	[tilespmem:$0xD470] =	vst v4  }
0x3da: {  	[tilespmem:$0xD480] =	vst v4  }
0x3db: {  	[tilespmem:$0xD490] =	vst v4  }
0x3dc: {  	[tilespmem:$0xD4A0] =	vst v4  }
0x3dd: {  	[tilespmem:$0xD4B0] =	vst v4  }
0x3de: {  	[tilespmem:$0xD4C0] =	vst v4  }
0x3df: {  	[tilespmem:$0xD4D0] =	vst v4  }
0x3e0: {  	[tilespmem:$0xD4E0] =	vst v4  }
0x3e1: {  	[tilespmem:$0xD4F0] =	vst v4  }
0x3e2: {  	[tilespmem:$0xD500] =	vst v4  }
0x3e3: {  	[tilespmem:$0xD510] =	vst v4  }
0x3e4: {  	[tilespmem:$0xD520] =	vst v4  }
0x3e5: {  	[tilespmem:$0xD530] =	vst v4  }
0x3e6: {  	[tilespmem:$0xD540] =	vst v4  }
0x3e7: {  	[tilespmem:$0xD550] =	vst v4  }
0x3e8: {  	[tilespmem:$0xD560] =	vst v4  }
0x3e9: {  	[tilespmem:$0xD570] =	vst v4  }
0x3ea: {  	[tilespmem:$0xD580] =	vst v4  }
0x3eb: {  	[tilespmem:$0xD590] =	vst v4  }
0x3ec: {  	[tilespmem:$0xD5A0] =	vst v4  }
0x3ed: {  	[tilespmem:$0xD5B0] =	vst v4  }
0x3ee: {  	[tilespmem:$0xD5C0] =	vst v4  }
0x3ef: {  	[tilespmem:$0xD5D0] =	vst v4  }
0x3f0: {  	[tilespmem:$0xD5E0] =	vst v4  }
0x3f1: {  	[tilespmem:$0xD5F0] =	vst v4  }
0x3f2: {  	[tilespmem:$0xD600] =	vst v4  }
0x3f3: {  	[tilespmem:$0xD610] =	vst v4  }
0x3f4: {  	[tilespmem:$0xD620] =	vst v4  }
0x3f5: {  	[tilespmem:$0xD630] =	vst v4  }
0x3f6: {  	[tilespmem:$0xD640] =	vst v4  }
0x3f7: {  	[tilespmem:$0xD650] =	vst v4  }
0x3f8: {  	[tilespmem:$0xD660] =	vst v4  }
0x3f9: {  	[tilespmem:$0xD670] =	vst v4  }
0x3fa: {  	[tilespmem:$0xD680] =	vst v4  }
0x3fb: {  	[tilespmem:$0xD690] =	vst v4  }
0x3fc: {  	[tilespmem:$0xD6A0] =	vst v4  }
0x3fd: {  	[tilespmem:$0xD6B0] =	vst v4  }
0x3fe: {  	[tilespmem:$0xD6C0] =	vst v4  }
0x3ff: {  	[tilespmem:$0xD6D0] =	vst v4  }
0x400: {  	[tilespmem:$0xD6E0] =	vst v4  }
0x401: {  	[tilespmem:$0xD6F0] =	vst v4  }
0x402: {  	[tilespmem:$0xD700] =	vst v4  }
0x403: {  	[tilespmem:$0xD710] =	vst v4  }
0x404: {  	[tilespmem:$0xD720] =	vst v4  }
0x405: {  	[tilespmem:$0xD730] =	vst v4  }
0x406: {  	[tilespmem:$0xD740] =	vst v4  }
0x407: {  	[tilespmem:$0xD750] =	vst v4  }
0x408: {  	[tilespmem:$0xD760] =	vst v4  }
0x409: {  	[tilespmem:$0xD770] =	vst v4  }
0x40a: {  	[tilespmem:$0xD780] =	vst v4  }
0x40b: {  	[tilespmem:$0xD790] =	vst v4  }
0x40c: {  	[tilespmem:$0xD7A0] =	vst v4  }
0x40d: {  	[tilespmem:$0xD7B0] =	vst v4  }
0x40e: {  	[tilespmem:$0xD7C0] =	vst v4  }
0x40f: {  	[tilespmem:$0xD7D0] =	vst v4  }
0x410: {  	[tilespmem:$0xD7E0] =	vst v4  }
0x411: {  	[tilespmem:$0xD7F0] =	vst v4  }
0x412: {  	[tilespmem:$0xD800] =	vst v4  }
0x413: {  	[tilespmem:$0xD810] =	vst v4  }
0x414: {  	[tilespmem:$0xD820] =	vst v4  }
0x415: {  	[tilespmem:$0xD830] =	vst v4  }
0x416: {  	[tilespmem:$0xD840] =	vst v4  }
0x417: {  	[tilespmem:$0xD850] =	vst v4  }
0x418: {  	[tilespmem:$0xD860] =	vst v4  }
0x419: {  	[tilespmem:$0xD870] =	vst v4  }
0x41a: {  	[tilespmem:$0xD880] =	vst v4  }
0x41b: {  	[tilespmem:$0xD890] =	vst v4  }
0x41c: {  	[tilespmem:$0xD8A0] =	vst v4  }
0x41d: {  	[tilespmem:$0xD8B0] =	vst v4  }
0x41e: {  	[tilespmem:$0xD8C0] =	vst v4  }
0x41f: {  	[tilespmem:$0xD8D0] =	vst v4  }
0x420: {  	[tilespmem:$0xD8E0] =	vst v4  }
0x421: {  	[tilespmem:$0xD8F0] =	vst v4  }
0x422: {  	[tilespmem:$0xD900] =	vst v4  }
0x423: {  	[tilespmem:$0xD910] =	vst v4  }
0x424: {  	[tilespmem:$0xD920] =	vst v4  }
0x425: {  	[tilespmem:$0xD930] =	vst v4  }
0x426: {  	[tilespmem:$0xD940] =	vst v4  }
0x427: {  	[tilespmem:$0xD950] =	vst v4  }
0x428: {  	[tilespmem:$0xD960] =	vst v4  }
0x429: {  	[tilespmem:$0xD970] =	vst v4  }
0x42a: {  	[tilespmem:$0xD980] =	vst v4  }
0x42b: {  	[tilespmem:$0xD990] =	vst v4  }
0x42c: {  	[tilespmem:$0xD9A0] =	vst v4  }
0x42d: {  	[tilespmem:$0xD9B0] =	vst v4  }
0x42e: {  	[tilespmem:$0xD9C0] =	vst v4  }
0x42f: {  	[tilespmem:$0xD9D0] =	vst v4  }
0x430: {  	[tilespmem:$0xD9E0] =	vst v4  }
0x431: {  	[tilespmem:$0xD9F0] =	vst v4  }
0x432: {  	[tilespmem:$0xDA00] =	vst v4  }
0x433: {  	[tilespmem:$0xDA10] =	vst v4  }
0x434: {  	[tilespmem:$0xDA20] =	vst v4  }
0x435: {  	[tilespmem:$0xDA30] =	vst v4  }
0x436: {  	[tilespmem:$0xDA40] =	vst v4  }
0x437: {  	[tilespmem:$0xDA50] =	vst v4  }
0x438: {  	[tilespmem:$0xDA60] =	vst v4  }
0x439: {  	[tilespmem:$0xDA70] =	vst v4  }
0x43a: {  	[tilespmem:$0xDA80] =	vst v4  }
0x43b: {  	[tilespmem:$0xDA90] =	vst v4  }
0x43c: {  	[tilespmem:$0xDAA0] =	vst v4  }
0x43d: {  	[tilespmem:$0xDAB0] =	vst v4  }
0x43e: {  	[tilespmem:$0xDAC0] =	vst v4  }
0x43f: {  	[tilespmem:$0xDAD0] =	vst v4  }
0x440: {  	[tilespmem:$0xDAE0] =	vst v4  }
0x441: {  	[tilespmem:$0xDAF0] =	vst v4  }
0x442: {  	[tilespmem:$0xDB00] =	vst v4;
	s8 =	sld [smem:$0x23]  }
0x443: {  	[tilespmem:$0xDB10] =	vst v4  }
0x444: {  	[tilespmem:$0xDB20] =	vst v4  }
0x445: {  	[tilespmem:$0xDB30] =	vst v4;
	s8 =	sadd.s32 $0x1F, s8  }
0x446: {  	[tilespmem:$0xDB40] =	vst v4;
	s11 =	sand.u32 $0x1F, s8  }
0x447: {  	[tilespmem:$0xDB50] =	vst v4;
	s29 =	sshra.s32 s8, $0x1F;
	p1 =	slt.s32 s8, $0x1;
	p6 =	sne.s32 s11, $0x0  }
0x448: {  	[tilespmem:$0xDB60] =	vst v4;
	s11 =	sshrl.u32 s29, $0x1B;
	p0 =	por !p1, !p6  }
0x449: {  	[tilespmem:$0xDB70] =	vst v4;
	s8 =	sadd.s32 s11, s8;
	s11 =	simm.s32 $0x1;
	p0 =	por !p0, !p0  }
0x44a: {  	[tilespmem:$0xDB80] =	vst v4;
	s8 =	sshra.s32 s8, $0x5;
	s11 =	simm.s32 @!p0 $0x0  }
0x44b: {  	[tilespmem:$0xDB90] =	vst v4;
	s12 =	ssub.s32 s8, s11  }
0x44c: {  	[tilespmem:$0xDBA0] =	vst v4;
	p0 =	slt.s32 s12, $0x1  }
.Ltmp13:
0x44d: {  	[tilespmem:$0xDBB0] =	vst v4;
	(pc) =	sbr.rel @p0 .LBB2_21-.Ltmp13, $4  }
0x44e: {  	[tilespmem:$0xDBC0] =	vst v4  }
0x44f: {  	[tilespmem:$0xDBD0] =	vst v4  }
0x450: {  	s13 =	rddreg [dreg:$0x1a];
	[tilespmem:$0xDBE0] =	vst v4  }
0x451: {  	s15 =	rddreg [dreg:$0x8];
	[tilespmem:$0xDBF0] =	vst v4  }
0x452: {  	s8 =	sld [smem:$0x11];
	p1 =	sne.s32 s12, $0x1  }
.Ltmp14:
0x453: {  	_ = 	snop;
	(pc) =	sbr.rel @!p1 .LBB2_20-.Ltmp14, $4  }
0x454: {  	_ = 	snop  }
0x455: {  	s8 =	sadd.s32 $0x10, s8  }
0x456: {  	s11 =	sadd.s32 $0xFFFFFFF0, s8  }
0x457: {  	s12 =	sadd.s32 $0xFFFFFFFF, s12;
	p0 =	por $0x0, $0x0;
	v5 =	vor.u32 s11, v3  }
0x458: {  	_ =	sdelay $0x3  }
0x459: {  	v5 =	vld.idx.msk [tilespmem:v5+s31+$0x0], $0xffff;
	_ =	sdelay $0x3  }
0x45a: {  	v6 =	vor.u32 s8, v3;
	_ =	sdelay $0x2  }
0x45b: {  	vm0 =	vmmov $0xffff  }
0x45c: {  	[hbm4b:s3+s6] =	stream.indirect_vreg.scatter [tilespmem:s7], [sflag:$0x4], $0x80, v5, vm0, $0xb8;
	[tilespmem:$0x1DB80] =	vst v63  }
0x45d: {  	v5 =	vld.idx.msk [tilespmem:v6+s31+$0x0], $0xffff;
	_ =	sdelay $0x6  }
0x45e: {  	s8 =	sadd.s32 $0x20, s8;
	p1 =	sne.s32 s12, $0x1  }
0x45f: {  	[hbm4b:s3+s6] =	stream.indirect_vreg.scatter [tilespmem:s9], [sflag:$0x4], $0x80, v5, vm0, $0xb8;
	[tilespmem:$0x1DB80] =	vst v63  }
.Ltmp15:
0x460: {  	s11 =	sadd.s32 $0xFFFFFFF0, s8;
	_ =	swait.ge [sflag:s10], $0x800;
	(pc) =	sbr.rel @!p1 .LBB2_20-.Ltmp15, $4  }
0x461: {  	v5 =	vor.u32 s11, v3;
	[sflag:s10] =	ssyncset.done $0x0  }
0x462: {  	[sflag:s10] =	ssyncadd.s32 $0xFFFFF800  }
0x463: {  	_ =	swait.ge [sflag:s10], $0x800  }
0x464: {  	s12 =	sadd.s32 $0xFFFFFFFF, s12;
	p0 =	por $0x1, $0x1;
	[sflag:s10] =	ssyncset.done $0x0  }
.LBB2_19:
0x465: {  	p1 =	sne.s32 s12, $0x1;
	s12 =	sadd.s32 $0xFFFFFFFF, s12;
	[sflag:s10] =	ssyncadd.s32 $0xFFFFF800  }
0x466: {  	v5 =	vld.idx.msk [tilespmem:v5+s31+$0x0], $0xffff;
	_ =	sdelay $0x3  }
0x467: {  	v6 =	vor.u32 s8, v3;
	_ =	sdelay $0x3  }
0x468: {  	[hbm4b:s3+s6] =	stream.indirect_vreg.scatter [tilespmem:s7], [sflag:$0x4], $0x80, v5, vm0, $0xb8;
	[tilespmem:$0x1DB80] =	vst v63  }
0x469: {  	v5 =	vld.idx.msk [tilespmem:v6+s31+$0x0], $0xffff;
	_ =	sdelay $0x6  }
0x46a: {  	s8 =	sadd.s32 $0x20, s8  }
0x46b: {  	[hbm4b:s3+s6] =	stream.indirect_vreg.scatter [tilespmem:s9], [sflag:$0x4], $0x80, v5, vm0, $0xb8;
	[tilespmem:$0x1DB80] =	vst v63  }
.Ltmp16:
0x46c: {  	s11 =	sadd.s32 $0xFFFFFFF0, s8;
	_ =	swait.ge [sflag:s10], $0x800;
	(pc) =	sbr.rel @p1 .LBB2_19-.Ltmp16, $4  }
0x46d: {  	v5 =	vor.u32 s11, v3;
	[sflag:s10] =	ssyncset.done $0x0  }
0x46e: {  	[sflag:s10] =	ssyncadd.s32 $0xFFFFF800  }
0x46f: {  	_ =	swait.ge [sflag:s10], $0x800  }
0x470: {  	[sflag:s10] =	ssyncset.done $0x0  }
.Ltmp17:
0x471: {  	_ = 	snop;
	(pc) =	sbr.rel .LBB2_20-.Ltmp17, $1  }
0x472: {  	_ =	sdelay $0x3  }
.LBB2_22:
0x473: {  	_ =	sfence.sel $0x180000  }
0x474: {  	[bflag:$0x0] =	sbarrier.arrive $0xFFFF  }
0x475: {  	_ =	strace $0x90000047  }
0x476: {  	[bflag:$0x2] =	sbarrier.arrive $0xFFFF  }
0x477: {  	p0 =	sne.s32 s0, $0x0;
	s0 =	rddreg [dreg:$0x6]  }
0x478: {  	s0 =	sadd.s32 @!p0 $0x100000, s0  }
0x479: {  	[sflag:s0] =	ssyncadd.tile.s32 @!p0 $0x1;
	_ =	shalt  }
.Lfunc_end2:
_tile_overlayer_lowered:
.L_overlay_start_2:
0x47a: {  	(tag) =	ssettag $0x2  }
0x47b: {  	s0 =	rddreg [dreg:$0x0];
	s2 =	stileid.u32  }
0x47c: {  	s1 =	rddreg [dreg:$0x1];
	p0 =	sne.s32 s2, $0x0  }
0x47d: {  	s3 =	rddreg [dreg:$0x2];
	[bflag:$0x3] =	sbarrier.arrive $0xFFFF;
	s2 =	simm.s32 @!p0 $0x1C07  }
0x47e: {  	[timem:s3], [sflag:s2] =	dma.local @!p0 [hbm:s0], s1  }
0x47f: {  	s0 =	simm.s32 @!p0 $0x7  }
0x480: {  	_ =	swait.ge @!p0 [sflag:s0], s1  }
0x481: {  	s1 =	ssub.s32 @!p0 $0x0, s1;
	[sflag:s0] =	ssyncset.done @!p0 $0x0  }
0x482: {  	[sflag:s0] =	ssyncadd.s32 @!p0 s1  }
0x483: {  	[bflag:$0x3] =	sbarrier.arrive $0xFFFF  }
0x484: {  	_ =	shalt  }

</sc_bundles>
